<compile_context>
chip_gen: v7x
topology: tpu7x:2x2x1
jax: 0.10.2.dev20260603
libtpu: 0.0.44.dev20260713+nightly
codegen_flags: <defaults>
</compile_context>

<pallas_src>
import jax
import jax.numpy as jnp
from jax import lax
from jax.experimental import pallas as pl
from jax.experimental.pallas import tpu as pltpu
from jax.experimental.pallas import tpu_sc as plsc

N_USER = 10000
N_ITEM = 10000
D = 128
E = 160000

L = 16
NC = 2
NS = 16
B = 80
ROWS = E // B
ROWS_PER_SC = ROWS // NC
RPT = ROWS_PER_SC // NS
REM = ROWS_PER_SC - NS * RPT
NPAIR = RPT // 2

N_OUT = 10000
N_PAD = 10240
OPT = N_PAD // NS
CROWS = N_PAD // L
ZCHUNK = 32
NCCH = CROWS // 128

RBLK = 1024


def _sc_body(xu, xi, e0, e1, e2, sums, cnts,
             accum, cnt, src_idx, dst_idx, rows0, rows1, hist, iota_idx,
             zrows, zcnt, gsem0, gsem1, ssem0, ssem1):
    c = lax.axis_index("c")
    s = lax.axis_index("s")

    zero16 = jnp.zeros((L,), jnp.float32)
    one16 = jnp.ones((L,), jnp.float32)

    @pl.loop(0, ZCHUNK)
    def _(i):
        @pl.loop(0, D // L)
        def _(j):
            zrows[i, pl.ds(j * L, L)] = zero16

    @pl.loop(0, 128)
    def _(i):
        zcnt[i, :] = zero16

    @pl.loop(0, NCCH)
    def _(j):
        @pl.loop(0, 128 // L)
        def _(m):
            iota_idx[j, pl.ds(m * L, L)] = (
                lax.broadcasted_iota(jnp.int32, (L,), 0) + j * 128 + m * L)

    has_extra = s >= NS - REM
    nb = jnp.where(has_extra, RPT + 1, RPT)
    base_row = c * ROWS_PER_SC + s * RPT
    extra_row = c * ROWS_PER_SC + NS * RPT + (s - (NS - REM))
    my_out = s * OPT

    for e, (edges, table) in enumerate(((e0, xu), (e1, xi), (e2, xu))):
        src_hbm = edges.at[0]
        dst_hbm = edges.at[1]

        pltpu.sync_copy(src_hbm.at[pl.ds(base_row, RPT)], src_idx.at[pl.ds(0, RPT)])
        pltpu.sync_copy(dst_hbm.at[pl.ds(base_row, RPT)], dst_idx.at[pl.ds(0, RPT)])

        @pl.when(has_extra)
        def _():
            pltpu.sync_copy(src_hbm.at[pl.ds(extra_row, 1)], src_idx.at[pl.ds(RPT, 1)])
            pltpu.sync_copy(dst_hbm.at[pl.ds(extra_row, 1)], dst_idx.at[pl.ds(RPT, 1)])

        def gather(k, buf, sem):
            return pltpu.async_copy(table.at[src_idx.at[k]], buf, sem)

        def gather_wait(k, buf, sem):
            pltpu.make_async_copy(table.at[src_idx.at[k]], buf, sem).wait()

        def drain(k, buf, sem):
            pltpu.async_copy(buf, accum.at[dst_idx.at[k]], sem, add=True)
            for g in range(B // L):
                d = dst_idx[k, pl.ds(g * L, L)]
                plsc.addupdate_scatter(
                    hist, [lax.shift_right_logical(d, 4),
                           jnp.bitwise_and(d, 15)], one16)
            pltpu.make_async_copy(buf, accum.at[dst_idx.at[k]], sem).wait()

        gather(0, rows0, gsem0)
        gather(1, rows1, gsem1)

        if e == 0:
            @pl.loop(0, OPT // ZCHUNK)
            def _(z):
                pltpu.sync_copy(zrows, accum.at[pl.ds(my_out + z * ZCHUNK, ZCHUNK)])

            @pl.loop(0, CROWS)
            def _(z):
                hist[z, :] = zero16

            @pl.when(s < NCCH)
            def _():
                pltpu.sync_copy(zcnt, cnt.at[pl.ds(s * 128, 128)])

        plsc.subcore_barrier()

        @pl.loop(0, NPAIR)
        def _(j):
            k0 = 2 * j
            k1 = k0 + 1
            gather_wait(k0, rows0, gsem0)
            drain(k0, rows0, ssem0)

            @pl.when(k0 + 2 < nb)
            def _():
                gather(k0 + 2, rows0, gsem0)

            gather_wait(k1, rows1, gsem1)
            drain(k1, rows1, ssem1)

            @pl.when(k1 + 2 < nb)
            def _():
                gather(k1 + 2, rows1, gsem1)

        @pl.when(has_extra)
        def _():
            gather_wait(RPT, rows0, gsem0)
            drain(RPT, rows0, ssem0)

        @pl.loop(0, NCCH)
        def _(j):
            pltpu.sync_copy(hist.at[pl.ds(j * 128, 128)],
                            cnt.at[iota_idx.at[j]], add=True)

        plsc.subcore_barrier()

        last = e == 2
        nch = OPT // ZCHUNK

        def co_issue(z, sem):
            pltpu.async_copy(accum.at[pl.ds(my_out + z * ZCHUNK, ZCHUNK)],
                             sums.at[e, c, pl.ds(my_out + z * ZCHUNK, ZCHUNK)],
                             sem)

        def co_wait(z, sem):
            pltpu.make_async_copy(
                accum.at[pl.ds(my_out + z * ZCHUNK, ZCHUNK)],
                sums.at[e, c, pl.ds(my_out + z * ZCHUNK, ZCHUNK)],
                sem).wait()

        def co_zero(z):
            if not last:
                pltpu.sync_copy(zrows, accum.at[pl.ds(my_out + z * ZCHUNK, ZCHUNK)])

        co_issue(0, gsem0)
        co_issue(1, gsem1)

        @pl.loop(0, nch // 2)
        def _(p):
            z0 = 2 * p
            z1 = z0 + 1
            co_wait(z0, gsem0)
            co_zero(z0)

            @pl.when(z0 + 2 < nch)
            def _():
                co_issue(z0 + 2, gsem0)

            co_wait(z1, gsem1)
            co_zero(z1)

            @pl.when(z1 + 2 < nch)
            def _():
                co_issue(z1 + 2, gsem1)

        @pl.when(s < NCCH)
        def _():
            pltpu.sync_copy(cnt.at[pl.ds(s * 128, 128)],
                            cnts.at[e, c, pl.ds(s * 128, 128)])
            if not last:
                pltpu.sync_copy(zcnt, cnt.at[pl.ds(s * 128, 128)])

        if not last:
            @pl.loop(0, CROWS)
            def _(z):
                hist[z, :] = zero16


def _combine_body(sums_ref, cnts_ref, wc_ref, bc_ref, wb_ref, bb_ref,
                  wf_ref, bf_ref, out_ref):
    sm = sums_ref[...]
    cl = cnts_ref[...]
    stot = sm[:, 0] + sm[:, 1]
    ct = cl[:, 0] + cl[:, 1]
    g = RBLK // D
    st4 = stot.reshape(3, g, D, D)
    mean = (st4 / jnp.maximum(ct, 1.0)[:, :, :, None]).reshape(3, RBLK, D)
    mask4 = (ct > 0).astype(jnp.float32)[:, :, :, None]

    def lin(e, w_ref, b_ref):
        y = lax.dot_general(mean[e], w_ref[...], (((1,), (1,)), ((), ())),
                            precision=lax.Precision.HIGHEST)
        bias = (b_ref[...][None, :, :] * mask4[e]).reshape(RBLK, D)
        return y + bias

    out_ref[0] = lin(1, wb_ref, bb_ref) + lin(2, wf_ref, bf_ref)
    out_ref[1] = lin(0, wc_ref, bc_ref)


def kernel(x_user, x_item, edge_click, edge_clicked_by, edge_follow,
           W_click, b_click, W_clicked_by, b_clicked_by, W_follow, b_follow):
    e0 = edge_click.astype(jnp.int32).reshape(2, ROWS, B)
    e1 = edge_clicked_by.astype(jnp.int32).reshape(2, ROWS, B)
    e2 = edge_follow.astype(jnp.int32).reshape(2, ROWS, B)

    mesh = plsc.VectorSubcoreMesh(core_axis_name="c", subcore_axis_name="s",
                                  num_cores=NC, num_subcores=NS)
    sums, cnts = pl.kernel(
        _sc_body,
        out_type=(jax.ShapeDtypeStruct((3, NC, N_PAD, D), jnp.float32),
                  jax.ShapeDtypeStruct((3, NC, CROWS, L), jnp.float32)),
        mesh=mesh,
        compiler_params=pltpu.CompilerParams(use_tc_tiling_on_sc=False,
                                             needs_layout_passes=False),
        scratch_types=[
            pltpu.VMEM_SHARED((N_PAD, D), jnp.float32),
            pltpu.VMEM_SHARED((CROWS, L), jnp.float32),
            pltpu.VMEM((RPT + 1, B), jnp.int32),
            pltpu.VMEM((RPT + 1, B), jnp.int32),
            pltpu.VMEM((B, D), jnp.float32),
            pltpu.VMEM((B, D), jnp.float32),
            pltpu.VMEM((CROWS, L), jnp.float32),
            pltpu.VMEM((NCCH, 128), jnp.int32),
            pltpu.VMEM((ZCHUNK, D), jnp.float32),
            pltpu.VMEM((128, L), jnp.float32),
            pltpu.SemaphoreType.DMA,
            pltpu.SemaphoreType.DMA,
            pltpu.SemaphoreType.DMA,
            pltpu.SemaphoreType.DMA,
        ],
    )(x_user, x_item, e0, e1, e2)

    out2 = pl.pallas_call(
        _combine_body,
        grid=(N_PAD // RBLK,),
        in_specs=[
            pl.BlockSpec((3, NC, RBLK, D), lambda g: (0, 0, g, 0)),
            pl.BlockSpec((3, NC, RBLK // D, D), lambda g: (0, 0, g, 0)),
            pl.BlockSpec((D, D), lambda g: (0, 0)),
            pl.BlockSpec((1, D), lambda g: (0, 0)),
            pl.BlockSpec((D, D), lambda g: (0, 0)),
            pl.BlockSpec((1, D), lambda g: (0, 0)),
            pl.BlockSpec((D, D), lambda g: (0, 0)),
            pl.BlockSpec((1, D), lambda g: (0, 0)),
        ],
        out_specs=pl.BlockSpec((2, RBLK, D), lambda g: (0, g, 0)),
        out_shape=jax.ShapeDtypeStruct((2, N_OUT, D), jnp.float32),
    )(sums, cnts.reshape(3, NC, N_PAD // D, D), W_click, b_click.reshape(1, D),
      W_clicked_by, b_clicked_by.reshape(1, D),
      W_follow, b_follow.reshape(1, D))

    return out2.reshape(2 * N_OUT, D)

# --- scband reference (transcript-rebuilt; emitter-appended) ---
"""Pipeline reference for scband-hetero-rgcnlayer-12850542149722 (READ-ONLY COPY).

The authoritative reference and input builder live on the scoring server;
editing this copy changes nothing except your own understanding.
"""

import jax, jax.numpy as jnp
import numpy as np

N_USER = 10000
N_ITEM = 10000
D_IN = 128
D_OUT = 128
E = 160000


def _linear_params(key, d_in, d_out):
    # emulate torch nn.Linear default init: U(-1/sqrt(in), 1/sqrt(in))
    k1, k2 = jax.random.split(key)
    bound = 1.0 / np.sqrt(d_in)
    W = jax.random.uniform(k1, (d_out, d_in), jnp.float32, -bound, bound)
    b = jax.random.uniform(k2, (d_out,), jnp.float32, -bound, bound)
    return W, b


def setup_inputs(seed: int = 0):
    key = jax.random.key(seed)
    ks = jax.random.split(key, 8)
    x_user = jax.random.normal(ks[0], (N_USER, D_IN), jnp.float32)
    x_item = jax.random.normal(ks[1], (N_ITEM, D_IN), jnp.float32)
    # row 0 = src indices, row 1 = dst indices
    edge_click = jax.random.randint(ks[2], (2, E), 0, N_ITEM, dtype=jnp.int64)      # user -> item
    edge_clicked_by = jax.random.randint(ks[3], (2, E), 0, N_USER, dtype=jnp.int64)  # item -> user
    edge_follow = jax.random.randint(ks[4], (2, E), 0, N_USER, dtype=jnp.int64)      # user -> user
    W_click, b_click = _linear_params(ks[5], D_IN, D_OUT)
    W_clicked_by, b_clicked_by = _linear_params(ks[6], D_IN, D_OUT)
    W_follow, b_follow = _linear_params(ks[7], D_IN, D_OUT)
    return {
        "x_user": x_user, "x_item": x_item,
        "edge_click": edge_click, "edge_clicked_by": edge_clicked_by, "edge_follow": edge_follow,
        "W_click": W_click, "b_click": b_click,
        "W_clicked_by": W_clicked_by, "b_clicked_by": b_clicked_by,
        "W_follow": W_follow, "b_follow": b_follow,
    }


def _mean_agg(msg, dst, n_dst):
    # DGL fn.mean('m','h'): per-dst mean; zero in-degree nodes get 0
    s = jax.ops.segment_sum(msg, dst, num_segments=n_dst)
    cnt = jax.ops.segment_sum(jnp.ones((msg.shape[0],), msg.dtype), dst, num_segments=n_dst)
    return s / jnp.clip(cnt, 1.0, None)[:, None]


def reference(x_user, x_item, edge_click, edge_clicked_by, edge_follow,
              W_click, b_click, W_clicked_by, b_clicked_by, W_follow, b_follow):
    # etype 'click': user -> item
    Wh_click = x_user @ W_click.T + b_click
    h_item_click = _mean_agg(Wh_click[edge_click[0]], edge_click[1], N_ITEM)
    # etype 'clicked_by': item -> user
    Wh_cb = x_item @ W_clicked_by.T + b_clicked_by
    h_user_cb = _mean_agg(Wh_cb[edge_clicked_by[0]], edge_clicked_by[1], N_USER)
    # etype 'follow': user -> user
    Wh_f = x_user @ W_follow.T + b_follow
    h_user_f = _mean_agg(Wh_f[edge_follow[0]], edge_follow[1], N_USER)
    # multi_update_all cross-etype reducer = 'sum'
    h_user = h_user_cb + h_user_f
    h_item = h_item_click
    return jnp.concatenate([h_user, h_item], axis=0)

if __name__ == "__main__":
    import jax
    _d = setup_inputs()
    print(jax.jit(kernel)(*tuple(_d.values())))

</pallas_src>

<mosaic_0001>
#map = affine_map<(d0, d1) -> (0, 0)>
#map1 = affine_map<(d0, d1) -> (0, 0, 0)>
#map2 = affine_map<(d0, d1) -> (0, 0, 0, 0)>
module attributes {stable_mosaic.version = 14 : i64} {
  func.func @_sc_body(%arg0: i32, %arg1: i32, %arg2: memref<10000x128xf32, #tpu.memory_space<hbm>>, %arg3: memref<10000x128xf32, #tpu.memory_space<hbm>>, %arg4: memref<2x2000x80xi32, #tpu.memory_space<hbm>>, %arg5: memref<2x2000x80xi32, #tpu.memory_space<hbm>>, %arg6: memref<2x2000x80xi32, #tpu.memory_space<hbm>>, %arg7: memref<3x2x10240x128xf32, #tpu.memory_space<hbm>>, %arg8: memref<3x2x640x16xf32, #tpu.memory_space<hbm>>, %arg9: memref<10240x128xf32, #tpu.memory_space<vmem_shared>>, %arg10: memref<640x16xf32, #tpu.memory_space<vmem_shared>>, %arg11: memref<63x80xi32, #tpu.memory_space<vmem>>, %arg12: memref<63x80xi32, #tpu.memory_space<vmem>>, %arg13: memref<80x128xf32, #tpu.memory_space<vmem>>, %arg14: memref<80x128xf32, #tpu.memory_space<vmem>>, %arg15: memref<640x16xf32, #tpu.memory_space<vmem>>, %arg16: memref<5x128xi32, #tpu.memory_space<vmem>>, %arg17: memref<32x128xf32, #tpu.memory_space<vmem>>, %arg18: memref<128x16xf32, #tpu.memory_space<vmem>>, %arg19: memref<!tpu.dma_semaphore, #tpu.memory_space<semaphore_mem>>, %arg20: memref<!tpu.dma_semaphore, #tpu.memory_space<semaphore_mem>>, %arg21: memref<!tpu.dma_semaphore, #tpu.memory_space<semaphore_mem>>, %arg22: memref<!tpu.dma_semaphore, #tpu.memory_space<semaphore_mem>>) attributes {dimension_semantics = [#tpu.dimension_semantics<core_parallel>, #tpu.dimension_semantics<subcore_parallel>], iteration_bounds = array<i64: 2, 16>, scalar_prefetch = 0 : i64, scratch_operands = 14 : i64, tpu.core_type = #tpu.core_type<sc_vector_subcore>, window_params = [{transform_indices = #map}, {transform_indices = #map}, {transform_indices = #map1}, {transform_indices = #map1}, {transform_indices = #map1}, {transform_indices = #map2}, {transform_indices = #map2}]} {
    %broadcast_in_dim3A = arith.constant 0.000000e+00 : f32
    %broadcast_in_dim3A_0 = vector.broadcast %broadcast_in_dim3A : f32 to vector<16xf32>
    %broadcast_in_dim3A_1 = arith.constant 1.000000e+00 : f32
    %broadcast_in_dim3A_2 = vector.broadcast %broadcast_in_dim3A_1 : f32 to vector<16xf32>
    %scan3A = arith.constant 0 : i32
    %scan3A_3 = arith.constant 32 : i32
    %scan3A_4 = arith.addi %scan3A, %scan3A_3 : i32
    %scan3A_5 = arith.constant 1 : i32
    scf.for %scan3A_247 = %scan3A to %scan3A_4 step %scan3A_5  : i32 {
      %mul3A_248 = arith.constant 1 : i32
      %mul3A_249 = arith.muli %scan3A_247, %mul3A_248 : i32
      %add3A_250 = arith.constant 0 : i32
      %add3A_251 = arith.addi %add3A_250, %mul3A_249 : i32
      %scan3A_252 = arith.constant 0 : i32
      %scan3A_253 = arith.constant 8 : i32
      %scan3A_254 = arith.addi %scan3A_252, %scan3A_253 : i32
      %scan3A_255 = arith.constant 1 : i32
      scf.for %scan3A_257 = %scan3A_252 to %scan3A_254 step %scan3A_255  : i32 {
        %mul3A_258 = arith.constant 1 : i32
        %mul3A_259 = arith.muli %scan3A_257, %mul3A_258 : i32
        %add3A_260 = arith.constant 0 : i32
        %add3A_261 = arith.addi %add3A_260, %mul3A_259 : i32
        %mul3A_262 = arith.constant 16 : i32
        %mul3A_263 = arith.muli %add3A_261, %mul3A_262 : i32
        %swap3A = arith.index_cast %add3A_251 : i32 to index
        %swap3A_264 = arith.index_cast %mul3A_263 : i32 to index
        %swap3A_265 = tpu.vector_load %arg17[%swap3A, %swap3A_264] {strides = array<i32>} : memref<32x128xf32, #tpu.memory_space<vmem>>, vector<16xf32>,
        tpu.vector_store %arg17[%swap3A, %swap3A_264], %broadcast_in_dim3A_0 {strides = array<i32>} : memref<32x128xf32, #tpu.memory_space<vmem>>, vector<16xf32>,
      }
      %scan3A_256 = arith.constant 8 : i32
    }
    %scan3A_6 = arith.constant 32 : i32
    %scan3A_7 = arith.constant 0 : i32
    %scan3A_8 = arith.constant 128 : i32
    %scan3A_9 = arith.addi %scan3A_7, %scan3A_8 : i32
    %scan3A_10 = arith.constant 1 : i32
    scf.for %scan3A_247 = %scan3A_7 to %scan3A_9 step %scan3A_10  : i32 {
      %mul3A_248 = arith.constant 1 : i32
      %mul3A_249 = arith.muli %scan3A_247, %mul3A_248 : i32
      %add3A_250 = arith.constant 0 : i32
      %add3A_251 = arith.addi %add3A_250, %mul3A_249 : i32
      %swap3A = arith.index_cast %add3A_251 : i32 to index
      %swap3A_252 = arith.constant 0 : index
      %swap3A_253 = tpu.vector_load %arg18[%swap3A, %swap3A_252] {strides = array<i32>} : memref<128x16xf32, #tpu.memory_space<vmem>>, vector<16xf32>,
      tpu.vector_store %arg18[%swap3A, %swap3A_252], %broadcast_in_dim3A_0 {strides = array<i32>} : memref<128x16xf32, #tpu.memory_space<vmem>>, vector<16xf32>,
    }
    %scan3A_11 = arith.constant 128 : i32
    %scan3A_12 = arith.constant 0 : i32
    %scan3A_13 = arith.constant 5 : i32
    %scan3A_14 = arith.addi %scan3A_12, %scan3A_13 : i32
    %scan3A_15 = arith.constant 1 : i32
    scf.for %scan3A_247 = %scan3A_12 to %scan3A_14 step %scan3A_15  : i32 {
      %mul3A_248 = arith.constant 1 : i32
      %mul3A_249 = arith.muli %scan3A_247, %mul3A_248 : i32
      %add3A_250 = arith.constant 0 : i32
      %add3A_251 = arith.addi %add3A_250, %mul3A_249 : i32
      %scan3A_252 = arith.constant 0 : i32
      %scan3A_253 = arith.constant 8 : i32
      %scan3A_254 = arith.addi %scan3A_252, %scan3A_253 : i32
      %scan3A_255 = arith.constant 1 : i32
      scf.for %scan3A_257 = %scan3A_252 to %scan3A_254 step %scan3A_255  : i32 {
        %mul3A_258 = arith.constant 1 : i32
        %mul3A_259 = arith.muli %scan3A_257, %mul3A_258 : i32
        %add3A_260 = arith.constant 0 : i32
        %add3A_261 = arith.addi %add3A_260, %mul3A_259 : i32
        %iota3A = tpu.iota {dimensions = array<i32: 0>} : vector<16xi32>
        %mul3A_262 = arith.constant 128 : i32
        %mul3A_263 = arith.muli %add3A_251, %mul3A_262 : i32
        %add3A_264 = vector.broadcast %mul3A_263 : i32 to vector<16xi32>
        %add3A_265 = arith.addi %iota3A, %add3A_264 : vector<16xi32>
        %mul3A_266 = arith.constant 16 : i32
        %mul3A_267 = arith.muli %add3A_261, %mul3A_266 : i32
        %add3A_268 = vector.broadcast %mul3A_267 : i32 to vector<16xi32>
        %add3A_269 = arith.addi %add3A_265, %add3A_268 : vector<16xi32>
        %mul3A_270 = arith.constant 16 : i32
        %mul3A_271 = arith.muli %add3A_261, %mul3A_270 : i32
        %swap3A = arith.index_cast %add3A_251 : i32 to index
        %swap3A_272 = arith.index_cast %mul3A_271 : i32 to index
        %swap3A_273 = tpu.vector_load %arg16[%swap3A, %swap3A_272] {strides = array<i32>} : memref<5x128xi32, #tpu.memory_space<vmem>>, vector<16xi32>,
        tpu.vector_store %arg16[%swap3A, %swap3A_272], %add3A_269 {strides = array<i32>} : memref<5x128xi32, #tpu.memory_space<vmem>>, vector<16xi32>,
      }
      %scan3A_256 = arith.constant 8 : i32
    }
    %scan3A_16 = arith.constant 5 : i32
    %ge3A = arith.constant 8 : i32
    %ge3A_17 = arith.cmpi sge, %arg1, %ge3A : i32
    %jit3A = arith.constant 63 : i32
    %jit3A_18 = arith.constant 62 : i32
    %select_n3A = arith.select %ge3A_17, %jit3A, %jit3A_18 : i32
    %mul3A = arith.constant 1000 : i32
    %mul3A_19 = arith.muli %arg0, %mul3A : i32
    %mul3A_20 = arith.constant 62 : i32
    %mul3A_21 = arith.muli %arg1, %mul3A_20 : i32
    %add3A = arith.addi %mul3A_19, %mul3A_21 : i32
    %mul3A_22 = arith.constant 1000 : i32
    %mul3A_23 = arith.muli %arg0, %mul3A_22 : i32
    %add3A_24 = arith.constant 992 : i32
    %add3A_25 = arith.addi %mul3A_23, %add3A_24 : i32
    %sub3A = arith.constant 8 : i32
    %sub3A_26 = arith.subi %arg1, %sub3A : i32
    %add3A_27 = arith.addi %add3A_25, %sub3A_26 : i32
    %mul3A_28 = arith.constant 640 : i32
    %mul3A_29 = arith.muli %arg1, %mul3A_28 : i32
    %run_scoped3A = arith.constant 0 : i32
    "tpu.region"() ({
      %run_scoped3A_247 = tpu.sem_alloc : memref<!tpu.dma_semaphore, #tpu.memory_space<semaphore_mem>>
      %dma_start3A_248 = arith.constant 0 : i32
      %dma_start3A_249 = arith.constant 0 : i32
      %dma_start3A_250 = tpu.memref_slice %arg11[%dma_start3A_248, %dma_start3A_249] : memref<63x80xi32, #tpu.memory_space<vmem>> -> memref<62x80xi32, #tpu.memory_space<vmem>>
      %dma_start3A_251 = arith.constant 0 : i32
      %dma_start3A_252 = arith.constant 0 : i32
      %dma_start3A_253 = tpu.memref_slice %arg4[%run_scoped3A, %dma_start3A_251, %dma_start3A_252] : memref<2x2000x80xi32, #tpu.memory_space<hbm>> -> memref<1x2000x80xi32, #tpu.memory_space<hbm>>
      %dma_start3A_254 = tpu.memref_squeeze %dma_start3A_253 : memref<1x2000x80xi32, #tpu.memory_space<hbm>> -> memref<2000x80xi32, #tpu.memory_space<hbm>>
      %dma_start3A_255 = arith.constant 0 : i32
      %dma_start3A_256 = tpu.memref_slice %dma_start3A_254[%add3A, %dma_start3A_255] : memref<2000x80xi32, #tpu.memory_space<hbm>> -> memref<62x80xi32, #tpu.memory_space<hbm>>
      %dma_start3A_257 = arith.constant 0 : i32
      %dma_start3A_258 = arith.constant 0 : i32
      %dma_start3A_259 = tpu.memref_slice %arg11[%dma_start3A_257, %dma_start3A_258] : memref<63x80xi32, #tpu.memory_space<vmem>> -> memref<62x80xi32, #tpu.memory_space<vmem>>
      %dma_start3A_260 = arith.constant 0 : i32
      %dma_start3A_261 = arith.constant 0 : i32
      %dma_start3A_262 = tpu.memref_slice %arg4[%run_scoped3A, %dma_start3A_260, %dma_start3A_261] : memref<2x2000x80xi32, #tpu.memory_space<hbm>> -> memref<1x2000x80xi32, #tpu.memory_space<hbm>>
      %dma_start3A_263 = tpu.memref_squeeze %dma_start3A_262 : memref<1x2000x80xi32, #tpu.memory_space<hbm>> -> memref<2000x80xi32, #tpu.memory_space<hbm>>
      %dma_start3A_264 = arith.constant 0 : i32
      %dma_start3A_265 = tpu.memref_slice %dma_start3A_263[%add3A, %dma_start3A_264] : memref<2000x80xi32, #tpu.memory_space<hbm>> -> memref<62x80xi32, #tpu.memory_space<hbm>>
      tpu.enqueue_dma source(%dma_start3A_265 : memref<62x80xi32, #tpu.memory_space<hbm>>) target(%dma_start3A_259 : memref<62x80xi32, #tpu.memory_space<vmem>>) target_semaphore(%run_scoped3A_247 : memref<!tpu.dma_semaphore, #tpu.memory_space<semaphore_mem>>)
      %dma_wait3A = arith.constant 0 : i32
      %dma_wait3A_266 = arith.constant 0 : i32
      %dma_wait3A_267 = tpu.memref_slice %arg11[%dma_wait3A, %dma_wait3A_266] : memref<63x80xi32, #tpu.memory_space<vmem>> -> memref<62x80xi32, #tpu.memory_space<vmem>>
      %dma_wait3A_268 = arith.constant 0 : i32
      %dma_wait3A_269 = arith.constant 0 : i32
      %dma_wait3A_270 = tpu.memref_slice %arg4[%run_scoped3A, %dma_wait3A_268, %dma_wait3A_269] : memref<2x2000x80xi32, #tpu.memory_space<hbm>> -> memref<1x2000x80xi32, #tpu.memory_space<hbm>>
      %dma_wait3A_271 = tpu.memref_squeeze %dma_wait3A_270 : memref<1x2000x80xi32, #tpu.memory_space<hbm>> -> memref<2000x80xi32, #tpu.memory_space<hbm>>
      %dma_wait3A_272 = arith.constant 0 : i32
      %dma_wait3A_273 = tpu.memref_slice %dma_wait3A_271[%add3A, %dma_wait3A_272] : memref<2000x80xi32, #tpu.memory_space<hbm>> -> memref<62x80xi32, #tpu.memory_space<hbm>>
      %dma_wait3A_274 = arith.constant 0 : i32
      %dma_wait3A_275 = arith.constant 0 : i32
      %dma_wait3A_276 = tpu.memref_slice %arg11[%dma_wait3A_274, %dma_wait3A_275] : memref<63x80xi32, #tpu.memory_space<vmem>> -> memref<62x80xi32, #tpu.memory_space<vmem>>
      %dma_wait3A_277 = arith.constant 0 : i32
      %dma_wait3A_278 = arith.constant 0 : i32
      %dma_wait3A_279 = tpu.memref_slice %arg4[%run_scoped3A, %dma_wait3A_277, %dma_wait3A_278] : memref<2x2000x80xi32, #tpu.memory_space<hbm>> -> memref<1x2000x80xi32, #tpu.memory_space<hbm>>
      %dma_wait3A_280 = tpu.memref_squeeze %dma_wait3A_279 : memref<1x2000x80xi32, #tpu.memory_space<hbm>> -> memref<2000x80xi32, #tpu.memory_space<hbm>>
      %dma_wait3A_281 = arith.constant 0 : i32
      %dma_wait3A_282 = tpu.memref_slice %dma_wait3A_280[%add3A, %dma_wait3A_281] : memref<2000x80xi32, #tpu.memory_space<hbm>> -> memref<62x80xi32, #tpu.memory_space<hbm>>
      tpu.wait_dma2 semaphore(%run_scoped3A_247 : memref<!tpu.dma_semaphore, #tpu.memory_space<semaphore_mem>>) src(%dma_wait3A_282 : memref<62x80xi32, #tpu.memory_space<hbm>>) dst(%dma_wait3A_276 : memref<62x80xi32, #tpu.memory_space<vmem>>)
      tpu.yield
    }) : () -> ()
    %run_scoped3A_30 = arith.constant 1 : i32
    "tpu.region"() ({
      %run_scoped3A_247 = tpu.sem_alloc : memref<!tpu.dma_semaphore, #tpu.memory_space<semaphore_mem>>
      %dma_start3A_248 = arith.constant 0 : i32
      %dma_start3A_249 = arith.constant 0 : i32
      %dma_start3A_250 = tpu.memref_slice %arg12[%dma_start3A_248, %dma_start3A_249] : memref<63x80xi32, #tpu.memory_space<vmem>> -> memref<62x80xi32, #tpu.memory_space<vmem>>
      %dma_start3A_251 = arith.constant 0 : i32
      %dma_start3A_252 = arith.constant 0 : i32
      %dma_start3A_253 = tpu.memref_slice %arg4[%run_scoped3A_30, %dma_start3A_251, %dma_start3A_252] : memref<2x2000x80xi32, #tpu.memory_space<hbm>> -> memref<1x2000x80xi32, #tpu.memory_space<hbm>>
      %dma_start3A_254 = tpu.memref_squeeze %dma_start3A_253 : memref<1x2000x80xi32, #tpu.memory_space<hbm>> -> memref<2000x80xi32, #tpu.memory_space<hbm>>
      %dma_start3A_255 = arith.constant 0 : i32
      %dma_start3A_256 = tpu.memref_slice %dma_start3A_254[%add3A, %dma_start3A_255] : memref<2000x80xi32, #tpu.memory_space<hbm>> -> memref<62x80xi32, #tpu.memory_space<hbm>>
      %dma_start3A_257 = arith.constant 0 : i32
      %dma_start3A_258 = arith.constant 0 : i32
      %dma_start3A_259 = tpu.memref_slice %arg12[%dma_start3A_257, %dma_start3A_258] : memref<63x80xi32, #tpu.memory_space<vmem>> -> memref<62x80xi32, #tpu.memory_space<vmem>>
      %dma_start3A_260 = arith.constant 0 : i32
      %dma_start3A_261 = arith.constant 0 : i32
      %dma_start3A_262 = tpu.memref_slice %arg4[%run_scoped3A_30, %dma_start3A_260, %dma_start3A_261] : memref<2x2000x80xi32, #tpu.memory_space<hbm>> -> memref<1x2000x80xi32, #tpu.memory_space<hbm>>
      %dma_start3A_263 = tpu.memref_squeeze %dma_start3A_262 : memref<1x2000x80xi32, #tpu.memory_space<hbm>> -> memref<2000x80xi32, #tpu.memory_space<hbm>>
      %dma_start3A_264 = arith.constant 0 : i32
      %dma_start3A_265 = tpu.memref_slice %dma_start3A_263[%add3A, %dma_start3A_264] : memref<2000x80xi32, #tpu.memory_space<hbm>> -> memref<62x80xi32, #tpu.memory_space<hbm>>
      tpu.enqueue_dma source(%dma_start3A_265 : memref<62x80xi32, #tpu.memory_space<hbm>>) target(%dma_start3A_259 : memref<62x80xi32, #tpu.memory_space<vmem>>) target_semaphore(%run_scoped3A_247 : memref<!tpu.dma_semaphore, #tpu.memory_space<semaphore_mem>>)
      %dma_wait3A = arith.constant 0 : i32
      %dma_wait3A_266 = arith.constant 0 : i32
      %dma_wait3A_267 = tpu.memref_slice %arg12[%dma_wait3A, %dma_wait3A_266] : memref<63x80xi32, #tpu.memory_space<vmem>> -> memref<62x80xi32, #tpu.memory_space<vmem>>
      %dma_wait3A_268 = arith.constant 0 : i32
      %dma_wait3A_269 = arith.constant 0 : i32
      %dma_wait3A_270 = tpu.memref_slice %arg4[%run_scoped3A_30, %dma_wait3A_268, %dma_wait3A_269] : memref<2x2000x80xi32, #tpu.memory_space<hbm>> -> memref<1x2000x80xi32, #tpu.memory_space<hbm>>
      %dma_wait3A_271 = tpu.memref_squeeze %dma_wait3A_270 : memref<1x2000x80xi32, #tpu.memory_space<hbm>> -> memref<2000x80xi32, #tpu.memory_space<hbm>>
      %dma_wait3A_272 = arith.constant 0 : i32
      %dma_wait3A_273 = tpu.memref_slice %dma_wait3A_271[%add3A, %dma_wait3A_272] : memref<2000x80xi32, #tpu.memory_space<hbm>> -> memref<62x80xi32, #tpu.memory_space<hbm>>
      %dma_wait3A_274 = arith.constant 0 : i32
      %dma_wait3A_275 = arith.constant 0 : i32
      %dma_wait3A_276 = tpu.memref_slice %arg12[%dma_wait3A_274, %dma_wait3A_275] : memref<63x80xi32, #tpu.memory_space<vmem>> -> memref<62x80xi32, #tpu.memory_space<vmem>>
      %dma_wait3A_277 = arith.constant 0 : i32
      %dma_wait3A_278 = arith.constant 0 : i32
      %dma_wait3A_279 = tpu.memref_slice %arg4[%run_scoped3A_30, %dma_wait3A_277, %dma_wait3A_278] : memref<2x2000x80xi32, #tpu.memory_space<hbm>> -> memref<1x2000x80xi32, #tpu.memory_space<hbm>>
      %dma_wait3A_280 = tpu.memref_squeeze %dma_wait3A_279 : memref<1x2000x80xi32, #tpu.memory_space<hbm>> -> memref<2000x80xi32, #tpu.memory_space<hbm>>
      %dma_wait3A_281 = arith.constant 0 : i32
      %dma_wait3A_282 = tpu.memref_slice %dma_wait3A_280[%add3A, %dma_wait3A_281] : memref<2000x80xi32, #tpu.memory_space<hbm>> -> memref<62x80xi32, #tpu.memory_space<hbm>>
      tpu.wait_dma2 semaphore(%run_scoped3A_247 : memref<!tpu.dma_semaphore, #tpu.memory_space<semaphore_mem>>) src(%dma_wait3A_282 : memref<62x80xi32, #tpu.memory_space<hbm>>) dst(%dma_wait3A_276 : memref<62x80xi32, #tpu.memory_space<vmem>>)
      tpu.yield
    }) : () -> ()
    %convert_element_type3A = arith.extui %ge3A_17 : i1 to i32
    %cond3A = arith.constant 0 : i32
    %cond3A_31 = arith.constant 1 : i32
    %cond3A_32 = arith.constant 0 : i32
    %cond3A_33 = arith.cmpi ne, %convert_element_type3A, %cond3A_32 : i32
    scf.if %cond3A_33 {
      "tpu.region"() ({
        %run_scoped3A_247 = tpu.sem_alloc : memref<!tpu.dma_semaphore, #tpu.memory_space<semaphore_mem>>
        %dma_start3A_248 = arith.constant 62 : i32
        %dma_start3A_249 = arith.constant 0 : i32
        %dma_start3A_250 = tpu.memref_slice %arg11[%dma_start3A_248, %dma_start3A_249] : memref<63x80xi32, #tpu.memory_space<vmem>> -> memref<1x80xi32, #tpu.memory_space<vmem>>
        %dma_start3A_251 = arith.constant 0 : i32
        %dma_start3A_252 = arith.constant 0 : i32
        %dma_start3A_253 = tpu.memref_slice %arg4[%cond3A, %dma_start3A_251, %dma_start3A_252] : memref<2x2000x80xi32, #tpu.memory_space<hbm>> -> memref<1x2000x80xi32, #tpu.memory_space<hbm>>
        %dma_start3A_254 = tpu.memref_squeeze %dma_start3A_253 : memref<1x2000x80xi32, #tpu.memory_space<hbm>> -> memref<2000x80xi32, #tpu.memory_space<hbm>>
        %dma_start3A_255 = arith.constant 0 : i32
        %dma_start3A_256 = tpu.memref_slice %dma_start3A_254[%add3A_27, %dma_start3A_255] : memref<2000x80xi32, #tpu.memory_space<hbm>> -> memref<1x80xi32, #tpu.memory_space<hbm>>
        %dma_start3A_257 = arith.constant 62 : i32
        %dma_start3A_258 = arith.constant 0 : i32
        %dma_start3A_259 = tpu.memref_slice %arg11[%dma_start3A_257, %dma_start3A_258] : memref<63x80xi32, #tpu.memory_space<vmem>> -> memref<1x80xi32, #tpu.memory_space<vmem>>
        %dma_start3A_260 = arith.constant 0 : i32
        %dma_start3A_261 = arith.constant 0 : i32
        %dma_start3A_262 = tpu.memref_slice %arg4[%cond3A, %dma_start3A_260, %dma_start3A_261] : memref<2x2000x80xi32, #tpu.memory_space<hbm>> -> memref<1x2000x80xi32, #tpu.memory_space<hbm>>
        %dma_start3A_263 = tpu.memref_squeeze %dma_start3A_262 : memref<1x2000x80xi32, #tpu.memory_space<hbm>> -> memref<2000x80xi32, #tpu.memory_space<hbm>>
        %dma_start3A_264 = arith.constant 0 : i32
        %dma_start3A_265 = tpu.memref_slice %dma_start3A_263[%add3A_27, %dma_start3A_264] : memref<2000x80xi32, #tpu.memory_space<hbm>> -> memref<1x80xi32, #tpu.memory_space<hbm>>
        tpu.enqueue_dma source(%dma_start3A_265 : memref<1x80xi32, #tpu.memory_space<hbm>>) target(%dma_start3A_259 : memref<1x80xi32, #tpu.memory_space<vmem>>) target_semaphore(%run_scoped3A_247 : memref<!tpu.dma_semaphore, #tpu.memory_space<semaphore_mem>>)
        %dma_wait3A = arith.constant 62 : i32
        %dma_wait3A_266 = arith.constant 0 : i32
        %dma_wait3A_267 = tpu.memref_slice %arg11[%dma_wait3A, %dma_wait3A_266] : memref<63x80xi32, #tpu.memory_space<vmem>> -> memref<1x80xi32, #tpu.memory_space<vmem>>
        %dma_wait3A_268 = arith.constant 0 : i32
        %dma_wait3A_269 = arith.constant 0 : i32
        %dma_wait3A_270 = tpu.memref_slice %arg4[%cond3A, %dma_wait3A_268, %dma_wait3A_269] : memref<2x2000x80xi32, #tpu.memory_space<hbm>> -> memref<1x2000x80xi32, #tpu.memory_space<hbm>>
        %dma_wait3A_271 = tpu.memref_squeeze %dma_wait3A_270 : memref<1x2000x80xi32, #tpu.memory_space<hbm>> -> memref<2000x80xi32, #tpu.memory_space<hbm>>
        %dma_wait3A_272 = arith.constant 0 : i32
        %dma_wait3A_273 = tpu.memref_slice %dma_wait3A_271[%add3A_27, %dma_wait3A_272] : memref<2000x80xi32, #tpu.memory_space<hbm>> -> memref<1x80xi32, #tpu.memory_space<hbm>>
        %dma_wait3A_274 = arith.constant 62 : i32
        %dma_wait3A_275 = arith.constant 0 : i32
        %dma_wait3A_276 = tpu.memref_slice %arg11[%dma_wait3A_274, %dma_wait3A_275] : memref<63x80xi32, #tpu.memory_space<vmem>> -> memref<1x80xi32, #tpu.memory_space<vmem>>
        %dma_wait3A_277 = arith.constant 0 : i32
        %dma_wait3A_278 = arith.constant 0 : i32
        %dma_wait3A_279 = tpu.memref_slice %arg4[%cond3A, %dma_wait3A_277, %dma_wait3A_278] : memref<2x2000x80xi32, #tpu.memory_space<hbm>> -> memref<1x2000x80xi32, #tpu.memory_space<hbm>>
        %dma_wait3A_280 = tpu.memref_squeeze %dma_wait3A_279 : memref<1x2000x80xi32, #tpu.memory_space<hbm>> -> memref<2000x80xi32, #tpu.memory_space<hbm>>
        %dma_wait3A_281 = arith.constant 0 : i32
        %dma_wait3A_282 = tpu.memref_slice %dma_wait3A_280[%add3A_27, %dma_wait3A_281] : memref<2000x80xi32, #tpu.memory_space<hbm>> -> memref<1x80xi32, #tpu.memory_space<hbm>>
        tpu.wait_dma2 semaphore(%run_scoped3A_247 : memref<!tpu.dma_semaphore, #tpu.memory_space<semaphore_mem>>) src(%dma_wait3A_282 : memref<1x80xi32, #tpu.memory_space<hbm>>) dst(%dma_wait3A_276 : memref<1x80xi32, #tpu.memory_space<vmem>>)
        tpu.yield
      }) : () -> ()
      "tpu.region"() ({
        %run_scoped3A_247 = tpu.sem_alloc : memref<!tpu.dma_semaphore, #tpu.memory_space<semaphore_mem>>
        %dma_start3A_248 = arith.constant 62 : i32
        %dma_start3A_249 = arith.constant 0 : i32
        %dma_start3A_250 = tpu.memref_slice %arg12[%dma_start3A_248, %dma_start3A_249] : memref<63x80xi32, #tpu.memory_space<vmem>> -> memref<1x80xi32, #tpu.memory_space<vmem>>
        %dma_start3A_251 = arith.constant 0 : i32
        %dma_start3A_252 = arith.constant 0 : i32
        %dma_start3A_253 = tpu.memref_slice %arg4[%cond3A_31, %dma_start3A_251, %dma_start3A_252] : memref<2x2000x80xi32, #tpu.memory_space<hbm>> -> memref<1x2000x80xi32, #tpu.memory_space<hbm>>
        %dma_start3A_254 = tpu.memref_squeeze %dma_start3A_253 : memref<1x2000x80xi32, #tpu.memory_space<hbm>> -> memref<2000x80xi32, #tpu.memory_space<hbm>>
        %dma_start3A_255 = arith.constant 0 : i32
        %dma_start3A_256 = tpu.memref_slice %dma_start3A_254[%add3A_27, %dma_start3A_255] : memref<2000x80xi32, #tpu.memory_space<hbm>> -> memref<1x80xi32, #tpu.memory_space<hbm>>
        %dma_start3A_257 = arith.constant 62 : i32
        %dma_start3A_258 = arith.constant 0 : i32
        %dma_start3A_259 = tpu.memref_slice %arg12[%dma_start3A_257, %dma_start3A_258] : memref<63x80xi32, #tpu.memory_space<vmem>> -> memref<1x80xi32, #tpu.memory_space<vmem>>
        %dma_start3A_260 = arith.constant 0 : i32
        %dma_start3A_261 = arith.constant 0 : i32
        %dma_start3A_262 = tpu.memref_slice %arg4[%cond3A_31, %dma_start3A_260, %dma_start3A_261] : memref<2x2000x80xi32, #tpu.memory_space<hbm>> -> memref<1x2000x80xi32, #tpu.memory_space<hbm>>
        %dma_start3A_263 = tpu.memref_squeeze %dma_start3A_262 : memref<1x2000x80xi32, #tpu.memory_space<hbm>> -> memref<2000x80xi32, #tpu.memory_space<hbm>>
        %dma_start3A_264 = arith.constant 0 : i32
        %dma_start3A_265 = tpu.memref_slice %dma_start3A_263[%add3A_27, %dma_start3A_264] : memref<2000x80xi32, #tpu.memory_space<hbm>> -> memref<1x80xi32, #tpu.memory_space<hbm>>
        tpu.enqueue_dma source(%dma_start3A_265 : memref<1x80xi32, #tpu.memory_space<hbm>>) target(%dma_start3A_259 : memref<1x80xi32, #tpu.memory_space<vmem>>) target_semaphore(%run_scoped3A_247 : memref<!tpu.dma_semaphore, #tpu.memory_space<semaphore_mem>>)
        %dma_wait3A = arith.constant 62 : i32
        %dma_wait3A_266 = arith.constant 0 : i32
        %dma_wait3A_267 = tpu.memref_slice %arg12[%dma_wait3A, %dma_wait3A_266] : memref<63x80xi32, #tpu.memory_space<vmem>> -> memref<1x80xi32, #tpu.memory_space<vmem>>
        %dma_wait3A_268 = arith.constant 0 : i32
        %dma_wait3A_269 = arith.constant 0 : i32
        %dma_wait3A_270 = tpu.memref_slice %arg4[%cond3A_31, %dma_wait3A_268, %dma_wait3A_269] : memref<2x2000x80xi32, #tpu.memory_space<hbm>> -> memref<1x2000x80xi32, #tpu.memory_space<hbm>>
        %dma_wait3A_271 = tpu.memref_squeeze %dma_wait3A_270 : memref<1x2000x80xi32, #tpu.memory_space<hbm>> -> memref<2000x80xi32, #tpu.memory_space<hbm>>
        %dma_wait3A_272 = arith.constant 0 : i32
        %dma_wait3A_273 = tpu.memref_slice %dma_wait3A_271[%add3A_27, %dma_wait3A_272] : memref<2000x80xi32, #tpu.memory_space<hbm>> -> memref<1x80xi32, #tpu.memory_space<hbm>>
        %dma_wait3A_274 = arith.constant 62 : i32
        %dma_wait3A_275 = arith.constant 0 : i32
        %dma_wait3A_276 = tpu.memref_slice %arg12[%dma_wait3A_274, %dma_wait3A_275] : memref<63x80xi32, #tpu.memory_space<vmem>> -> memref<1x80xi32, #tpu.memory_space<vmem>>
        %dma_wait3A_277 = arith.constant 0 : i32
        %dma_wait3A_278 = arith.constant 0 : i32
        %dma_wait3A_279 = tpu.memref_slice %arg4[%cond3A_31, %dma_wait3A_277, %dma_wait3A_278] : memref<2x2000x80xi32, #tpu.memory_space<hbm>> -> memref<1x2000x80xi32, #tpu.memory_space<hbm>>
        %dma_wait3A_280 = tpu.memref_squeeze %dma_wait3A_279 : memref<1x2000x80xi32, #tpu.memory_space<hbm>> -> memref<2000x80xi32, #tpu.memory_space<hbm>>
        %dma_wait3A_281 = arith.constant 0 : i32
        %dma_wait3A_282 = tpu.memref_slice %dma_wait3A_280[%add3A_27, %dma_wait3A_281] : memref<2000x80xi32, #tpu.memory_space<hbm>> -> memref<1x80xi32, #tpu.memory_space<hbm>>
        tpu.wait_dma2 semaphore(%run_scoped3A_247 : memref<!tpu.dma_semaphore, #tpu.memory_space<semaphore_mem>>) src(%dma_wait3A_282 : memref<1x80xi32, #tpu.memory_space<hbm>>) dst(%dma_wait3A_276 : memref<1x80xi32, #tpu.memory_space<vmem>>)
        tpu.yield
      }) : () -> ()
    } else {
    }
    %dma_start3A = arith.constant 0 : i32
    %dma_start3A_34 = arith.constant 0 : i32
    %dma_start3A_35 = tpu.memref_slice %arg11[%dma_start3A, %dma_start3A_34] : memref<63x80xi32, #tpu.memory_space<vmem>> -> memref<1x80xi32, #tpu.memory_space<vmem>>
    %dma_start3A_36 = tpu.memref_squeeze %dma_start3A_35 : memref<1x80xi32, #tpu.memory_space<vmem>> -> memref<80xi32, #tpu.memory_space<vmem>>
    %dma_start3A_37 = arith.constant 0 : i32
    %dma_start3A_38 = arith.constant 0 : i32
    %dma_start3A_39 = tpu.memref_slice %arg2[%dma_start3A_37, %dma_start3A_38] : memref<10000x128xf32, #tpu.memory_space<hbm>> -> memref<10000x128xf32, #tpu.memory_space<hbm>>
    tpu.enqueue_indirect_dma source(%dma_start3A_39 : memref<10000x128xf32, #tpu.memory_space<hbm>>) target(%arg13 : memref<80x128xf32, #tpu.memory_space<vmem>>) offsets(%dma_start3A_36 : memref<80xi32, #tpu.memory_space<vmem>>) semaphore(%arg19 : memref<!tpu.dma_semaphore, #tpu.memory_space<semaphore_mem>>)
    %dma_start3A_40 = arith.constant 1 : i32
    %dma_start3A_41 = arith.constant 0 : i32
    %dma_start3A_42 = tpu.memref_slice %arg11[%dma_start3A_40, %dma_start3A_41] : memref<63x80xi32, #tpu.memory_space<vmem>> -> memref<1x80xi32, #tpu.memory_space<vmem>>
    %dma_start3A_43 = tpu.memref_squeeze %dma_start3A_42 : memref<1x80xi32, #tpu.memory_space<vmem>> -> memref<80xi32, #tpu.memory_space<vmem>>
    %dma_start3A_44 = arith.constant 0 : i32
    %dma_start3A_45 = arith.constant 0 : i32
    %dma_start3A_46 = tpu.memref_slice %arg2[%dma_start3A_44, %dma_start3A_45] : memref<10000x128xf32, #tpu.memory_space<hbm>> -> memref<10000x128xf32, #tpu.memory_space<hbm>>
    tpu.enqueue_indirect_dma source(%dma_start3A_46 : memref<10000x128xf32, #tpu.memory_space<hbm>>) target(%arg14 : memref<80x128xf32, #tpu.memory_space<vmem>>) offsets(%dma_start3A_43 : memref<80xi32, #tpu.memory_space<vmem>>) semaphore(%arg20 : memref<!tpu.dma_semaphore, #tpu.memory_space<semaphore_mem>>)
    %scan3A_47 = arith.constant 0 : i32
    %scan3A_48 = arith.constant 20 : i32
    %scan3A_49 = arith.addi %scan3A_47, %scan3A_48 : i32
    %scan3A_50 = arith.constant 1 : i32
    scf.for %scan3A_247 = %scan3A_47 to %scan3A_49 step %scan3A_50  : i32 {
      %mul3A_248 = arith.constant 1 : i32
      %mul3A_249 = arith.muli %scan3A_247, %mul3A_248 : i32
      %add3A_250 = arith.constant 0 : i32
      %add3A_251 = arith.addi %add3A_250, %mul3A_249 : i32
      %mul3A_252 = arith.constant 32 : i32
      %mul3A_253 = arith.muli %add3A_251, %mul3A_252 : i32
      %add3A_254 = arith.addi %mul3A_29, %mul3A_253 : i32
      "tpu.region"() ({
        %run_scoped3A_255 = tpu.sem_alloc : memref<!tpu.dma_semaphore, #tpu.memory_space<semaphore_mem>>
        %dma_start3A_256 = arith.constant 0 : i32
        %dma_start3A_257 = tpu.memref_slice %arg9[%add3A_254, %dma_start3A_256] : memref<10240x128xf32, #tpu.memory_space<vmem_shared>> -> memref<32x128xf32, #tpu.memory_space<vmem_shared>>
        %dma_start3A_258 = arith.constant 0 : i32
        %dma_start3A_259 = tpu.memref_slice %arg9[%add3A_254, %dma_start3A_258] : memref<10240x128xf32, #tpu.memory_space<vmem_shared>> -> memref<32x128xf32, #tpu.memory_space<vmem_shared>>
        tpu.enqueue_dma source(%arg17 : memref<32x128xf32, #tpu.memory_space<vmem>>) target(%dma_start3A_259 : memref<32x128xf32, #tpu.memory_space<vmem_shared>>) target_semaphore(%run_scoped3A_255 : memref<!tpu.dma_semaphore, #tpu.memory_space<semaphore_mem>>)
        %dma_wait3A = arith.constant 0 : i32
        %dma_wait3A_260 = tpu.memref_slice %arg9[%add3A_254, %dma_wait3A] : memref<10240x128xf32, #tpu.memory_space<vmem_shared>> -> memref<32x128xf32, #tpu.memory_space<vmem_shared>>
        %dma_wait3A_261 = arith.constant 0 : i32
        %dma_wait3A_262 = tpu.memref_slice %arg9[%add3A_254, %dma_wait3A_261] : memref<10240x128xf32, #tpu.memory_space<vmem_shared>> -> memref<32x128xf32, #tpu.memory_space<vmem_shared>>
        tpu.wait_dma2 semaphore(%run_scoped3A_255 : memref<!tpu.dma_semaphore, #tpu.memory_space<semaphore_mem>>) src(%arg17 : memref<32x128xf32, #tpu.memory_space<vmem>>) dst(%dma_wait3A_262 : memref<32x128xf32, #tpu.memory_space<vmem_shared>>)
        tpu.yield
      }) : () -> ()
    }
    %scan3A_51 = arith.constant 20 : i32
    %scan3A_52 = arith.constant 0 : i32
    %scan3A_53 = arith.constant 640 : i32
    %scan3A_54 = arith.addi %scan3A_52, %scan3A_53 : i32
    %scan3A_55 = arith.constant 1 : i32
    scf.for %scan3A_247 = %scan3A_52 to %scan3A_54 step %scan3A_55  : i32 {
      %mul3A_248 = arith.constant 1 : i32
      %mul3A_249 = arith.muli %scan3A_247, %mul3A_248 : i32
      %add3A_250 = arith.constant 0 : i32
      %add3A_251 = arith.addi %add3A_250, %mul3A_249 : i32
      %swap3A = arith.index_cast %add3A_251 : i32 to index
      %swap3A_252 = arith.constant 0 : index
      %swap3A_253 = tpu.vector_load %arg15[%swap3A, %swap3A_252] {strides = array<i32>} : memref<640x16xf32, #tpu.memory_space<vmem>>, vector<16xf32>,
      tpu.vector_store %arg15[%swap3A, %swap3A_252], %broadcast_in_dim3A_0 {strides = array<i32>} : memref<640x16xf32, #tpu.memory_space<vmem>>, vector<16xf32>,
    }
    %scan3A_56 = arith.constant 640 : i32
    %lt3A = arith.constant 5 : i32
    %lt3A_57 = arith.cmpi slt, %arg1, %lt3A : i32
    %convert_element_type3A_58 = arith.extui %lt3A_57 : i1 to i32
    %cond3A_59 = arith.constant 0 : i32
    %cond3A_60 = arith.cmpi ne, %convert_element_type3A_58, %cond3A_59 : i32
    scf.if %cond3A_60 {
      %mul3A_247 = arith.constant 128 : i32
      %mul3A_248 = arith.muli %arg1, %mul3A_247 : i32
      "tpu.region"() ({
        %run_scoped3A_249 = tpu.sem_alloc : memref<!tpu.dma_semaphore, #tpu.memory_space<semaphore_mem>>
        %dma_start3A_250 = arith.constant 0 : i32
        %dma_start3A_251 = tpu.memref_slice %arg10[%mul3A_248, %dma_start3A_250] : memref<640x16xf32, #tpu.memory_space<vmem_shared>> -> memref<128x16xf32, #tpu.memory_space<vmem_shared>>
        %dma_start3A_252 = arith.constant 0 : i32
        %dma_start3A_253 = tpu.memref_slice %arg10[%mul3A_248, %dma_start3A_252] : memref<640x16xf32, #tpu.memory_space<vmem_shared>> -> memref<128x16xf32, #tpu.memory_space<vmem_shared>>
        tpu.enqueue_dma source(%arg18 : memref<128x16xf32, #tpu.memory_space<vmem>>) target(%dma_start3A_253 : memref<128x16xf32, #tpu.memory_space<vmem_shared>>) target_semaphore(%run_scoped3A_249 : memref<!tpu.dma_semaphore, #tpu.memory_space<semaphore_mem>>)
        %dma_wait3A = arith.constant 0 : i32
        %dma_wait3A_254 = tpu.memref_slice %arg10[%mul3A_248, %dma_wait3A] : memref<640x16xf32, #tpu.memory_space<vmem_shared>> -> memref<128x16xf32, #tpu.memory_space<vmem_shared>>
        %dma_wait3A_255 = arith.constant 0 : i32
        %dma_wait3A_256 = tpu.memref_slice %arg10[%mul3A_248, %dma_wait3A_255] : memref<640x16xf32, #tpu.memory_space<vmem_shared>> -> memref<128x16xf32, #tpu.memory_space<vmem_shared>>
        tpu.wait_dma2 semaphore(%run_scoped3A_249 : memref<!tpu.dma_semaphore, #tpu.memory_space<semaphore_mem>>) src(%arg18 : memref<128x16xf32, #tpu.memory_space<vmem>>) dst(%dma_wait3A_256 : memref<128x16xf32, #tpu.memory_space<vmem_shared>>)
        tpu.yield
      }) : () -> ()
    } else {
    }
    %barrier3A = arith.constant 0 : index
    tpu.barrier barrier_id(%barrier3A)
    %scan3A_61 = arith.constant 0 : i32
    %scan3A_62 = arith.constant 31 : i32
    %scan3A_63 = arith.addi %scan3A_61, %scan3A_62 : i32
    %scan3A_64 = arith.constant 1 : i32
    scf.for %scan3A_247 = %scan3A_61 to %scan3A_63 step %scan3A_64  : i32 {
      %mul3A_248 = arith.constant 1 : i32
      %mul3A_249 = arith.muli %scan3A_247, %mul3A_248 : i32
      %add3A_250 = arith.constant 0 : i32
      %add3A_251 = arith.addi %add3A_250, %mul3A_249 : i32
      %mul3A_252 = arith.constant 2 : i32
      %mul3A_253 = arith.muli %mul3A_252, %add3A_251 : i32
      %add3A_254 = arith.constant 1 : i32
      %add3A_255 = arith.addi %mul3A_253, %add3A_254 : i32
      %dma_wait3A = arith.constant 0 : i32
      %dma_wait3A_256 = tpu.memref_slice %arg11[%mul3A_253, %dma_wait3A] : memref<63x80xi32, #tpu.memory_space<vmem>> -> memref<1x80xi32, #tpu.memory_space<vmem>>
      %dma_wait3A_257 = tpu.memref_squeeze %dma_wait3A_256 : memref<1x80xi32, #tpu.memory_space<vmem>> -> memref<80xi32, #tpu.memory_space<vmem>>
      %dma_wait3A_258 = arith.constant 0 : i32
      %dma_wait3A_259 = arith.constant 0 : i32
      %dma_wait3A_260 = tpu.memref_slice %arg2[%dma_wait3A_258, %dma_wait3A_259] : memref<10000x128xf32, #tpu.memory_space<hbm>> -> memref<10000x128xf32, #tpu.memory_space<hbm>>
      tpu.wait_indirect_dma semaphore(%arg19 : memref<!tpu.dma_semaphore, #tpu.memory_space<semaphore_mem>>) src(%dma_wait3A_260 : memref<10000x128xf32, #tpu.memory_space<hbm>>) dst(%arg13 : memref<80x128xf32, #tpu.memory_space<vmem>>)
      %dma_start3A_261 = arith.constant 0 : i32
      %dma_start3A_262 = tpu.memref_slice %arg12[%mul3A_253, %dma_start3A_261] : memref<63x80xi32, #tpu.memory_space<vmem>> -> memref<1x80xi32, #tpu.memory_space<vmem>>
      %dma_start3A_263 = tpu.memref_squeeze %dma_start3A_262 : memref<1x80xi32, #tpu.memory_space<vmem>> -> memref<80xi32, #tpu.memory_space<vmem>>
      %dma_start3A_264 = arith.constant 0 : i32
      %dma_start3A_265 = arith.constant 0 : i32
      %dma_start3A_266 = tpu.memref_slice %arg9[%dma_start3A_264, %dma_start3A_265] : memref<10240x128xf32, #tpu.memory_space<vmem_shared>> -> memref<10240x128xf32, #tpu.memory_space<vmem_shared>>
      tpu.enqueue_indirect_dma source(%arg13 : memref<80x128xf32, #tpu.memory_space<vmem>>) target(%dma_start3A_266 : memref<10240x128xf32, #tpu.memory_space<vmem_shared>>) offsets(%dma_start3A_263 : memref<80xi32, #tpu.memory_space<vmem>>) semaphore(%arg21 : memref<!tpu.dma_semaphore, #tpu.memory_space<semaphore_mem>>) {add = true}
      %get3A = arith.index_cast %mul3A_253 : i32 to index
      %get3A_267 = arith.constant 0 : index
      %get3A_268 = tpu.vector_load %arg12[%get3A, %get3A_267] {strides = array<i32>} : memref<63x80xi32, #tpu.memory_space<vmem>>, vector<16xi32>,
      %shift_right_logical3A = arith.constant 4 : i32
      %shift_right_logical3A_269 = vector.broadcast %shift_right_logical3A : i32 to vector<16xi32>
      %shift_right_logical3A_270 = arith.shrui %get3A_268, %shift_right_logical3A_269 : vector<16xi32>
      %and3A = arith.constant 15 : i32
      %and3A_271 = vector.broadcast %and3A : i32 to vector<16xi32>
      %and3A_272 = arith.andi %get3A_268, %and3A_271 : vector<16xi32>
      tpu.vector_store_idx %arg15[%shift_right_logical3A_270, %and3A_272], %broadcast_in_dim3A_2 {add = true} : memref<640x16xf32, #tpu.memory_space<vmem>>[vector<16xi32>, vector<16xi32>], vector<16xf32>,
      %get3A_273 = arith.index_cast %mul3A_253 : i32 to index
      %get3A_274 = arith.constant 16 : index
      %get3A_275 = tpu.vector_load %arg12[%get3A_273, %get3A_274] {strides = array<i32>} : memref<63x80xi32, #tpu.memory_space<vmem>>, vector<16xi32>,
      %shift_right_logical3A_276 = arith.constant 4 : i32
      %shift_right_logical3A_277 = vector.broadcast %shift_right_logical3A_276 : i32 to vector<16xi32>
      %shift_right_logical3A_278 = arith.shrui %get3A_275, %shift_right_logical3A_277 : vector<16xi32>
      %and3A_279 = arith.constant 15 : i32
      %and3A_280 = vector.broadcast %and3A_279 : i32 to vector<16xi32>
      %and3A_281 = arith.andi %get3A_275, %and3A_280 : vector<16xi32>
      tpu.vector_store_idx %arg15[%shift_right_logical3A_278, %and3A_281], %broadcast_in_dim3A_2 {add = true} : memref<640x16xf32, #tpu.memory_space<vmem>>[vector<16xi32>, vector<16xi32>], vector<16xf32>,
      %get3A_282 = arith.index_cast %mul3A_253 : i32 to index
      %get3A_283 = arith.constant 32 : index
      %get3A_284 = tpu.vector_load %arg12[%get3A_282, %get3A_283] {strides = array<i32>} : memref<63x80xi32, #tpu.memory_space<vmem>>, vector<16xi32>,
      %shift_right_logical3A_285 = arith.constant 4 : i32
      %shift_right_logical3A_286 = vector.broadcast %shift_right_logical3A_285 : i32 to vector<16xi32>
      %shift_right_logical3A_287 = arith.shrui %get3A_284, %shift_right_logical3A_286 : vector<16xi32>
      %and3A_288 = arith.constant 15 : i32
      %and3A_289 = vector.broadcast %and3A_288 : i32 to vector<16xi32>
      %and3A_290 = arith.andi %get3A_284, %and3A_289 : vector<16xi32>
      tpu.vector_store_idx %arg15[%shift_right_logical3A_287, %and3A_290], %broadcast_in_dim3A_2 {add = true} : memref<640x16xf32, #tpu.memory_space<vmem>>[vector<16xi32>, vector<16xi32>], vector<16xf32>,
      %get3A_291 = arith.index_cast %mul3A_253 : i32 to index
      %get3A_292 = arith.constant 48 : index
      %get3A_293 = tpu.vector_load %arg12[%get3A_291, %get3A_292] {strides = array<i32>} : memref<63x80xi32, #tpu.memory_space<vmem>>, vector<16xi32>,
      %shift_right_logical3A_294 = arith.constant 4 : i32
      %shift_right_logical3A_295 = vector.broadcast %shift_right_logical3A_294 : i32 to vector<16xi32>
      %shift_right_logical3A_296 = arith.shrui %get3A_293, %shift_right_logical3A_295 : vector<16xi32>
      %and3A_297 = arith.constant 15 : i32
      %and3A_298 = vector.broadcast %and3A_297 : i32 to vector<16xi32>
      %and3A_299 = arith.andi %get3A_293, %and3A_298 : vector<16xi32>
      tpu.vector_store_idx %arg15[%shift_right_logical3A_296, %and3A_299], %broadcast_in_dim3A_2 {add = true} : memref<640x16xf32, #tpu.memory_space<vmem>>[vector<16xi32>, vector<16xi32>], vector<16xf32>,
      %get3A_300 = arith.index_cast %mul3A_253 : i32 to index
      %get3A_301 = arith.constant 64 : index
      %get3A_302 = tpu.vector_load %arg12[%get3A_300, %get3A_301] {strides = array<i32>} : memref<63x80xi32, #tpu.memory_space<vmem>>, vector<16xi32>,
      %shift_right_logical3A_303 = arith.constant 4 : i32
      %shift_right_logical3A_304 = vector.broadcast %shift_right_logical3A_303 : i32 to vector<16xi32>
      %shift_right_logical3A_305 = arith.shrui %get3A_302, %shift_right_logical3A_304 : vector<16xi32>
      %and3A_306 = arith.constant 15 : i32
      %and3A_307 = vector.broadcast %and3A_306 : i32 to vector<16xi32>
      %and3A_308 = arith.andi %get3A_302, %and3A_307 : vector<16xi32>
      tpu.vector_store_idx %arg15[%shift_right_logical3A_305, %and3A_308], %broadcast_in_dim3A_2 {add = true} : memref<640x16xf32, #tpu.memory_space<vmem>>[vector<16xi32>, vector<16xi32>], vector<16xf32>,
      %dma_wait3A_309 = arith.constant 0 : i32
      %dma_wait3A_310 = tpu.memref_slice %arg12[%mul3A_253, %dma_wait3A_309] : memref<63x80xi32, #tpu.memory_space<vmem>> -> memref<1x80xi32, #tpu.memory_space<vmem>>
      %dma_wait3A_311 = tpu.memref_squeeze %dma_wait3A_310 : memref<1x80xi32, #tpu.memory_space<vmem>> -> memref<80xi32, #tpu.memory_space<vmem>>
      %dma_wait3A_312 = arith.constant 0 : i32
      %dma_wait3A_313 = arith.constant 0 : i32
      %dma_wait3A_314 = tpu.memref_slice %arg9[%dma_wait3A_312, %dma_wait3A_313] : memref<10240x128xf32, #tpu.memory_space<vmem_shared>> -> memref<10240x128xf32, #tpu.memory_space<vmem_shared>>
      tpu.wait_indirect_dma semaphore(%arg21 : memref<!tpu.dma_semaphore, #tpu.memory_space<semaphore_mem>>) src(%arg13 : memref<80x128xf32, #tpu.memory_space<vmem>>) dst(%dma_wait3A_314 : memref<10240x128xf32, #tpu.memory_space<vmem_shared>>)
      %add3A_315 = arith.constant 2 : i32
      %add3A_316 = arith.addi %mul3A_253, %add3A_315 : i32
      %lt3A_317 = arith.cmpi slt, %add3A_316, %select_n3A : i32
      %convert_element_type3A_318 = arith.extui %lt3A_317 : i1 to i32
      %cond3A_319 = arith.constant 0 : i32
      %cond3A_320 = arith.cmpi ne, %convert_element_type3A_318, %cond3A_319 : i32
      scf.if %cond3A_320 {
        %add3A_390 = arith.constant 2 : i32
        %add3A_391 = arith.addi %mul3A_253, %add3A_390 : i32
        %dma_start3A_392 = arith.constant 0 : i32
        %dma_start3A_393 = tpu.memref_slice %arg11[%add3A_391, %dma_start3A_392] : memref<63x80xi32, #tpu.memory_space<vmem>> -> memref<1x80xi32, #tpu.memory_space<vmem>>
        %dma_start3A_394 = tpu.memref_squeeze %dma_start3A_393 : memref<1x80xi32, #tpu.memory_space<vmem>> -> memref<80xi32, #tpu.memory_space<vmem>>
        %dma_start3A_395 = arith.constant 0 : i32
        %dma_start3A_396 = arith.constant 0 : i32
        %dma_start3A_397 = tpu.memref_slice %arg2[%dma_start3A_395, %dma_start3A_396] : memref<10000x128xf32, #tpu.memory_space<hbm>> -> memref<10000x128xf32, #tpu.memory_space<hbm>>
        tpu.enqueue_indirect_dma source(%dma_start3A_397 : memref<10000x128xf32, #tpu.memory_space<hbm>>) target(%arg13 : memref<80x128xf32, #tpu.memory_space<vmem>>) offsets(%dma_start3A_394 : memref<80xi32, #tpu.memory_space<vmem>>) semaphore(%arg19 : memref<!tpu.dma_semaphore, #tpu.memory_space<semaphore_mem>>)
      } else {
      }
      %dma_wait3A_321 = arith.constant 0 : i32
      %dma_wait3A_322 = tpu.memref_slice %arg11[%add3A_255, %dma_wait3A_321] : memref<63x80xi32, #tpu.memory_space<vmem>> -> memref<1x80xi32, #tpu.memory_space<vmem>>
      %dma_wait3A_323 = tpu.memref_squeeze %dma_wait3A_322 : memref<1x80xi32, #tpu.memory_space<vmem>> -> memref<80xi32, #tpu.memory_space<vmem>>
      %dma_wait3A_324 = arith.constant 0 : i32
      %dma_wait3A_325 = arith.constant 0 : i32
      %dma_wait3A_326 = tpu.memref_slice %arg2[%dma_wait3A_324, %dma_wait3A_325] : memref<10000x128xf32, #tpu.memory_space<hbm>> -> memref<10000x128xf32, #tpu.memory_space<hbm>>
      tpu.wait_indirect_dma semaphore(%arg20 : memref<!tpu.dma_semaphore, #tpu.memory_space<semaphore_mem>>) src(%dma_wait3A_326 : memref<10000x128xf32, #tpu.memory_space<hbm>>) dst(%arg14 : memref<80x128xf32, #tpu.memory_space<vmem>>)
      %dma_start3A_327 = arith.constant 0 : i32
      %dma_start3A_328 = tpu.memref_slice %arg12[%add3A_255, %dma_start3A_327] : memref<63x80xi32, #tpu.memory_space<vmem>> -> memref<1x80xi32, #tpu.memory_space<vmem>>
      %dma_start3A_329 = tpu.memref_squeeze %dma_start3A_328 : memref<1x80xi32, #tpu.memory_space<vmem>> -> memref<80xi32, #tpu.memory_space<vmem>>
      %dma_start3A_330 = arith.constant 0 : i32
      %dma_start3A_331 = arith.constant 0 : i32
      %dma_start3A_332 = tpu.memref_slice %arg9[%dma_start3A_330, %dma_start3A_331] : memref<10240x128xf32, #tpu.memory_space<vmem_shared>> -> memref<10240x128xf32, #tpu.memory_space<vmem_shared>>
      tpu.enqueue_indirect_dma source(%arg14 : memref<80x128xf32, #tpu.memory_space<vmem>>) target(%dma_start3A_332 : memref<10240x128xf32, #tpu.memory_space<vmem_shared>>) offsets(%dma_start3A_329 : memref<80xi32, #tpu.memory_space<vmem>>) semaphore(%arg22 : memref<!tpu.dma_semaphore, #tpu.memory_space<semaphore_mem>>) {add = true}
      %get3A_333 = arith.index_cast %add3A_255 : i32 to index
      %get3A_334 = arith.constant 0 : index
      %get3A_335 = tpu.vector_load %arg12[%get3A_333, %get3A_334] {strides = array<i32>} : memref<63x80xi32, #tpu.memory_space<vmem>>, vector<16xi32>,
      %shift_right_logical3A_336 = arith.constant 4 : i32
      %shift_right_logical3A_337 = vector.broadcast %shift_right_logical3A_336 : i32 to vector<16xi32>
      %shift_right_logical3A_338 = arith.shrui %get3A_335, %shift_right_logical3A_337 : vector<16xi32>
      %and3A_339 = arith.constant 15 : i32
      %and3A_340 = vector.broadcast %and3A_339 : i32 to vector<16xi32>
      %and3A_341 = arith.andi %get3A_335, %and3A_340 : vector<16xi32>
      tpu.vector_store_idx %arg15[%shift_right_logical3A_338, %and3A_341], %broadcast_in_dim3A_2 {add = true} : memref<640x16xf32, #tpu.memory_space<vmem>>[vector<16xi32>, vector<16xi32>], vector<16xf32>,
      %get3A_342 = arith.index_cast %add3A_255 : i32 to index
      %get3A_343 = arith.constant 16 : index
      %get3A_344 = tpu.vector_load %arg12[%get3A_342, %get3A_343] {strides = array<i32>} : memref<63x80xi32, #tpu.memory_space<vmem>>, vector<16xi32>,
      %shift_right_logical3A_345 = arith.constant 4 : i32
      %shift_right_logical3A_346 = vector.broadcast %shift_right_logical3A_345 : i32 to vector<16xi32>
      %shift_right_logical3A_347 = arith.shrui %get3A_344, %shift_right_logical3A_346 : vector<16xi32>
      %and3A_348 = arith.constant 15 : i32
      %and3A_349 = vector.broadcast %and3A_348 : i32 to vector<16xi32>
      %and3A_350 = arith.andi %get3A_344, %and3A_349 : vector<16xi32>
      tpu.vector_store_idx %arg15[%shift_right_logical3A_347, %and3A_350], %broadcast_in_dim3A_2 {add = true} : memref<640x16xf32, #tpu.memory_space<vmem>>[vector<16xi32>, vector<16xi32>], vector<16xf32>,
      %get3A_351 = arith.index_cast %add3A_255 : i32 to index
      %get3A_352 = arith.constant 32 : index
      %get3A_353 = tpu.vector_load %arg12[%get3A_351, %get3A_352] {strides = array<i32>} : memref<63x80xi32, #tpu.memory_space<vmem>>, vector<16xi32>,
      %shift_right_logical3A_354 = arith.constant 4 : i32
      %shift_right_logical3A_355 = vector.broadcast %shift_right_logical3A_354 : i32 to vector<16xi32>
      %shift_right_logical3A_356 = arith.shrui %get3A_353, %shift_right_logical3A_355 : vector<16xi32>
      %and3A_357 = arith.constant 15 : i32
      %and3A_358 = vector.broadcast %and3A_357 : i32 to vector<16xi32>
      %and3A_359 = arith.andi %get3A_353, %and3A_358 : vector<16xi32>
      tpu.vector_store_idx %arg15[%shift_right_logical3A_356, %and3A_359], %broadcast_in_dim3A_2 {add = true} : memref<640x16xf32, #tpu.memory_space<vmem>>[vector<16xi32>, vector<16xi32>], vector<16xf32>,
      %get3A_360 = arith.index_cast %add3A_255 : i32 to index
      %get3A_361 = arith.constant 48 : index
      %get3A_362 = tpu.vector_load %arg12[%get3A_360, %get3A_361] {strides = array<i32>} : memref<63x80xi32, #tpu.memory_space<vmem>>, vector<16xi32>,
      %shift_right_logical3A_363 = arith.constant 4 : i32
      %shift_right_logical3A_364 = vector.broadcast %shift_right_logical3A_363 : i32 to vector<16xi32>
      %shift_right_logical3A_365 = arith.shrui %get3A_362, %shift_right_logical3A_364 : vector<16xi32>
      %and3A_366 = arith.constant 15 : i32
      %and3A_367 = vector.broadcast %and3A_366 : i32 to vector<16xi32>
      %and3A_368 = arith.andi %get3A_362, %and3A_367 : vector<16xi32>
      tpu.vector_store_idx %arg15[%shift_right_logical3A_365, %and3A_368], %broadcast_in_dim3A_2 {add = true} : memref<640x16xf32, #tpu.memory_space<vmem>>[vector<16xi32>, vector<16xi32>], vector<16xf32>,
      %get3A_369 = arith.index_cast %add3A_255 : i32 to index
      %get3A_370 = arith.constant 64 : index
      %get3A_371 = tpu.vector_load %arg12[%get3A_369, %get3A_370] {strides = array<i32>} : memref<63x80xi32, #tpu.memory_space<vmem>>, vector<16xi32>,
      %shift_right_logical3A_372 = arith.constant 4 : i32
      %shift_right_logical3A_373 = vector.broadcast %shift_right_logical3A_372 : i32 to vector<16xi32>
      %shift_right_logical3A_374 = arith.shrui %get3A_371, %shift_right_logical3A_373 : vector<16xi32>
      %and3A_375 = arith.constant 15 : i32
      %and3A_376 = vector.broadcast %and3A_375 : i32 to vector<16xi32>
      %and3A_377 = arith.andi %get3A_371, %and3A_376 : vector<16xi32>
      tpu.vector_store_idx %arg15[%shift_right_logical3A_374, %and3A_377], %broadcast_in_dim3A_2 {add = true} : memref<640x16xf32, #tpu.memory_space<vmem>>[vector<16xi32>, vector<16xi32>], vector<16xf32>,
      %dma_wait3A_378 = arith.constant 0 : i32
      %dma_wait3A_379 = tpu.memref_slice %arg12[%add3A_255, %dma_wait3A_378] : memref<63x80xi32, #tpu.memory_space<vmem>> -> memref<1x80xi32, #tpu.memory_space<vmem>>
      %dma_wait3A_380 = tpu.memref_squeeze %dma_wait3A_379 : memref<1x80xi32, #tpu.memory_space<vmem>> -> memref<80xi32, #tpu.memory_space<vmem>>
      %dma_wait3A_381 = arith.constant 0 : i32
      %dma_wait3A_382 = arith.constant 0 : i32
      %dma_wait3A_383 = tpu.memref_slice %arg9[%dma_wait3A_381, %dma_wait3A_382] : memref<10240x128xf32, #tpu.memory_space<vmem_shared>> -> memref<10240x128xf32, #tpu.memory_space<vmem_shared>>
      tpu.wait_indirect_dma semaphore(%arg22 : memref<!tpu.dma_semaphore, #tpu.memory_space<semaphore_mem>>) src(%arg14 : memref<80x128xf32, #tpu.memory_space<vmem>>) dst(%dma_wait3A_383 : memref<10240x128xf32, #tpu.memory_space<vmem_shared>>)
      %add3A_384 = arith.constant 2 : i32
      %add3A_385 = arith.addi %add3A_255, %add3A_384 : i32
      %lt3A_386 = arith.cmpi slt, %add3A_385, %select_n3A : i32
      %convert_element_type3A_387 = arith.extui %lt3A_386 : i1 to i32
      %cond3A_388 = arith.constant 0 : i32
      %cond3A_389 = arith.cmpi ne, %convert_element_type3A_387, %cond3A_388 : i32
      scf.if %cond3A_389 {
        %add3A_390 = arith.constant 2 : i32
        %add3A_391 = arith.addi %add3A_255, %add3A_390 : i32
        %dma_start3A_392 = arith.constant 0 : i32
        %dma_start3A_393 = tpu.memref_slice %arg11[%add3A_391, %dma_start3A_392] : memref<63x80xi32, #tpu.memory_space<vmem>> -> memref<1x80xi32, #tpu.memory_space<vmem>>
        %dma_start3A_394 = tpu.memref_squeeze %dma_start3A_393 : memref<1x80xi32, #tpu.memory_space<vmem>> -> memref<80xi32, #tpu.memory_space<vmem>>
        %dma_start3A_395 = arith.constant 0 : i32
        %dma_start3A_396 = arith.constant 0 : i32
        %dma_start3A_397 = tpu.memref_slice %arg2[%dma_start3A_395, %dma_start3A_396] : memref<10000x128xf32, #tpu.memory_space<hbm>> -> memref<10000x128xf32, #tpu.memory_space<hbm>>
        tpu.enqueue_indirect_dma source(%dma_start3A_397 : memref<10000x128xf32, #tpu.memory_space<hbm>>) target(%arg14 : memref<80x128xf32, #tpu.memory_space<vmem>>) offsets(%dma_start3A_394 : memref<80xi32, #tpu.memory_space<vmem>>) semaphore(%arg20 : memref<!tpu.dma_semaphore, #tpu.memory_space<semaphore_mem>>)
      } else {
      }
    }
    %scan3A_65 = arith.constant 31 : i32
    %convert_element_type3A_66 = arith.extui %ge3A_17 : i1 to i32
    %cond3A_67 = arith.constant 0 : i32
    %cond3A_68 = arith.cmpi ne, %convert_element_type3A_66, %cond3A_67 : i32
    scf.if %cond3A_68 {
      %dma_wait3A = arith.constant 62 : i32
      %dma_wait3A_247 = arith.constant 0 : i32
      %dma_wait3A_248 = tpu.memref_slice %arg11[%dma_wait3A, %dma_wait3A_247] : memref<63x80xi32, #tpu.memory_space<vmem>> -> memref<1x80xi32, #tpu.memory_space<vmem>>
      %dma_wait3A_249 = tpu.memref_squeeze %dma_wait3A_248 : memref<1x80xi32, #tpu.memory_space<vmem>> -> memref<80xi32, #tpu.memory_space<vmem>>
      %dma_wait3A_250 = arith.constant 0 : i32
      %dma_wait3A_251 = arith.constant 0 : i32
      %dma_wait3A_252 = tpu.memref_slice %arg2[%dma_wait3A_250, %dma_wait3A_251] : memref<10000x128xf32, #tpu.memory_space<hbm>> -> memref<10000x128xf32, #tpu.memory_space<hbm>>
      tpu.wait_indirect_dma semaphore(%arg19 : memref<!tpu.dma_semaphore, #tpu.memory_space<semaphore_mem>>) src(%dma_wait3A_252 : memref<10000x128xf32, #tpu.memory_space<hbm>>) dst(%arg13 : memref<80x128xf32, #tpu.memory_space<vmem>>)
      %dma_start3A_253 = arith.constant 62 : i32
      %dma_start3A_254 = arith.constant 0 : i32
      %dma_start3A_255 = tpu.memref_slice %arg12[%dma_start3A_253, %dma_start3A_254] : memref<63x80xi32, #tpu.memory_space<vmem>> -> memref<1x80xi32, #tpu.memory_space<vmem>>
      %dma_start3A_256 = tpu.memref_squeeze %dma_start3A_255 : memref<1x80xi32, #tpu.memory_space<vmem>> -> memref<80xi32, #tpu.memory_space<vmem>>
      %dma_start3A_257 = arith.constant 0 : i32
      %dma_start3A_258 = arith.constant 0 : i32
      %dma_start3A_259 = tpu.memref_slice %arg9[%dma_start3A_257, %dma_start3A_258] : memref<10240x128xf32, #tpu.memory_space<vmem_shared>> -> memref<10240x128xf32, #tpu.memory_space<vmem_shared>>
      tpu.enqueue_indirect_dma source(%arg13 : memref<80x128xf32, #tpu.memory_space<vmem>>) target(%dma_start3A_259 : memref<10240x128xf32, #tpu.memory_space<vmem_shared>>) offsets(%dma_start3A_256 : memref<80xi32, #tpu.memory_space<vmem>>) semaphore(%arg21 : memref<!tpu.dma_semaphore, #tpu.memory_space<semaphore_mem>>) {add = true}
      %get3A = arith.constant 62 : i32
      %get3A_260 = arith.index_cast %get3A : i32 to index
      %get3A_261 = arith.constant 0 : index
      %get3A_262 = tpu.vector_load %arg12[%get3A_260, %get3A_261] {strides = array<i32>} : memref<63x80xi32, #tpu.memory_space<vmem>>, vector<16xi32>,
      %shift_right_logical3A = arith.constant 4 : i32
      %shift_right_logical3A_263 = vector.broadcast %shift_right_logical3A : i32 to vector<16xi32>
      %shift_right_logical3A_264 = arith.shrui %get3A_262, %shift_right_logical3A_263 : vector<16xi32>
      %and3A = arith.constant 15 : i32
      %and3A_265 = vector.broadcast %and3A : i32 to vector<16xi32>
      %and3A_266 = arith.andi %get3A_262, %and3A_265 : vector<16xi32>
      tpu.vector_store_idx %arg15[%shift_right_logical3A_264, %and3A_266], %broadcast_in_dim3A_2 {add = true} : memref<640x16xf32, #tpu.memory_space<vmem>>[vector<16xi32>, vector<16xi32>], vector<16xf32>,
      %get3A_267 = arith.constant 62 : i32
      %get3A_268 = arith.index_cast %get3A_267 : i32 to index
      %get3A_269 = arith.constant 16 : index
      %get3A_270 = tpu.vector_load %arg12[%get3A_268, %get3A_269] {strides = array<i32>} : memref<63x80xi32, #tpu.memory_space<vmem>>, vector<16xi32>,
      %shift_right_logical3A_271 = arith.constant 4 : i32
      %shift_right_logical3A_272 = vector.broadcast %shift_right_logical3A_271 : i32 to vector<16xi32>
      %shift_right_logical3A_273 = arith.shrui %get3A_270, %shift_right_logical3A_272 : vector<16xi32>
      %and3A_274 = arith.constant 15 : i32
      %and3A_275 = vector.broadcast %and3A_274 : i32 to vector<16xi32>
      %and3A_276 = arith.andi %get3A_270, %and3A_275 : vector<16xi32>
      tpu.vector_store_idx %arg15[%shift_right_logical3A_273, %and3A_276], %broadcast_in_dim3A_2 {add = true} : memref<640x16xf32, #tpu.memory_space<vmem>>[vector<16xi32>, vector<16xi32>], vector<16xf32>,
      %get3A_277 = arith.constant 62 : i32
      %get3A_278 = arith.index_cast %get3A_277 : i32 to index
      %get3A_279 = arith.constant 32 : index
      %get3A_280 = tpu.vector_load %arg12[%get3A_278, %get3A_279] {strides = array<i32>} : memref<63x80xi32, #tpu.memory_space<vmem>>, vector<16xi32>,
      %shift_right_logical3A_281 = arith.constant 4 : i32
      %shift_right_logical3A_282 = vector.broadcast %shift_right_logical3A_281 : i32 to vector<16xi32>
      %shift_right_logical3A_283 = arith.shrui %get3A_280, %shift_right_logical3A_282 : vector<16xi32>
      %and3A_284 = arith.constant 15 : i32
      %and3A_285 = vector.broadcast %and3A_284 : i32 to vector<16xi32>
      %and3A_286 = arith.andi %get3A_280, %and3A_285 : vector<16xi32>
      tpu.vector_store_idx %arg15[%shift_right_logical3A_283, %and3A_286], %broadcast_in_dim3A_2 {add = true} : memref<640x16xf32, #tpu.memory_space<vmem>>[vector<16xi32>, vector<16xi32>], vector<16xf32>,
      %get3A_287 = arith.constant 62 : i32
      %get3A_288 = arith.index_cast %get3A_287 : i32 to index
      %get3A_289 = arith.constant 48 : index
      %get3A_290 = tpu.vector_load %arg12[%get3A_288, %get3A_289] {strides = array<i32>} : memref<63x80xi32, #tpu.memory_space<vmem>>, vector<16xi32>,
      %shift_right_logical3A_291 = arith.constant 4 : i32
      %shift_right_logical3A_292 = vector.broadcast %shift_right_logical3A_291 : i32 to vector<16xi32>
      %shift_right_logical3A_293 = arith.shrui %get3A_290, %shift_right_logical3A_292 : vector<16xi32>
      %and3A_294 = arith.constant 15 : i32
      %and3A_295 = vector.broadcast %and3A_294 : i32 to vector<16xi32>
      %and3A_296 = arith.andi %get3A_290, %and3A_295 : vector<16xi32>
      tpu.vector_store_idx %arg15[%shift_right_logical3A_293, %and3A_296], %broadcast_in_dim3A_2 {add = true} : memref<640x16xf32, #tpu.memory_space<vmem>>[vector<16xi32>, vector<16xi32>], vector<16xf32>,
      %get3A_297 = arith.constant 62 : i32
      %get3A_298 = arith.index_cast %get3A_297 : i32 to index
      %get3A_299 = arith.constant 64 : index
      %get3A_300 = tpu.vector_load %arg12[%get3A_298, %get3A_299] {strides = array<i32>} : memref<63x80xi32, #tpu.memory_space<vmem>>, vector<16xi32>,
      %shift_right_logical3A_301 = arith.constant 4 : i32
      %shift_right_logical3A_302 = vector.broadcast %shift_right_logical3A_301 : i32 to vector<16xi32>
      %shift_right_logical3A_303 = arith.shrui %get3A_300, %shift_right_logical3A_302 : vector<16xi32>
      %and3A_304 = arith.constant 15 : i32
      %and3A_305 = vector.broadcast %and3A_304 : i32 to vector<16xi32>
      %and3A_306 = arith.andi %get3A_300, %and3A_305 : vector<16xi32>
      tpu.vector_store_idx %arg15[%shift_right_logical3A_303, %and3A_306], %broadcast_in_dim3A_2 {add = true} : memref<640x16xf32, #tpu.memory_space<vmem>>[vector<16xi32>, vector<16xi32>], vector<16xf32>,
      %dma_wait3A_307 = arith.constant 62 : i32
      %dma_wait3A_308 = arith.constant 0 : i32
      %dma_wait3A_309 = tpu.memref_slice %arg12[%dma_wait3A_307, %dma_wait3A_308] : memref<63x80xi32, #tpu.memory_space<vmem>> -> memref<1x80xi32, #tpu.memory_space<vmem>>
      %dma_wait3A_310 = tpu.memref_squeeze %dma_wait3A_309 : memref<1x80xi32, #tpu.memory_space<vmem>> -> memref<80xi32, #tpu.memory_space<vmem>>
      %dma_wait3A_311 = arith.constant 0 : i32
      %dma_wait3A_312 = arith.constant 0 : i32
      %dma_wait3A_313 = tpu.memref_slice %arg9[%dma_wait3A_311, %dma_wait3A_312] : memref<10240x128xf32, #tpu.memory_space<vmem_shared>> -> memref<10240x128xf32, #tpu.memory_space<vmem_shared>>
      tpu.wait_indirect_dma semaphore(%arg21 : memref<!tpu.dma_semaphore, #tpu.memory_space<semaphore_mem>>) src(%arg13 : memref<80x128xf32, #tpu.memory_space<vmem>>) dst(%dma_wait3A_313 : memref<10240x128xf32, #tpu.memory_space<vmem_shared>>)
    } else {
    }
    %scan3A_69 = arith.constant 0 : i32
    %scan3A_70 = arith.constant 5 : i32
    %scan3A_71 = arith.addi %scan3A_69, %scan3A_70 : i32
    %scan3A_72 = arith.constant 1 : i32
    scf.for %scan3A_247 = %scan3A_69 to %scan3A_71 step %scan3A_72  : i32 {
      %mul3A_248 = arith.constant 1 : i32
      %mul3A_249 = arith.muli %scan3A_247, %mul3A_248 : i32
      %add3A_250 = arith.constant 0 : i32
      %add3A_251 = arith.addi %add3A_250, %mul3A_249 : i32
      %mul3A_252 = arith.constant 128 : i32
      %mul3A_253 = arith.muli %add3A_251, %mul3A_252 : i32
      "tpu.region"() ({
        %run_scoped3A_254 = tpu.sem_alloc : memref<!tpu.dma_semaphore, #tpu.memory_space<semaphore_mem>>
        %dma_start3A_255 = arith.constant 0 : i32
        %dma_start3A_256 = tpu.memref_slice %arg15[%mul3A_253, %dma_start3A_255] : memref<640x16xf32, #tpu.memory_space<vmem>> -> memref<128x16xf32, #tpu.memory_space<vmem>>
        %dma_start3A_257 = arith.constant 0 : i32
        %dma_start3A_258 = tpu.memref_slice %arg16[%add3A_251, %dma_start3A_257] : memref<5x128xi32, #tpu.memory_space<vmem>> -> memref<1x128xi32, #tpu.memory_space<vmem>>
        %dma_start3A_259 = tpu.memref_squeeze %dma_start3A_258 : memref<1x128xi32, #tpu.memory_space<vmem>> -> memref<128xi32, #tpu.memory_space<vmem>>
        %dma_start3A_260 = arith.constant 0 : i32
        %dma_start3A_261 = arith.constant 0 : i32
        %dma_start3A_262 = tpu.memref_slice %arg10[%dma_start3A_260, %dma_start3A_261] : memref<640x16xf32, #tpu.memory_space<vmem_shared>> -> memref<640x16xf32, #tpu.memory_space<vmem_shared>>
        tpu.enqueue_indirect_dma source(%dma_start3A_256 : memref<128x16xf32, #tpu.memory_space<vmem>>) target(%dma_start3A_262 : memref<640x16xf32, #tpu.memory_space<vmem_shared>>) offsets(%dma_start3A_259 : memref<128xi32, #tpu.memory_space<vmem>>) semaphore(%run_scoped3A_254 : memref<!tpu.dma_semaphore, #tpu.memory_space<semaphore_mem>>) {add = true}
        %dma_wait3A = arith.constant 0 : i32
        %dma_wait3A_263 = tpu.memref_slice %arg15[%mul3A_253, %dma_wait3A] : memref<640x16xf32, #tpu.memory_space<vmem>> -> memref<128x16xf32, #tpu.memory_space<vmem>>
        %dma_wait3A_264 = arith.constant 0 : i32
        %dma_wait3A_265 = tpu.memref_slice %arg16[%add3A_251, %dma_wait3A_264] : memref<5x128xi32, #tpu.memory_space<vmem>> -> memref<1x128xi32, #tpu.memory_space<vmem>>
        %dma_wait3A_266 = tpu.memref_squeeze %dma_wait3A_265 : memref<1x128xi32, #tpu.memory_space<vmem>> -> memref<128xi32, #tpu.memory_space<vmem>>
        %dma_wait3A_267 = arith.constant 0 : i32
        %dma_wait3A_268 = arith.constant 0 : i32
        %dma_wait3A_269 = tpu.memref_slice %arg10[%dma_wait3A_267, %dma_wait3A_268] : memref<640x16xf32, #tpu.memory_space<vmem_shared>> -> memref<640x16xf32, #tpu.memory_space<vmem_shared>>
        tpu.wait_indirect_dma semaphore(%run_scoped3A_254 : memref<!tpu.dma_semaphore, #tpu.memory_space<semaphore_mem>>) src(%dma_wait3A_263 : memref<128x16xf32, #tpu.memory_space<vmem>>) dst(%dma_wait3A_269 : memref<640x16xf32, #tpu.memory_space<vmem_shared>>)
        tpu.yield
      }) : () -> ()
    }
    %scan3A_73 = arith.constant 5 : i32
    %barrier3A_74 = arith.constant 0 : index
    tpu.barrier barrier_id(%barrier3A_74)
    %add3A_75 = arith.constant 0 : i32
    %add3A_76 = arith.addi %mul3A_29, %add3A_75 : i32
    %add3A_77 = arith.constant 0 : i32
    %add3A_78 = arith.addi %mul3A_29, %add3A_77 : i32
    %dma_start3A_79 = arith.constant 0 : i32
    %dma_start3A_80 = arith.constant 0 : i32
    %dma_start3A_81 = tpu.memref_slice %arg7[%dma_start3A_79, %arg0, %add3A_78, %dma_start3A_80] : memref<3x2x10240x128xf32, #tpu.memory_space<hbm>> -> memref<1x1x32x128xf32, #tpu.memory_space<hbm>>
    %dma_start3A_82 = tpu.memref_squeeze %dma_start3A_81 : memref<1x1x32x128xf32, #tpu.memory_space<hbm>> -> memref<32x128xf32, #tpu.memory_space<hbm>>
    %dma_start3A_83 = arith.constant 0 : i32
    %dma_start3A_84 = tpu.memref_slice %arg9[%add3A_76, %dma_start3A_83] : memref<10240x128xf32, #tpu.memory_space<vmem_shared>> -> memref<32x128xf32, #tpu.memory_space<vmem_shared>>
    tpu.enqueue_dma source(%dma_start3A_84 : memref<32x128xf32, #tpu.memory_space<vmem_shared>>) target(%dma_start3A_82 : memref<32x128xf32, #tpu.memory_space<hbm>>) target_semaphore(%arg19 : memref<!tpu.dma_semaphore, #tpu.memory_space<semaphore_mem>>)
    %add3A_85 = arith.constant 32 : i32
    %add3A_86 = arith.addi %mul3A_29, %add3A_85 : i32
    %add3A_87 = arith.constant 32 : i32
    %add3A_88 = arith.addi %mul3A_29, %add3A_87 : i32
    %dma_start3A_89 = arith.constant 0 : i32
    %dma_start3A_90 = arith.constant 0 : i32
    %dma_start3A_91 = tpu.memref_slice %arg7[%dma_start3A_89, %arg0, %add3A_88, %dma_start3A_90] : memref<3x2x10240x128xf32, #tpu.memory_space<hbm>> -> memref<1x1x32x128xf32, #tpu.memory_space<hbm>>
    %dma_start3A_92 = tpu.memref_squeeze %dma_start3A_91 : memref<1x1x32x128xf32, #tpu.memory_space<hbm>> -> memref<32x128xf32, #tpu.memory_space<hbm>>
    %dma_start3A_93 = arith.constant 0 : i32
    %dma_start3A_94 = tpu.memref_slice %arg9[%add3A_86, %dma_start3A_93] : memref<10240x128xf32, #tpu.memory_space<vmem_shared>> -> memref<32x128xf32, #tpu.memory_space<vmem_shared>>
    tpu.enqueue_dma source(%dma_start3A_94 : memref<32x128xf32, #tpu.memory_space<vmem_shared>>) target(%dma_start3A_92 : memref<32x128xf32, #tpu.memory_space<hbm>>) target_semaphore(%arg20 : memref<!tpu.dma_semaphore, #tpu.memory_space<semaphore_mem>>)
    %scan3A_95 = arith.constant 0 : i32
    %scan3A_96 = arith.constant 10 : i32
    %scan3A_97 = arith.addi %scan3A_95, %scan3A_96 : i32
    %scan3A_98 = arith.constant 1 : i32
    scf.for %scan3A_247 = %scan3A_95 to %scan3A_97 step %scan3A_98  : i32 {
      %mul3A_248 = arith.constant 1 : i32
      %mul3A_249 = arith.muli %scan3A_247, %mul3A_248 : i32
      %add3A_250 = arith.constant 0 : i32
      %add3A_251 = arith.addi %add3A_250, %mul3A_249 : i32
      %mul3A_252 = arith.constant 2 : i32
      %mul3A_253 = arith.muli %mul3A_252, %add3A_251 : i32
      %add3A_254 = arith.constant 1 : i32
      %add3A_255 = arith.addi %mul3A_253, %add3A_254 : i32
      %mul3A_256 = arith.constant 32 : i32
      %mul3A_257 = arith.muli %mul3A_253, %mul3A_256 : i32
      %add3A_258 = arith.addi %mul3A_29, %mul3A_257 : i32
      %mul3A_259 = arith.constant 32 : i32
      %mul3A_260 = arith.muli %mul3A_253, %mul3A_259 : i32
      %add3A_261 = arith.addi %mul3A_29, %mul3A_260 : i32
      %dma_wait3A = arith.constant 0 : i32
      %dma_wait3A_262 = arith.constant 0 : i32
      %dma_wait3A_263 = tpu.memref_slice %arg7[%dma_wait3A, %arg0, %add3A_261, %dma_wait3A_262] : memref<3x2x10240x128xf32, #tpu.memory_space<hbm>> -> memref<1x1x32x128xf32, #tpu.memory_space<hbm>>
      %dma_wait3A_264 = tpu.memref_squeeze %dma_wait3A_263 : memref<1x1x32x128xf32, #tpu.memory_space<hbm>> -> memref<32x128xf32, #tpu.memory_space<hbm>>
      %dma_wait3A_265 = arith.constant 0 : i32
      %dma_wait3A_266 = tpu.memref_slice %arg9[%add3A_258, %dma_wait3A_265] : memref<10240x128xf32, #tpu.memory_space<vmem_shared>> -> memref<32x128xf32, #tpu.memory_space<vmem_shared>>
      tpu.wait_dma2 semaphore(%arg19 : memref<!tpu.dma_semaphore, #tpu.memory_space<semaphore_mem>>) src(%dma_wait3A_266 : memref<32x128xf32, #tpu.memory_space<vmem_shared>>) dst(%dma_wait3A_264 : memref<32x128xf32, #tpu.memory_space<hbm>>)
      %mul3A_267 = arith.constant 32 : i32
      %mul3A_268 = arith.muli %mul3A_253, %mul3A_267 : i32
      %add3A_269 = arith.addi %mul3A_29, %mul3A_268 : i32
      "tpu.region"() ({
        %run_scoped3A_299 = tpu.sem_alloc : memref<!tpu.dma_semaphore, #tpu.memory_space<semaphore_mem>>
        %dma_start3A_300 = arith.constant 0 : i32
        %dma_start3A_301 = tpu.memref_slice %arg9[%add3A_269, %dma_start3A_300] : memref<10240x128xf32, #tpu.memory_space<vmem_shared>> -> memref<32x128xf32, #tpu.memory_space<vmem_shared>>
        %dma_start3A_302 = arith.constant 0 : i32
        %dma_start3A_303 = tpu.memref_slice %arg9[%add3A_269, %dma_start3A_302] : memref<10240x128xf32, #tpu.memory_space<vmem_shared>> -> memref<32x128xf32, #tpu.memory_space<vmem_shared>>
        tpu.enqueue_dma source(%arg17 : memref<32x128xf32, #tpu.memory_space<vmem>>) target(%dma_start3A_303 : memref<32x128xf32, #tpu.memory_space<vmem_shared>>) target_semaphore(%run_scoped3A_299 : memref<!tpu.dma_semaphore, #tpu.memory_space<semaphore_mem>>)
        %dma_wait3A_304 = arith.constant 0 : i32
        %dma_wait3A_305 = tpu.memref_slice %arg9[%add3A_269, %dma_wait3A_304] : memref<10240x128xf32, #tpu.memory_space<vmem_shared>> -> memref<32x128xf32, #tpu.memory_space<vmem_shared>>
        %dma_wait3A_306 = arith.constant 0 : i32
        %dma_wait3A_307 = tpu.memref_slice %arg9[%add3A_269, %dma_wait3A_306] : memref<10240x128xf32, #tpu.memory_space<vmem_shared>> -> memref<32x128xf32, #tpu.memory_space<vmem_shared>>
        tpu.wait_dma2 semaphore(%run_scoped3A_299 : memref<!tpu.dma_semaphore, #tpu.memory_space<semaphore_mem>>) src(%arg17 : memref<32x128xf32, #tpu.memory_space<vmem>>) dst(%dma_wait3A_307 : memref<32x128xf32, #tpu.memory_space<vmem_shared>>)
        tpu.yield
      }) : () -> ()
      %add3A_270 = arith.constant 2 : i32
      %add3A_271 = arith.addi %mul3A_253, %add3A_270 : i32
      %lt3A_272 = arith.constant 20 : i32
      %lt3A_273 = arith.cmpi slt, %add3A_271, %lt3A_272 : i32
      %convert_element_type3A_274 = arith.extui %lt3A_273 : i1 to i32
      %cond3A_275 = arith.constant 0 : i32
      %cond3A_276 = arith.cmpi ne, %convert_element_type3A_274, %cond3A_275 : i32
      scf.if %cond3A_276 {
        %add3A_299 = arith.constant 2 : i32
        %add3A_300 = arith.addi %mul3A_253, %add3A_299 : i32
        %mul3A_301 = arith.constant 32 : i32
        %mul3A_302 = arith.muli %add3A_300, %mul3A_301 : i32
        %add3A_303 = arith.addi %mul3A_29, %mul3A_302 : i32
        %mul3A_304 = arith.constant 32 : i32
        %mul3A_305 = arith.muli %add3A_300, %mul3A_304 : i32
        %add3A_306 = arith.addi %mul3A_29, %mul3A_305 : i32
        %dma_start3A_307 = arith.constant 0 : i32
        %dma_start3A_308 = arith.constant 0 : i32
        %dma_start3A_309 = tpu.memref_slice %arg7[%dma_start3A_307, %arg0, %add3A_306, %dma_start3A_308] : memref<3x2x10240x128xf32, #tpu.memory_space<hbm>> -> memref<1x1x32x128xf32, #tpu.memory_space<hbm>>
        %dma_start3A_310 = tpu.memref_squeeze %dma_start3A_309 : memref<1x1x32x128xf32, #tpu.memory_space<hbm>> -> memref<32x128xf32, #tpu.memory_space<hbm>>
        %dma_start3A_311 = arith.constant 0 : i32
        %dma_start3A_312 = tpu.memref_slice %arg9[%add3A_303, %dma_start3A_311] : memref<10240x128xf32, #tpu.memory_space<vmem_shared>> -> memref<32x128xf32, #tpu.memory_space<vmem_shared>>
        tpu.enqueue_dma source(%dma_start3A_312 : memref<32x128xf32, #tpu.memory_space<vmem_shared>>) target(%dma_start3A_310 : memref<32x128xf32, #tpu.memory_space<hbm>>) target_semaphore(%arg19 : memref<!tpu.dma_semaphore, #tpu.memory_space<semaphore_mem>>)
      } else {
      }
      %mul3A_277 = arith.constant 32 : i32
      %mul3A_278 = arith.muli %add3A_255, %mul3A_277 : i32
      %add3A_279 = arith.addi %mul3A_29, %mul3A_278 : i32
      %mul3A_280 = arith.constant 32 : i32
      %mul3A_281 = arith.muli %add3A_255, %mul3A_280 : i32
      %add3A_282 = arith.addi %mul3A_29, %mul3A_281 : i32
      %dma_wait3A_283 = arith.constant 0 : i32
      %dma_wait3A_284 = arith.constant 0 : i32
      %dma_wait3A_285 = tpu.memref_slice %arg7[%dma_wait3A_283, %arg0, %add3A_282, %dma_wait3A_284] : memref<3x2x10240x128xf32, #tpu.memory_space<hbm>> -> memref<1x1x32x128xf32, #tpu.memory_space<hbm>>
      %dma_wait3A_286 = tpu.memref_squeeze %dma_wait3A_285 : memref<1x1x32x128xf32, #tpu.memory_space<hbm>> -> memref<32x128xf32, #tpu.memory_space<hbm>>
      %dma_wait3A_287 = arith.constant 0 : i32
      %dma_wait3A_288 = tpu.memref_slice %arg9[%add3A_279, %dma_wait3A_287] : memref<10240x128xf32, #tpu.memory_space<vmem_shared>> -> memref<32x128xf32, #tpu.memory_space<vmem_shared>>
      tpu.wait_dma2 semaphore(%arg20 : memref<!tpu.dma_semaphore, #tpu.memory_space<semaphore_mem>>) src(%dma_wait3A_288 : memref<32x128xf32, #tpu.memory_space<vmem_shared>>) dst(%dma_wait3A_286 : memref<32x128xf32, #tpu.memory_space<hbm>>)
      %mul3A_289 = arith.constant 32 : i32
      %mul3A_290 = arith.muli %add3A_255, %mul3A_289 : i32
      %add3A_291 = arith.addi %mul3A_29, %mul3A_290 : i32
      "tpu.region"() ({
        %run_scoped3A_299 = tpu.sem_alloc : memref<!tpu.dma_semaphore, #tpu.memory_space<semaphore_mem>>
        %dma_start3A_300 = arith.constant 0 : i32
        %dma_start3A_301 = tpu.memref_slice %arg9[%add3A_291, %dma_start3A_300] : memref<10240x128xf32, #tpu.memory_space<vmem_shared>> -> memref<32x128xf32, #tpu.memory_space<vmem_shared>>
        %dma_start3A_302 = arith.constant 0 : i32
        %dma_start3A_303 = tpu.memref_slice %arg9[%add3A_291, %dma_start3A_302] : memref<10240x128xf32, #tpu.memory_space<vmem_shared>> -> memref<32x128xf32, #tpu.memory_space<vmem_shared>>
        tpu.enqueue_dma source(%arg17 : memref<32x128xf32, #tpu.memory_space<vmem>>) target(%dma_start3A_303 : memref<32x128xf32, #tpu.memory_space<vmem_shared>>) target_semaphore(%run_scoped3A_299 : memref<!tpu.dma_semaphore, #tpu.memory_space<semaphore_mem>>)
        %dma_wait3A_304 = arith.constant 0 : i32
        %dma_wait3A_305 = tpu.memref_slice %arg9[%add3A_291, %dma_wait3A_304] : memref<10240x128xf32, #tpu.memory_space<vmem_shared>> -> memref<32x128xf32, #tpu.memory_space<vmem_shared>>
        %dma_wait3A_306 = arith.constant 0 : i32
        %dma_wait3A_307 = tpu.memref_slice %arg9[%add3A_291, %dma_wait3A_306] : memref<10240x128xf32, #tpu.memory_space<vmem_shared>> -> memref<32x128xf32, #tpu.memory_space<vmem_shared>>
        tpu.wait_dma2 semaphore(%run_scoped3A_299 : memref<!tpu.dma_semaphore, #tpu.memory_space<semaphore_mem>>) src(%arg17 : memref<32x128xf32, #tpu.memory_space<vmem>>) dst(%dma_wait3A_307 : memref<32x128xf32, #tpu.memory_space<vmem_shared>>)
        tpu.yield
      }) : () -> ()
      %add3A_292 = arith.constant 2 : i32
      %add3A_293 = arith.addi %add3A_255, %add3A_292 : i32
      %lt3A_294 = arith.constant 20 : i32
      %lt3A_295 = arith.cmpi slt, %add3A_293, %lt3A_294 : i32
      %convert_element_type3A_296 = arith.extui %lt3A_295 : i1 to i32
      %cond3A_297 = arith.constant 0 : i32
      %cond3A_298 = arith.cmpi ne, %convert_element_type3A_296, %cond3A_297 : i32
      scf.if %cond3A_298 {
        %add3A_299 = arith.constant 2 : i32
        %add3A_300 = arith.addi %add3A_255, %add3A_299 : i32
        %mul3A_301 = arith.constant 32 : i32
        %mul3A_302 = arith.muli %add3A_300, %mul3A_301 : i32
        %add3A_303 = arith.addi %mul3A_29, %mul3A_302 : i32
        %mul3A_304 = arith.constant 32 : i32
        %mul3A_305 = arith.muli %add3A_300, %mul3A_304 : i32
        %add3A_306 = arith.addi %mul3A_29, %mul3A_305 : i32
        %dma_start3A_307 = arith.constant 0 : i32
        %dma_start3A_308 = arith.constant 0 : i32
        %dma_start3A_309 = tpu.memref_slice %arg7[%dma_start3A_307, %arg0, %add3A_306, %dma_start3A_308] : memref<3x2x10240x128xf32, #tpu.memory_space<hbm>> -> memref<1x1x32x128xf32, #tpu.memory_space<hbm>>
        %dma_start3A_310 = tpu.memref_squeeze %dma_start3A_309 : memref<1x1x32x128xf32, #tpu.memory_space<hbm>> -> memref<32x128xf32, #tpu.memory_space<hbm>>
        %dma_start3A_311 = arith.constant 0 : i32
        %dma_start3A_312 = tpu.memref_slice %arg9[%add3A_303, %dma_start3A_311] : memref<10240x128xf32, #tpu.memory_space<vmem_shared>> -> memref<32x128xf32, #tpu.memory_space<vmem_shared>>
        tpu.enqueue_dma source(%dma_start3A_312 : memref<32x128xf32, #tpu.memory_space<vmem_shared>>) target(%dma_start3A_310 : memref<32x128xf32, #tpu.memory_space<hbm>>) target_semaphore(%arg20 : memref<!tpu.dma_semaphore, #tpu.memory_space<semaphore_mem>>)
      } else {
      }
    }
    %scan3A_99 = arith.constant 10 : i32
    %lt3A_100 = arith.constant 5 : i32
    %lt3A_101 = arith.cmpi slt, %arg1, %lt3A_100 : i32
    %convert_element_type3A_102 = arith.extui %lt3A_101 : i1 to i32
    %cond3A_103 = arith.constant 0 : i32
    %cond3A_104 = arith.cmpi ne, %convert_element_type3A_102, %cond3A_103 : i32
    scf.if %cond3A_104 {
      %mul3A_247 = arith.constant 128 : i32
      %mul3A_248 = arith.muli %arg1, %mul3A_247 : i32
      %mul3A_249 = arith.constant 128 : i32
      %mul3A_250 = arith.muli %arg1, %mul3A_249 : i32
      %run_scoped3A_251 = arith.constant 0 : i32
      "tpu.region"() ({
        %run_scoped3A_254 = tpu.sem_alloc : memref<!tpu.dma_semaphore, #tpu.memory_space<semaphore_mem>>
        %dma_start3A_255 = arith.constant 0 : i32
        %dma_start3A_256 = tpu.memref_slice %arg8[%run_scoped3A_251, %arg0, %mul3A_250, %dma_start3A_255] : memref<3x2x640x16xf32, #tpu.memory_space<hbm>> -> memref<1x1x128x16xf32, #tpu.memory_space<hbm>>
        %dma_start3A_257 = tpu.memref_squeeze %dma_start3A_256 : memref<1x1x128x16xf32, #tpu.memory_space<hbm>> -> memref<128x16xf32, #tpu.memory_space<hbm>>
        %dma_start3A_258 = arith.constant 0 : i32
        %dma_start3A_259 = tpu.memref_slice %arg10[%mul3A_248, %dma_start3A_258] : memref<640x16xf32, #tpu.memory_space<vmem_shared>> -> memref<128x16xf32, #tpu.memory_space<vmem_shared>>
        tpu.enqueue_dma source(%dma_start3A_259 : memref<128x16xf32, #tpu.memory_space<vmem_shared>>) target(%dma_start3A_257 : memref<128x16xf32, #tpu.memory_space<hbm>>) target_semaphore(%run_scoped3A_254 : memref<!tpu.dma_semaphore, #tpu.memory_space<semaphore_mem>>)
        %dma_wait3A = arith.constant 0 : i32
        %dma_wait3A_260 = tpu.memref_slice %arg8[%run_scoped3A_251, %arg0, %mul3A_250, %dma_wait3A] : memref<3x2x640x16xf32, #tpu.memory_space<hbm>> -> memref<1x1x128x16xf32, #tpu.memory_space<hbm>>
        %dma_wait3A_261 = tpu.memref_squeeze %dma_wait3A_260 : memref<1x1x128x16xf32, #tpu.memory_space<hbm>> -> memref<128x16xf32, #tpu.memory_space<hbm>>
        %dma_wait3A_262 = arith.constant 0 : i32
        %dma_wait3A_263 = tpu.memref_slice %arg10[%mul3A_248, %dma_wait3A_262] : memref<640x16xf32, #tpu.memory_space<vmem_shared>> -> memref<128x16xf32, #tpu.memory_space<vmem_shared>>
        tpu.wait_dma2 semaphore(%run_scoped3A_254 : memref<!tpu.dma_semaphore, #tpu.memory_space<semaphore_mem>>) src(%dma_wait3A_263 : memref<128x16xf32, #tpu.memory_space<vmem_shared>>) dst(%dma_wait3A_261 : memref<128x16xf32, #tpu.memory_space<hbm>>)
        tpu.yield
      }) : () -> ()
      %mul3A_252 = arith.constant 128 : i32
      %mul3A_253 = arith.muli %arg1, %mul3A_252 : i32
      "tpu.region"() ({
        %run_scoped3A_254 = tpu.sem_alloc : memref<!tpu.dma_semaphore, #tpu.memory_space<semaphore_mem>>
        %dma_start3A_255 = arith.constant 0 : i32
        %dma_start3A_256 = tpu.memref_slice %arg10[%mul3A_253, %dma_start3A_255] : memref<640x16xf32, #tpu.memory_space<vmem_shared>> -> memref<128x16xf32, #tpu.memory_space<vmem_shared>>
        %dma_start3A_257 = arith.constant 0 : i32
        %dma_start3A_258 = tpu.memref_slice %arg10[%mul3A_253, %dma_start3A_257] : memref<640x16xf32, #tpu.memory_space<vmem_shared>> -> memref<128x16xf32, #tpu.memory_space<vmem_shared>>
        tpu.enqueue_dma source(%arg18 : memref<128x16xf32, #tpu.memory_space<vmem>>) target(%dma_start3A_258 : memref<128x16xf32, #tpu.memory_space<vmem_shared>>) target_semaphore(%run_scoped3A_254 : memref<!tpu.dma_semaphore, #tpu.memory_space<semaphore_mem>>)
        %dma_wait3A = arith.constant 0 : i32
        %dma_wait3A_259 = tpu.memref_slice %arg10[%mul3A_253, %dma_wait3A] : memref<640x16xf32, #tpu.memory_space<vmem_shared>> -> memref<128x16xf32, #tpu.memory_space<vmem_shared>>
        %dma_wait3A_260 = arith.constant 0 : i32
        %dma_wait3A_261 = tpu.memref_slice %arg10[%mul3A_253, %dma_wait3A_260] : memref<640x16xf32, #tpu.memory_space<vmem_shared>> -> memref<128x16xf32, #tpu.memory_space<vmem_shared>>
        tpu.wait_dma2 semaphore(%run_scoped3A_254 : memref<!tpu.dma_semaphore, #tpu.memory_space<semaphore_mem>>) src(%arg18 : memref<128x16xf32, #tpu.memory_space<vmem>>) dst(%dma_wait3A_261 : memref<128x16xf32, #tpu.memory_space<vmem_shared>>)
        tpu.yield
      }) : () -> ()
    } else {
    }
    %scan3A_105 = arith.constant 0 : i32
    %scan3A_106 = arith.constant 640 : i32
    %scan3A_107 = arith.addi %scan3A_105, %scan3A_106 : i32
    %scan3A_108 = arith.constant 1 : i32
    scf.for %scan3A_247 = %scan3A_105 to %scan3A_107 step %scan3A_108  : i32 {
      %mul3A_248 = arith.constant 1 : i32
      %mul3A_249 = arith.muli %scan3A_247, %mul3A_248 : i32
      %add3A_250 = arith.constant 0 : i32
      %add3A_251 = arith.addi %add3A_250, %mul3A_249 : i32
      %swap3A = arith.index_cast %add3A_251 : i32 to index
      %swap3A_252 = arith.constant 0 : index
      %swap3A_253 = tpu.vector_load %arg15[%swap3A, %swap3A_252] {strides = array<i32>} : memref<640x16xf32, #tpu.memory_space<vmem>>, vector<16xf32>,
      tpu.vector_store %arg15[%swap3A, %swap3A_252], %broadcast_in_dim3A_0 {strides = array<i32>} : memref<640x16xf32, #tpu.memory_space<vmem>>, vector<16xf32>,
    }
    %scan3A_109 = arith.constant 640 : i32
    %run_scoped3A_110 = arith.constant 0 : i32
    "tpu.region"() ({
      %run_scoped3A_247 = tpu.sem_alloc : memref<!tpu.dma_semaphore, #tpu.memory_space<semaphore_mem>>
      %dma_start3A_248 = arith.constant 0 : i32
      %dma_start3A_249 = arith.constant 0 : i32
      %dma_start3A_250 = tpu.memref_slice %arg11[%dma_start3A_248, %dma_start3A_249] : memref<63x80xi32, #tpu.memory_space<vmem>> -> memref<62x80xi32, #tpu.memory_space<vmem>>
      %dma_start3A_251 = arith.constant 0 : i32
      %dma_start3A_252 = arith.constant 0 : i32
      %dma_start3A_253 = tpu.memref_slice %arg5[%run_scoped3A_110, %dma_start3A_251, %dma_start3A_252] : memref<2x2000x80xi32, #tpu.memory_space<hbm>> -> memref<1x2000x80xi32, #tpu.memory_space<hbm>>
      %dma_start3A_254 = tpu.memref_squeeze %dma_start3A_253 : memref<1x2000x80xi32, #tpu.memory_space<hbm>> -> memref<2000x80xi32, #tpu.memory_space<hbm>>
      %dma_start3A_255 = arith.constant 0 : i32
      %dma_start3A_256 = tpu.memref_slice %dma_start3A_254[%add3A, %dma_start3A_255] : memref<2000x80xi32, #tpu.memory_space<hbm>> -> memref<62x80xi32, #tpu.memory_space<hbm>>
      %dma_start3A_257 = arith.constant 0 : i32
      %dma_start3A_258 = arith.constant 0 : i32
      %dma_start3A_259 = tpu.memref_slice %arg11[%dma_start3A_257, %dma_start3A_258] : memref<63x80xi32, #tpu.memory_space<vmem>> -> memref<62x80xi32, #tpu.memory_space<vmem>>
      %dma_start3A_260 = arith.constant 0 : i32
      %dma_start3A_261 = arith.constant 0 : i32
      %dma_start3A_262 = tpu.memref_slice %arg5[%run_scoped3A_110, %dma_start3A_260, %dma_start3A_261] : memref<2x2000x80xi32, #tpu.memory_space<hbm>> -> memref<1x2000x80xi32, #tpu.memory_space<hbm>>
      %dma_start3A_263 = tpu.memref_squeeze %dma_start3A_262 : memref<1x2000x80xi32, #tpu.memory_space<hbm>> -> memref<2000x80xi32, #tpu.memory_space<hbm>>
      %dma_start3A_264 = arith.constant 0 : i32
      %dma_start3A_265 = tpu.memref_slice %dma_start3A_263[%add3A, %dma_start3A_264] : memref<2000x80xi32, #tpu.memory_space<hbm>> -> memref<62x80xi32, #tpu.memory_space<hbm>>
      tpu.enqueue_dma source(%dma_start3A_265 : memref<62x80xi32, #tpu.memory_space<hbm>>) target(%dma_start3A_259 : memref<62x80xi32, #tpu.memory_space<vmem>>) target_semaphore(%run_scoped3A_247 : memref<!tpu.dma_semaphore, #tpu.memory_space<semaphore_mem>>)
      %dma_wait3A = arith.constant 0 : i32
      %dma_wait3A_266 = arith.constant 0 : i32
      %dma_wait3A_267 = tpu.memref_slice %arg11[%dma_wait3A, %dma_wait3A_266] : memref<63x80xi32, #tpu.memory_space<vmem>> -> memref<62x80xi32, #tpu.memory_space<vmem>>
      %dma_wait3A_268 = arith.constant 0 : i32
      %dma_wait3A_269 = arith.constant 0 : i32
      %dma_wait3A_270 = tpu.memref_slice %arg5[%run_scoped3A_110, %dma_wait3A_268, %dma_wait3A_269] : memref<2x2000x80xi32, #tpu.memory_space<hbm>> -> memref<1x2000x80xi32, #tpu.memory_space<hbm>>
      %dma_wait3A_271 = tpu.memref_squeeze %dma_wait3A_270 : memref<1x2000x80xi32, #tpu.memory_space<hbm>> -> memref<2000x80xi32, #tpu.memory_space<hbm>>
      %dma_wait3A_272 = arith.constant 0 : i32
      %dma_wait3A_273 = tpu.memref_slice %dma_wait3A_271[%add3A, %dma_wait3A_272] : memref<2000x80xi32, #tpu.memory_space<hbm>> -> memref<62x80xi32, #tpu.memory_space<hbm>>
      %dma_wait3A_274 = arith.constant 0 : i32
      %dma_wait3A_275 = arith.constant 0 : i32
      %dma_wait3A_276 = tpu.memref_slice %arg11[%dma_wait3A_274, %dma_wait3A_275] : memref<63x80xi32, #tpu.memory_space<vmem>> -> memref<62x80xi32, #tpu.memory_space<vmem>>
      %dma_wait3A_277 = arith.constant 0 : i32
      %dma_wait3A_278 = arith.constant 0 : i32
      %dma_wait3A_279 = tpu.memref_slice %arg5[%run_scoped3A_110, %dma_wait3A_277, %dma_wait3A_278] : memref<2x2000x80xi32, #tpu.memory_space<hbm>> -> memref<1x2000x80xi32, #tpu.memory_space<hbm>>
      %dma_wait3A_280 = tpu.memref_squeeze %dma_wait3A_279 : memref<1x2000x80xi32, #tpu.memory_space<hbm>> -> memref<2000x80xi32, #tpu.memory_space<hbm>>
      %dma_wait3A_281 = arith.constant 0 : i32
      %dma_wait3A_282 = tpu.memref_slice %dma_wait3A_280[%add3A, %dma_wait3A_281] : memref<2000x80xi32, #tpu.memory_space<hbm>> -> memref<62x80xi32, #tpu.memory_space<hbm>>
      tpu.wait_dma2 semaphore(%run_scoped3A_247 : memref<!tpu.dma_semaphore, #tpu.memory_space<semaphore_mem>>) src(%dma_wait3A_282 : memref<62x80xi32, #tpu.memory_space<hbm>>) dst(%dma_wait3A_276 : memref<62x80xi32, #tpu.memory_space<vmem>>)
      tpu.yield
    }) : () -> ()
    %run_scoped3A_111 = arith.constant 1 : i32
    "tpu.region"() ({
      %run_scoped3A_247 = tpu.sem_alloc : memref<!tpu.dma_semaphore, #tpu.memory_space<semaphore_mem>>
      %dma_start3A_248 = arith.constant 0 : i32
      %dma_start3A_249 = arith.constant 0 : i32
      %dma_start3A_250 = tpu.memref_slice %arg12[%dma_start3A_248, %dma_start3A_249] : memref<63x80xi32, #tpu.memory_space<vmem>> -> memref<62x80xi32, #tpu.memory_space<vmem>>
      %dma_start3A_251 = arith.constant 0 : i32
      %dma_start3A_252 = arith.constant 0 : i32
      %dma_start3A_253 = tpu.memref_slice %arg5[%run_scoped3A_111, %dma_start3A_251, %dma_start3A_252] : memref<2x2000x80xi32, #tpu.memory_space<hbm>> -> memref<1x2000x80xi32, #tpu.memory_space<hbm>>
      %dma_start3A_254 = tpu.memref_squeeze %dma_start3A_253 : memref<1x2000x80xi32, #tpu.memory_space<hbm>> -> memref<2000x80xi32, #tpu.memory_space<hbm>>
      %dma_start3A_255 = arith.constant 0 : i32
      %dma_start3A_256 = tpu.memref_slice %dma_start3A_254[%add3A, %dma_start3A_255] : memref<2000x80xi32, #tpu.memory_space<hbm>> -> memref<62x80xi32, #tpu.memory_space<hbm>>
      %dma_start3A_257 = arith.constant 0 : i32
      %dma_start3A_258 = arith.constant 0 : i32
      %dma_start3A_259 = tpu.memref_slice %arg12[%dma_start3A_257, %dma_start3A_258] : memref<63x80xi32, #tpu.memory_space<vmem>> -> memref<62x80xi32, #tpu.memory_space<vmem>>
      %dma_start3A_260 = arith.constant 0 : i32
      %dma_start3A_261 = arith.constant 0 : i32
      %dma_start3A_262 = tpu.memref_slice %arg5[%run_scoped3A_111, %dma_start3A_260, %dma_start3A_261] : memref<2x2000x80xi32, #tpu.memory_space<hbm>> -> memref<1x2000x80xi32, #tpu.memory_space<hbm>>
      %dma_start3A_263 = tpu.memref_squeeze %dma_start3A_262 : memref<1x2000x80xi32, #tpu.memory_space<hbm>> -> memref<2000x80xi32, #tpu.memory_space<hbm>>
      %dma_start3A_264 = arith.constant 0 : i32
      %dma_start3A_265 = tpu.memref_slice %dma_start3A_263[%add3A, %dma_start3A_264] : memref<2000x80xi32, #tpu.memory_space<hbm>> -> memref<62x80xi32, #tpu.memory_space<hbm>>
      tpu.enqueue_dma source(%dma_start3A_265 : memref<62x80xi32, #tpu.memory_space<hbm>>) target(%dma_start3A_259 : memref<62x80xi32, #tpu.memory_space<vmem>>) target_semaphore(%run_scoped3A_247 : memref<!tpu.dma_semaphore, #tpu.memory_space<semaphore_mem>>)
      %dma_wait3A = arith.constant 0 : i32
      %dma_wait3A_266 = arith.constant 0 : i32
      %dma_wait3A_267 = tpu.memref_slice %arg12[%dma_wait3A, %dma_wait3A_266] : memref<63x80xi32, #tpu.memory_space<vmem>> -> memref<62x80xi32, #tpu.memory_space<vmem>>
      %dma_wait3A_268 = arith.constant 0 : i32
      %dma_wait3A_269 = arith.constant 0 : i32
      %dma_wait3A_270 = tpu.memref_slice %arg5[%run_scoped3A_111, %dma_wait3A_268, %dma_wait3A_269] : memref<2x2000x80xi32, #tpu.memory_space<hbm>> -> memref<1x2000x80xi32, #tpu.memory_space<hbm>>
      %dma_wait3A_271 = tpu.memref_squeeze %dma_wait3A_270 : memref<1x2000x80xi32, #tpu.memory_space<hbm>> -> memref<2000x80xi32, #tpu.memory_space<hbm>>
      %dma_wait3A_272 = arith.constant 0 : i32
      %dma_wait3A_273 = tpu.memref_slice %dma_wait3A_271[%add3A, %dma_wait3A_272] : memref<2000x80xi32, #tpu.memory_space<hbm>> -> memref<62x80xi32, #tpu.memory_space<hbm>>
      %dma_wait3A_274 = arith.constant 0 : i32
      %dma_wait3A_275 = arith.constant 0 : i32
      %dma_wait3A_276 = tpu.memref_slice %arg12[%dma_wait3A_274, %dma_wait3A_275] : memref<63x80xi32, #tpu.memory_space<vmem>> -> memref<62x80xi32, #tpu.memory_space<vmem>>
      %dma_wait3A_277 = arith.constant 0 : i32
      %dma_wait3A_278 = arith.constant 0 : i32
      %dma_wait3A_279 = tpu.memref_slice %arg5[%run_scoped3A_111, %dma_wait3A_277, %dma_wait3A_278] : memref<2x2000x80xi32, #tpu.memory_space<hbm>> -> memref<1x2000x80xi32, #tpu.memory_space<hbm>>
      %dma_wait3A_280 = tpu.memref_squeeze %dma_wait3A_279 : memref<1x2000x80xi32, #tpu.memory_space<hbm>> -> memref<2000x80xi32, #tpu.memory_space<hbm>>
      %dma_wait3A_281 = arith.constant 0 : i32
      %dma_wait3A_282 = tpu.memref_slice %dma_wait3A_280[%add3A, %dma_wait3A_281] : memref<2000x80xi32, #tpu.memory_space<hbm>> -> memref<62x80xi32, #tpu.memory_space<hbm>>
      tpu.wait_dma2 semaphore(%run_scoped3A_247 : memref<!tpu.dma_semaphore, #tpu.memory_space<semaphore_mem>>) src(%dma_wait3A_282 : memref<62x80xi32, #tpu.memory_space<hbm>>) dst(%dma_wait3A_276 : memref<62x80xi32, #tpu.memory_space<vmem>>)
      tpu.yield
    }) : () -> ()
    %convert_element_type3A_112 = arith.extui %ge3A_17 : i1 to i32
    %cond3A_113 = arith.constant 0 : i32
    %cond3A_114 = arith.constant 1 : i32
    %cond3A_115 = arith.constant 0 : i32
    %cond3A_116 = arith.cmpi ne, %convert_element_type3A_112, %cond3A_115 : i32
    scf.if %cond3A_116 {
      "tpu.region"() ({
        %run_scoped3A_247 = tpu.sem_alloc : memref<!tpu.dma_semaphore, #tpu.memory_space<semaphore_mem>>
        %dma_start3A_248 = arith.constant 62 : i32
        %dma_start3A_249 = arith.constant 0 : i32
        %dma_start3A_250 = tpu.memref_slice %arg11[%dma_start3A_248, %dma_start3A_249] : memref<63x80xi32, #tpu.memory_space<vmem>> -> memref<1x80xi32, #tpu.memory_space<vmem>>
        %dma_start3A_251 = arith.constant 0 : i32
        %dma_start3A_252 = arith.constant 0 : i32
        %dma_start3A_253 = tpu.memref_slice %arg5[%cond3A_113, %dma_start3A_251, %dma_start3A_252] : memref<2x2000x80xi32, #tpu.memory_space<hbm>> -> memref<1x2000x80xi32, #tpu.memory_space<hbm>>
        %dma_start3A_254 = tpu.memref_squeeze %dma_start3A_253 : memref<1x2000x80xi32, #tpu.memory_space<hbm>> -> memref<2000x80xi32, #tpu.memory_space<hbm>>
        %dma_start3A_255 = arith.constant 0 : i32
        %dma_start3A_256 = tpu.memref_slice %dma_start3A_254[%add3A_27, %dma_start3A_255] : memref<2000x80xi32, #tpu.memory_space<hbm>> -> memref<1x80xi32, #tpu.memory_space<hbm>>
        %dma_start3A_257 = arith.constant 62 : i32
        %dma_start3A_258 = arith.constant 0 : i32
        %dma_start3A_259 = tpu.memref_slice %arg11[%dma_start3A_257, %dma_start3A_258] : memref<63x80xi32, #tpu.memory_space<vmem>> -> memref<1x80xi32, #tpu.memory_space<vmem>>
        %dma_start3A_260 = arith.constant 0 : i32
        %dma_start3A_261 = arith.constant 0 : i32
        %dma_start3A_262 = tpu.memref_slice %arg5[%cond3A_113, %dma_start3A_260, %dma_start3A_261] : memref<2x2000x80xi32, #tpu.memory_space<hbm>> -> memref<1x2000x80xi32, #tpu.memory_space<hbm>>
        %dma_start3A_263 = tpu.memref_squeeze %dma_start3A_262 : memref<1x2000x80xi32, #tpu.memory_space<hbm>> -> memref<2000x80xi32, #tpu.memory_space<hbm>>
        %dma_start3A_264 = arith.constant 0 : i32
        %dma_start3A_265 = tpu.memref_slice %dma_start3A_263[%add3A_27, %dma_start3A_264] : memref<2000x80xi32, #tpu.memory_space<hbm>> -> memref<1x80xi32, #tpu.memory_space<hbm>>
        tpu.enqueue_dma source(%dma_start3A_265 : memref<1x80xi32, #tpu.memory_space<hbm>>) target(%dma_start3A_259 : memref<1x80xi32, #tpu.memory_space<vmem>>) target_semaphore(%run_scoped3A_247 : memref<!tpu.dma_semaphore, #tpu.memory_space<semaphore_mem>>)
        %dma_wait3A = arith.constant 62 : i32
        %dma_wait3A_266 = arith.constant 0 : i32
        %dma_wait3A_267 = tpu.memref_slice %arg11[%dma_wait3A, %dma_wait3A_266] : memref<63x80xi32, #tpu.memory_space<vmem>> -> memref<1x80xi32, #tpu.memory_space<vmem>>
        %dma_wait3A_268 = arith.constant 0 : i32
        %dma_wait3A_269 = arith.constant 0 : i32
        %dma_wait3A_270 = tpu.memref_slice %arg5[%cond3A_113, %dma_wait3A_268, %dma_wait3A_269] : memref<2x2000x80xi32, #tpu.memory_space<hbm>> -> memref<1x2000x80xi32, #tpu.memory_space<hbm>>
        %dma_wait3A_271 = tpu.memref_squeeze %dma_wait3A_270 : memref<1x2000x80xi32, #tpu.memory_space<hbm>> -> memref<2000x80xi32, #tpu.memory_space<hbm>>
        %dma_wait3A_272 = arith.constant 0 : i32
        %dma_wait3A_273 = tpu.memref_slice %dma_wait3A_271[%add3A_27, %dma_wait3A_272] : memref<2000x80xi32, #tpu.memory_space<hbm>> -> memref<1x80xi32, #tpu.memory_space<hbm>>
        %dma_wait3A_274 = arith.constant 62 : i32
        %dma_wait3A_275 = arith.constant 0 : i32
        %dma_wait3A_276 = tpu.memref_slice %arg11[%dma_wait3A_274, %dma_wait3A_275] : memref<63x80xi32, #tpu.memory_space<vmem>> -> memref<1x80xi32, #tpu.memory_space<vmem>>
        %dma_wait3A_277 = arith.constant 0 : i32
        %dma_wait3A_278 = arith.constant 0 : i32
        %dma_wait3A_279 = tpu.memref_slice %arg5[%cond3A_113, %dma_wait3A_277, %dma_wait3A_278] : memref<2x2000x80xi32, #tpu.memory_space<hbm>> -> memref<1x2000x80xi32, #tpu.memory_space<hbm>>
        %dma_wait3A_280 = tpu.memref_squeeze %dma_wait3A_279 : memref<1x2000x80xi32, #tpu.memory_space<hbm>> -> memref<2000x80xi32, #tpu.memory_space<hbm>>
        %dma_wait3A_281 = arith.constant 0 : i32
        %dma_wait3A_282 = tpu.memref_slice %dma_wait3A_280[%add3A_27, %dma_wait3A_281] : memref<2000x80xi32, #tpu.memory_space<hbm>> -> memref<1x80xi32, #tpu.memory_space<hbm>>
        tpu.wait_dma2 semaphore(%run_scoped3A_247 : memref<!tpu.dma_semaphore, #tpu.memory_space<semaphore_mem>>) src(%dma_wait3A_282 : memref<1x80xi32, #tpu.memory_space<hbm>>) dst(%dma_wait3A_276 : memref<1x80xi32, #tpu.memory_space<vmem>>)
        tpu.yield
      }) : () -> ()
      "tpu.region"() ({
        %run_scoped3A_247 = tpu.sem_alloc : memref<!tpu.dma_semaphore, #tpu.memory_space<semaphore_mem>>
        %dma_start3A_248 = arith.constant 62 : i32
        %dma_start3A_249 = arith.constant 0 : i32
        %dma_start3A_250 = tpu.memref_slice %arg12[%dma_start3A_248, %dma_start3A_249] : memref<63x80xi32, #tpu.memory_space<vmem>> -> memref<1x80xi32, #tpu.memory_space<vmem>>
        %dma_start3A_251 = arith.constant 0 : i32
        %dma_start3A_252 = arith.constant 0 : i32
        %dma_start3A_253 = tpu.memref_slice %arg5[%cond3A_114, %dma_start3A_251, %dma_start3A_252] : memref<2x2000x80xi32, #tpu.memory_space<hbm>> -> memref<1x2000x80xi32, #tpu.memory_space<hbm>>
        %dma_start3A_254 = tpu.memref_squeeze %dma_start3A_253 : memref<1x2000x80xi32, #tpu.memory_space<hbm>> -> memref<2000x80xi32, #tpu.memory_space<hbm>>
        %dma_start3A_255 = arith.constant 0 : i32
        %dma_start3A_256 = tpu.memref_slice %dma_start3A_254[%add3A_27, %dma_start3A_255] : memref<2000x80xi32, #tpu.memory_space<hbm>> -> memref<1x80xi32, #tpu.memory_space<hbm>>
        %dma_start3A_257 = arith.constant 62 : i32
        %dma_start3A_258 = arith.constant 0 : i32
        %dma_start3A_259 = tpu.memref_slice %arg12[%dma_start3A_257, %dma_start3A_258] : memref<63x80xi32, #tpu.memory_space<vmem>> -> memref<1x80xi32, #tpu.memory_space<vmem>>
        %dma_start3A_260 = arith.constant 0 : i32
        %dma_start3A_261 = arith.constant 0 : i32
        %dma_start3A_262 = tpu.memref_slice %arg5[%cond3A_114, %dma_start3A_260, %dma_start3A_261] : memref<2x2000x80xi32, #tpu.memory_space<hbm>> -> memref<1x2000x80xi32, #tpu.memory_space<hbm>>
        %dma_start3A_263 = tpu.memref_squeeze %dma_start3A_262 : memref<1x2000x80xi32, #tpu.memory_space<hbm>> -> memref<2000x80xi32, #tpu.memory_space<hbm>>
        %dma_start3A_264 = arith.constant 0 : i32
        %dma_start3A_265 = tpu.memref_slice %dma_start3A_263[%add3A_27, %dma_start3A_264] : memref<2000x80xi32, #tpu.memory_space<hbm>> -> memref<1x80xi32, #tpu.memory_space<hbm>>
        tpu.enqueue_dma source(%dma_start3A_265 : memref<1x80xi32, #tpu.memory_space<hbm>>) target(%dma_start3A_259 : memref<1x80xi32, #tpu.memory_space<vmem>>) target_semaphore(%run_scoped3A_247 : memref<!tpu.dma_semaphore, #tpu.memory_space<semaphore_mem>>)
        %dma_wait3A = arith.constant 62 : i32
        %dma_wait3A_266 = arith.constant 0 : i32
        %dma_wait3A_267 = tpu.memref_slice %arg12[%dma_wait3A, %dma_wait3A_266] : memref<63x80xi32, #tpu.memory_space<vmem>> -> memref<1x80xi32, #tpu.memory_space<vmem>>
        %dma_wait3A_268 = arith.constant 0 : i32
        %dma_wait3A_269 = arith.constant 0 : i32
        %dma_wait3A_270 = tpu.memref_slice %arg5[%cond3A_114, %dma_wait3A_268, %dma_wait3A_269] : memref<2x2000x80xi32, #tpu.memory_space<hbm>> -> memref<1x2000x80xi32, #tpu.memory_space<hbm>>
        %dma_wait3A_271 = tpu.memref_squeeze %dma_wait3A_270 : memref<1x2000x80xi32, #tpu.memory_space<hbm>> -> memref<2000x80xi32, #tpu.memory_space<hbm>>
        %dma_wait3A_272 = arith.constant 0 : i32
        %dma_wait3A_273 = tpu.memref_slice %dma_wait3A_271[%add3A_27, %dma_wait3A_272] : memref<2000x80xi32, #tpu.memory_space<hbm>> -> memref<1x80xi32, #tpu.memory_space<hbm>>
        %dma_wait3A_274 = arith.constant 62 : i32
        %dma_wait3A_275 = arith.constant 0 : i32
        %dma_wait3A_276 = tpu.memref_slice %arg12[%dma_wait3A_274, %dma_wait3A_275] : memref<63x80xi32, #tpu.memory_space<vmem>> -> memref<1x80xi32, #tpu.memory_space<vmem>>
        %dma_wait3A_277 = arith.constant 0 : i32
        %dma_wait3A_278 = arith.constant 0 : i32
        %dma_wait3A_279 = tpu.memref_slice %arg5[%cond3A_114, %dma_wait3A_277, %dma_wait3A_278] : memref<2x2000x80xi32, #tpu.memory_space<hbm>> -> memref<1x2000x80xi32, #tpu.memory_space<hbm>>
        %dma_wait3A_280 = tpu.memref_squeeze %dma_wait3A_279 : memref<1x2000x80xi32, #tpu.memory_space<hbm>> -> memref<2000x80xi32, #tpu.memory_space<hbm>>
        %dma_wait3A_281 = arith.constant 0 : i32
        %dma_wait3A_282 = tpu.memref_slice %dma_wait3A_280[%add3A_27, %dma_wait3A_281] : memref<2000x80xi32, #tpu.memory_space<hbm>> -> memref<1x80xi32, #tpu.memory_space<hbm>>
        tpu.wait_dma2 semaphore(%run_scoped3A_247 : memref<!tpu.dma_semaphore, #tpu.memory_space<semaphore_mem>>) src(%dma_wait3A_282 : memref<1x80xi32, #tpu.memory_space<hbm>>) dst(%dma_wait3A_276 : memref<1x80xi32, #tpu.memory_space<vmem>>)
        tpu.yield
      }) : () -> ()
    } else {
    }
    %dma_start3A_117 = arith.constant 0 : i32
    %dma_start3A_118 = arith.constant 0 : i32
    %dma_start3A_119 = tpu.memref_slice %arg11[%dma_start3A_117, %dma_start3A_118] : memref<63x80xi32, #tpu.memory_space<vmem>> -> memref<1x80xi32, #tpu.memory_space<vmem>>
    %dma_start3A_120 = tpu.memref_squeeze %dma_start3A_119 : memref<1x80xi32, #tpu.memory_space<vmem>> -> memref<80xi32, #tpu.memory_space<vmem>>
    %dma_start3A_121 = arith.constant 0 : i32
    %dma_start3A_122 = arith.constant 0 : i32
    %dma_start3A_123 = tpu.memref_slice %arg3[%dma_start3A_121, %dma_start3A_122] : memref<10000x128xf32, #tpu.memory_space<hbm>> -> memref<10000x128xf32, #tpu.memory_space<hbm>>
    tpu.enqueue_indirect_dma source(%dma_start3A_123 : memref<10000x128xf32, #tpu.memory_space<hbm>>) target(%arg13 : memref<80x128xf32, #tpu.memory_space<vmem>>) offsets(%dma_start3A_120 : memref<80xi32, #tpu.memory_space<vmem>>) semaphore(%arg19 : memref<!tpu.dma_semaphore, #tpu.memory_space<semaphore_mem>>)
    %dma_start3A_124 = arith.constant 1 : i32
    %dma_start3A_125 = arith.constant 0 : i32
    %dma_start3A_126 = tpu.memref_slice %arg11[%dma_start3A_124, %dma_start3A_125] : memref<63x80xi32, #tpu.memory_space<vmem>> -> memref<1x80xi32, #tpu.memory_space<vmem>>
    %dma_start3A_127 = tpu.memref_squeeze %dma_start3A_126 : memref<1x80xi32, #tpu.memory_space<vmem>> -> memref<80xi32, #tpu.memory_space<vmem>>
    %dma_start3A_128 = arith.constant 0 : i32
    %dma_start3A_129 = arith.constant 0 : i32
    %dma_start3A_130 = tpu.memref_slice %arg3[%dma_start3A_128, %dma_start3A_129] : memref<10000x128xf32, #tpu.memory_space<hbm>> -> memref<10000x128xf32, #tpu.memory_space<hbm>>
    tpu.enqueue_indirect_dma source(%dma_start3A_130 : memref<10000x128xf32, #tpu.memory_space<hbm>>) target(%arg14 : memref<80x128xf32, #tpu.memory_space<vmem>>) offsets(%dma_start3A_127 : memref<80xi32, #tpu.memory_space<vmem>>) semaphore(%arg20 : memref<!tpu.dma_semaphore, #tpu.memory_space<semaphore_mem>>)
    %barrier3A_131 = arith.constant 0 : index
    tpu.barrier barrier_id(%barrier3A_131)
    %scan3A_132 = arith.constant 0 : i32
    %scan3A_133 = arith.constant 31 : i32
    %scan3A_134 = arith.addi %scan3A_132, %scan3A_133 : i32
    %scan3A_135 = arith.constant 1 : i32
    scf.for %scan3A_247 = %scan3A_132 to %scan3A_134 step %scan3A_135  : i32 {
      %mul3A_248 = arith.constant 1 : i32
      %mul3A_249 = arith.muli %scan3A_247, %mul3A_248 : i32
      %add3A_250 = arith.constant 0 : i32
      %add3A_251 = arith.addi %add3A_250, %mul3A_249 : i32
      %mul3A_252 = arith.constant 2 : i32
      %mul3A_253 = arith.muli %mul3A_252, %add3A_251 : i32
      %add3A_254 = arith.constant 1 : i32
      %add3A_255 = arith.addi %mul3A_253, %add3A_254 : i32
      %dma_wait3A = arith.constant 0 : i32
      %dma_wait3A_256 = tpu.memref_slice %arg11[%mul3A_253, %dma_wait3A] : memref<63x80xi32, #tpu.memory_space<vmem>> -> memref<1x80xi32, #tpu.memory_space<vmem>>
      %dma_wait3A_257 = tpu.memref_squeeze %dma_wait3A_256 : memref<1x80xi32, #tpu.memory_space<vmem>> -> memref<80xi32, #tpu.memory_space<vmem>>
      %dma_wait3A_258 = arith.constant 0 : i32
      %dma_wait3A_259 = arith.constant 0 : i32
      %dma_wait3A_260 = tpu.memref_slice %arg3[%dma_wait3A_258, %dma_wait3A_259] : memref<10000x128xf32, #tpu.memory_space<hbm>> -> memref<10000x128xf32, #tpu.memory_space<hbm>>
      tpu.wait_indirect_dma semaphore(%arg19 : memref<!tpu.dma_semaphore, #tpu.memory_space<semaphore_mem>>) src(%dma_wait3A_260 : memref<10000x128xf32, #tpu.memory_space<hbm>>) dst(%arg13 : memref<80x128xf32, #tpu.memory_space<vmem>>)
      %dma_start3A_261 = arith.constant 0 : i32
      %dma_start3A_262 = tpu.memref_slice %arg12[%mul3A_253, %dma_start3A_261] : memref<63x80xi32, #tpu.memory_space<vmem>> -> memref<1x80xi32, #tpu.memory_space<vmem>>
      %dma_start3A_263 = tpu.memref_squeeze %dma_start3A_262 : memref<1x80xi32, #tpu.memory_space<vmem>> -> memref<80xi32, #tpu.memory_space<vmem>>
      %dma_start3A_264 = arith.constant 0 : i32
      %dma_start3A_265 = arith.constant 0 : i32
      %dma_start3A_266 = tpu.memref_slice %arg9[%dma_start3A_264, %dma_start3A_265] : memref<10240x128xf32, #tpu.memory_space<vmem_shared>> -> memref<10240x128xf32, #tpu.memory_space<vmem_shared>>
      tpu.enqueue_indirect_dma source(%arg13 : memref<80x128xf32, #tpu.memory_space<vmem>>) target(%dma_start3A_266 : memref<10240x128xf32, #tpu.memory_space<vmem_shared>>) offsets(%dma_start3A_263 : memref<80xi32, #tpu.memory_space<vmem>>) semaphore(%arg21 : memref<!tpu.dma_semaphore, #tpu.memory_space<semaphore_mem>>) {add = true}
      %get3A = arith.index_cast %mul3A_253 : i32 to index
      %get3A_267 = arith.constant 0 : index
      %get3A_268 = tpu.vector_load %arg12[%get3A, %get3A_267] {strides = array<i32>} : memref<63x80xi32, #tpu.memory_space<vmem>>, vector<16xi32>,
      %shift_right_logical3A = arith.constant 4 : i32
      %shift_right_logical3A_269 = vector.broadcast %shift_right_logical3A : i32 to vector<16xi32>
      %shift_right_logical3A_270 = arith.shrui %get3A_268, %shift_right_logical3A_269 : vector<16xi32>
      %and3A = arith.constant 15 : i32
      %and3A_271 = vector.broadcast %and3A : i32 to vector<16xi32>
      %and3A_272 = arith.andi %get3A_268, %and3A_271 : vector<16xi32>
      tpu.vector_store_idx %arg15[%shift_right_logical3A_270, %and3A_272], %broadcast_in_dim3A_2 {add = true} : memref<640x16xf32, #tpu.memory_space<vmem>>[vector<16xi32>, vector<16xi32>], vector<16xf32>,
      %get3A_273 = arith.index_cast %mul3A_253 : i32 to index
      %get3A_274 = arith.constant 16 : index
      %get3A_275 = tpu.vector_load %arg12[%get3A_273, %get3A_274] {strides = array<i32>} : memref<63x80xi32, #tpu.memory_space<vmem>>, vector<16xi32>,
      %shift_right_logical3A_276 = arith.constant 4 : i32
      %shift_right_logical3A_277 = vector.broadcast %shift_right_logical3A_276 : i32 to vector<16xi32>
      %shift_right_logical3A_278 = arith.shrui %get3A_275, %shift_right_logical3A_277 : vector<16xi32>
      %and3A_279 = arith.constant 15 : i32
      %and3A_280 = vector.broadcast %and3A_279 : i32 to vector<16xi32>
      %and3A_281 = arith.andi %get3A_275, %and3A_280 : vector<16xi32>
      tpu.vector_store_idx %arg15[%shift_right_logical3A_278, %and3A_281], %broadcast_in_dim3A_2 {add = true} : memref<640x16xf32, #tpu.memory_space<vmem>>[vector<16xi32>, vector<16xi32>], vector<16xf32>,
      %get3A_282 = arith.index_cast %mul3A_253 : i32 to index
      %get3A_283 = arith.constant 32 : index
      %get3A_284 = tpu.vector_load %arg12[%get3A_282, %get3A_283] {strides = array<i32>} : memref<63x80xi32, #tpu.memory_space<vmem>>, vector<16xi32>,
      %shift_right_logical3A_285 = arith.constant 4 : i32
      %shift_right_logical3A_286 = vector.broadcast %shift_right_logical3A_285 : i32 to vector<16xi32>
      %shift_right_logical3A_287 = arith.shrui %get3A_284, %shift_right_logical3A_286 : vector<16xi32>
      %and3A_288 = arith.constant 15 : i32
      %and3A_289 = vector.broadcast %and3A_288 : i32 to vector<16xi32>
      %and3A_290 = arith.andi %get3A_284, %and3A_289 : vector<16xi32>
      tpu.vector_store_idx %arg15[%shift_right_logical3A_287, %and3A_290], %broadcast_in_dim3A_2 {add = true} : memref<640x16xf32, #tpu.memory_space<vmem>>[vector<16xi32>, vector<16xi32>], vector<16xf32>,
      %get3A_291 = arith.index_cast %mul3A_253 : i32 to index
      %get3A_292 = arith.constant 48 : index
      %get3A_293 = tpu.vector_load %arg12[%get3A_291, %get3A_292] {strides = array<i32>} : memref<63x80xi32, #tpu.memory_space<vmem>>, vector<16xi32>,
      %shift_right_logical3A_294 = arith.constant 4 : i32
      %shift_right_logical3A_295 = vector.broadcast %shift_right_logical3A_294 : i32 to vector<16xi32>
      %shift_right_logical3A_296 = arith.shrui %get3A_293, %shift_right_logical3A_295 : vector<16xi32>
      %and3A_297 = arith.constant 15 : i32
      %and3A_298 = vector.broadcast %and3A_297 : i32 to vector<16xi32>
      %and3A_299 = arith.andi %get3A_293, %and3A_298 : vector<16xi32>
      tpu.vector_store_idx %arg15[%shift_right_logical3A_296, %and3A_299], %broadcast_in_dim3A_2 {add = true} : memref<640x16xf32, #tpu.memory_space<vmem>>[vector<16xi32>, vector<16xi32>], vector<16xf32>,
      %get3A_300 = arith.index_cast %mul3A_253 : i32 to index
      %get3A_301 = arith.constant 64 : index
      %get3A_302 = tpu.vector_load %arg12[%get3A_300, %get3A_301] {strides = array<i32>} : memref<63x80xi32, #tpu.memory_space<vmem>>, vector<16xi32>,
      %shift_right_logical3A_303 = arith.constant 4 : i32
      %shift_right_logical3A_304 = vector.broadcast %shift_right_logical3A_303 : i32 to vector<16xi32>
      %shift_right_logical3A_305 = arith.shrui %get3A_302, %shift_right_logical3A_304 : vector<16xi32>
      %and3A_306 = arith.constant 15 : i32
      %and3A_307 = vector.broadcast %and3A_306 : i32 to vector<16xi32>
      %and3A_308 = arith.andi %get3A_302, %and3A_307 : vector<16xi32>
      tpu.vector_store_idx %arg15[%shift_right_logical3A_305, %and3A_308], %broadcast_in_dim3A_2 {add = true} : memref<640x16xf32, #tpu.memory_space<vmem>>[vector<16xi32>, vector<16xi32>], vector<16xf32>,
      %dma_wait3A_309 = arith.constant 0 : i32
      %dma_wait3A_310 = tpu.memref_slice %arg12[%mul3A_253, %dma_wait3A_309] : memref<63x80xi32, #tpu.memory_space<vmem>> -> memref<1x80xi32, #tpu.memory_space<vmem>>
      %dma_wait3A_311 = tpu.memref_squeeze %dma_wait3A_310 : memref<1x80xi32, #tpu.memory_space<vmem>> -> memref<80xi32, #tpu.memory_space<vmem>>
      %dma_wait3A_312 = arith.constant 0 : i32
      %dma_wait3A_313 = arith.constant 0 : i32
      %dma_wait3A_314 = tpu.memref_slice %arg9[%dma_wait3A_312, %dma_wait3A_313] : memref<10240x128xf32, #tpu.memory_space<vmem_shared>> -> memref<10240x128xf32, #tpu.memory_space<vmem_shared>>
      tpu.wait_indirect_dma semaphore(%arg21 : memref<!tpu.dma_semaphore, #tpu.memory_space<semaphore_mem>>) src(%arg13 : memref<80x128xf32, #tpu.memory_space<vmem>>) dst(%dma_wait3A_314 : memref<10240x128xf32, #tpu.memory_space<vmem_shared>>)
      %add3A_315 = arith.constant 2 : i32
      %add3A_316 = arith.addi %mul3A_253, %add3A_315 : i32
      %lt3A_317 = arith.cmpi slt, %add3A_316, %select_n3A : i32
      %convert_element_type3A_318 = arith.extui %lt3A_317 : i1 to i32
      %cond3A_319 = arith.constant 0 : i32
      %cond3A_320 = arith.cmpi ne, %convert_element_type3A_318, %cond3A_319 : i32
      scf.if %cond3A_320 {
        %add3A_390 = arith.constant 2 : i32
        %add3A_391 = arith.addi %mul3A_253, %add3A_390 : i32
        %dma_start3A_392 = arith.constant 0 : i32
        %dma_start3A_393 = tpu.memref_slice %arg11[%add3A_391, %dma_start3A_392] : memref<63x80xi32, #tpu.memory_space<vmem>> -> memref<1x80xi32, #tpu.memory_space<vmem>>
        %dma_start3A_394 = tpu.memref_squeeze %dma_start3A_393 : memref<1x80xi32, #tpu.memory_space<vmem>> -> memref<80xi32, #tpu.memory_space<vmem>>
        %dma_start3A_395 = arith.constant 0 : i32
        %dma_start3A_396 = arith.constant 0 : i32
        %dma_start3A_397 = tpu.memref_slice %arg3[%dma_start3A_395, %dma_start3A_396] : memref<10000x128xf32, #tpu.memory_space<hbm>> -> memref<10000x128xf32, #tpu.memory_space<hbm>>
        tpu.enqueue_indirect_dma source(%dma_start3A_397 : memref<10000x128xf32, #tpu.memory_space<hbm>>) target(%arg13 : memref<80x128xf32, #tpu.memory_space<vmem>>) offsets(%dma_start3A_394 : memref<80xi32, #tpu.memory_space<vmem>>) semaphore(%arg19 : memref<!tpu.dma_semaphore, #tpu.memory_space<semaphore_mem>>)
      } else {
      }
      %dma_wait3A_321 = arith.constant 0 : i32
      %dma_wait3A_322 = tpu.memref_slice %arg11[%add3A_255, %dma_wait3A_321] : memref<63x80xi32, #tpu.memory_space<vmem>> -> memref<1x80xi32, #tpu.memory_space<vmem>>
      %dma_wait3A_323 = tpu.memref_squeeze %dma_wait3A_322 : memref<1x80xi32, #tpu.memory_space<vmem>> -> memref<80xi32, #tpu.memory_space<vmem>>
      %dma_wait3A_324 = arith.constant 0 : i32
      %dma_wait3A_325 = arith.constant 0 : i32
      %dma_wait3A_326 = tpu.memref_slice %arg3[%dma_wait3A_324, %dma_wait3A_325] : memref<10000x128xf32, #tpu.memory_space<hbm>> -> memref<10000x128xf32, #tpu.memory_space<hbm>>
      tpu.wait_indirect_dma semaphore(%arg20 : memref<!tpu.dma_semaphore, #tpu.memory_space<semaphore_mem>>) src(%dma_wait3A_326 : memref<10000x128xf32, #tpu.memory_space<hbm>>) dst(%arg14 : memref<80x128xf32, #tpu.memory_space<vmem>>)
      %dma_start3A_327 = arith.constant 0 : i32
      %dma_start3A_328 = tpu.memref_slice %arg12[%add3A_255, %dma_start3A_327] : memref<63x80xi32, #tpu.memory_space<vmem>> -> memref<1x80xi32, #tpu.memory_space<vmem>>
      %dma_start3A_329 = tpu.memref_squeeze %dma_start3A_328 : memref<1x80xi32, #tpu.memory_space<vmem>> -> memref<80xi32, #tpu.memory_space<vmem>>
      %dma_start3A_330 = arith.constant 0 : i32
      %dma_start3A_331 = arith.constant 0 : i32
      %dma_start3A_332 = tpu.memref_slice %arg9[%dma_start3A_330, %dma_start3A_331] : memref<10240x128xf32, #tpu.memory_space<vmem_shared>> -> memref<10240x128xf32, #tpu.memory_space<vmem_shared>>
      tpu.enqueue_indirect_dma source(%arg14 : memref<80x128xf32, #tpu.memory_space<vmem>>) target(%dma_start3A_332 : memref<10240x128xf32, #tpu.memory_space<vmem_shared>>) offsets(%dma_start3A_329 : memref<80xi32, #tpu.memory_space<vmem>>) semaphore(%arg22 : memref<!tpu.dma_semaphore, #tpu.memory_space<semaphore_mem>>) {add = true}
      %get3A_333 = arith.index_cast %add3A_255 : i32 to index
      %get3A_334 = arith.constant 0 : index
      %get3A_335 = tpu.vector_load %arg12[%get3A_333, %get3A_334] {strides = array<i32>} : memref<63x80xi32, #tpu.memory_space<vmem>>, vector<16xi32>,
      %shift_right_logical3A_336 = arith.constant 4 : i32
      %shift_right_logical3A_337 = vector.broadcast %shift_right_logical3A_336 : i32 to vector<16xi32>
      %shift_right_logical3A_338 = arith.shrui %get3A_335, %shift_right_logical3A_337 : vector<16xi32>
      %and3A_339 = arith.constant 15 : i32
      %and3A_340 = vector.broadcast %and3A_339 : i32 to vector<16xi32>
      %and3A_341 = arith.andi %get3A_335, %and3A_340 : vector<16xi32>
      tpu.vector_store_idx %arg15[%shift_right_logical3A_338, %and3A_341], %broadcast_in_dim3A_2 {add = true} : memref<640x16xf32, #tpu.memory_space<vmem>>[vector<16xi32>, vector<16xi32>], vector<16xf32>,
      %get3A_342 = arith.index_cast %add3A_255 : i32 to index
      %get3A_343 = arith.constant 16 : index
      %get3A_344 = tpu.vector_load %arg12[%get3A_342, %get3A_343] {strides = array<i32>} : memref<63x80xi32, #tpu.memory_space<vmem>>, vector<16xi32>,
      %shift_right_logical3A_345 = arith.constant 4 : i32
      %shift_right_logical3A_346 = vector.broadcast %shift_right_logical3A_345 : i32 to vector<16xi32>
      %shift_right_logical3A_347 = arith.shrui %get3A_344, %shift_right_logical3A_346 : vector<16xi32>
      %and3A_348 = arith.constant 15 : i32
      %and3A_349 = vector.broadcast %and3A_348 : i32 to vector<16xi32>
      %and3A_350 = arith.andi %get3A_344, %and3A_349 : vector<16xi32>
      tpu.vector_store_idx %arg15[%shift_right_logical3A_347, %and3A_350], %broadcast_in_dim3A_2 {add = true} : memref<640x16xf32, #tpu.memory_space<vmem>>[vector<16xi32>, vector<16xi32>], vector<16xf32>,
      %get3A_351 = arith.index_cast %add3A_255 : i32 to index
      %get3A_352 = arith.constant 32 : index
      %get3A_353 = tpu.vector_load %arg12[%get3A_351, %get3A_352] {strides = array<i32>} : memref<63x80xi32, #tpu.memory_space<vmem>>, vector<16xi32>,
      %shift_right_logical3A_354 = arith.constant 4 : i32
      %shift_right_logical3A_355 = vector.broadcast %shift_right_logical3A_354 : i32 to vector<16xi32>
      %shift_right_logical3A_356 = arith.shrui %get3A_353, %shift_right_logical3A_355 : vector<16xi32>
      %and3A_357 = arith.constant 15 : i32
      %and3A_358 = vector.broadcast %and3A_357 : i32 to vector<16xi32>
      %and3A_359 = arith.andi %get3A_353, %and3A_358 : vector<16xi32>
      tpu.vector_store_idx %arg15[%shift_right_logical3A_356, %and3A_359], %broadcast_in_dim3A_2 {add = true} : memref<640x16xf32, #tpu.memory_space<vmem>>[vector<16xi32>, vector<16xi32>], vector<16xf32>,
      %get3A_360 = arith.index_cast %add3A_255 : i32 to index
      %get3A_361 = arith.constant 48 : index
      %get3A_362 = tpu.vector_load %arg12[%get3A_360, %get3A_361] {strides = array<i32>} : memref<63x80xi32, #tpu.memory_space<vmem>>, vector<16xi32>,
      %shift_right_logical3A_363 = arith.constant 4 : i32
      %shift_right_logical3A_364 = vector.broadcast %shift_right_logical3A_363 : i32 to vector<16xi32>
      %shift_right_logical3A_365 = arith.shrui %get3A_362, %shift_right_logical3A_364 : vector<16xi32>
      %and3A_366 = arith.constant 15 : i32
      %and3A_367 = vector.broadcast %and3A_366 : i32 to vector<16xi32>
      %and3A_368 = arith.andi %get3A_362, %and3A_367 : vector<16xi32>
      tpu.vector_store_idx %arg15[%shift_right_logical3A_365, %and3A_368], %broadcast_in_dim3A_2 {add = true} : memref<640x16xf32, #tpu.memory_space<vmem>>[vector<16xi32>, vector<16xi32>], vector<16xf32>,
      %get3A_369 = arith.index_cast %add3A_255 : i32 to index
      %get3A_370 = arith.constant 64 : index
      %get3A_371 = tpu.vector_load %arg12[%get3A_369, %get3A_370] {strides = array<i32>} : memref<63x80xi32, #tpu.memory_space<vmem>>, vector<16xi32>,
      %shift_right_logical3A_372 = arith.constant 4 : i32
      %shift_right_logical3A_373 = vector.broadcast %shift_right_logical3A_372 : i32 to vector<16xi32>
      %shift_right_logical3A_374 = arith.shrui %get3A_371, %shift_right_logical3A_373 : vector<16xi32>
      %and3A_375 = arith.constant 15 : i32
      %and3A_376 = vector.broadcast %and3A_375 : i32 to vector<16xi32>
      %and3A_377 = arith.andi %get3A_371, %and3A_376 : vector<16xi32>
      tpu.vector_store_idx %arg15[%shift_right_logical3A_374, %and3A_377], %broadcast_in_dim3A_2 {add = true} : memref<640x16xf32, #tpu.memory_space<vmem>>[vector<16xi32>, vector<16xi32>], vector<16xf32>,
      %dma_wait3A_378 = arith.constant 0 : i32
      %dma_wait3A_379 = tpu.memref_slice %arg12[%add3A_255, %dma_wait3A_378] : memref<63x80xi32, #tpu.memory_space<vmem>> -> memref<1x80xi32, #tpu.memory_space<vmem>>
      %dma_wait3A_380 = tpu.memref_squeeze %dma_wait3A_379 : memref<1x80xi32, #tpu.memory_space<vmem>> -> memref<80xi32, #tpu.memory_space<vmem>>
      %dma_wait3A_381 = arith.constant 0 : i32
      %dma_wait3A_382 = arith.constant 0 : i32
      %dma_wait3A_383 = tpu.memref_slice %arg9[%dma_wait3A_381, %dma_wait3A_382] : memref<10240x128xf32, #tpu.memory_space<vmem_shared>> -> memref<10240x128xf32, #tpu.memory_space<vmem_shared>>
      tpu.wait_indirect_dma semaphore(%arg22 : memref<!tpu.dma_semaphore, #tpu.memory_space<semaphore_mem>>) src(%arg14 : memref<80x128xf32, #tpu.memory_space<vmem>>) dst(%dma_wait3A_383 : memref<10240x128xf32, #tpu.memory_space<vmem_shared>>)
      %add3A_384 = arith.constant 2 : i32
      %add3A_385 = arith.addi %add3A_255, %add3A_384 : i32
      %lt3A_386 = arith.cmpi slt, %add3A_385, %select_n3A : i32
      %convert_element_type3A_387 = arith.extui %lt3A_386 : i1 to i32
      %cond3A_388 = arith.constant 0 : i32
      %cond3A_389 = arith.cmpi ne, %convert_element_type3A_387, %cond3A_388 : i32
      scf.if %cond3A_389 {
        %add3A_390 = arith.constant 2 : i32
        %add3A_391 = arith.addi %add3A_255, %add3A_390 : i32
        %dma_start3A_392 = arith.constant 0 : i32
        %dma_start3A_393 = tpu.memref_slice %arg11[%add3A_391, %dma_start3A_392] : memref<63x80xi32, #tpu.memory_space<vmem>> -> memref<1x80xi32, #tpu.memory_space<vmem>>
        %dma_start3A_394 = tpu.memref_squeeze %dma_start3A_393 : memref<1x80xi32, #tpu.memory_space<vmem>> -> memref<80xi32, #tpu.memory_space<vmem>>
        %dma_start3A_395 = arith.constant 0 : i32
        %dma_start3A_396 = arith.constant 0 : i32
        %dma_start3A_397 = tpu.memref_slice %arg3[%dma_start3A_395, %dma_start3A_396] : memref<10000x128xf32, #tpu.memory_space<hbm>> -> memref<10000x128xf32, #tpu.memory_space<hbm>>
        tpu.enqueue_indirect_dma source(%dma_start3A_397 : memref<10000x128xf32, #tpu.memory_space<hbm>>) target(%arg14 : memref<80x128xf32, #tpu.memory_space<vmem>>) offsets(%dma_start3A_394 : memref<80xi32, #tpu.memory_space<vmem>>) semaphore(%arg20 : memref<!tpu.dma_semaphore, #tpu.memory_space<semaphore_mem>>)
      } else {
      }
    }
    %scan3A_136 = arith.constant 31 : i32
    %convert_element_type3A_137 = arith.extui %ge3A_17 : i1 to i32
    %cond3A_138 = arith.constant 0 : i32
    %cond3A_139 = arith.cmpi ne, %convert_element_type3A_137, %cond3A_138 : i32
    scf.if %cond3A_139 {
      %dma_wait3A = arith.constant 62 : i32
      %dma_wait3A_247 = arith.constant 0 : i32
      %dma_wait3A_248 = tpu.memref_slice %arg11[%dma_wait3A, %dma_wait3A_247] : memref<63x80xi32, #tpu.memory_space<vmem>> -> memref<1x80xi32, #tpu.memory_space<vmem>>
      %dma_wait3A_249 = tpu.memref_squeeze %dma_wait3A_248 : memref<1x80xi32, #tpu.memory_space<vmem>> -> memref<80xi32, #tpu.memory_space<vmem>>
      %dma_wait3A_250 = arith.constant 0 : i32
      %dma_wait3A_251 = arith.constant 0 : i32
      %dma_wait3A_252 = tpu.memref_slice %arg3[%dma_wait3A_250, %dma_wait3A_251] : memref<10000x128xf32, #tpu.memory_space<hbm>> -> memref<10000x128xf32, #tpu.memory_space<hbm>>
      tpu.wait_indirect_dma semaphore(%arg19 : memref<!tpu.dma_semaphore, #tpu.memory_space<semaphore_mem>>) src(%dma_wait3A_252 : memref<10000x128xf32, #tpu.memory_space<hbm>>) dst(%arg13 : memref<80x128xf32, #tpu.memory_space<vmem>>)
      %dma_start3A_253 = arith.constant 62 : i32
      %dma_start3A_254 = arith.constant 0 : i32
      %dma_start3A_255 = tpu.memref_slice %arg12[%dma_start3A_253, %dma_start3A_254] : memref<63x80xi32, #tpu.memory_space<vmem>> -> memref<1x80xi32, #tpu.memory_space<vmem>>
      %dma_start3A_256 = tpu.memref_squeeze %dma_start3A_255 : memref<1x80xi32, #tpu.memory_space<vmem>> -> memref<80xi32, #tpu.memory_space<vmem>>
      %dma_start3A_257 = arith.constant 0 : i32
      %dma_start3A_258 = arith.constant 0 : i32
      %dma_start3A_259 = tpu.memref_slice %arg9[%dma_start3A_257, %dma_start3A_258] : memref<10240x128xf32, #tpu.memory_space<vmem_shared>> -> memref<10240x128xf32, #tpu.memory_space<vmem_shared>>
      tpu.enqueue_indirect_dma source(%arg13 : memref<80x128xf32, #tpu.memory_space<vmem>>) target(%dma_start3A_259 : memref<10240x128xf32, #tpu.memory_space<vmem_shared>>) offsets(%dma_start3A_256 : memref<80xi32, #tpu.memory_space<vmem>>) semaphore(%arg21 : memref<!tpu.dma_semaphore, #tpu.memory_space<semaphore_mem>>) {add = true}
      %get3A = arith.constant 62 : i32
      %get3A_260 = arith.index_cast %get3A : i32 to index
      %get3A_261 = arith.constant 0 : index
      %get3A_262 = tpu.vector_load %arg12[%get3A_260, %get3A_261] {strides = array<i32>} : memref<63x80xi32, #tpu.memory_space<vmem>>, vector<16xi32>,
      %shift_right_logical3A = arith.constant 4 : i32
      %shift_right_logical3A_263 = vector.broadcast %shift_right_logical3A : i32 to vector<16xi32>
      %shift_right_logical3A_264 = arith.shrui %get3A_262, %shift_right_logical3A_263 : vector<16xi32>
      %and3A = arith.constant 15 : i32
      %and3A_265 = vector.broadcast %and3A : i32 to vector<16xi32>
      %and3A_266 = arith.andi %get3A_262, %and3A_265 : vector<16xi32>
      tpu.vector_store_idx %arg15[%shift_right_logical3A_264, %and3A_266], %broadcast_in_dim3A_2 {add = true} : memref<640x16xf32, #tpu.memory_space<vmem>>[vector<16xi32>, vector<16xi32>], vector<16xf32>,
      %get3A_267 = arith.constant 62 : i32
      %get3A_268 = arith.index_cast %get3A_267 : i32 to index
      %get3A_269 = arith.constant 16 : index
      %get3A_270 = tpu.vector_load %arg12[%get3A_268, %get3A_269] {strides = array<i32>} : memref<63x80xi32, #tpu.memory_space<vmem>>, vector<16xi32>,
      %shift_right_logical3A_271 = arith.constant 4 : i32
      %shift_right_logical3A_272 = vector.broadcast %shift_right_logical3A_271 : i32 to vector<16xi32>
      %shift_right_logical3A_273 = arith.shrui %get3A_270, %shift_right_logical3A_272 : vector<16xi32>
      %and3A_274 = arith.constant 15 : i32
      %and3A_275 = vector.broadcast %and3A_274 : i32 to vector<16xi32>
      %and3A_276 = arith.andi %get3A_270, %and3A_275 : vector<16xi32>
      tpu.vector_store_idx %arg15[%shift_right_logical3A_273, %and3A_276], %broadcast_in_dim3A_2 {add = true} : memref<640x16xf32, #tpu.memory_space<vmem>>[vector<16xi32>, vector<16xi32>], vector<16xf32>,
      %get3A_277 = arith.constant 62 : i32
      %get3A_278 = arith.index_cast %get3A_277 : i32 to index
      %get3A_279 = arith.constant 32 : index
      %get3A_280 = tpu.vector_load %arg12[%get3A_278, %get3A_279] {strides = array<i32>} : memref<63x80xi32, #tpu.memory_space<vmem>>, vector<16xi32>,
      %shift_right_logical3A_281 = arith.constant 4 : i32
      %shift_right_logical3A_282 = vector.broadcast %shift_right_logical3A_281 : i32 to vector<16xi32>
      %shift_right_logical3A_283 = arith.shrui %get3A_280, %shift_right_logical3A_282 : vector<16xi32>
      %and3A_284 = arith.constant 15 : i32
      %and3A_285 = vector.broadcast %and3A_284 : i32 to vector<16xi32>
      %and3A_286 = arith.andi %get3A_280, %and3A_285 : vector<16xi32>
      tpu.vector_store_idx %arg15[%shift_right_logical3A_283, %and3A_286], %broadcast_in_dim3A_2 {add = true} : memref<640x16xf32, #tpu.memory_space<vmem>>[vector<16xi32>, vector<16xi32>], vector<16xf32>,
      %get3A_287 = arith.constant 62 : i32
      %get3A_288 = arith.index_cast %get3A_287 : i32 to index
      %get3A_289 = arith.constant 48 : index
      %get3A_290 = tpu.vector_load %arg12[%get3A_288, %get3A_289] {strides = array<i32>} : memref<63x80xi32, #tpu.memory_space<vmem>>, vector<16xi32>,
      %shift_right_logical3A_291 = arith.constant 4 : i32
      %shift_right_logical3A_292 = vector.broadcast %shift_right_logical3A_291 : i32 to vector<16xi32>
      %shift_right_logical3A_293 = arith.shrui %get3A_290, %shift_right_logical3A_292 : vector<16xi32>
      %and3A_294 = arith.constant 15 : i32
      %and3A_295 = vector.broadcast %and3A_294 : i32 to vector<16xi32>
      %and3A_296 = arith.andi %get3A_290, %and3A_295 : vector<16xi32>
      tpu.vector_store_idx %arg15[%shift_right_logical3A_293, %and3A_296], %broadcast_in_dim3A_2 {add = true} : memref<640x16xf32, #tpu.memory_space<vmem>>[vector<16xi32>, vector<16xi32>], vector<16xf32>,
      %get3A_297 = arith.constant 62 : i32
      %get3A_298 = arith.index_cast %get3A_297 : i32 to index
      %get3A_299 = arith.constant 64 : index
      %get3A_300 = tpu.vector_load %arg12[%get3A_298, %get3A_299] {strides = array<i32>} : memref<63x80xi32, #tpu.memory_space<vmem>>, vector<16xi32>,
      %shift_right_logical3A_301 = arith.constant 4 : i32
      %shift_right_logical3A_302 = vector.broadcast %shift_right_logical3A_301 : i32 to vector<16xi32>
      %shift_right_logical3A_303 = arith.shrui %get3A_300, %shift_right_logical3A_302 : vector<16xi32>
      %and3A_304 = arith.constant 15 : i32
      %and3A_305 = vector.broadcast %and3A_304 : i32 to vector<16xi32>
      %and3A_306 = arith.andi %get3A_300, %and3A_305 : vector<16xi32>
      tpu.vector_store_idx %arg15[%shift_right_logical3A_303, %and3A_306], %broadcast_in_dim3A_2 {add = true} : memref<640x16xf32, #tpu.memory_space<vmem>>[vector<16xi32>, vector<16xi32>], vector<16xf32>,
      %dma_wait3A_307 = arith.constant 62 : i32
      %dma_wait3A_308 = arith.constant 0 : i32
      %dma_wait3A_309 = tpu.memref_slice %arg12[%dma_wait3A_307, %dma_wait3A_308] : memref<63x80xi32, #tpu.memory_space<vmem>> -> memref<1x80xi32, #tpu.memory_space<vmem>>
      %dma_wait3A_310 = tpu.memref_squeeze %dma_wait3A_309 : memref<1x80xi32, #tpu.memory_space<vmem>> -> memref<80xi32, #tpu.memory_space<vmem>>
      %dma_wait3A_311 = arith.constant 0 : i32
      %dma_wait3A_312 = arith.constant 0 : i32
      %dma_wait3A_313 = tpu.memref_slice %arg9[%dma_wait3A_311, %dma_wait3A_312] : memref<10240x128xf32, #tpu.memory_space<vmem_shared>> -> memref<10240x128xf32, #tpu.memory_space<vmem_shared>>
      tpu.wait_indirect_dma semaphore(%arg21 : memref<!tpu.dma_semaphore, #tpu.memory_space<semaphore_mem>>) src(%arg13 : memref<80x128xf32, #tpu.memory_space<vmem>>) dst(%dma_wait3A_313 : memref<10240x128xf32, #tpu.memory_space<vmem_shared>>)
    } else {
    }
    %scan3A_140 = arith.constant 0 : i32
    %scan3A_141 = arith.constant 5 : i32
    %scan3A_142 = arith.addi %scan3A_140, %scan3A_141 : i32
    %scan3A_143 = arith.constant 1 : i32
    scf.for %scan3A_247 = %scan3A_140 to %scan3A_142 step %scan3A_143  : i32 {
      %mul3A_248 = arith.constant 1 : i32
      %mul3A_249 = arith.muli %scan3A_247, %mul3A_248 : i32
      %add3A_250 = arith.constant 0 : i32
      %add3A_251 = arith.addi %add3A_250, %mul3A_249 : i32
      %mul3A_252 = arith.constant 128 : i32
      %mul3A_253 = arith.muli %add3A_251, %mul3A_252 : i32
      "tpu.region"() ({
        %run_scoped3A_254 = tpu.sem_alloc : memref<!tpu.dma_semaphore, #tpu.memory_space<semaphore_mem>>
        %dma_start3A_255 = arith.constant 0 : i32
        %dma_start3A_256 = tpu.memref_slice %arg15[%mul3A_253, %dma_start3A_255] : memref<640x16xf32, #tpu.memory_space<vmem>> -> memref<128x16xf32, #tpu.memory_space<vmem>>
        %dma_start3A_257 = arith.constant 0 : i32
        %dma_start3A_258 = tpu.memref_slice %arg16[%add3A_251, %dma_start3A_257] : memref<5x128xi32, #tpu.memory_space<vmem>> -> memref<1x128xi32, #tpu.memory_space<vmem>>
        %dma_start3A_259 = tpu.memref_squeeze %dma_start3A_258 : memref<1x128xi32, #tpu.memory_space<vmem>> -> memref<128xi32, #tpu.memory_space<vmem>>
        %dma_start3A_260 = arith.constant 0 : i32
        %dma_start3A_261 = arith.constant 0 : i32
        %dma_start3A_262 = tpu.memref_slice %arg10[%dma_start3A_260, %dma_start3A_261] : memref<640x16xf32, #tpu.memory_space<vmem_shared>> -> memref<640x16xf32, #tpu.memory_space<vmem_shared>>
        tpu.enqueue_indirect_dma source(%dma_start3A_256 : memref<128x16xf32, #tpu.memory_space<vmem>>) target(%dma_start3A_262 : memref<640x16xf32, #tpu.memory_space<vmem_shared>>) offsets(%dma_start3A_259 : memref<128xi32, #tpu.memory_space<vmem>>) semaphore(%run_scoped3A_254 : memref<!tpu.dma_semaphore, #tpu.memory_space<semaphore_mem>>) {add = true}
        %dma_wait3A = arith.constant 0 : i32
        %dma_wait3A_263 = tpu.memref_slice %arg15[%mul3A_253, %dma_wait3A] : memref<640x16xf32, #tpu.memory_space<vmem>> -> memref<128x16xf32, #tpu.memory_space<vmem>>
        %dma_wait3A_264 = arith.constant 0 : i32
        %dma_wait3A_265 = tpu.memref_slice %arg16[%add3A_251, %dma_wait3A_264] : memref<5x128xi32, #tpu.memory_space<vmem>> -> memref<1x128xi32, #tpu.memory_space<vmem>>
        %dma_wait3A_266 = tpu.memref_squeeze %dma_wait3A_265 : memref<1x128xi32, #tpu.memory_space<vmem>> -> memref<128xi32, #tpu.memory_space<vmem>>
        %dma_wait3A_267 = arith.constant 0 : i32
        %dma_wait3A_268 = arith.constant 0 : i32
        %dma_wait3A_269 = tpu.memref_slice %arg10[%dma_wait3A_267, %dma_wait3A_268] : memref<640x16xf32, #tpu.memory_space<vmem_shared>> -> memref<640x16xf32, #tpu.memory_space<vmem_shared>>
        tpu.wait_indirect_dma semaphore(%run_scoped3A_254 : memref<!tpu.dma_semaphore, #tpu.memory_space<semaphore_mem>>) src(%dma_wait3A_263 : memref<128x16xf32, #tpu.memory_space<vmem>>) dst(%dma_wait3A_269 : memref<640x16xf32, #tpu.memory_space<vmem_shared>>)
        tpu.yield
      }) : () -> ()
    }
    %scan3A_144 = arith.constant 5 : i32
    %barrier3A_145 = arith.constant 0 : index
    tpu.barrier barrier_id(%barrier3A_145)
    %add3A_146 = arith.constant 0 : i32
    %add3A_147 = arith.addi %mul3A_29, %add3A_146 : i32
    %add3A_148 = arith.constant 0 : i32
    %add3A_149 = arith.addi %mul3A_29, %add3A_148 : i32
    %dma_start3A_150 = arith.constant 1 : i32
    %dma_start3A_151 = arith.constant 0 : i32
    %dma_start3A_152 = tpu.memref_slice %arg7[%dma_start3A_150, %arg0, %add3A_149, %dma_start3A_151] : memref<3x2x10240x128xf32, #tpu.memory_space<hbm>> -> memref<1x1x32x128xf32, #tpu.memory_space<hbm>>
    %dma_start3A_153 = tpu.memref_squeeze %dma_start3A_152 : memref<1x1x32x128xf32, #tpu.memory_space<hbm>> -> memref<32x128xf32, #tpu.memory_space<hbm>>
    %dma_start3A_154 = arith.constant 0 : i32
    %dma_start3A_155 = tpu.memref_slice %arg9[%add3A_147, %dma_start3A_154] : memref<10240x128xf32, #tpu.memory_space<vmem_shared>> -> memref<32x128xf32, #tpu.memory_space<vmem_shared>>
    tpu.enqueue_dma source(%dma_start3A_155 : memref<32x128xf32, #tpu.memory_space<vmem_shared>>) target(%dma_start3A_153 : memref<32x128xf32, #tpu.memory_space<hbm>>) target_semaphore(%arg19 : memref<!tpu.dma_semaphore, #tpu.memory_space<semaphore_mem>>)
    %add3A_156 = arith.constant 32 : i32
    %add3A_157 = arith.addi %mul3A_29, %add3A_156 : i32
    %add3A_158 = arith.constant 32 : i32
    %add3A_159 = arith.addi %mul3A_29, %add3A_158 : i32
    %dma_start3A_160 = arith.constant 1 : i32
    %dma_start3A_161 = arith.constant 0 : i32
    %dma_start3A_162 = tpu.memref_slice %arg7[%dma_start3A_160, %arg0, %add3A_159, %dma_start3A_161] : memref<3x2x10240x128xf32, #tpu.memory_space<hbm>> -> memref<1x1x32x128xf32, #tpu.memory_space<hbm>>
    %dma_start3A_163 = tpu.memref_squeeze %dma_start3A_162 : memref<1x1x32x128xf32, #tpu.memory_space<hbm>> -> memref<32x128xf32, #tpu.memory_space<hbm>>
    %dma_start3A_164 = arith.constant 0 : i32
    %dma_start3A_165 = tpu.memref_slice %arg9[%add3A_157, %dma_start3A_164] : memref<10240x128xf32, #tpu.memory_space<vmem_shared>> -> memref<32x128xf32, #tpu.memory_space<vmem_shared>>
    tpu.enqueue_dma source(%dma_start3A_165 : memref<32x128xf32, #tpu.memory_space<vmem_shared>>) target(%dma_start3A_163 : memref<32x128xf32, #tpu.memory_space<hbm>>) target_semaphore(%arg20 : memref<!tpu.dma_semaphore, #tpu.memory_space<semaphore_mem>>)
    %scan3A_166 = arith.constant 0 : i32
    %scan3A_167 = arith.constant 10 : i32
    %scan3A_168 = arith.addi %scan3A_166, %scan3A_167 : i32
    %scan3A_169 = arith.constant 1 : i32
    scf.for %scan3A_247 = %scan3A_166 to %scan3A_168 step %scan3A_169  : i32 {
      %mul3A_248 = arith.constant 1 : i32
      %mul3A_249 = arith.muli %scan3A_247, %mul3A_248 : i32
      %add3A_250 = arith.constant 0 : i32
      %add3A_251 = arith.addi %add3A_250, %mul3A_249 : i32
      %mul3A_252 = arith.constant 2 : i32
      %mul3A_253 = arith.muli %mul3A_252, %add3A_251 : i32
      %add3A_254 = arith.constant 1 : i32
      %add3A_255 = arith.addi %mul3A_253, %add3A_254 : i32
      %mul3A_256 = arith.constant 32 : i32
      %mul3A_257 = arith.muli %mul3A_253, %mul3A_256 : i32
      %add3A_258 = arith.addi %mul3A_29, %mul3A_257 : i32
      %mul3A_259 = arith.constant 32 : i32
      %mul3A_260 = arith.muli %mul3A_253, %mul3A_259 : i32
      %add3A_261 = arith.addi %mul3A_29, %mul3A_260 : i32
      %dma_wait3A = arith.constant 1 : i32
      %dma_wait3A_262 = arith.constant 0 : i32
      %dma_wait3A_263 = tpu.memref_slice %arg7[%dma_wait3A, %arg0, %add3A_261, %dma_wait3A_262] : memref<3x2x10240x128xf32, #tpu.memory_space<hbm>> -> memref<1x1x32x128xf32, #tpu.memory_space<hbm>>
      %dma_wait3A_264 = tpu.memref_squeeze %dma_wait3A_263 : memref<1x1x32x128xf32, #tpu.memory_space<hbm>> -> memref<32x128xf32, #tpu.memory_space<hbm>>
      %dma_wait3A_265 = arith.constant 0 : i32
      %dma_wait3A_266 = tpu.memref_slice %arg9[%add3A_258, %dma_wait3A_265] : memref<10240x128xf32, #tpu.memory_space<vmem_shared>> -> memref<32x128xf32, #tpu.memory_space<vmem_shared>>
      tpu.wait_dma2 semaphore(%arg19 : memref<!tpu.dma_semaphore, #tpu.memory_space<semaphore_mem>>) src(%dma_wait3A_266 : memref<32x128xf32, #tpu.memory_space<vmem_shared>>) dst(%dma_wait3A_264 : memref<32x128xf32, #tpu.memory_space<hbm>>)
      %mul3A_267 = arith.constant 32 : i32
      %mul3A_268 = arith.muli %mul3A_253, %mul3A_267 : i32
      %add3A_269 = arith.addi %mul3A_29, %mul3A_268 : i32
      "tpu.region"() ({
        %run_scoped3A_299 = tpu.sem_alloc : memref<!tpu.dma_semaphore, #tpu.memory_space<semaphore_mem>>
        %dma_start3A_300 = arith.constant 0 : i32
        %dma_start3A_301 = tpu.memref_slice %arg9[%add3A_269, %dma_start3A_300] : memref<10240x128xf32, #tpu.memory_space<vmem_shared>> -> memref<32x128xf32, #tpu.memory_space<vmem_shared>>
        %dma_start3A_302 = arith.constant 0 : i32
        %dma_start3A_303 = tpu.memref_slice %arg9[%add3A_269, %dma_start3A_302] : memref<10240x128xf32, #tpu.memory_space<vmem_shared>> -> memref<32x128xf32, #tpu.memory_space<vmem_shared>>
        tpu.enqueue_dma source(%arg17 : memref<32x128xf32, #tpu.memory_space<vmem>>) target(%dma_start3A_303 : memref<32x128xf32, #tpu.memory_space<vmem_shared>>) target_semaphore(%run_scoped3A_299 : memref<!tpu.dma_semaphore, #tpu.memory_space<semaphore_mem>>)
        %dma_wait3A_304 = arith.constant 0 : i32
        %dma_wait3A_305 = tpu.memref_slice %arg9[%add3A_269, %dma_wait3A_304] : memref<10240x128xf32, #tpu.memory_space<vmem_shared>> -> memref<32x128xf32, #tpu.memory_space<vmem_shared>>
        %dma_wait3A_306 = arith.constant 0 : i32
        %dma_wait3A_307 = tpu.memref_slice %arg9[%add3A_269, %dma_wait3A_306] : memref<10240x128xf32, #tpu.memory_space<vmem_shared>> -> memref<32x128xf32, #tpu.memory_space<vmem_shared>>
        tpu.wait_dma2 semaphore(%run_scoped3A_299 : memref<!tpu.dma_semaphore, #tpu.memory_space<semaphore_mem>>) src(%arg17 : memref<32x128xf32, #tpu.memory_space<vmem>>) dst(%dma_wait3A_307 : memref<32x128xf32, #tpu.memory_space<vmem_shared>>)
        tpu.yield
      }) : () -> ()
      %add3A_270 = arith.constant 2 : i32
      %add3A_271 = arith.addi %mul3A_253, %add3A_270 : i32
      %lt3A_272 = arith.constant 20 : i32
      %lt3A_273 = arith.cmpi slt, %add3A_271, %lt3A_272 : i32
      %convert_element_type3A_274 = arith.extui %lt3A_273 : i1 to i32
      %cond3A_275 = arith.constant 0 : i32
      %cond3A_276 = arith.cmpi ne, %convert_element_type3A_274, %cond3A_275 : i32
      scf.if %cond3A_276 {
        %add3A_299 = arith.constant 2 : i32
        %add3A_300 = arith.addi %mul3A_253, %add3A_299 : i32
        %mul3A_301 = arith.constant 32 : i32
        %mul3A_302 = arith.muli %add3A_300, %mul3A_301 : i32
        %add3A_303 = arith.addi %mul3A_29, %mul3A_302 : i32
        %mul3A_304 = arith.constant 32 : i32
        %mul3A_305 = arith.muli %add3A_300, %mul3A_304 : i32
        %add3A_306 = arith.addi %mul3A_29, %mul3A_305 : i32
        %dma_start3A_307 = arith.constant 1 : i32
        %dma_start3A_308 = arith.constant 0 : i32
        %dma_start3A_309 = tpu.memref_slice %arg7[%dma_start3A_307, %arg0, %add3A_306, %dma_start3A_308] : memref<3x2x10240x128xf32, #tpu.memory_space<hbm>> -> memref<1x1x32x128xf32, #tpu.memory_space<hbm>>
        %dma_start3A_310 = tpu.memref_squeeze %dma_start3A_309 : memref<1x1x32x128xf32, #tpu.memory_space<hbm>> -> memref<32x128xf32, #tpu.memory_space<hbm>>
        %dma_start3A_311 = arith.constant 0 : i32
        %dma_start3A_312 = tpu.memref_slice %arg9[%add3A_303, %dma_start3A_311] : memref<10240x128xf32, #tpu.memory_space<vmem_shared>> -> memref<32x128xf32, #tpu.memory_space<vmem_shared>>
        tpu.enqueue_dma source(%dma_start3A_312 : memref<32x128xf32, #tpu.memory_space<vmem_shared>>) target(%dma_start3A_310 : memref<32x128xf32, #tpu.memory_space<hbm>>) target_semaphore(%arg19 : memref<!tpu.dma_semaphore, #tpu.memory_space<semaphore_mem>>)
      } else {
      }
      %mul3A_277 = arith.constant 32 : i32
      %mul3A_278 = arith.muli %add3A_255, %mul3A_277 : i32
      %add3A_279 = arith.addi %mul3A_29, %mul3A_278 : i32
      %mul3A_280 = arith.constant 32 : i32
      %mul3A_281 = arith.muli %add3A_255, %mul3A_280 : i32
      %add3A_282 = arith.addi %mul3A_29, %mul3A_281 : i32
      %dma_wait3A_283 = arith.constant 1 : i32
      %dma_wait3A_284 = arith.constant 0 : i32
      %dma_wait3A_285 = tpu.memref_slice %arg7[%dma_wait3A_283, %arg0, %add3A_282, %dma_wait3A_284] : memref<3x2x10240x128xf32, #tpu.memory_space<hbm>> -> memref<1x1x32x128xf32, #tpu.memory_space<hbm>>
      %dma_wait3A_286 = tpu.memref_squeeze %dma_wait3A_285 : memref<1x1x32x128xf32, #tpu.memory_space<hbm>> -> memref<32x128xf32, #tpu.memory_space<hbm>>
      %dma_wait3A_287 = arith.constant 0 : i32
      %dma_wait3A_288 = tpu.memref_slice %arg9[%add3A_279, %dma_wait3A_287] : memref<10240x128xf32, #tpu.memory_space<vmem_shared>> -> memref<32x128xf32, #tpu.memory_space<vmem_shared>>
      tpu.wait_dma2 semaphore(%arg20 : memref<!tpu.dma_semaphore, #tpu.memory_space<semaphore_mem>>) src(%dma_wait3A_288 : memref<32x128xf32, #tpu.memory_space<vmem_shared>>) dst(%dma_wait3A_286 : memref<32x128xf32, #tpu.memory_space<hbm>>)
      %mul3A_289 = arith.constant 32 : i32
      %mul3A_290 = arith.muli %add3A_255, %mul3A_289 : i32
      %add3A_291 = arith.addi %mul3A_29, %mul3A_290 : i32
      "tpu.region"() ({
        %run_scoped3A_299 = tpu.sem_alloc : memref<!tpu.dma_semaphore, #tpu.memory_space<semaphore_mem>>
        %dma_start3A_300 = arith.constant 0 : i32
        %dma_start3A_301 = tpu.memref_slice %arg9[%add3A_291, %dma_start3A_300] : memref<10240x128xf32, #tpu.memory_space<vmem_shared>> -> memref<32x128xf32, #tpu.memory_space<vmem_shared>>
        %dma_start3A_302 = arith.constant 0 : i32
        %dma_start3A_303 = tpu.memref_slice %arg9[%add3A_291, %dma_start3A_302] : memref<10240x128xf32, #tpu.memory_space<vmem_shared>> -> memref<32x128xf32, #tpu.memory_space<vmem_shared>>
        tpu.enqueue_dma source(%arg17 : memref<32x128xf32, #tpu.memory_space<vmem>>) target(%dma_start3A_303 : memref<32x128xf32, #tpu.memory_space<vmem_shared>>) target_semaphore(%run_scoped3A_299 : memref<!tpu.dma_semaphore, #tpu.memory_space<semaphore_mem>>)
        %dma_wait3A_304 = arith.constant 0 : i32
        %dma_wait3A_305 = tpu.memref_slice %arg9[%add3A_291, %dma_wait3A_304] : memref<10240x128xf32, #tpu.memory_space<vmem_shared>> -> memref<32x128xf32, #tpu.memory_space<vmem_shared>>
        %dma_wait3A_306 = arith.constant 0 : i32
        %dma_wait3A_307 = tpu.memref_slice %arg9[%add3A_291, %dma_wait3A_306] : memref<10240x128xf32, #tpu.memory_space<vmem_shared>> -> memref<32x128xf32, #tpu.memory_space<vmem_shared>>
        tpu.wait_dma2 semaphore(%run_scoped3A_299 : memref<!tpu.dma_semaphore, #tpu.memory_space<semaphore_mem>>) src(%arg17 : memref<32x128xf32, #tpu.memory_space<vmem>>) dst(%dma_wait3A_307 : memref<32x128xf32, #tpu.memory_space<vmem_shared>>)
        tpu.yield
      }) : () -> ()
      %add3A_292 = arith.constant 2 : i32
      %add3A_293 = arith.addi %add3A_255, %add3A_292 : i32
      %lt3A_294 = arith.constant 20 : i32
      %lt3A_295 = arith.cmpi slt, %add3A_293, %lt3A_294 : i32
      %convert_element_type3A_296 = arith.extui %lt3A_295 : i1 to i32
      %cond3A_297 = arith.constant 0 : i32
      %cond3A_298 = arith.cmpi ne, %convert_element_type3A_296, %cond3A_297 : i32
      scf.if %cond3A_298 {
        %add3A_299 = arith.constant 2 : i32
        %add3A_300 = arith.addi %add3A_255, %add3A_299 : i32
        %mul3A_301 = arith.constant 32 : i32
        %mul3A_302 = arith.muli %add3A_300, %mul3A_301 : i32
        %add3A_303 = arith.addi %mul3A_29, %mul3A_302 : i32
        %mul3A_304 = arith.constant 32 : i32
        %mul3A_305 = arith.muli %add3A_300, %mul3A_304 : i32
        %add3A_306 = arith.addi %mul3A_29, %mul3A_305 : i32
        %dma_start3A_307 = arith.constant 1 : i32
        %dma_start3A_308 = arith.constant 0 : i32
        %dma_start3A_309 = tpu.memref_slice %arg7[%dma_start3A_307, %arg0, %add3A_306, %dma_start3A_308] : memref<3x2x10240x128xf32, #tpu.memory_space<hbm>> -> memref<1x1x32x128xf32, #tpu.memory_space<hbm>>
        %dma_start3A_310 = tpu.memref_squeeze %dma_start3A_309 : memref<1x1x32x128xf32, #tpu.memory_space<hbm>> -> memref<32x128xf32, #tpu.memory_space<hbm>>
        %dma_start3A_311 = arith.constant 0 : i32
        %dma_start3A_312 = tpu.memref_slice %arg9[%add3A_303, %dma_start3A_311] : memref<10240x128xf32, #tpu.memory_space<vmem_shared>> -> memref<32x128xf32, #tpu.memory_space<vmem_shared>>
        tpu.enqueue_dma source(%dma_start3A_312 : memref<32x128xf32, #tpu.memory_space<vmem_shared>>) target(%dma_start3A_310 : memref<32x128xf32, #tpu.memory_space<hbm>>) target_semaphore(%arg20 : memref<!tpu.dma_semaphore, #tpu.memory_space<semaphore_mem>>)
      } else {
      }
    }
    %scan3A_170 = arith.constant 10 : i32
    %lt3A_171 = arith.constant 5 : i32
    %lt3A_172 = arith.cmpi slt, %arg1, %lt3A_171 : i32
    %convert_element_type3A_173 = arith.extui %lt3A_172 : i1 to i32
    %cond3A_174 = arith.constant 0 : i32
    %cond3A_175 = arith.cmpi ne, %convert_element_type3A_173, %cond3A_174 : i32
    scf.if %cond3A_175 {
      %mul3A_247 = arith.constant 128 : i32
      %mul3A_248 = arith.muli %arg1, %mul3A_247 : i32
      %mul3A_249 = arith.constant 128 : i32
      %mul3A_250 = arith.muli %arg1, %mul3A_249 : i32
      %run_scoped3A_251 = arith.constant 1 : i32
      "tpu.region"() ({
        %run_scoped3A_254 = tpu.sem_alloc : memref<!tpu.dma_semaphore, #tpu.memory_space<semaphore_mem>>
        %dma_start3A_255 = arith.constant 0 : i32
        %dma_start3A_256 = tpu.memref_slice %arg8[%run_scoped3A_251, %arg0, %mul3A_250, %dma_start3A_255] : memref<3x2x640x16xf32, #tpu.memory_space<hbm>> -> memref<1x1x128x16xf32, #tpu.memory_space<hbm>>
        %dma_start3A_257 = tpu.memref_squeeze %dma_start3A_256 : memref<1x1x128x16xf32, #tpu.memory_space<hbm>> -> memref<128x16xf32, #tpu.memory_space<hbm>>
        %dma_start3A_258 = arith.constant 0 : i32
        %dma_start3A_259 = tpu.memref_slice %arg10[%mul3A_248, %dma_start3A_258] : memref<640x16xf32, #tpu.memory_space<vmem_shared>> -> memref<128x16xf32, #tpu.memory_space<vmem_shared>>
        tpu.enqueue_dma source(%dma_start3A_259 : memref<128x16xf32, #tpu.memory_space<vmem_shared>>) target(%dma_start3A_257 : memref<128x16xf32, #tpu.memory_space<hbm>>) target_semaphore(%run_scoped3A_254 : memref<!tpu.dma_semaphore, #tpu.memory_space<semaphore_mem>>)
        %dma_wait3A = arith.constant 0 : i32
        %dma_wait3A_260 = tpu.memref_slice %arg8[%run_scoped3A_251, %arg0, %mul3A_250, %dma_wait3A] : memref<3x2x640x16xf32, #tpu.memory_space<hbm>> -> memref<1x1x128x16xf32, #tpu.memory_space<hbm>>
        %dma_wait3A_261 = tpu.memref_squeeze %dma_wait3A_260 : memref<1x1x128x16xf32, #tpu.memory_space<hbm>> -> memref<128x16xf32, #tpu.memory_space<hbm>>
        %dma_wait3A_262 = arith.constant 0 : i32
        %dma_wait3A_263 = tpu.memref_slice %arg10[%mul3A_248, %dma_wait3A_262] : memref<640x16xf32, #tpu.memory_space<vmem_shared>> -> memref<128x16xf32, #tpu.memory_space<vmem_shared>>
        tpu.wait_dma2 semaphore(%run_scoped3A_254 : memref<!tpu.dma_semaphore, #tpu.memory_space<semaphore_mem>>) src(%dma_wait3A_263 : memref<128x16xf32, #tpu.memory_space<vmem_shared>>) dst(%dma_wait3A_261 : memref<128x16xf32, #tpu.memory_space<hbm>>)
        tpu.yield
      }) : () -> ()
      %mul3A_252 = arith.constant 128 : i32
      %mul3A_253 = arith.muli %arg1, %mul3A_252 : i32
      "tpu.region"() ({
        %run_scoped3A_254 = tpu.sem_alloc : memref<!tpu.dma_semaphore, #tpu.memory_space<semaphore_mem>>
        %dma_start3A_255 = arith.constant 0 : i32
        %dma_start3A_256 = tpu.memref_slice %arg10[%mul3A_253, %dma_start3A_255] : memref<640x16xf32, #tpu.memory_space<vmem_shared>> -> memref<128x16xf32, #tpu.memory_space<vmem_shared>>
        %dma_start3A_257 = arith.constant 0 : i32
        %dma_start3A_258 = tpu.memref_slice %arg10[%mul3A_253, %dma_start3A_257] : memref<640x16xf32, #tpu.memory_space<vmem_shared>> -> memref<128x16xf32, #tpu.memory_space<vmem_shared>>
        tpu.enqueue_dma source(%arg18 : memref<128x16xf32, #tpu.memory_space<vmem>>) target(%dma_start3A_258 : memref<128x16xf32, #tpu.memory_space<vmem_shared>>) target_semaphore(%run_scoped3A_254 : memref<!tpu.dma_semaphore, #tpu.memory_space<semaphore_mem>>)
        %dma_wait3A = arith.constant 0 : i32
        %dma_wait3A_259 = tpu.memref_slice %arg10[%mul3A_253, %dma_wait3A] : memref<640x16xf32, #tpu.memory_space<vmem_shared>> -> memref<128x16xf32, #tpu.memory_space<vmem_shared>>
        %dma_wait3A_260 = arith.constant 0 : i32
        %dma_wait3A_261 = tpu.memref_slice %arg10[%mul3A_253, %dma_wait3A_260] : memref<640x16xf32, #tpu.memory_space<vmem_shared>> -> memref<128x16xf32, #tpu.memory_space<vmem_shared>>
        tpu.wait_dma2 semaphore(%run_scoped3A_254 : memref<!tpu.dma_semaphore, #tpu.memory_space<semaphore_mem>>) src(%arg18 : memref<128x16xf32, #tpu.memory_space<vmem>>) dst(%dma_wait3A_261 : memref<128x16xf32, #tpu.memory_space<vmem_shared>>)
        tpu.yield
      }) : () -> ()
    } else {
    }
    %scan3A_176 = arith.constant 0 : i32
    %scan3A_177 = arith.constant 640 : i32
    %scan3A_178 = arith.addi %scan3A_176, %scan3A_177 : i32
    %scan3A_179 = arith.constant 1 : i32
    scf.for %scan3A_247 = %scan3A_176 to %scan3A_178 step %scan3A_179  : i32 {
      %mul3A_248 = arith.constant 1 : i32
      %mul3A_249 = arith.muli %scan3A_247, %mul3A_248 : i32
      %add3A_250 = arith.constant 0 : i32
      %add3A_251 = arith.addi %add3A_250, %mul3A_249 : i32
      %swap3A = arith.index_cast %add3A_251 : i32 to index
      %swap3A_252 = arith.constant 0 : index
      %swap3A_253 = tpu.vector_load %arg15[%swap3A, %swap3A_252] {strides = array<i32>} : memref<640x16xf32, #tpu.memory_space<vmem>>, vector<16xf32>,
      tpu.vector_store %arg15[%swap3A, %swap3A_252], %broadcast_in_dim3A_0 {strides = array<i32>} : memref<640x16xf32, #tpu.memory_space<vmem>>, vector<16xf32>,
    }
    %scan3A_180 = arith.constant 640 : i32
    %run_scoped3A_181 = arith.constant 0 : i32
    "tpu.region"() ({
      %run_scoped3A_247 = tpu.sem_alloc : memref<!tpu.dma_semaphore, #tpu.memory_space<semaphore_mem>>
      %dma_start3A_248 = arith.constant 0 : i32
      %dma_start3A_249 = arith.constant 0 : i32
      %dma_start3A_250 = tpu.memref_slice %arg11[%dma_start3A_248, %dma_start3A_249] : memref<63x80xi32, #tpu.memory_space<vmem>> -> memref<62x80xi32, #tpu.memory_space<vmem>>
      %dma_start3A_251 = arith.constant 0 : i32
      %dma_start3A_252 = arith.constant 0 : i32
      %dma_start3A_253 = tpu.memref_slice %arg6[%run_scoped3A_181, %dma_start3A_251, %dma_start3A_252] : memref<2x2000x80xi32, #tpu.memory_space<hbm>> -> memref<1x2000x80xi32, #tpu.memory_space<hbm>>
      %dma_start3A_254 = tpu.memref_squeeze %dma_start3A_253 : memref<1x2000x80xi32, #tpu.memory_space<hbm>> -> memref<2000x80xi32, #tpu.memory_space<hbm>>
      %dma_start3A_255 = arith.constant 0 : i32
      %dma_start3A_256 = tpu.memref_slice %dma_start3A_254[%add3A, %dma_start3A_255] : memref<2000x80xi32, #tpu.memory_space<hbm>> -> memref<62x80xi32, #tpu.memory_space<hbm>>
      %dma_start3A_257 = arith.constant 0 : i32
      %dma_start3A_258 = arith.constant 0 : i32
      %dma_start3A_259 = tpu.memref_slice %arg11[%dma_start3A_257, %dma_start3A_258] : memref<63x80xi32, #tpu.memory_space<vmem>> -> memref<62x80xi32, #tpu.memory_space<vmem>>
      %dma_start3A_260 = arith.constant 0 : i32
      %dma_start3A_261 = arith.constant 0 : i32
      %dma_start3A_262 = tpu.memref_slice %arg6[%run_scoped3A_181, %dma_start3A_260, %dma_start3A_261] : memref<2x2000x80xi32, #tpu.memory_space<hbm>> -> memref<1x2000x80xi32, #tpu.memory_space<hbm>>
      %dma_start3A_263 = tpu.memref_squeeze %dma_start3A_262 : memref<1x2000x80xi32, #tpu.memory_space<hbm>> -> memref<2000x80xi32, #tpu.memory_space<hbm>>
      %dma_start3A_264 = arith.constant 0 : i32
      %dma_start3A_265 = tpu.memref_slice %dma_start3A_263[%add3A, %dma_start3A_264] : memref<2000x80xi32, #tpu.memory_space<hbm>> -> memref<62x80xi32, #tpu.memory_space<hbm>>
      tpu.enqueue_dma source(%dma_start3A_265 : memref<62x80xi32, #tpu.memory_space<hbm>>) target(%dma_start3A_259 : memref<62x80xi32, #tpu.memory_space<vmem>>) target_semaphore(%run_scoped3A_247 : memref<!tpu.dma_semaphore, #tpu.memory_space<semaphore_mem>>)
      %dma_wait3A = arith.constant 0 : i32
      %dma_wait3A_266 = arith.constant 0 : i32
      %dma_wait3A_267 = tpu.memref_slice %arg11[%dma_wait3A, %dma_wait3A_266] : memref<63x80xi32, #tpu.memory_space<vmem>> -> memref<62x80xi32, #tpu.memory_space<vmem>>
      %dma_wait3A_268 = arith.constant 0 : i32
      %dma_wait3A_269 = arith.constant 0 : i32
      %dma_wait3A_270 = tpu.memref_slice %arg6[%run_scoped3A_181, %dma_wait3A_268, %dma_wait3A_269] : memref<2x2000x80xi32, #tpu.memory_space<hbm>> -> memref<1x2000x80xi32, #tpu.memory_space<hbm>>
      %dma_wait3A_271 = tpu.memref_squeeze %dma_wait3A_270 : memref<1x2000x80xi32, #tpu.memory_space<hbm>> -> memref<2000x80xi32, #tpu.memory_space<hbm>>
      %dma_wait3A_272 = arith.constant 0 : i32
      %dma_wait3A_273 = tpu.memref_slice %dma_wait3A_271[%add3A, %dma_wait3A_272] : memref<2000x80xi32, #tpu.memory_space<hbm>> -> memref<62x80xi32, #tpu.memory_space<hbm>>
      %dma_wait3A_274 = arith.constant 0 : i32
      %dma_wait3A_275 = arith.constant 0 : i32
      %dma_wait3A_276 = tpu.memref_slice %arg11[%dma_wait3A_274, %dma_wait3A_275] : memref<63x80xi32, #tpu.memory_space<vmem>> -> memref<62x80xi32, #tpu.memory_space<vmem>>
      %dma_wait3A_277 = arith.constant 0 : i32
      %dma_wait3A_278 = arith.constant 0 : i32
      %dma_wait3A_279 = tpu.memref_slice %arg6[%run_scoped3A_181, %dma_wait3A_277, %dma_wait3A_278] : memref<2x2000x80xi32, #tpu.memory_space<hbm>> -> memref<1x2000x80xi32, #tpu.memory_space<hbm>>
      %dma_wait3A_280 = tpu.memref_squeeze %dma_wait3A_279 : memref<1x2000x80xi32, #tpu.memory_space<hbm>> -> memref<2000x80xi32, #tpu.memory_space<hbm>>
      %dma_wait3A_281 = arith.constant 0 : i32
      %dma_wait3A_282 = tpu.memref_slice %dma_wait3A_280[%add3A, %dma_wait3A_281] : memref<2000x80xi32, #tpu.memory_space<hbm>> -> memref<62x80xi32, #tpu.memory_space<hbm>>
      tpu.wait_dma2 semaphore(%run_scoped3A_247 : memref<!tpu.dma_semaphore, #tpu.memory_space<semaphore_mem>>) src(%dma_wait3A_282 : memref<62x80xi32, #tpu.memory_space<hbm>>) dst(%dma_wait3A_276 : memref<62x80xi32, #tpu.memory_space<vmem>>)
      tpu.yield
    }) : () -> ()
    %run_scoped3A_182 = arith.constant 1 : i32
    "tpu.region"() ({
      %run_scoped3A_247 = tpu.sem_alloc : memref<!tpu.dma_semaphore, #tpu.memory_space<semaphore_mem>>
      %dma_start3A_248 = arith.constant 0 : i32
      %dma_start3A_249 = arith.constant 0 : i32
      %dma_start3A_250 = tpu.memref_slice %arg12[%dma_start3A_248, %dma_start3A_249] : memref<63x80xi32, #tpu.memory_space<vmem>> -> memref<62x80xi32, #tpu.memory_space<vmem>>
      %dma_start3A_251 = arith.constant 0 : i32
      %dma_start3A_252 = arith.constant 0 : i32
      %dma_start3A_253 = tpu.memref_slice %arg6[%run_scoped3A_182, %dma_start3A_251, %dma_start3A_252] : memref<2x2000x80xi32, #tpu.memory_space<hbm>> -> memref<1x2000x80xi32, #tpu.memory_space<hbm>>
      %dma_start3A_254 = tpu.memref_squeeze %dma_start3A_253 : memref<1x2000x80xi32, #tpu.memory_space<hbm>> -> memref<2000x80xi32, #tpu.memory_space<hbm>>
      %dma_start3A_255 = arith.constant 0 : i32
      %dma_start3A_256 = tpu.memref_slice %dma_start3A_254[%add3A, %dma_start3A_255] : memref<2000x80xi32, #tpu.memory_space<hbm>> -> memref<62x80xi32, #tpu.memory_space<hbm>>
      %dma_start3A_257 = arith.constant 0 : i32
      %dma_start3A_258 = arith.constant 0 : i32
      %dma_start3A_259 = tpu.memref_slice %arg12[%dma_start3A_257, %dma_start3A_258] : memref<63x80xi32, #tpu.memory_space<vmem>> -> memref<62x80xi32, #tpu.memory_space<vmem>>
      %dma_start3A_260 = arith.constant 0 : i32
      %dma_start3A_261 = arith.constant 0 : i32
      %dma_start3A_262 = tpu.memref_slice %arg6[%run_scoped3A_182, %dma_start3A_260, %dma_start3A_261] : memref<2x2000x80xi32, #tpu.memory_space<hbm>> -> memref<1x2000x80xi32, #tpu.memory_space<hbm>>
      %dma_start3A_263 = tpu.memref_squeeze %dma_start3A_262 : memref<1x2000x80xi32, #tpu.memory_space<hbm>> -> memref<2000x80xi32, #tpu.memory_space<hbm>>
      %dma_start3A_264 = arith.constant 0 : i32
      %dma_start3A_265 = tpu.memref_slice %dma_start3A_263[%add3A, %dma_start3A_264] : memref<2000x80xi32, #tpu.memory_space<hbm>> -> memref<62x80xi32, #tpu.memory_space<hbm>>
      tpu.enqueue_dma source(%dma_start3A_265 : memref<62x80xi32, #tpu.memory_space<hbm>>) target(%dma_start3A_259 : memref<62x80xi32, #tpu.memory_space<vmem>>) target_semaphore(%run_scoped3A_247 : memref<!tpu.dma_semaphore, #tpu.memory_space<semaphore_mem>>)
      %dma_wait3A = arith.constant 0 : i32
      %dma_wait3A_266 = arith.constant 0 : i32
      %dma_wait3A_267 = tpu.memref_slice %arg12[%dma_wait3A, %dma_wait3A_266] : memref<63x80xi32, #tpu.memory_space<vmem>> -> memref<62x80xi32, #tpu.memory_space<vmem>>
      %dma_wait3A_268 = arith.constant 0 : i32
      %dma_wait3A_269 = arith.constant 0 : i32
      %dma_wait3A_270 = tpu.memref_slice %arg6[%run_scoped3A_182, %dma_wait3A_268, %dma_wait3A_269] : memref<2x2000x80xi32, #tpu.memory_space<hbm>> -> memref<1x2000x80xi32, #tpu.memory_space<hbm>>
      %dma_wait3A_271 = tpu.memref_squeeze %dma_wait3A_270 : memref<1x2000x80xi32, #tpu.memory_space<hbm>> -> memref<2000x80xi32, #tpu.memory_space<hbm>>
      %dma_wait3A_272 = arith.constant 0 : i32
      %dma_wait3A_273 = tpu.memref_slice %dma_wait3A_271[%add3A, %dma_wait3A_272] : memref<2000x80xi32, #tpu.memory_space<hbm>> -> memref<62x80xi32, #tpu.memory_space<hbm>>
      %dma_wait3A_274 = arith.constant 0 : i32
      %dma_wait3A_275 = arith.constant 0 : i32
      %dma_wait3A_276 = tpu.memref_slice %arg12[%dma_wait3A_274, %dma_wait3A_275] : memref<63x80xi32, #tpu.memory_space<vmem>> -> memref<62x80xi32, #tpu.memory_space<vmem>>
      %dma_wait3A_277 = arith.constant 0 : i32
      %dma_wait3A_278 = arith.constant 0 : i32
      %dma_wait3A_279 = tpu.memref_slice %arg6[%run_scoped3A_182, %dma_wait3A_277, %dma_wait3A_278] : memref<2x2000x80xi32, #tpu.memory_space<hbm>> -> memref<1x2000x80xi32, #tpu.memory_space<hbm>>
      %dma_wait3A_280 = tpu.memref_squeeze %dma_wait3A_279 : memref<1x2000x80xi32, #tpu.memory_space<hbm>> -> memref<2000x80xi32, #tpu.memory_space<hbm>>
      %dma_wait3A_281 = arith.constant 0 : i32
      %dma_wait3A_282 = tpu.memref_slice %dma_wait3A_280[%add3A, %dma_wait3A_281] : memref<2000x80xi32, #tpu.memory_space<hbm>> -> memref<62x80xi32, #tpu.memory_space<hbm>>
      tpu.wait_dma2 semaphore(%run_scoped3A_247 : memref<!tpu.dma_semaphore, #tpu.memory_space<semaphore_mem>>) src(%dma_wait3A_282 : memref<62x80xi32, #tpu.memory_space<hbm>>) dst(%dma_wait3A_276 : memref<62x80xi32, #tpu.memory_space<vmem>>)
      tpu.yield
    }) : () -> ()
    %convert_element_type3A_183 = arith.extui %ge3A_17 : i1 to i32
    %cond3A_184 = arith.constant 0 : i32
    %cond3A_185 = arith.constant 1 : i32
    %cond3A_186 = arith.constant 0 : i32
    %cond3A_187 = arith.cmpi ne, %convert_element_type3A_183, %cond3A_186 : i32
    scf.if %cond3A_187 {
      "tpu.region"() ({
        %run_scoped3A_247 = tpu.sem_alloc : memref<!tpu.dma_semaphore, #tpu.memory_space<semaphore_mem>>
        %dma_start3A_248 = arith.constant 62 : i32
        %dma_start3A_249 = arith.constant 0 : i32
        %dma_start3A_250 = tpu.memref_slice %arg11[%dma_start3A_248, %dma_start3A_249] : memref<63x80xi32, #tpu.memory_space<vmem>> -> memref<1x80xi32, #tpu.memory_space<vmem>>
        %dma_start3A_251 = arith.constant 0 : i32
        %dma_start3A_252 = arith.constant 0 : i32
        %dma_start3A_253 = tpu.memref_slice %arg6[%cond3A_184, %dma_start3A_251, %dma_start3A_252] : memref<2x2000x80xi32, #tpu.memory_space<hbm>> -> memref<1x2000x80xi32, #tpu.memory_space<hbm>>
        %dma_start3A_254 = tpu.memref_squeeze %dma_start3A_253 : memref<1x2000x80xi32, #tpu.memory_space<hbm>> -> memref<2000x80xi32, #tpu.memory_space<hbm>>
        %dma_start3A_255 = arith.constant 0 : i32
        %dma_start3A_256 = tpu.memref_slice %dma_start3A_254[%add3A_27, %dma_start3A_255] : memref<2000x80xi32, #tpu.memory_space<hbm>> -> memref<1x80xi32, #tpu.memory_space<hbm>>
        %dma_start3A_257 = arith.constant 62 : i32
        %dma_start3A_258 = arith.constant 0 : i32
        %dma_start3A_259 = tpu.memref_slice %arg11[%dma_start3A_257, %dma_start3A_258] : memref<63x80xi32, #tpu.memory_space<vmem>> -> memref<1x80xi32, #tpu.memory_space<vmem>>
        %dma_start3A_260 = arith.constant 0 : i32
        %dma_start3A_261 = arith.constant 0 : i32
        %dma_start3A_262 = tpu.memref_slice %arg6[%cond3A_184, %dma_start3A_260, %dma_start3A_261] : memref<2x2000x80xi32, #tpu.memory_space<hbm>> -> memref<1x2000x80xi32, #tpu.memory_space<hbm>>
        %dma_start3A_263 = tpu.memref_squeeze %dma_start3A_262 : memref<1x2000x80xi32, #tpu.memory_space<hbm>> -> memref<2000x80xi32, #tpu.memory_space<hbm>>
        %dma_start3A_264 = arith.constant 0 : i32
        %dma_start3A_265 = tpu.memref_slice %dma_start3A_263[%add3A_27, %dma_start3A_264] : memref<2000x80xi32, #tpu.memory_space<hbm>> -> memref<1x80xi32, #tpu.memory_space<hbm>>
        tpu.enqueue_dma source(%dma_start3A_265 : memref<1x80xi32, #tpu.memory_space<hbm>>) target(%dma_start3A_259 : memref<1x80xi32, #tpu.memory_space<vmem>>) target_semaphore(%run_scoped3A_247 : memref<!tpu.dma_semaphore, #tpu.memory_space<semaphore_mem>>)
        %dma_wait3A = arith.constant 62 : i32
        %dma_wait3A_266 = arith.constant 0 : i32
        %dma_wait3A_267 = tpu.memref_slice %arg11[%dma_wait3A, %dma_wait3A_266] : memref<63x80xi32, #tpu.memory_space<vmem>> -> memref<1x80xi32, #tpu.memory_space<vmem>>
        %dma_wait3A_268 = arith.constant 0 : i32
        %dma_wait3A_269 = arith.constant 0 : i32
        %dma_wait3A_270 = tpu.memref_slice %arg6[%cond3A_184, %dma_wait3A_268, %dma_wait3A_269] : memref<2x2000x80xi32, #tpu.memory_space<hbm>> -> memref<1x2000x80xi32, #tpu.memory_space<hbm>>
        %dma_wait3A_271 = tpu.memref_squeeze %dma_wait3A_270 : memref<1x2000x80xi32, #tpu.memory_space<hbm>> -> memref<2000x80xi32, #tpu.memory_space<hbm>>
        %dma_wait3A_272 = arith.constant 0 : i32
        %dma_wait3A_273 = tpu.memref_slice %dma_wait3A_271[%add3A_27, %dma_wait3A_272] : memref<2000x80xi32, #tpu.memory_space<hbm>> -> memref<1x80xi32, #tpu.memory_space<hbm>>
        %dma_wait3A_274 = arith.constant 62 : i32
        %dma_wait3A_275 = arith.constant 0 : i32
        %dma_wait3A_276 = tpu.memref_slice %arg11[%dma_wait3A_274, %dma_wait3A_275] : memref<63x80xi32, #tpu.memory_space<vmem>> -> memref<1x80xi32, #tpu.memory_space<vmem>>
        %dma_wait3A_277 = arith.constant 0 : i32
        %dma_wait3A_278 = arith.constant 0 : i32
        %dma_wait3A_279 = tpu.memref_slice %arg6[%cond3A_184, %dma_wait3A_277, %dma_wait3A_278] : memref<2x2000x80xi32, #tpu.memory_space<hbm>> -> memref<1x2000x80xi32, #tpu.memory_space<hbm>>
        %dma_wait3A_280 = tpu.memref_squeeze %dma_wait3A_279 : memref<1x2000x80xi32, #tpu.memory_space<hbm>> -> memref<2000x80xi32, #tpu.memory_space<hbm>>
        %dma_wait3A_281 = arith.constant 0 : i32
        %dma_wait3A_282 = tpu.memref_slice %dma_wait3A_280[%add3A_27, %dma_wait3A_281] : memref<2000x80xi32, #tpu.memory_space<hbm>> -> memref<1x80xi32, #tpu.memory_space<hbm>>
        tpu.wait_dma2 semaphore(%run_scoped3A_247 : memref<!tpu.dma_semaphore, #tpu.memory_space<semaphore_mem>>) src(%dma_wait3A_282 : memref<1x80xi32, #tpu.memory_space<hbm>>) dst(%dma_wait3A_276 : memref<1x80xi32, #tpu.memory_space<vmem>>)
        tpu.yield
      }) : () -> ()
      "tpu.region"() ({
        %run_scoped3A_247 = tpu.sem_alloc : memref<!tpu.dma_semaphore, #tpu.memory_space<semaphore_mem>>
        %dma_start3A_248 = arith.constant 62 : i32
        %dma_start3A_249 = arith.constant 0 : i32
        %dma_start3A_250 = tpu.memref_slice %arg12[%dma_start3A_248, %dma_start3A_249] : memref<63x80xi32, #tpu.memory_space<vmem>> -> memref<1x80xi32, #tpu.memory_space<vmem>>
        %dma_start3A_251 = arith.constant 0 : i32
        %dma_start3A_252 = arith.constant 0 : i32
        %dma_start3A_253 = tpu.memref_slice %arg6[%cond3A_185, %dma_start3A_251, %dma_start3A_252] : memref<2x2000x80xi32, #tpu.memory_space<hbm>> -> memref<1x2000x80xi32, #tpu.memory_space<hbm>>
        %dma_start3A_254 = tpu.memref_squeeze %dma_start3A_253 : memref<1x2000x80xi32, #tpu.memory_space<hbm>> -> memref<2000x80xi32, #tpu.memory_space<hbm>>
        %dma_start3A_255 = arith.constant 0 : i32
        %dma_start3A_256 = tpu.memref_slice %dma_start3A_254[%add3A_27, %dma_start3A_255] : memref<2000x80xi32, #tpu.memory_space<hbm>> -> memref<1x80xi32, #tpu.memory_space<hbm>>
        %dma_start3A_257 = arith.constant 62 : i32
        %dma_start3A_258 = arith.constant 0 : i32
        %dma_start3A_259 = tpu.memref_slice %arg12[%dma_start3A_257, %dma_start3A_258] : memref<63x80xi32, #tpu.memory_space<vmem>> -> memref<1x80xi32, #tpu.memory_space<vmem>>
        %dma_start3A_260 = arith.constant 0 : i32
        %dma_start3A_261 = arith.constant 0 : i32
        %dma_start3A_262 = tpu.memref_slice %arg6[%cond3A_185, %dma_start3A_260, %dma_start3A_261] : memref<2x2000x80xi32, #tpu.memory_space<hbm>> -> memref<1x2000x80xi32, #tpu.memory_space<hbm>>
        %dma_start3A_263 = tpu.memref_squeeze %dma_start3A_262 : memref<1x2000x80xi32, #tpu.memory_space<hbm>> -> memref<2000x80xi32, #tpu.memory_space<hbm>>
        %dma_start3A_264 = arith.constant 0 : i32
        %dma_start3A_265 = tpu.memref_slice %dma_start3A_263[%add3A_27, %dma_start3A_264] : memref<2000x80xi32, #tpu.memory_space<hbm>> -> memref<1x80xi32, #tpu.memory_space<hbm>>
        tpu.enqueue_dma source(%dma_start3A_265 : memref<1x80xi32, #tpu.memory_space<hbm>>) target(%dma_start3A_259 : memref<1x80xi32, #tpu.memory_space<vmem>>) target_semaphore(%run_scoped3A_247 : memref<!tpu.dma_semaphore, #tpu.memory_space<semaphore_mem>>)
        %dma_wait3A = arith.constant 62 : i32
        %dma_wait3A_266 = arith.constant 0 : i32
        %dma_wait3A_267 = tpu.memref_slice %arg12[%dma_wait3A, %dma_wait3A_266] : memref<63x80xi32, #tpu.memory_space<vmem>> -> memref<1x80xi32, #tpu.memory_space<vmem>>
        %dma_wait3A_268 = arith.constant 0 : i32
        %dma_wait3A_269 = arith.constant 0 : i32
        %dma_wait3A_270 = tpu.memref_slice %arg6[%cond3A_185, %dma_wait3A_268, %dma_wait3A_269] : memref<2x2000x80xi32, #tpu.memory_space<hbm>> -> memref<1x2000x80xi32, #tpu.memory_space<hbm>>
        %dma_wait3A_271 = tpu.memref_squeeze %dma_wait3A_270 : memref<1x2000x80xi32, #tpu.memory_space<hbm>> -> memref<2000x80xi32, #tpu.memory_space<hbm>>
        %dma_wait3A_272 = arith.constant 0 : i32
        %dma_wait3A_273 = tpu.memref_slice %dma_wait3A_271[%add3A_27, %dma_wait3A_272] : memref<2000x80xi32, #tpu.memory_space<hbm>> -> memref<1x80xi32, #tpu.memory_space<hbm>>
        %dma_wait3A_274 = arith.constant 62 : i32
        %dma_wait3A_275 = arith.constant 0 : i32
        %dma_wait3A_276 = tpu.memref_slice %arg12[%dma_wait3A_274, %dma_wait3A_275] : memref<63x80xi32, #tpu.memory_space<vmem>> -> memref<1x80xi32, #tpu.memory_space<vmem>>
        %dma_wait3A_277 = arith.constant 0 : i32
        %dma_wait3A_278 = arith.constant 0 : i32
        %dma_wait3A_279 = tpu.memref_slice %arg6[%cond3A_185, %dma_wait3A_277, %dma_wait3A_278] : memref<2x2000x80xi32, #tpu.memory_space<hbm>> -> memref<1x2000x80xi32, #tpu.memory_space<hbm>>
        %dma_wait3A_280 = tpu.memref_squeeze %dma_wait3A_279 : memref<1x2000x80xi32, #tpu.memory_space<hbm>> -> memref<2000x80xi32, #tpu.memory_space<hbm>>
        %dma_wait3A_281 = arith.constant 0 : i32
        %dma_wait3A_282 = tpu.memref_slice %dma_wait3A_280[%add3A_27, %dma_wait3A_281] : memref<2000x80xi32, #tpu.memory_space<hbm>> -> memref<1x80xi32, #tpu.memory_space<hbm>>
        tpu.wait_dma2 semaphore(%run_scoped3A_247 : memref<!tpu.dma_semaphore, #tpu.memory_space<semaphore_mem>>) src(%dma_wait3A_282 : memref<1x80xi32, #tpu.memory_space<hbm>>) dst(%dma_wait3A_276 : memref<1x80xi32, #tpu.memory_space<vmem>>)
        tpu.yield
      }) : () -> ()
    } else {
    }
    %dma_start3A_188 = arith.constant 0 : i32
    %dma_start3A_189 = arith.constant 0 : i32
    %dma_start3A_190 = tpu.memref_slice %arg11[%dma_start3A_188, %dma_start3A_189] : memref<63x80xi32, #tpu.memory_space<vmem>> -> memref<1x80xi32, #tpu.memory_space<vmem>>
    %dma_start3A_191 = tpu.memref_squeeze %dma_start3A_190 : memref<1x80xi32, #tpu.memory_space<vmem>> -> memref<80xi32, #tpu.memory_space<vmem>>
    %dma_start3A_192 = arith.constant 0 : i32
    %dma_start3A_193 = arith.constant 0 : i32
    %dma_start3A_194 = tpu.memref_slice %arg2[%dma_start3A_192, %dma_start3A_193] : memref<10000x128xf32, #tpu.memory_space<hbm>> -> memref<10000x128xf32, #tpu.memory_space<hbm>>
    tpu.enqueue_indirect_dma source(%dma_start3A_194 : memref<10000x128xf32, #tpu.memory_space<hbm>>) target(%arg13 : memref<80x128xf32, #tpu.memory_space<vmem>>) offsets(%dma_start3A_191 : memref<80xi32, #tpu.memory_space<vmem>>) semaphore(%arg19 : memref<!tpu.dma_semaphore, #tpu.memory_space<semaphore_mem>>)
    %dma_start3A_195 = arith.constant 1 : i32
    %dma_start3A_196 = arith.constant 0 : i32
    %dma_start3A_197 = tpu.memref_slice %arg11[%dma_start3A_195, %dma_start3A_196] : memref<63x80xi32, #tpu.memory_space<vmem>> -> memref<1x80xi32, #tpu.memory_space<vmem>>
    %dma_start3A_198 = tpu.memref_squeeze %dma_start3A_197 : memref<1x80xi32, #tpu.memory_space<vmem>> -> memref<80xi32, #tpu.memory_space<vmem>>
    %dma_start3A_199 = arith.constant 0 : i32
    %dma_start3A_200 = arith.constant 0 : i32
    %dma_start3A_201 = tpu.memref_slice %arg2[%dma_start3A_199, %dma_start3A_200] : memref<10000x128xf32, #tpu.memory_space<hbm>> -> memref<10000x128xf32, #tpu.memory_space<hbm>>
    tpu.enqueue_indirect_dma source(%dma_start3A_201 : memref<10000x128xf32, #tpu.memory_space<hbm>>) target(%arg14 : memref<80x128xf32, #tpu.memory_space<vmem>>) offsets(%dma_start3A_198 : memref<80xi32, #tpu.memory_space<vmem>>) semaphore(%arg20 : memref<!tpu.dma_semaphore, #tpu.memory_space<semaphore_mem>>)
    %barrier3A_202 = arith.constant 0 : index
    tpu.barrier barrier_id(%barrier3A_202)
    %scan3A_203 = arith.constant 0 : i32
    %scan3A_204 = arith.constant 31 : i32
    %scan3A_205 = arith.addi %scan3A_203, %scan3A_204 : i32
    %scan3A_206 = arith.constant 1 : i32
    scf.for %scan3A_247 = %scan3A_203 to %scan3A_205 step %scan3A_206  : i32 {
      %mul3A_248 = arith.constant 1 : i32
      %mul3A_249 = arith.muli %scan3A_247, %mul3A_248 : i32
      %add3A_250 = arith.constant 0 : i32
      %add3A_251 = arith.addi %add3A_250, %mul3A_249 : i32
      %mul3A_252 = arith.constant 2 : i32
      %mul3A_253 = arith.muli %mul3A_252, %add3A_251 : i32
      %add3A_254 = arith.constant 1 : i32
      %add3A_255 = arith.addi %mul3A_253, %add3A_254 : i32
      %dma_wait3A = arith.constant 0 : i32
      %dma_wait3A_256 = tpu.memref_slice %arg11[%mul3A_253, %dma_wait3A] : memref<63x80xi32, #tpu.memory_space<vmem>> -> memref<1x80xi32, #tpu.memory_space<vmem>>
      %dma_wait3A_257 = tpu.memref_squeeze %dma_wait3A_256 : memref<1x80xi32, #tpu.memory_space<vmem>> -> memref<80xi32, #tpu.memory_space<vmem>>
      %dma_wait3A_258 = arith.constant 0 : i32
      %dma_wait3A_259 = arith.constant 0 : i32
      %dma_wait3A_260 = tpu.memref_slice %arg2[%dma_wait3A_258, %dma_wait3A_259] : memref<10000x128xf32, #tpu.memory_space<hbm>> -> memref<10000x128xf32, #tpu.memory_space<hbm>>
      tpu.wait_indirect_dma semaphore(%arg19 : memref<!tpu.dma_semaphore, #tpu.memory_space<semaphore_mem>>) src(%dma_wait3A_260 : memref<10000x128xf32, #tpu.memory_space<hbm>>) dst(%arg13 : memref<80x128xf32, #tpu.memory_space<vmem>>)
      %dma_start3A_261 = arith.constant 0 : i32
      %dma_start3A_262 = tpu.memref_slice %arg12[%mul3A_253, %dma_start3A_261] : memref<63x80xi32, #tpu.memory_space<vmem>> -> memref<1x80xi32, #tpu.memory_space<vmem>>
      %dma_start3A_263 = tpu.memref_squeeze %dma_start3A_262 : memref<1x80xi32, #tpu.memory_space<vmem>> -> memref<80xi32, #tpu.memory_space<vmem>>
      %dma_start3A_264 = arith.constant 0 : i32
      %dma_start3A_265 = arith.constant 0 : i32
      %dma_start3A_266 = tpu.memref_slice %arg9[%dma_start3A_264, %dma_start3A_265] : memref<10240x128xf32, #tpu.memory_space<vmem_shared>> -> memref<10240x128xf32, #tpu.memory_space<vmem_shared>>
      tpu.enqueue_indirect_dma source(%arg13 : memref<80x128xf32, #tpu.memory_space<vmem>>) target(%dma_start3A_266 : memref<10240x128xf32, #tpu.memory_space<vmem_shared>>) offsets(%dma_start3A_263 : memref<80xi32, #tpu.memory_space<vmem>>) semaphore(%arg21 : memref<!tpu.dma_semaphore, #tpu.memory_space<semaphore_mem>>) {add = true}
      %get3A = arith.index_cast %mul3A_253 : i32 to index
      %get3A_267 = arith.constant 0 : index
      %get3A_268 = tpu.vector_load %arg12[%get3A, %get3A_267] {strides = array<i32>} : memref<63x80xi32, #tpu.memory_space<vmem>>, vector<16xi32>,
      %shift_right_logical3A = arith.constant 4 : i32
      %shift_right_logical3A_269 = vector.broadcast %shift_right_logical3A : i32 to vector<16xi32>
      %shift_right_logical3A_270 = arith.shrui %get3A_268, %shift_right_logical3A_269 : vector<16xi32>
      %and3A = arith.constant 15 : i32
      %and3A_271 = vector.broadcast %and3A : i32 to vector<16xi32>
      %and3A_272 = arith.andi %get3A_268, %and3A_271 : vector<16xi32>
      tpu.vector_store_idx %arg15[%shift_right_logical3A_270, %and3A_272], %broadcast_in_dim3A_2 {add = true} : memref<640x16xf32, #tpu.memory_space<vmem>>[vector<16xi32>, vector<16xi32>], vector<16xf32>,
      %get3A_273 = arith.index_cast %mul3A_253 : i32 to index
      %get3A_274 = arith.constant 16 : index
      %get3A_275 = tpu.vector_load %arg12[%get3A_273, %get3A_274] {strides = array<i32>} : memref<63x80xi32, #tpu.memory_space<vmem>>, vector<16xi32>,
      %shift_right_logical3A_276 = arith.constant 4 : i32
      %shift_right_logical3A_277 = vector.broadcast %shift_right_logical3A_276 : i32 to vector<16xi32>
      %shift_right_logical3A_278 = arith.shrui %get3A_275, %shift_right_logical3A_277 : vector<16xi32>
      %and3A_279 = arith.constant 15 : i32
      %and3A_280 = vector.broadcast %and3A_279 : i32 to vector<16xi32>
      %and3A_281 = arith.andi %get3A_275, %and3A_280 : vector<16xi32>
      tpu.vector_store_idx %arg15[%shift_right_logical3A_278, %and3A_281], %broadcast_in_dim3A_2 {add = true} : memref<640x16xf32, #tpu.memory_space<vmem>>[vector<16xi32>, vector<16xi32>], vector<16xf32>,
      %get3A_282 = arith.index_cast %mul3A_253 : i32 to index
      %get3A_283 = arith.constant 32 : index
      %get3A_284 = tpu.vector_load %arg12[%get3A_282, %get3A_283] {strides = array<i32>} : memref<63x80xi32, #tpu.memory_space<vmem>>, vector<16xi32>,
      %shift_right_logical3A_285 = arith.constant 4 : i32
      %shift_right_logical3A_286 = vector.broadcast %shift_right_logical3A_285 : i32 to vector<16xi32>
      %shift_right_logical3A_287 = arith.shrui %get3A_284, %shift_right_logical3A_286 : vector<16xi32>
      %and3A_288 = arith.constant 15 : i32
      %and3A_289 = vector.broadcast %and3A_288 : i32 to vector<16xi32>
      %and3A_290 = arith.andi %get3A_284, %and3A_289 : vector<16xi32>
      tpu.vector_store_idx %arg15[%shift_right_logical3A_287, %and3A_290], %broadcast_in_dim3A_2 {add = true} : memref<640x16xf32, #tpu.memory_space<vmem>>[vector<16xi32>, vector<16xi32>], vector<16xf32>,
      %get3A_291 = arith.index_cast %mul3A_253 : i32 to index
      %get3A_292 = arith.constant 48 : index
      %get3A_293 = tpu.vector_load %arg12[%get3A_291, %get3A_292] {strides = array<i32>} : memref<63x80xi32, #tpu.memory_space<vmem>>, vector<16xi32>,
      %shift_right_logical3A_294 = arith.constant 4 : i32
      %shift_right_logical3A_295 = vector.broadcast %shift_right_logical3A_294 : i32 to vector<16xi32>
      %shift_right_logical3A_296 = arith.shrui %get3A_293, %shift_right_logical3A_295 : vector<16xi32>
      %and3A_297 = arith.constant 15 : i32
      %and3A_298 = vector.broadcast %and3A_297 : i32 to vector<16xi32>
      %and3A_299 = arith.andi %get3A_293, %and3A_298 : vector<16xi32>
      tpu.vector_store_idx %arg15[%shift_right_logical3A_296, %and3A_299], %broadcast_in_dim3A_2 {add = true} : memref<640x16xf32, #tpu.memory_space<vmem>>[vector<16xi32>, vector<16xi32>], vector<16xf32>,
      %get3A_300 = arith.index_cast %mul3A_253 : i32 to index
      %get3A_301 = arith.constant 64 : index
      %get3A_302 = tpu.vector_load %arg12[%get3A_300, %get3A_301] {strides = array<i32>} : memref<63x80xi32, #tpu.memory_space<vmem>>, vector<16xi32>,
      %shift_right_logical3A_303 = arith.constant 4 : i32
      %shift_right_logical3A_304 = vector.broadcast %shift_right_logical3A_303 : i32 to vector<16xi32>
      %shift_right_logical3A_305 = arith.shrui %get3A_302, %shift_right_logical3A_304 : vector<16xi32>
      %and3A_306 = arith.constant 15 : i32
      %and3A_307 = vector.broadcast %and3A_306 : i32 to vector<16xi32>
      %and3A_308 = arith.andi %get3A_302, %and3A_307 : vector<16xi32>
      tpu.vector_store_idx %arg15[%shift_right_logical3A_305, %and3A_308], %broadcast_in_dim3A_2 {add = true} : memref<640x16xf32, #tpu.memory_space<vmem>>[vector<16xi32>, vector<16xi32>], vector<16xf32>,
      %dma_wait3A_309 = arith.constant 0 : i32
      %dma_wait3A_310 = tpu.memref_slice %arg12[%mul3A_253, %dma_wait3A_309] : memref<63x80xi32, #tpu.memory_space<vmem>> -> memref<1x80xi32, #tpu.memory_space<vmem>>
      %dma_wait3A_311 = tpu.memref_squeeze %dma_wait3A_310 : memref<1x80xi32, #tpu.memory_space<vmem>> -> memref<80xi32, #tpu.memory_space<vmem>>
      %dma_wait3A_312 = arith.constant 0 : i32
      %dma_wait3A_313 = arith.constant 0 : i32
      %dma_wait3A_314 = tpu.memref_slice %arg9[%dma_wait3A_312, %dma_wait3A_313] : memref<10240x128xf32, #tpu.memory_space<vmem_shared>> -> memref<10240x128xf32, #tpu.memory_space<vmem_shared>>
      tpu.wait_indirect_dma semaphore(%arg21 : memref<!tpu.dma_semaphore, #tpu.memory_space<semaphore_mem>>) src(%arg13 : memref<80x128xf32, #tpu.memory_space<vmem>>) dst(%dma_wait3A_314 : memref<10240x128xf32, #tpu.memory_space<vmem_shared>>)
      %add3A_315 = arith.constant 2 : i32
      %add3A_316 = arith.addi %mul3A_253, %add3A_315 : i32
      %lt3A_317 = arith.cmpi slt, %add3A_316, %select_n3A : i32
      %convert_element_type3A_318 = arith.extui %lt3A_317 : i1 to i32
      %cond3A_319 = arith.constant 0 : i32
      %cond3A_320 = arith.cmpi ne, %convert_element_type3A_318, %cond3A_319 : i32
      scf.if %cond3A_320 {
        %add3A_390 = arith.constant 2 : i32
        %add3A_391 = arith.addi %mul3A_253, %add3A_390 : i32
        %dma_start3A_392 = arith.constant 0 : i32
        %dma_start3A_393 = tpu.memref_slice %arg11[%add3A_391, %dma_start3A_392] : memref<63x80xi32, #tpu.memory_space<vmem>> -> memref<1x80xi32, #tpu.memory_space<vmem>>
        %dma_start3A_394 = tpu.memref_squeeze %dma_start3A_393 : memref<1x80xi32, #tpu.memory_space<vmem>> -> memref<80xi32, #tpu.memory_space<vmem>>
        %dma_start3A_395 = arith.constant 0 : i32
        %dma_start3A_396 = arith.constant 0 : i32
        %dma_start3A_397 = tpu.memref_slice %arg2[%dma_start3A_395, %dma_start3A_396] : memref<10000x128xf32, #tpu.memory_space<hbm>> -> memref<10000x128xf32, #tpu.memory_space<hbm>>
        tpu.enqueue_indirect_dma source(%dma_start3A_397 : memref<10000x128xf32, #tpu.memory_space<hbm>>) target(%arg13 : memref<80x128xf32, #tpu.memory_space<vmem>>) offsets(%dma_start3A_394 : memref<80xi32, #tpu.memory_space<vmem>>) semaphore(%arg19 : memref<!tpu.dma_semaphore, #tpu.memory_space<semaphore_mem>>)
      } else {
      }
      %dma_wait3A_321 = arith.constant 0 : i32
      %dma_wait3A_322 = tpu.memref_slice %arg11[%add3A_255, %dma_wait3A_321] : memref<63x80xi32, #tpu.memory_space<vmem>> -> memref<1x80xi32, #tpu.memory_space<vmem>>
      %dma_wait3A_323 = tpu.memref_squeeze %dma_wait3A_322 : memref<1x80xi32, #tpu.memory_space<vmem>> -> memref<80xi32, #tpu.memory_space<vmem>>
      %dma_wait3A_324 = arith.constant 0 : i32
      %dma_wait3A_325 = arith.constant 0 : i32
      %dma_wait3A_326 = tpu.memref_slice %arg2[%dma_wait3A_324, %dma_wait3A_325] : memref<10000x128xf32, #tpu.memory_space<hbm>> -> memref<10000x128xf32, #tpu.memory_space<hbm>>
      tpu.wait_indirect_dma semaphore(%arg20 : memref<!tpu.dma_semaphore, #tpu.memory_space<semaphore_mem>>) src(%dma_wait3A_326 : memref<10000x128xf32, #tpu.memory_space<hbm>>) dst(%arg14 : memref<80x128xf32, #tpu.memory_space<vmem>>)
      %dma_start3A_327 = arith.constant 0 : i32
      %dma_start3A_328 = tpu.memref_slice %arg12[%add3A_255, %dma_start3A_327] : memref<63x80xi32, #tpu.memory_space<vmem>> -> memref<1x80xi32, #tpu.memory_space<vmem>>
      %dma_start3A_329 = tpu.memref_squeeze %dma_start3A_328 : memref<1x80xi32, #tpu.memory_space<vmem>> -> memref<80xi32, #tpu.memory_space<vmem>>
      %dma_start3A_330 = arith.constant 0 : i32
      %dma_start3A_331 = arith.constant 0 : i32
      %dma_start3A_332 = tpu.memref_slice %arg9[%dma_start3A_330, %dma_start3A_331] : memref<10240x128xf32, #tpu.memory_space<vmem_shared>> -> memref<10240x128xf32, #tpu.memory_space<vmem_shared>>
      tpu.enqueue_indirect_dma source(%arg14 : memref<80x128xf32, #tpu.memory_space<vmem>>) target(%dma_start3A_332 : memref<10240x128xf32, #tpu.memory_space<vmem_shared>>) offsets(%dma_start3A_329 : memref<80xi32, #tpu.memory_space<vmem>>) semaphore(%arg22 : memref<!tpu.dma_semaphore, #tpu.memory_space<semaphore_mem>>) {add = true}
      %get3A_333 = arith.index_cast %add3A_255 : i32 to index
      %get3A_334 = arith.constant 0 : index
      %get3A_335 = tpu.vector_load %arg12[%get3A_333, %get3A_334] {strides = array<i32>} : memref<63x80xi32, #tpu.memory_space<vmem>>, vector<16xi32>,
      %shift_right_logical3A_336 = arith.constant 4 : i32
      %shift_right_logical3A_337 = vector.broadcast %shift_right_logical3A_336 : i32 to vector<16xi32>
      %shift_right_logical3A_338 = arith.shrui %get3A_335, %shift_right_logical3A_337 : vector<16xi32>
      %and3A_339 = arith.constant 15 : i32
      %and3A_340 = vector.broadcast %and3A_339 : i32 to vector<16xi32>
      %and3A_341 = arith.andi %get3A_335, %and3A_340 : vector<16xi32>
      tpu.vector_store_idx %arg15[%shift_right_logical3A_338, %and3A_341], %broadcast_in_dim3A_2 {add = true} : memref<640x16xf32, #tpu.memory_space<vmem>>[vector<16xi32>, vector<16xi32>], vector<16xf32>,
      %get3A_342 = arith.index_cast %add3A_255 : i32 to index
      %get3A_343 = arith.constant 16 : index
      %get3A_344 = tpu.vector_load %arg12[%get3A_342, %get3A_343] {strides = array<i32>} : memref<63x80xi32, #tpu.memory_space<vmem>>, vector<16xi32>,
      %shift_right_logical3A_345 = arith.constant 4 : i32
      %shift_right_logical3A_346 = vector.broadcast %shift_right_logical3A_345 : i32 to vector<16xi32>
      %shift_right_logical3A_347 = arith.shrui %get3A_344, %shift_right_logical3A_346 : vector<16xi32>
      %and3A_348 = arith.constant 15 : i32
      %and3A_349 = vector.broadcast %and3A_348 : i32 to vector<16xi32>
      %and3A_350 = arith.andi %get3A_344, %and3A_349 : vector<16xi32>
      tpu.vector_store_idx %arg15[%shift_right_logical3A_347, %and3A_350], %broadcast_in_dim3A_2 {add = true} : memref<640x16xf32, #tpu.memory_space<vmem>>[vector<16xi32>, vector<16xi32>], vector<16xf32>,
      %get3A_351 = arith.index_cast %add3A_255 : i32 to index
      %get3A_352 = arith.constant 32 : index
      %get3A_353 = tpu.vector_load %arg12[%get3A_351, %get3A_352] {strides = array<i32>} : memref<63x80xi32, #tpu.memory_space<vmem>>, vector<16xi32>,
      %shift_right_logical3A_354 = arith.constant 4 : i32
      %shift_right_logical3A_355 = vector.broadcast %shift_right_logical3A_354 : i32 to vector<16xi32>
      %shift_right_logical3A_356 = arith.shrui %get3A_353, %shift_right_logical3A_355 : vector<16xi32>
      %and3A_357 = arith.constant 15 : i32
      %and3A_358 = vector.broadcast %and3A_357 : i32 to vector<16xi32>
      %and3A_359 = arith.andi %get3A_353, %and3A_358 : vector<16xi32>
      tpu.vector_store_idx %arg15[%shift_right_logical3A_356, %and3A_359], %broadcast_in_dim3A_2 {add = true} : memref<640x16xf32, #tpu.memory_space<vmem>>[vector<16xi32>, vector<16xi32>], vector<16xf32>,
      %get3A_360 = arith.index_cast %add3A_255 : i32 to index
      %get3A_361 = arith.constant 48 : index
      %get3A_362 = tpu.vector_load %arg12[%get3A_360, %get3A_361] {strides = array<i32>} : memref<63x80xi32, #tpu.memory_space<vmem>>, vector<16xi32>,
      %shift_right_logical3A_363 = arith.constant 4 : i32
      %shift_right_logical3A_364 = vector.broadcast %shift_right_logical3A_363 : i32 to vector<16xi32>
      %shift_right_logical3A_365 = arith.shrui %get3A_362, %shift_right_logical3A_364 : vector<16xi32>
      %and3A_366 = arith.constant 15 : i32
      %and3A_367 = vector.broadcast %and3A_366 : i32 to vector<16xi32>
      %and3A_368 = arith.andi %get3A_362, %and3A_367 : vector<16xi32>
      tpu.vector_store_idx %arg15[%shift_right_logical3A_365, %and3A_368], %broadcast_in_dim3A_2 {add = true} : memref<640x16xf32, #tpu.memory_space<vmem>>[vector<16xi32>, vector<16xi32>], vector<16xf32>,
      %get3A_369 = arith.index_cast %add3A_255 : i32 to index
      %get3A_370 = arith.constant 64 : index
      %get3A_371 = tpu.vector_load %arg12[%get3A_369, %get3A_370] {strides = array<i32>} : memref<63x80xi32, #tpu.memory_space<vmem>>, vector<16xi32>,
      %shift_right_logical3A_372 = arith.constant 4 : i32
      %shift_right_logical3A_373 = vector.broadcast %shift_right_logical3A_372 : i32 to vector<16xi32>
      %shift_right_logical3A_374 = arith.shrui %get3A_371, %shift_right_logical3A_373 : vector<16xi32>
      %and3A_375 = arith.constant 15 : i32
      %and3A_376 = vector.broadcast %and3A_375 : i32 to vector<16xi32>
      %and3A_377 = arith.andi %get3A_371, %and3A_376 : vector<16xi32>
      tpu.vector_store_idx %arg15[%shift_right_logical3A_374, %and3A_377], %broadcast_in_dim3A_2 {add = true} : memref<640x16xf32, #tpu.memory_space<vmem>>[vector<16xi32>, vector<16xi32>], vector<16xf32>,
      %dma_wait3A_378 = arith.constant 0 : i32
      %dma_wait3A_379 = tpu.memref_slice %arg12[%add3A_255, %dma_wait3A_378] : memref<63x80xi32, #tpu.memory_space<vmem>> -> memref<1x80xi32, #tpu.memory_space<vmem>>
      %dma_wait3A_380 = tpu.memref_squeeze %dma_wait3A_379 : memref<1x80xi32, #tpu.memory_space<vmem>> -> memref<80xi32, #tpu.memory_space<vmem>>
      %dma_wait3A_381 = arith.constant 0 : i32
      %dma_wait3A_382 = arith.constant 0 : i32
      %dma_wait3A_383 = tpu.memref_slice %arg9[%dma_wait3A_381, %dma_wait3A_382] : memref<10240x128xf32, #tpu.memory_space<vmem_shared>> -> memref<10240x128xf32, #tpu.memory_space<vmem_shared>>
      tpu.wait_indirect_dma semaphore(%arg22 : memref<!tpu.dma_semaphore, #tpu.memory_space<semaphore_mem>>) src(%arg14 : memref<80x128xf32, #tpu.memory_space<vmem>>) dst(%dma_wait3A_383 : memref<10240x128xf32, #tpu.memory_space<vmem_shared>>)
      %add3A_384 = arith.constant 2 : i32
      %add3A_385 = arith.addi %add3A_255, %add3A_384 : i32
      %lt3A_386 = arith.cmpi slt, %add3A_385, %select_n3A : i32
      %convert_element_type3A_387 = arith.extui %lt3A_386 : i1 to i32
      %cond3A_388 = arith.constant 0 : i32
      %cond3A_389 = arith.cmpi ne, %convert_element_type3A_387, %cond3A_388 : i32
      scf.if %cond3A_389 {
        %add3A_390 = arith.constant 2 : i32
        %add3A_391 = arith.addi %add3A_255, %add3A_390 : i32
        %dma_start3A_392 = arith.constant 0 : i32
        %dma_start3A_393 = tpu.memref_slice %arg11[%add3A_391, %dma_start3A_392] : memref<63x80xi32, #tpu.memory_space<vmem>> -> memref<1x80xi32, #tpu.memory_space<vmem>>
        %dma_start3A_394 = tpu.memref_squeeze %dma_start3A_393 : memref<1x80xi32, #tpu.memory_space<vmem>> -> memref<80xi32, #tpu.memory_space<vmem>>
        %dma_start3A_395 = arith.constant 0 : i32
        %dma_start3A_396 = arith.constant 0 : i32
        %dma_start3A_397 = tpu.memref_slice %arg2[%dma_start3A_395, %dma_start3A_396] : memref<10000x128xf32, #tpu.memory_space<hbm>> -> memref<10000x128xf32, #tpu.memory_space<hbm>>
        tpu.enqueue_indirect_dma source(%dma_start3A_397 : memref<10000x128xf32, #tpu.memory_space<hbm>>) target(%arg14 : memref<80x128xf32, #tpu.memory_space<vmem>>) offsets(%dma_start3A_394 : memref<80xi32, #tpu.memory_space<vmem>>) semaphore(%arg20 : memref<!tpu.dma_semaphore, #tpu.memory_space<semaphore_mem>>)
      } else {
      }
    }
    %scan3A_207 = arith.constant 31 : i32
    %convert_element_type3A_208 = arith.extui %ge3A_17 : i1 to i32
    %cond3A_209 = arith.constant 0 : i32
    %cond3A_210 = arith.cmpi ne, %convert_element_type3A_208, %cond3A_209 : i32
    scf.if %cond3A_210 {
      %dma_wait3A = arith.constant 62 : i32
      %dma_wait3A_247 = arith.constant 0 : i32
      %dma_wait3A_248 = tpu.memref_slice %arg11[%dma_wait3A, %dma_wait3A_247] : memref<63x80xi32, #tpu.memory_space<vmem>> -> memref<1x80xi32, #tpu.memory_space<vmem>>
      %dma_wait3A_249 = tpu.memref_squeeze %dma_wait3A_248 : memref<1x80xi32, #tpu.memory_space<vmem>> -> memref<80xi32, #tpu.memory_space<vmem>>
      %dma_wait3A_250 = arith.constant 0 : i32
      %dma_wait3A_251 = arith.constant 0 : i32
      %dma_wait3A_252 = tpu.memref_slice %arg2[%dma_wait3A_250, %dma_wait3A_251] : memref<10000x128xf32, #tpu.memory_space<hbm>> -> memref<10000x128xf32, #tpu.memory_space<hbm>>
      tpu.wait_indirect_dma semaphore(%arg19 : memref<!tpu.dma_semaphore, #tpu.memory_space<semaphore_mem>>) src(%dma_wait3A_252 : memref<10000x128xf32, #tpu.memory_space<hbm>>) dst(%arg13 : memref<80x128xf32, #tpu.memory_space<vmem>>)
      %dma_start3A_253 = arith.constant 62 : i32
      %dma_start3A_254 = arith.constant 0 : i32
      %dma_start3A_255 = tpu.memref_slice %arg12[%dma_start3A_253, %dma_start3A_254] : memref<63x80xi32, #tpu.memory_space<vmem>> -> memref<1x80xi32, #tpu.memory_space<vmem>>
      %dma_start3A_256 = tpu.memref_squeeze %dma_start3A_255 : memref<1x80xi32, #tpu.memory_space<vmem>> -> memref<80xi32, #tpu.memory_space<vmem>>
      %dma_start3A_257 = arith.constant 0 : i32
      %dma_start3A_258 = arith.constant 0 : i32
      %dma_start3A_259 = tpu.memref_slice %arg9[%dma_start3A_257, %dma_start3A_258] : memref<10240x128xf32, #tpu.memory_space<vmem_shared>> -> memref<10240x128xf32, #tpu.memory_space<vmem_shared>>
      tpu.enqueue_indirect_dma source(%arg13 : memref<80x128xf32, #tpu.memory_space<vmem>>) target(%dma_start3A_259 : memref<10240x128xf32, #tpu.memory_space<vmem_shared>>) offsets(%dma_start3A_256 : memref<80xi32, #tpu.memory_space<vmem>>) semaphore(%arg21 : memref<!tpu.dma_semaphore, #tpu.memory_space<semaphore_mem>>) {add = true}
      %get3A = arith.constant 62 : i32
      %get3A_260 = arith.index_cast %get3A : i32 to index
      %get3A_261 = arith.constant 0 : index
      %get3A_262 = tpu.vector_load %arg12[%get3A_260, %get3A_261] {strides = array<i32>} : memref<63x80xi32, #tpu.memory_space<vmem>>, vector<16xi32>,
      %shift_right_logical3A = arith.constant 4 : i32
      %shift_right_logical3A_263 = vector.broadcast %shift_right_logical3A : i32 to vector<16xi32>
      %shift_right_logical3A_264 = arith.shrui %get3A_262, %shift_right_logical3A_263 : vector<16xi32>
      %and3A = arith.constant 15 : i32
      %and3A_265 = vector.broadcast %and3A : i32 to vector<16xi32>
      %and3A_266 = arith.andi %get3A_262, %and3A_265 : vector<16xi32>
      tpu.vector_store_idx %arg15[%shift_right_logical3A_264, %and3A_266], %broadcast_in_dim3A_2 {add = true} : memref<640x16xf32, #tpu.memory_space<vmem>>[vector<16xi32>, vector<16xi32>], vector<16xf32>,
      %get3A_267 = arith.constant 62 : i32
      %get3A_268 = arith.index_cast %get3A_267 : i32 to index
      %get3A_269 = arith.constant 16 : index
      %get3A_270 = tpu.vector_load %arg12[%get3A_268, %get3A_269] {strides = array<i32>} : memref<63x80xi32, #tpu.memory_space<vmem>>, vector<16xi32>,
      %shift_right_logical3A_271 = arith.constant 4 : i32
      %shift_right_logical3A_272 = vector.broadcast %shift_right_logical3A_271 : i32 to vector<16xi32>
      %shift_right_logical3A_273 = arith.shrui %get3A_270, %shift_right_logical3A_272 : vector<16xi32>
      %and3A_274 = arith.constant 15 : i32
      %and3A_275 = vector.broadcast %and3A_274 : i32 to vector<16xi32>
      %and3A_276 = arith.andi %get3A_270, %and3A_275 : vector<16xi32>
      tpu.vector_store_idx %arg15[%shift_right_logical3A_273, %and3A_276], %broadcast_in_dim3A_2 {add = true} : memref<640x16xf32, #tpu.memory_space<vmem>>[vector<16xi32>, vector<16xi32>], vector<16xf32>,
      %get3A_277 = arith.constant 62 : i32
      %get3A_278 = arith.index_cast %get3A_277 : i32 to index
      %get3A_279 = arith.constant 32 : index
      %get3A_280 = tpu.vector_load %arg12[%get3A_278, %get3A_279] {strides = array<i32>} : memref<63x80xi32, #tpu.memory_space<vmem>>, vector<16xi32>,
      %shift_right_logical3A_281 = arith.constant 4 : i32
      %shift_right_logical3A_282 = vector.broadcast %shift_right_logical3A_281 : i32 to vector<16xi32>
      %shift_right_logical3A_283 = arith.shrui %get3A_280, %shift_right_logical3A_282 : vector<16xi32>
      %and3A_284 = arith.constant 15 : i32
      %and3A_285 = vector.broadcast %and3A_284 : i32 to vector<16xi32>
      %and3A_286 = arith.andi %get3A_280, %and3A_285 : vector<16xi32>
      tpu.vector_store_idx %arg15[%shift_right_logical3A_283, %and3A_286], %broadcast_in_dim3A_2 {add = true} : memref<640x16xf32, #tpu.memory_space<vmem>>[vector<16xi32>, vector<16xi32>], vector<16xf32>,
      %get3A_287 = arith.constant 62 : i32
      %get3A_288 = arith.index_cast %get3A_287 : i32 to index
      %get3A_289 = arith.constant 48 : index
      %get3A_290 = tpu.vector_load %arg12[%get3A_288, %get3A_289] {strides = array<i32>} : memref<63x80xi32, #tpu.memory_space<vmem>>, vector<16xi32>,
      %shift_right_logical3A_291 = arith.constant 4 : i32
      %shift_right_logical3A_292 = vector.broadcast %shift_right_logical3A_291 : i32 to vector<16xi32>
      %shift_right_logical3A_293 = arith.shrui %get3A_290, %shift_right_logical3A_292 : vector<16xi32>
      %and3A_294 = arith.constant 15 : i32
      %and3A_295 = vector.broadcast %and3A_294 : i32 to vector<16xi32>
      %and3A_296 = arith.andi %get3A_290, %and3A_295 : vector<16xi32>
      tpu.vector_store_idx %arg15[%shift_right_logical3A_293, %and3A_296], %broadcast_in_dim3A_2 {add = true} : memref<640x16xf32, #tpu.memory_space<vmem>>[vector<16xi32>, vector<16xi32>], vector<16xf32>,
      %get3A_297 = arith.constant 62 : i32
      %get3A_298 = arith.index_cast %get3A_297 : i32 to index
      %get3A_299 = arith.constant 64 : index
      %get3A_300 = tpu.vector_load %arg12[%get3A_298, %get3A_299] {strides = array<i32>} : memref<63x80xi32, #tpu.memory_space<vmem>>, vector<16xi32>,
      %shift_right_logical3A_301 = arith.constant 4 : i32
      %shift_right_logical3A_302 = vector.broadcast %shift_right_logical3A_301 : i32 to vector<16xi32>
      %shift_right_logical3A_303 = arith.shrui %get3A_300, %shift_right_logical3A_302 : vector<16xi32>
      %and3A_304 = arith.constant 15 : i32
      %and3A_305 = vector.broadcast %and3A_304 : i32 to vector<16xi32>
      %and3A_306 = arith.andi %get3A_300, %and3A_305 : vector<16xi32>
      tpu.vector_store_idx %arg15[%shift_right_logical3A_303, %and3A_306], %broadcast_in_dim3A_2 {add = true} : memref<640x16xf32, #tpu.memory_space<vmem>>[vector<16xi32>, vector<16xi32>], vector<16xf32>,
      %dma_wait3A_307 = arith.constant 62 : i32
      %dma_wait3A_308 = arith.constant 0 : i32
      %dma_wait3A_309 = tpu.memref_slice %arg12[%dma_wait3A_307, %dma_wait3A_308] : memref<63x80xi32, #tpu.memory_space<vmem>> -> memref<1x80xi32, #tpu.memory_space<vmem>>
      %dma_wait3A_310 = tpu.memref_squeeze %dma_wait3A_309 : memref<1x80xi32, #tpu.memory_space<vmem>> -> memref<80xi32, #tpu.memory_space<vmem>>
      %dma_wait3A_311 = arith.constant 0 : i32
      %dma_wait3A_312 = arith.constant 0 : i32
      %dma_wait3A_313 = tpu.memref_slice %arg9[%dma_wait3A_311, %dma_wait3A_312] : memref<10240x128xf32, #tpu.memory_space<vmem_shared>> -> memref<10240x128xf32, #tpu.memory_space<vmem_shared>>
      tpu.wait_indirect_dma semaphore(%arg21 : memref<!tpu.dma_semaphore, #tpu.memory_space<semaphore_mem>>) src(%arg13 : memref<80x128xf32, #tpu.memory_space<vmem>>) dst(%dma_wait3A_313 : memref<10240x128xf32, #tpu.memory_space<vmem_shared>>)
    } else {
    }
    %scan3A_211 = arith.constant 0 : i32
    %scan3A_212 = arith.constant 5 : i32
    %scan3A_213 = arith.addi %scan3A_211, %scan3A_212 : i32
    %scan3A_214 = arith.constant 1 : i32
    scf.for %scan3A_247 = %scan3A_211 to %scan3A_213 step %scan3A_214  : i32 {
      %mul3A_248 = arith.constant 1 : i32
      %mul3A_249 = arith.muli %scan3A_247, %mul3A_248 : i32
      %add3A_250 = arith.constant 0 : i32
      %add3A_251 = arith.addi %add3A_250, %mul3A_249 : i32
      %mul3A_252 = arith.constant 128 : i32
      %mul3A_253 = arith.muli %add3A_251, %mul3A_252 : i32
      "tpu.region"() ({
        %run_scoped3A_254 = tpu.sem_alloc : memref<!tpu.dma_semaphore, #tpu.memory_space<semaphore_mem>>
        %dma_start3A_255 = arith.constant 0 : i32
        %dma_start3A_256 = tpu.memref_slice %arg15[%mul3A_253, %dma_start3A_255] : memref<640x16xf32, #tpu.memory_space<vmem>> -> memref<128x16xf32, #tpu.memory_space<vmem>>
        %dma_start3A_257 = arith.constant 0 : i32
        %dma_start3A_258 = tpu.memref_slice %arg16[%add3A_251, %dma_start3A_257] : memref<5x128xi32, #tpu.memory_space<vmem>> -> memref<1x128xi32, #tpu.memory_space<vmem>>
        %dma_start3A_259 = tpu.memref_squeeze %dma_start3A_258 : memref<1x128xi32, #tpu.memory_space<vmem>> -> memref<128xi32, #tpu.memory_space<vmem>>
        %dma_start3A_260 = arith.constant 0 : i32
        %dma_start3A_261 = arith.constant 0 : i32
        %dma_start3A_262 = tpu.memref_slice %arg10[%dma_start3A_260, %dma_start3A_261] : memref<640x16xf32, #tpu.memory_space<vmem_shared>> -> memref<640x16xf32, #tpu.memory_space<vmem_shared>>
        tpu.enqueue_indirect_dma source(%dma_start3A_256 : memref<128x16xf32, #tpu.memory_space<vmem>>) target(%dma_start3A_262 : memref<640x16xf32, #tpu.memory_space<vmem_shared>>) offsets(%dma_start3A_259 : memref<128xi32, #tpu.memory_space<vmem>>) semaphore(%run_scoped3A_254 : memref<!tpu.dma_semaphore, #tpu.memory_space<semaphore_mem>>) {add = true}
        %dma_wait3A = arith.constant 0 : i32
        %dma_wait3A_263 = tpu.memref_slice %arg15[%mul3A_253, %dma_wait3A] : memref<640x16xf32, #tpu.memory_space<vmem>> -> memref<128x16xf32, #tpu.memory_space<vmem>>
        %dma_wait3A_264 = arith.constant 0 : i32
        %dma_wait3A_265 = tpu.memref_slice %arg16[%add3A_251, %dma_wait3A_264] : memref<5x128xi32, #tpu.memory_space<vmem>> -> memref<1x128xi32, #tpu.memory_space<vmem>>
        %dma_wait3A_266 = tpu.memref_squeeze %dma_wait3A_265 : memref<1x128xi32, #tpu.memory_space<vmem>> -> memref<128xi32, #tpu.memory_space<vmem>>
        %dma_wait3A_267 = arith.constant 0 : i32
        %dma_wait3A_268 = arith.constant 0 : i32
        %dma_wait3A_269 = tpu.memref_slice %arg10[%dma_wait3A_267, %dma_wait3A_268] : memref<640x16xf32, #tpu.memory_space<vmem_shared>> -> memref<640x16xf32, #tpu.memory_space<vmem_shared>>
        tpu.wait_indirect_dma semaphore(%run_scoped3A_254 : memref<!tpu.dma_semaphore, #tpu.memory_space<semaphore_mem>>) src(%dma_wait3A_263 : memref<128x16xf32, #tpu.memory_space<vmem>>) dst(%dma_wait3A_269 : memref<640x16xf32, #tpu.memory_space<vmem_shared>>)
        tpu.yield
      }) : () -> ()
    }
    %scan3A_215 = arith.constant 5 : i32
    %barrier3A_216 = arith.constant 0 : index
    tpu.barrier barrier_id(%barrier3A_216)
    %add3A_217 = arith.constant 0 : i32
    %add3A_218 = arith.addi %mul3A_29, %add3A_217 : i32
    %add3A_219 = arith.constant 0 : i32
    %add3A_220 = arith.addi %mul3A_29, %add3A_219 : i32
    %dma_start3A_221 = arith.constant 2 : i32
    %dma_start3A_222 = arith.constant 0 : i32
    %dma_start3A_223 = tpu.memref_slice %arg7[%dma_start3A_221, %arg0, %add3A_220, %dma_start3A_222] : memref<3x2x10240x128xf32, #tpu.memory_space<hbm>> -> memref<1x1x32x128xf32, #tpu.memory_space<hbm>>
    %dma_start3A_224 = tpu.memref_squeeze %dma_start3A_223 : memref<1x1x32x128xf32, #tpu.memory_space<hbm>> -> memref<32x128xf32, #tpu.memory_space<hbm>>
    %dma_start3A_225 = arith.constant 0 : i32
    %dma_start3A_226 = tpu.memref_slice %arg9[%add3A_218, %dma_start3A_225] : memref<10240x128xf32, #tpu.memory_space<vmem_shared>> -> memref<32x128xf32, #tpu.memory_space<vmem_shared>>
    tpu.enqueue_dma source(%dma_start3A_226 : memref<32x128xf32, #tpu.memory_space<vmem_shared>>) target(%dma_start3A_224 : memref<32x128xf32, #tpu.memory_space<hbm>>) target_semaphore(%arg19 : memref<!tpu.dma_semaphore, #tpu.memory_space<semaphore_mem>>)
    %add3A_227 = arith.constant 32 : i32
    %add3A_228 = arith.addi %mul3A_29, %add3A_227 : i32
    %add3A_229 = arith.constant 32 : i32
    %add3A_230 = arith.addi %mul3A_29, %add3A_229 : i32
    %dma_start3A_231 = arith.constant 2 : i32
    %dma_start3A_232 = arith.constant 0 : i32
    %dma_start3A_233 = tpu.memref_slice %arg7[%dma_start3A_231, %arg0, %add3A_230, %dma_start3A_232] : memref<3x2x10240x128xf32, #tpu.memory_space<hbm>> -> memref<1x1x32x128xf32, #tpu.memory_space<hbm>>
    %dma_start3A_234 = tpu.memref_squeeze %dma_start3A_233 : memref<1x1x32x128xf32, #tpu.memory_space<hbm>> -> memref<32x128xf32, #tpu.memory_space<hbm>>
    %dma_start3A_235 = arith.constant 0 : i32
    %dma_start3A_236 = tpu.memref_slice %arg9[%add3A_228, %dma_start3A_235] : memref<10240x128xf32, #tpu.memory_space<vmem_shared>> -> memref<32x128xf32, #tpu.memory_space<vmem_shared>>
    tpu.enqueue_dma source(%dma_start3A_236 : memref<32x128xf32, #tpu.memory_space<vmem_shared>>) target(%dma_start3A_234 : memref<32x128xf32, #tpu.memory_space<hbm>>) target_semaphore(%arg20 : memref<!tpu.dma_semaphore, #tpu.memory_space<semaphore_mem>>)
    %scan3A_237 = arith.constant 0 : i32
    %scan3A_238 = arith.constant 10 : i32
    %scan3A_239 = arith.addi %scan3A_237, %scan3A_238 : i32
    %scan3A_240 = arith.constant 1 : i32
    scf.for %scan3A_247 = %scan3A_237 to %scan3A_239 step %scan3A_240  : i32 {
      %mul3A_248 = arith.constant 1 : i32
      %mul3A_249 = arith.muli %scan3A_247, %mul3A_248 : i32
      %add3A_250 = arith.constant 0 : i32
      %add3A_251 = arith.addi %add3A_250, %mul3A_249 : i32
      %mul3A_252 = arith.constant 2 : i32
      %mul3A_253 = arith.muli %mul3A_252, %add3A_251 : i32
      %add3A_254 = arith.constant 1 : i32
      %add3A_255 = arith.addi %mul3A_253, %add3A_254 : i32
      %mul3A_256 = arith.constant 32 : i32
      %mul3A_257 = arith.muli %mul3A_253, %mul3A_256 : i32
      %add3A_258 = arith.addi %mul3A_29, %mul3A_257 : i32
      %mul3A_259 = arith.constant 32 : i32
      %mul3A_260 = arith.muli %mul3A_253, %mul3A_259 : i32
      %add3A_261 = arith.addi %mul3A_29, %mul3A_260 : i32
      %dma_wait3A = arith.constant 2 : i32
      %dma_wait3A_262 = arith.constant 0 : i32
      %dma_wait3A_263 = tpu.memref_slice %arg7[%dma_wait3A, %arg0, %add3A_261, %dma_wait3A_262] : memref<3x2x10240x128xf32, #tpu.memory_space<hbm>> -> memref<1x1x32x128xf32, #tpu.memory_space<hbm>>
      %dma_wait3A_264 = tpu.memref_squeeze %dma_wait3A_263 : memref<1x1x32x128xf32, #tpu.memory_space<hbm>> -> memref<32x128xf32, #tpu.memory_space<hbm>>
      %dma_wait3A_265 = arith.constant 0 : i32
      %dma_wait3A_266 = tpu.memref_slice %arg9[%add3A_258, %dma_wait3A_265] : memref<10240x128xf32, #tpu.memory_space<vmem_shared>> -> memref<32x128xf32, #tpu.memory_space<vmem_shared>>
      tpu.wait_dma2 semaphore(%arg19 : memref<!tpu.dma_semaphore, #tpu.memory_space<semaphore_mem>>) src(%dma_wait3A_266 : memref<32x128xf32, #tpu.memory_space<vmem_shared>>) dst(%dma_wait3A_264 : memref<32x128xf32, #tpu.memory_space<hbm>>)
      %add3A_267 = arith.constant 2 : i32
      %add3A_268 = arith.addi %mul3A_253, %add3A_267 : i32
      %lt3A_269 = arith.constant 20 : i32
      %lt3A_270 = arith.cmpi slt, %add3A_268, %lt3A_269 : i32
      %convert_element_type3A_271 = arith.extui %lt3A_270 : i1 to i32
      %cond3A_272 = arith.constant 0 : i32
      %cond3A_273 = arith.cmpi ne, %convert_element_type3A_271, %cond3A_272 : i32
      scf.if %cond3A_273 {
        %add3A_293 = arith.constant 2 : i32
        %add3A_294 = arith.addi %mul3A_253, %add3A_293 : i32
        %mul3A_295 = arith.constant 32 : i32
        %mul3A_296 = arith.muli %add3A_294, %mul3A_295 : i32
        %add3A_297 = arith.addi %mul3A_29, %mul3A_296 : i32
        %mul3A_298 = arith.constant 32 : i32
        %mul3A_299 = arith.muli %add3A_294, %mul3A_298 : i32
        %add3A_300 = arith.addi %mul3A_29, %mul3A_299 : i32
        %dma_start3A_301 = arith.constant 2 : i32
        %dma_start3A_302 = arith.constant 0 : i32
        %dma_start3A_303 = tpu.memref_slice %arg7[%dma_start3A_301, %arg0, %add3A_300, %dma_start3A_302] : memref<3x2x10240x128xf32, #tpu.memory_space<hbm>> -> memref<1x1x32x128xf32, #tpu.memory_space<hbm>>
        %dma_start3A_304 = tpu.memref_squeeze %dma_start3A_303 : memref<1x1x32x128xf32, #tpu.memory_space<hbm>> -> memref<32x128xf32, #tpu.memory_space<hbm>>
        %dma_start3A_305 = arith.constant 0 : i32
        %dma_start3A_306 = tpu.memref_slice %arg9[%add3A_297, %dma_start3A_305] : memref<10240x128xf32, #tpu.memory_space<vmem_shared>> -> memref<32x128xf32, #tpu.memory_space<vmem_shared>>
        tpu.enqueue_dma source(%dma_start3A_306 : memref<32x128xf32, #tpu.memory_space<vmem_shared>>) target(%dma_start3A_304 : memref<32x128xf32, #tpu.memory_space<hbm>>) target_semaphore(%arg19 : memref<!tpu.dma_semaphore, #tpu.memory_space<semaphore_mem>>)
      } else {
      }
      %mul3A_274 = arith.constant 32 : i32
      %mul3A_275 = arith.muli %add3A_255, %mul3A_274 : i32
      %add3A_276 = arith.addi %mul3A_29, %mul3A_275 : i32
      %mul3A_277 = arith.constant 32 : i32
      %mul3A_278 = arith.muli %add3A_255, %mul3A_277 : i32
      %add3A_279 = arith.addi %mul3A_29, %mul3A_278 : i32
      %dma_wait3A_280 = arith.constant 2 : i32
      %dma_wait3A_281 = arith.constant 0 : i32
      %dma_wait3A_282 = tpu.memref_slice %arg7[%dma_wait3A_280, %arg0, %add3A_279, %dma_wait3A_281] : memref<3x2x10240x128xf32, #tpu.memory_space<hbm>> -> memref<1x1x32x128xf32, #tpu.memory_space<hbm>>
      %dma_wait3A_283 = tpu.memref_squeeze %dma_wait3A_282 : memref<1x1x32x128xf32, #tpu.memory_space<hbm>> -> memref<32x128xf32, #tpu.memory_space<hbm>>
      %dma_wait3A_284 = arith.constant 0 : i32
      %dma_wait3A_285 = tpu.memref_slice %arg9[%add3A_276, %dma_wait3A_284] : memref<10240x128xf32, #tpu.memory_space<vmem_shared>> -> memref<32x128xf32, #tpu.memory_space<vmem_shared>>
      tpu.wait_dma2 semaphore(%arg20 : memref<!tpu.dma_semaphore, #tpu.memory_space<semaphore_mem>>) src(%dma_wait3A_285 : memref<32x128xf32, #tpu.memory_space<vmem_shared>>) dst(%dma_wait3A_283 : memref<32x128xf32, #tpu.memory_space<hbm>>)
      %add3A_286 = arith.constant 2 : i32
      %add3A_287 = arith.addi %add3A_255, %add3A_286 : i32
      %lt3A_288 = arith.constant 20 : i32
      %lt3A_289 = arith.cmpi slt, %add3A_287, %lt3A_288 : i32
      %convert_element_type3A_290 = arith.extui %lt3A_289 : i1 to i32
      %cond3A_291 = arith.constant 0 : i32
      %cond3A_292 = arith.cmpi ne, %convert_element_type3A_290, %cond3A_291 : i32
      scf.if %cond3A_292 {
        %add3A_293 = arith.constant 2 : i32
        %add3A_294 = arith.addi %add3A_255, %add3A_293 : i32
        %mul3A_295 = arith.constant 32 : i32
        %mul3A_296 = arith.muli %add3A_294, %mul3A_295 : i32
        %add3A_297 = arith.addi %mul3A_29, %mul3A_296 : i32
        %mul3A_298 = arith.constant 32 : i32
        %mul3A_299 = arith.muli %add3A_294, %mul3A_298 : i32
        %add3A_300 = arith.addi %mul3A_29, %mul3A_299 : i32
        %dma_start3A_301 = arith.constant 2 : i32
        %dma_start3A_302 = arith.constant 0 : i32
        %dma_start3A_303 = tpu.memref_slice %arg7[%dma_start3A_301, %arg0, %add3A_300, %dma_start3A_302] : memref<3x2x10240x128xf32, #tpu.memory_space<hbm>> -> memref<1x1x32x128xf32, #tpu.memory_space<hbm>>
        %dma_start3A_304 = tpu.memref_squeeze %dma_start3A_303 : memref<1x1x32x128xf32, #tpu.memory_space<hbm>> -> memref<32x128xf32, #tpu.memory_space<hbm>>
        %dma_start3A_305 = arith.constant 0 : i32
        %dma_start3A_306 = tpu.memref_slice %arg9[%add3A_297, %dma_start3A_305] : memref<10240x128xf32, #tpu.memory_space<vmem_shared>> -> memref<32x128xf32, #tpu.memory_space<vmem_shared>>
        tpu.enqueue_dma source(%dma_start3A_306 : memref<32x128xf32, #tpu.memory_space<vmem_shared>>) target(%dma_start3A_304 : memref<32x128xf32, #tpu.memory_space<hbm>>) target_semaphore(%arg20 : memref<!tpu.dma_semaphore, #tpu.memory_space<semaphore_mem>>)
      } else {
      }
    }
    %scan3A_241 = arith.constant 10 : i32
    %lt3A_242 = arith.constant 5 : i32
    %lt3A_243 = arith.cmpi slt, %arg1, %lt3A_242 : i32
    %convert_element_type3A_244 = arith.extui %lt3A_243 : i1 to i32
    %cond3A_245 = arith.constant 0 : i32
    %cond3A_246 = arith.cmpi ne, %convert_element_type3A_244, %cond3A_245 : i32
    scf.if %cond3A_246 {
      %mul3A_247 = arith.constant 128 : i32
      %mul3A_248 = arith.muli %arg1, %mul3A_247 : i32
      %mul3A_249 = arith.constant 128 : i32
      %mul3A_250 = arith.muli %arg1, %mul3A_249 : i32
      %run_scoped3A_251 = arith.constant 2 : i32
      "tpu.region"() ({
        %run_scoped3A_252 = tpu.sem_alloc : memref<!tpu.dma_semaphore, #tpu.memory_space<semaphore_mem>>
        %dma_start3A_253 = arith.constant 0 : i32
        %dma_start3A_254 = tpu.memref_slice %arg8[%run_scoped3A_251, %arg0, %mul3A_250, %dma_start3A_253] : memref<3x2x640x16xf32, #tpu.memory_space<hbm>> -> memref<1x1x128x16xf32, #tpu.memory_space<hbm>>
        %dma_start3A_255 = tpu.memref_squeeze %dma_start3A_254 : memref<1x1x128x16xf32, #tpu.memory_space<hbm>> -> memref<128x16xf32, #tpu.memory_space<hbm>>
        %dma_start3A_256 = arith.constant 0 : i32
        %dma_start3A_257 = tpu.memref_slice %arg10[%mul3A_248, %dma_start3A_256] : memref<640x16xf32, #tpu.memory_space<vmem_shared>> -> memref<128x16xf32, #tpu.memory_space<vmem_shared>>
        tpu.enqueue_dma source(%dma_start3A_257 : memref<128x16xf32, #tpu.memory_space<vmem_shared>>) target(%dma_start3A_255 : memref<128x16xf32, #tpu.memory_space<hbm>>) target_semaphore(%run_scoped3A_252 : memref<!tpu.dma_semaphore, #tpu.memory_space<semaphore_mem>>)
        %dma_wait3A = arith.constant 0 : i32
        %dma_wait3A_258 = tpu.memref_slice %arg8[%run_scoped3A_251, %arg0, %mul3A_250, %dma_wait3A] : memref<3x2x640x16xf32, #tpu.memory_space<hbm>> -> memref<1x1x128x16xf32, #tpu.memory_space<hbm>>
        %dma_wait3A_259 = tpu.memref_squeeze %dma_wait3A_258 : memref<1x1x128x16xf32, #tpu.memory_space<hbm>> -> memref<128x16xf32, #tpu.memory_space<hbm>>
        %dma_wait3A_260 = arith.constant 0 : i32
        %dma_wait3A_261 = tpu.memref_slice %arg10[%mul3A_248, %dma_wait3A_260] : memref<640x16xf32, #tpu.memory_space<vmem_shared>> -> memref<128x16xf32, #tpu.memory_space<vmem_shared>>
        tpu.wait_dma2 semaphore(%run_scoped3A_252 : memref<!tpu.dma_semaphore, #tpu.memory_space<semaphore_mem>>) src(%dma_wait3A_261 : memref<128x16xf32, #tpu.memory_space<vmem_shared>>) dst(%dma_wait3A_259 : memref<128x16xf32, #tpu.memory_space<hbm>>)
        tpu.yield
      }) : () -> ()
    } else {
    }
    return
  }
}

module attributes {stable_mosaic.version = 14 : i64} {
  func.func @_combine_body(%arg0: i32, %arg1: memref<3x2x1024x128xf32, #tpu.memory_space<vmem>>, %arg2: memref<3x2x8x128xf32, #tpu.memory_space<vmem>>, %arg3: memref<128x128xf32, #tpu.memory_space<vmem>>, %arg4: memref<1x128xf32, #tpu.memory_space<vmem>>, %arg5: memref<128x128xf32, #tpu.memory_space<vmem>>, %arg6: memref<1x128xf32, #tpu.memory_space<vmem>>, %arg7: memref<128x128xf32, #tpu.memory_space<vmem>>, %arg8: memref<1x128xf32, #tpu.memory_space<vmem>>, %arg9: memref<2x1024x128xf32, #tpu.memory_space<vmem>>) attributes {dimension_semantics = [#tpu.dimension_semantics<arbitrary>], iteration_bounds = array<i64: 10>, scalar_prefetch = 0 : i64, scratch_operands = 0 : i64, tpu.core_type = #tpu.core_type<tc>, window_params = [{transform_indices = @transform_0, window_bounds = array<i64: 3, 2, 1024, 128>}, {transform_indices = @transform_1, window_bounds = array<i64: 3, 2, 8, 128>}, {pipeline_mode = #tpu.pipeline_mode<synchronous>, transform_indices = @transform_2, window_bounds = array<i64: 128, 128>}, {pipeline_mode = #tpu.pipeline_mode<synchronous>, transform_indices = @transform_3, window_bounds = array<i64: 1, 128>}, {pipeline_mode = #tpu.pipeline_mode<synchronous>, transform_indices = @transform_4, window_bounds = array<i64: 128, 128>}, {pipeline_mode = #tpu.pipeline_mode<synchronous>, transform_indices = @transform_5, window_bounds = array<i64: 1, 128>}, {pipeline_mode = #tpu.pipeline_mode<synchronous>, transform_indices = @transform_6, window_bounds = array<i64: 128, 128>}, {pipeline_mode = #tpu.pipeline_mode<synchronous>, transform_indices = @transform_7, window_bounds = array<i64: 1, 128>}, {transform_indices = @transform_8, window_bounds = array<i64: 2, 1024, 128>}]} {
    %get3A = arith.constant 0 : index
    %get3A_0 = arith.constant 0 : index
    %get3A_1 = arith.constant 0 : index
    %get3A_2 = arith.constant 0 : index
    %get3A_3 = vector.load %arg1[%get3A, %get3A_0, %get3A_1, %get3A_2] : memref<3x2x1024x128xf32, #tpu.memory_space<vmem>>, vector<3x2x1024x128xf32>
    %get3A_4 = arith.constant 0 : index
    %get3A_5 = arith.constant 0 : index
    %get3A_6 = arith.constant 0 : index
    %get3A_7 = arith.constant 0 : index
    %get3A_8 = vector.load %arg2[%get3A_4, %get3A_5, %get3A_6, %get3A_7] : memref<3x2x8x128xf32, #tpu.memory_space<vmem>>, vector<3x2x8x128xf32>
    %slice3A = vector.extract_strided_slice %get3A_3 {offsets = [0, 0, 0, 0], sizes = [3, 1, 1024, 128], strides = [1, 1, 1, 1]} : vector<3x2x1024x128xf32> to vector<3x1x1024x128xf32>
    %squeeze3A = vector.shape_cast %slice3A : vector<3x1x1024x128xf32> to vector<3x1024x128xf32>
    %slice3A_9 = vector.extract_strided_slice %get3A_3 {offsets = [0, 1, 0, 0], sizes = [3, 1, 1024, 128], strides = [1, 1, 1, 1]} : vector<3x2x1024x128xf32> to vector<3x1x1024x128xf32>
    %squeeze3A_10 = vector.shape_cast %slice3A_9 : vector<3x1x1024x128xf32> to vector<3x1024x128xf32>
    %add3A = arith.addf %squeeze3A, %squeeze3A_10 : vector<3x1024x128xf32>
    %slice3A_11 = vector.extract_strided_slice %get3A_8 {offsets = [0, 0, 0, 0], sizes = [3, 1, 8, 128], strides = [1, 1, 1, 1]} : vector<3x2x8x128xf32> to vector<3x1x8x128xf32>
    %squeeze3A_12 = vector.shape_cast %slice3A_11 : vector<3x1x8x128xf32> to vector<3x8x128xf32>
    %slice3A_13 = vector.extract_strided_slice %get3A_8 {offsets = [0, 1, 0, 0], sizes = [3, 1, 8, 128], strides = [1, 1, 1, 1]} : vector<3x2x8x128xf32> to vector<3x1x8x128xf32>
    %squeeze3A_14 = vector.shape_cast %slice3A_13 : vector<3x1x8x128xf32> to vector<3x8x128xf32>
    %add3A_15 = arith.addf %squeeze3A_12, %squeeze3A_14 : vector<3x8x128xf32>
    %reshape3A = vector.shape_cast %add3A : vector<3x1024x128xf32> to vector<3x8x128x128xf32>
    %max3A = arith.constant 1.000000e+00 : f32
    %max3A_16 = vector.broadcast %max3A : f32 to vector<3x8x128xf32>
    %max3A_17 = arith.maximumf %add3A_15, %max3A_16 : vector<3x8x128xf32>
    %broadcast_in_dim3A = vector.shape_cast %max3A_17 : vector<3x8x128xf32> to vector<3x8x128x1xf32>
    %div3A = vector.broadcast %broadcast_in_dim3A : vector<3x8x128x1xf32> to vector<3x8x128x128xf32>
    %div3A_18 = arith.divf %reshape3A, %div3A : vector<3x8x128x128xf32>
    %reshape3A_19 = vector.shape_cast %div3A_18 : vector<3x8x128x128xf32> to vector<3x1024x128xf32>
    %gt3A = arith.constant 0.000000e+00 : f32
    %gt3A_20 = vector.broadcast %gt3A : f32 to vector<3x8x128xf32>
    %gt3A_21 = arith.cmpf ogt, %add3A_15, %gt3A_20 : vector<3x8x128xf32>
    %convert_element_type3A = arith.extui %gt3A_21 : vector<3x8x128xi1> to vector<3x8x128xi32>
    %convert_element_type3A_22 = arith.sitofp %convert_element_type3A : vector<3x8x128xi32> to vector<3x8x128xf32>
    %broadcast_in_dim3A_23 = vector.shape_cast %convert_element_type3A_22 : vector<3x8x128xf32> to vector<3x8x128x1xf32>
    %slice3A_24 = vector.extract_strided_slice %reshape3A_19 {offsets = [1, 0, 0], sizes = [1, 1024, 128], strides = [1, 1, 1]} : vector<3x1024x128xf32> to vector<1x1024x128xf32>
    %squeeze3A_25 = vector.shape_cast %slice3A_24 : vector<1x1024x128xf32> to vector<1024x128xf32>
    %get3A_26 = arith.constant 0 : index
    %get3A_27 = arith.constant 0 : index
    %get3A_28 = vector.load %arg5[%get3A_26, %get3A_27] : memref<128x128xf32, #tpu.memory_space<vmem>>, vector<128x128xf32>
    %dot_general3A = arith.constant dense<0.000000e+00> : vector<1024x128xf32>
    %dot_general3A_29 = tpu.matmul %squeeze3A_25, %get3A_28, %dot_general3A {dimension_numbers = #tpu.dot_dimension_numbers<[1], [1], [0], [0], [0, 0, 1, 0], [], []>, precision = #tpu.contract_precision<fp32>, transpose_lhs_hint = false} : vector<1024x128xf32>, vector<128x128xf32>, vector<1024x128xf32> -> vector<1024x128xf32>
    %get3A_30 = arith.constant 0 : index
    %get3A_31 = arith.constant 0 : index
    %get3A_32 = vector.load %arg6[%get3A_30, %get3A_31] : memref<1x128xf32, #tpu.memory_space<vmem>>, vector<1x128xf32>
    %broadcast_in_dim3A_33 = vector.shape_cast %get3A_32 : vector<1x128xf32> to vector<1x1x128xf32>
    %slice3A_34 = vector.extract_strided_slice %broadcast_in_dim3A_23 {offsets = [1, 0, 0, 0], sizes = [1, 8, 128, 1], strides = [1, 1, 1, 1]} : vector<3x8x128x1xf32> to vector<1x8x128x1xf32>
    %squeeze3A_35 = vector.shape_cast %slice3A_34 : vector<1x8x128x1xf32> to vector<8x128x1xf32>
    %mul3A = vector.broadcast %broadcast_in_dim3A_33 : vector<1x1x128xf32> to vector<8x128x128xf32>
    %mul3A_36 = vector.broadcast %squeeze3A_35 : vector<8x128x1xf32> to vector<8x128x128xf32>
    %mul3A_37 = arith.mulf %mul3A, %mul3A_36 : vector<8x128x128xf32>
    %reshape3A_38 = vector.shape_cast %mul3A_37 : vector<8x128x128xf32> to vector<1024x128xf32>
    %add3A_39 = arith.addf %dot_general3A_29, %reshape3A_38 : vector<1024x128xf32>
    %slice3A_40 = vector.extract_strided_slice %reshape3A_19 {offsets = [2, 0, 0], sizes = [1, 1024, 128], strides = [1, 1, 1]} : vector<3x1024x128xf32> to vector<1x1024x128xf32>
    %squeeze3A_41 = vector.shape_cast %slice3A_40 : vector<1x1024x128xf32> to vector<1024x128xf32>
    %get3A_42 = arith.constant 0 : index
    %get3A_43 = arith.constant 0 : index
    %get3A_44 = vector.load %arg7[%get3A_42, %get3A_43] : memref<128x128xf32, #tpu.memory_space<vmem>>, vector<128x128xf32>
    %dot_general3A_45 = arith.constant dense<0.000000e+00> : vector<1024x128xf32>
    %dot_general3A_46 = tpu.matmul %squeeze3A_41, %get3A_44, %dot_general3A_45 {dimension_numbers = #tpu.dot_dimension_numbers<[1], [1], [0], [0], [0, 0, 1, 0], [], []>, precision = #tpu.contract_precision<fp32>, transpose_lhs_hint = false} : vector<1024x128xf32>, vector<128x128xf32>, vector<1024x128xf32> -> vector<1024x128xf32>
    %get3A_47 = arith.constant 0 : index
    %get3A_48 = arith.constant 0 : index
    %get3A_49 = vector.load %arg8[%get3A_47, %get3A_48] : memref<1x128xf32, #tpu.memory_space<vmem>>, vector<1x128xf32>
    %broadcast_in_dim3A_50 = vector.shape_cast %get3A_49 : vector<1x128xf32> to vector<1x1x128xf32>
    %slice3A_51 = vector.extract_strided_slice %broadcast_in_dim3A_23 {offsets = [2, 0, 0, 0], sizes = [1, 8, 128, 1], strides = [1, 1, 1, 1]} : vector<3x8x128x1xf32> to vector<1x8x128x1xf32>
    %squeeze3A_52 = vector.shape_cast %slice3A_51 : vector<1x8x128x1xf32> to vector<8x128x1xf32>
    %mul3A_53 = vector.broadcast %broadcast_in_dim3A_50 : vector<1x1x128xf32> to vector<8x128x128xf32>
    %mul3A_54 = vector.broadcast %squeeze3A_52 : vector<8x128x1xf32> to vector<8x128x128xf32>
    %mul3A_55 = arith.mulf %mul3A_53, %mul3A_54 : vector<8x128x128xf32>
    %reshape3A_56 = vector.shape_cast %mul3A_55 : vector<8x128x128xf32> to vector<1024x128xf32>
    %add3A_57 = arith.addf %dot_general3A_46, %reshape3A_56 : vector<1024x128xf32>
    %add3A_58 = arith.addf %add3A_39, %add3A_57 : vector<1024x128xf32>
    %swap3A = arith.constant 0 : index
    %swap3A_59 = arith.constant 0 : index
    %swap3A_60 = arith.constant 0 : index
    %swap3A_61 = vector.load %arg9[%swap3A, %swap3A_59, %swap3A_60] : memref<2x1024x128xf32, #tpu.memory_space<vmem>>, vector<1x1024x128xf32>
    %swap3A_62 = vector.shape_cast %swap3A_61 : vector<1x1024x128xf32> to vector<1024x128xf32>
    %swap3A_63 = vector.shape_cast %add3A_58 : vector<1024x128xf32> to vector<1x1024x128xf32>
    tpu.vector_store %arg9[%swap3A, %swap3A_59, %swap3A_60], %swap3A_63 {strides = array<i32>} : memref<2x1024x128xf32, #tpu.memory_space<vmem>>, vector<1x1024x128xf32>,
    %slice3A_64 = vector.extract_strided_slice %reshape3A_19 {offsets = [0, 0, 0], sizes = [1, 1024, 128], strides = [1, 1, 1]} : vector<3x1024x128xf32> to vector<1x1024x128xf32>
    %squeeze3A_65 = vector.shape_cast %slice3A_64 : vector<1x1024x128xf32> to vector<1024x128xf32>
    %get3A_66 = arith.constant 0 : index
    %get3A_67 = arith.constant 0 : index
    %get3A_68 = vector.load %arg3[%get3A_66, %get3A_67] : memref<128x128xf32, #tpu.memory_space<vmem>>, vector<128x128xf32>
    %dot_general3A_69 = arith.constant dense<0.000000e+00> : vector<1024x128xf32>
    %dot_general3A_70 = tpu.matmul %squeeze3A_65, %get3A_68, %dot_general3A_69 {dimension_numbers = #tpu.dot_dimension_numbers<[1], [1], [0], [0], [0, 0, 1, 0], [], []>, precision = #tpu.contract_precision<fp32>, transpose_lhs_hint = false} : vector<1024x128xf32>, vector<128x128xf32>, vector<1024x128xf32> -> vector<1024x128xf32>
    %get3A_71 = arith.constant 0 : index
    %get3A_72 = arith.constant 0 : index
    %get3A_73 = vector.load %arg4[%get3A_71, %get3A_72] : memref<1x128xf32, #tpu.memory_space<vmem>>, vector<1x128xf32>
    %broadcast_in_dim3A_74 = vector.shape_cast %get3A_73 : vector<1x128xf32> to vector<1x1x128xf32>
    %slice3A_75 = vector.extract_strided_slice %broadcast_in_dim3A_23 {offsets = [0, 0, 0, 0], sizes = [1, 8, 128, 1], strides = [1, 1, 1, 1]} : vector<3x8x128x1xf32> to vector<1x8x128x1xf32>
    %squeeze3A_76 = vector.shape_cast %slice3A_75 : vector<1x8x128x1xf32> to vector<8x128x1xf32>
    %mul3A_77 = vector.broadcast %broadcast_in_dim3A_74 : vector<1x1x128xf32> to vector<8x128x128xf32>
    %mul3A_78 = vector.broadcast %squeeze3A_76 : vector<8x128x1xf32> to vector<8x128x128xf32>
    %mul3A_79 = arith.mulf %mul3A_77, %mul3A_78 : vector<8x128x128xf32>
    %reshape3A_80 = vector.shape_cast %mul3A_79 : vector<8x128x128xf32> to vector<1024x128xf32>
    %add3A_81 = arith.addf %dot_general3A_70, %reshape3A_80 : vector<1024x128xf32>
    %swap3A_82 = arith.constant 1 : index
    %swap3A_83 = arith.constant 0 : index
    %swap3A_84 = arith.constant 0 : index
    %swap3A_85 = vector.load %arg9[%swap3A_82, %swap3A_83, %swap3A_84] : memref<2x1024x128xf32, #tpu.memory_space<vmem>>, vector<1x1024x128xf32>
    %swap3A_86 = vector.shape_cast %swap3A_85 : vector<1x1024x128xf32> to vector<1024x128xf32>
    %swap3A_87 = vector.shape_cast %add3A_81 : vector<1024x128xf32> to vector<1x1024x128xf32>
    tpu.vector_store %arg9[%swap3A_82, %swap3A_83, %swap3A_84], %swap3A_87 {strides = array<i32>} : memref<2x1024x128xf32, #tpu.memory_space<vmem>>, vector<1x1024x128xf32>,
    return
  }
  func.func @transform_0(%arg0: i32) -> (i32, i32, i32, i32) {
    %c0_i32 = arith.constant 0 : i32
    %c0_i32_0 = arith.constant 0 : i32
    %c0_i32_1 = arith.constant 0 : i32
    %c0_i32_2 = arith.constant 0 : i32
    return %c0_i32, %c0_i32_0, %arg0, %c0_i32_1 : i32, i32, i32, i32
  }
  func.func @transform_1(%arg0: i32) -> (i32, i32, i32, i32) {
    %c0_i32 = arith.constant 0 : i32
    %c0_i32_0 = arith.constant 0 : i32
    %c0_i32_1 = arith.constant 0 : i32
    %c0_i32_2 = arith.constant 0 : i32
    return %c0_i32, %c0_i32_0, %arg0, %c0_i32_1 : i32, i32, i32, i32
  }
  func.func @transform_2(%arg0: i32) -> (i32, i32) {
    %c0_i32 = arith.constant 0 : i32
    %c0_i32_0 = arith.constant 0 : i32
    %c0_i32_1 = arith.constant 0 : i32
    return %c0_i32, %c0_i32_0 : i32, i32
  }
  func.func @transform_3(%arg0: i32) -> (i32, i32) {
    %c0_i32 = arith.constant 0 : i32
    %c0_i32_0 = arith.constant 0 : i32
    %c0_i32_1 = arith.constant 0 : i32
    return %c0_i32, %c0_i32_0 : i32, i32
  }
  func.func @transform_4(%arg0: i32) -> (i32, i32) {
    %c0_i32 = arith.constant 0 : i32
    %c0_i32_0 = arith.constant 0 : i32
    %c0_i32_1 = arith.constant 0 : i32
    return %c0_i32, %c0_i32_0 : i32, i32
  }
  func.func @transform_5(%arg0: i32) -> (i32, i32) {
    %c0_i32 = arith.constant 0 : i32
    %c0_i32_0 = arith.constant 0 : i32
    %c0_i32_1 = arith.constant 0 : i32
    return %c0_i32, %c0_i32_0 : i32, i32
  }
  func.func @transform_6(%arg0: i32) -> (i32, i32) {
    %c0_i32 = arith.constant 0 : i32
    %c0_i32_0 = arith.constant 0 : i32
    %c0_i32_1 = arith.constant 0 : i32
    return %c0_i32, %c0_i32_0 : i32, i32
  }
  func.func @transform_7(%arg0: i32) -> (i32, i32) {
    %c0_i32 = arith.constant 0 : i32
    %c0_i32_0 = arith.constant 0 : i32
    %c0_i32_1 = arith.constant 0 : i32
    return %c0_i32, %c0_i32_0 : i32, i32
  }
  func.func @transform_8(%arg0: i32) -> (i32, i32, i32) {
    %c0_i32 = arith.constant 0 : i32
    %c0_i32_0 = arith.constant 0 : i32
    %c0_i32_1 = arith.constant 0 : i32
    return %c0_i32, %arg0, %c0_i32_0 : i32, i32, i32
  }
}

</mosaic_0001>

<sc_bundles>
// kernel: kernel.4.cloned.1.call-start
scs
__scs_entry_jumppad:
0x0: {  	(pc) =	sbr.rel $0x88, $3  }
0x1: {  	(tag) =	ssettag $0x0;
	lr =	simm.s32 $0x1  }
0x2: {  	[smem:$0x3F96] =	sst lr;
	_ =	strace $0xD0000000  }
0x3: {  	_ = 	snop  }
0x4: {  	_ = 	snop  }
0x5: {  	_ = 	snop  }
0x6: {  	_ = 	snop  }
0x7: {  	_ = 	snop  }
__scs_overlays_trampoline_lowered:
0x8: {  	[smem:$0x3FA5] =	sst s0  }
0x9: {  	[smem:$0x3FA6] =	sst s1  }
0xa: {  	[smem:$0x3FA7] =	sst s2  }
0xb: {  	[smem:$0x3FA8] =	sst s3  }
0xc: {  	[smem:$0x3FA9] =	sst s4  }
0xd: {  	[smem:$0x3FAA] =	sst s5  }
0xe: {  	[smem:$0x3FAB] =	sst s6  }
0xf: {  	[smem:$0x3FAC] =	sst s7  }
0x10: {  	[smem:$0x3FAD] =	sst s8  }
0x11: {  	[smem:$0x3FAE] =	sst s9;
	s0 =	simm.s32 @!p0 $0x0  }
0x12: {  	s1 =	sld [smem:$0x3F94];
	s0 =	simm.s32 @p0 $0x1  }
0x13: {  	[smem:$0x3FAF] =	sst s0;
	s0 =	simm.s32 @!p1 $0x0  }
0x14: {  	s2 =	sld [smem:$0x3F93];
	s0 =	simm.s32 @p1 $0x1  }
0x15: {  	[smem:$0x3FB0] =	sst s0;
	s0 =	simm.s32 @!p2 $0x0  }
0x16: {  	s3 =	sld [smem:$0x3FDB];
	s0 =	simm.s32 @p2 $0x1  }
0x17: {  	s4 =	simm.s32 $0x1BF5;
	[smem:$0x3FB2] =	sst s0  }
0x18: {  	s0 =	sld [smem:$0x3F95];
	_ =	swait.ge [sflag:s4], $0x0  }
0x19: {  	s7 =	sld [smem:$0x3F96]  }
0x1a: {  	s8 =	sadd.s32 $0xFFFFE003, lr  }
0x1b: {  	s9 =	sadd.s32 $0xFFFFFEF7, lr;
	s5 =	simm.s32 $0xFFFFFFFF;
	p2 =	slt.u32 s8, $0xFFFFF086  }
0x1c: {  	p1 =	slt.u32 s9, $0xF7A;
	s5 =	simm.s32 @!p2 $0x0  }
0x1d: {  	s5 =	simm.s32 @p1 $0x1;
	p0 =	seq.s32 s7, s2  }
0x1e: {  	s7 =	smul.u32 @!p0 $0xF7A, s2;
	p2 =	seq.s32 @!p0 s5, $0x0  }
0x1f: {  	s9 =	smul.u32 $0xF7A, s1;
	s8 =	simm.s32 @!p0 $0x1BF5;
	p2 =	por !p2, p0  }
0x20: {  	[sflag:s8] =	ssyncset.s32 @!p0 $0xFFFFF086;
	s6 =	sadd.s32 @!p0 s3, s7;
	s7 =	simm.s32 @!p0 $0x108  }
0x21: {  	s3 =	sadd.s32 s3, s9;
	s6 =	sadd.s32 @!p0 $0x88, s6;
	s7 =	simm.s32 @p2 $0x1082  }
0x22: {  	[simem:s7], [sflag:s8] =	dma.local @!p0 [hbm:s6], $0xF7A  }
0x23: {  	s9 =	sor.u32 $0xD0000000, s2;
	s6 =	simm.s32 $0x108;
	_ =	swait.ge @!p0 [sflag:s8], $0x0  }
0x24: {  	s3 =	sadd.s32 $0x88, s3;
	s6 =	simm.s32 @!p1 $0x1082;
	[sflag:s4] =	ssyncset.s32 $0xFFFFF086  }
0x25: {  	[simem:s6], [sflag:s4] =	dma.local [hbm:s3], $0xF7A  }
0x26: {  	[smem:$0x3F96] =	sst s1;
	(tag) =	ssettag s2;
	_ =	strace s9  }
0x27: {  	s1 =	sld [smem:$0x3FA6]  }
0x28: {  	s2 =	sld [smem:$0x3FA7]  }
0x29: {  	s4 =	sld [smem:$0x3FA9]  }
0x2a: {  	p0 =	seq.s32 s5, $0x0;
	s5 =	sld [smem:$0x3FAA]  }
0x2b: {  	s6 =	sld [smem:$0x3FAB]  }
0x2c: {  	s7 =	sld [smem:$0x3FAC]  }
0x2d: {  	s3 =	simm.s32 $0x108;
	s8 =	sld [smem:$0x3FAD]  }
0x2e: {  	s3 =	simm.s32 @!p0 $0x1082;
	s9 =	sld [smem:$0x3FAE]  }
0x2f: {  	lr =	sadd.s32 s0, s3;
	s0 =	sld [smem:$0x3FA5]  }
0x30: {  	s3 =	sld [smem:$0x3FA8]  }
0x31: {  	[smem:$0x3FB1] =	sst s10  }
0x32: {  	s10 =	sld [smem:$0x3FAF];
	_ =	sdelay $0x3  }
0x33: {  	p0 =	seq.s32 s10, $0x1;
	s10 =	sld [smem:$0x3FB1];
	_ =	sdelay $0x3  }
0x34: {  	[smem:$0x3FB1] =	sst s10  }
0x35: {  	s10 =	sld [smem:$0x3FB0];
	_ =	sdelay $0x3  }
0x36: {  	p1 =	seq.s32 s10, $0x1;
	s10 =	sld [smem:$0x3FB1];
	_ =	sdelay $0x3  }
0x37: {  	[smem:$0x3FB1] =	sst s10  }
0x38: {  	s10 =	sld [smem:$0x3FB2]  }
0x39: {  	_ = 	snop;
	(pc) =	sbr.ind lr, $3  }
0x3a: {  	_ = 	snop  }
0x3b: {  	_ = 	snop  }
0x3c: {  	p2 =	seq.s32 s10, $0x1;
	s10 =	sld [smem:$0x3FB1]  }
0x3d: {  	_ =	shalt  }
0x3e: {  	_ =	shalt  }
0x3f: {  	_ =	shalt  }
0x40: {  	_ =	shalt  }
0x41: {  	_ =	shalt  }
0x42: {  	_ =	shalt  }
0x43: {  	_ =	shalt  }
0x44: {  	_ =	shalt  }
0x45: {  	_ =	shalt  }
0x46: {  	_ =	shalt  }
0x47: {  	_ =	shalt  }
0x48: {  	_ =	shalt  }
0x49: {  	_ =	shalt  }
0x4a: {  	_ =	shalt  }
0x4b: {  	_ =	shalt  }
0x4c: {  	_ =	shalt  }
0x4d: {  	_ =	shalt  }
0x4e: {  	_ =	shalt  }
0x4f: {  	_ =	shalt  }
0x50: {  	_ =	shalt  }
0x51: {  	_ =	shalt  }
0x52: {  	_ =	shalt  }
0x53: {  	_ =	shalt  }
0x54: {  	_ =	shalt  }
0x55: {  	_ =	shalt  }
0x56: {  	_ =	shalt  }
0x57: {  	_ =	shalt  }
0x58: {  	_ =	shalt  }
0x59: {  	_ =	shalt  }
0x5a: {  	_ =	shalt  }
0x5b: {  	_ =	shalt  }
0x5c: {  	_ =	shalt  }
0x5d: {  	_ =	shalt  }
0x5e: {  	_ =	shalt  }
0x5f: {  	_ =	shalt  }
0x60: {  	_ =	shalt  }
0x61: {  	_ =	shalt  }
0x62: {  	_ =	shalt  }
0x63: {  	_ =	shalt  }
0x64: {  	_ =	shalt  }
0x65: {  	_ =	shalt  }
0x66: {  	_ =	shalt  }
0x67: {  	_ =	shalt  }
0x68: {  	_ =	shalt  }
0x69: {  	_ =	shalt  }
0x6a: {  	_ =	shalt  }
0x6b: {  	_ =	shalt  }
0x6c: {  	_ =	shalt  }
0x6d: {  	_ =	shalt  }
0x6e: {  	_ =	shalt  }
0x6f: {  	_ =	shalt  }
0x70: {  	_ =	shalt  }
0x71: {  	_ =	shalt  }
0x72: {  	_ =	shalt  }
0x73: {  	_ =	shalt  }
0x74: {  	_ =	shalt  }
0x75: {  	_ =	shalt  }
0x76: {  	_ =	shalt  }
0x77: {  	_ =	shalt  }
0x78: {  	_ =	shalt  }
0x79: {  	_ =	shalt  }
0x7a: {  	_ =	shalt  }
0x7b: {  	_ =	shalt  }
0x7c: {  	_ =	shalt  }
0x7d: {  	_ =	shalt  }
0x7e: {  	_ =	shalt  }
0x7f: {  	_ =	shalt  }
0x80: {  	_ =	shalt  }
0x81: {  	_ =	shalt  }
0x82: {  	_ =	shalt  }
0x83: {  	_ =	shalt  }
0x84: {  	_ =	shalt  }
0x85: {  	_ =	shalt  }
0x86: {  	_ =	shalt  }
0x87: {  	_ =	shalt  }
.Lfunc_end0:
.L_simem_size_0:
called_computation_lowered:
.L_overlay_start_0:
0x88: {  	s2 =	sld [smem:$0x3FD9]  }
0x89: {  	s3 =	sld [smem:$0x3FFE];
	_ =	sdelay $0x1  }
0x8a: {  	s1 =	srdreg.scid  }
0x8b: {  	s0 =	sand.u32 $0x1, s1  }
0x8c: {  	s17 =	sshll.u32 s0, $0xA;
	s2 =	sadd.s32 s3, s2  }
0x8d: {  	s2 =	sadd.s32 s2, s17  }
0x8e: {  	[smem:$0x3FBD] =	sst s2  }
0x8f: {  	_ = 	snop  }
0x90: {  	s2 =	sld [smem:$0x3FC9]  }
0x91: {  	s18 =	sld [smem:$0x3FC8]  }
0x92: {  	s4 =	sld [smem:$0x3FD0];
	(tm) =	ssettm $0x1  }
0x93: {  	s5 =	sld [smem:$0x3FFB];
	_ =	sdelay $0x3  }
0x94: {  	_ =	strace s5  }
0x95: {  	s5 =	sld [smem:$0x3FFC];
	_ =	sdelay $0x3  }
0x96: {  	_ =	strace s5  }
0x97: {  	s5 =	sld [smem:$0x3FFD];
	_ =	sdelay $0x3  }
0x98: {  	_ =	strace s5  }
0x99: {  	_ =	strace $0x8FFFFFFF  }
0x9a: {  	s19 =	sld [smem:$0x3FDB];
	_ =	sdelay $0x1  }
0x9b: {  	s6 =	simm.s32 $_scs_section_size  }
0x9c: {  	s7 =	simm.s32 $_size__tile_overlayer_lowered;
	s8 =	simm.s32 $_tile_overlayer_lowered  }
0x9d: {  	s22 =	simm.s32 $0x1BFF;
	s21 =	sshll.u32 s8, $0x1;
	s5 =	sadd.s32 s6, s19  }
0x9e: {  	s9 =	simm.s32 $0x0;
	s20 =	sshll.u32 s7, $0x1;
	s7 =	sadd.s32 s21, s5  }
0x9f: {  	[timem:s9], [sflag:s22] =	dma.local [hbm:s7], s20  }
0xa0: {  	_ =	swait.ge [sflag:s22], s20  }
0xa1: {  	s6 =	ssub.s32 $0x0, s20;
	[sflag:s22] =	ssyncset.done $0x0  }
0xa2: {  	[sflag:s22] =	ssyncadd.s32 s6;
	_ =	sdelay $0x1  }
0xa3: {  	s23 =	simm.s32 $0x1B8B  }
0xa4: {  	_ =	swait.ge [sflag:s23], $0x1  }
0xa5: {  	[sflag:s23] =	ssyncset.done $0x0  }
0xa6: {  	s25 =	simm.s32 $0x1B8E;
	s24 =	sld [smem:$0x3FFE];
	[sflag:s23] =	ssyncadd.s32 $0xFFFFFFFF  }
0xa7: {  	s26 =	simm.s32 $execute0_lowered;
	[smem:$0x3FD2] =	sst s25  }
0xa8: {  	s7 =	sshll.u32 s26, $0x1;
	_ =	strace $0x80000046;
	[dreg:$0x1] =	wrdreg $0xFFFFFFFF  }
0xa9: {  	s28 =	simm.s32 $_size_execute0_lowered;
	s5 =	sadd.s32 s5, s7;
	[dreg:$0x0] =	wrdreg $0x0  }
0xaa: {  	s7 =	sshll.u32 s28, $0x1;
	[dreg:$0x2] =	wrdreg s5  }
0xab: {  	[dreg:$0x3] =	wrdreg s7  }
0xac: {  	[dreg:$0x4] =	wrdreg $0xC0  }
0xad: {  	_ =	task [dreg:s9], $0x5FFFF  }
0xae: {  	[dreg:$0x1] =	wrdreg $0xFFFFFFFF  }
0xaf: {  	[dreg:$0x0] =	wrdreg $0x60  }
0xb0: {  	[dreg:$0x2] =	wrdreg s2  }
0xb1: {  	[dreg:$0x3] =	wrdreg s18  }
0xb2: {  	[dreg:$0x4] =	wrdreg s4  }
0xb3: {  	[dreg:$0x5] =	wrdreg s24  }
0xb4: {  	[dreg:$0x6] =	wrdreg $0x0  }
0xb5: {  	[dreg:$0x7] =	wrdreg $0x140000  }
0xb6: {  	[dreg:$0x8] =	wrdreg $0x9  }
0xb7: {  	_ =	task.clear_ibuf [dreg:s9], $0x9FFFF;
	_ =	strace $0x90000046  }
0xb8: {  	s29 =	simm.s32 $0x9;
	_ =	strace $0x80000048  }
0xb9: {  	_ =	swait.ge [sflag:s29], $0x1  }
0xba: {  	[sflag:s29] =	ssyncadd.s32 $0xFFFFFFFF  }
0xbb: {  	_ =	strace $0x90000048  }
0xbc: {  	_ =	sfence  }
0xbd: {  	s30 =	sld [smem:$0x0];
	_ =	sdelay $0x2  }
0xbe: {  	s31 =	sshll.u32 s1, $0xD;
	s1 =	sshrl.u32 s1, $0x2  }
0xbf: {  	s3 =	sand.u32 $0x4000, s31;
	s1 =	sadd.s32 s1, s30  }
0xc0: {  	s0 =	sor.u32 s3, s0;
	s1 =	sshll.u32 s1, $0x11  }
0xc1: {  	s0 =	sor.u32 s1, s0  }
0xc2: {  	s0 =	sadd.s32 $0x8F2B, s0  }
0xc3: {  	[sflag:s0] =	ssyncadd.remote.s32 $0x1  }
0xc4: {  	_ =	sfence.sel $0xFFFF  }
0xc5: {  	[dreg:$0x0] =	wrdreg $0xFFFFFFFF;
	(pc) =	sbr.abs _section_cstart, $3  }
0xc6: {  	[dreg:$0x1] =	wrdreg $0xFFFFFFFF  }
0xc7: {  	_ =	task.clear_ibuf [dreg:s9], $0x2FFFF;
	_ =	strace $0x9FFFFFFF  }
0xc8: {  	(tm) =	ssettm $0x7FFFFFFF  }
0xc9: {  	_ =	shalt  }
tec
execute0_lowered:
.L_overlay_start_1:
0x0: {  	(tag) =	ssettag $0x1  }
0x1: {  	s4 =	stileid.u32  }
0x2: {  	s0 =	srdreg.scid;
	s6 =	smul.u32 $0x14000, s4  }
0x3: {  	s0 =	sand.u32 $0x1, s0;
	s8 =	smul.u32 $0x3E, s4  }
0x4: {  	s3 =	rddreg [dreg:$0x3];
	s2 =	simm.s32 $0x0;
	s1 =	smul.u32 $0x2800, s0  }
0x5: {  	[smem:$0x7FF] =	sst s2;
	s10 =	sshll.u32 s4, $0xB;
	s18 =	smul.u32 $0x3E8, s0  }
0x6: {  	s5 =	sadd.s32 $0x17400, s3;
	s19 =	smul.u32 $0x140000, s0;
	s0 =	ssub.s32 $0x2, s0  }
0x7: {  	s20 =	sshrl.u32 s0, $0x1;
	s12 =	sor.u32 $0x1000, s6;
	s25 =	sor.u32 $0x2000, s6  }
0x8: {  	s26 =	sor.u32 $0x3000, s6;
	s31 =	sadd.s32 $0x4000, s6;
	s11 =	sadd.s32 $0x5000, s6  }
0x9: {  	s15 =	sadd.s32 $0x7000, s6;
	s1 =	sadd.s32 s10, s1;
	s7 =	sadd.s32 s18, s4  }
0xa: {  	s0 =	ssub.s32 s0, s20;
	s16 =	sadd.s32 s6, s19;
	[smem:$0x7D4] =	sst s25  }
0xb: {  	s21 =	sadd.s32 s8, s18;
	s24 =	sadd.s32 s19, s12;
	[smem:$0x7D5] =	sst s26  }
0xc: {  	s8 =	sadd.s32 $0x6000, s6;
	s1 =	sshrl.u32 s1, $0x3;
	s9 =	smul.u32 $0xA, s7  }
0xd: {  	[smem:$0x7D2] =	sst s0;
	s22 =	sshrl.u32 s16, $0x3;
	s7 =	smul.u32 $0xA, s21  }
0xe: {  	s0 =	sshrl.u32 s24, $0x3;
	[smem:$0x7C2] =	sst s1;
	s23 =	sadd.s32 s5, s22  }
0xf: {  	s0 =	sadd.s32 s5, s0;
	[dreg:$0x8] =	wrdreg s23;
	s23 =	sadd.s32 $0x500000, s19  }
0x10: {  	s29 =	sadd.s32 $0x283000, s16;
	[dreg:$0x9] =	wrdreg s0;
	s28 =	sadd.s32 s25, s23  }
0x11: {  	s30 =	sadd.s32 s26, s23;
	s2 =	sadd.s32 s31, s23;
	s4 =	sadd.s32 s11, s23  }
0x12: {  	s13 =	sadd.s32 s8, s23;
	s17 =	sadd.s32 s15, s23;
	s0 =	sshrl.u32 s28, $0x3  }
0x13: {  	s1 =	sshrl.u32 s30, $0x3;
	s3 =	sshrl.u32 s2, $0x3;
	s0 =	sadd.s32 s5, s0  }
0x14: {  	s14 =	sshrl.u32 s13, $0x3;
	[dreg:$0xa] =	wrdreg s0;
	s0 =	sadd.s32 s5, s1  }
0x15: {  	s18 =	sshrl.u32 s17, $0x3;
	[dreg:$0xb] =	wrdreg s0;
	s0 =	sadd.s32 s5, s3  }
0x16: {  	s17 =	sadd.s32 $0x8000, s6;
	[dreg:$0xc] =	wrdreg s0;
	s0 =	sshrl.u32 s4, $0x3  }
0x17: {  	s13 =	sadd.s32 $0xB000, s6;
	s19 =	sadd.s32 s17, s23;
	s0 =	sadd.s32 s5, s0  }
0x18: {  	s25 =	sadd.s32 s13, s23;
	[dreg:$0xd] =	wrdreg s0;
	s0 =	sadd.s32 s5, s14  }
0x19: {  	s14 =	sadd.s32 $0xC000, s6;
	[dreg:$0xe] =	wrdreg s0;
	s0 =	sadd.s32 s5, s18  }
0x1a: {  	s18 =	sadd.s32 $0x9000, s6;
	s26 =	sadd.s32 s14, s23;
	[dreg:$0xf] =	wrdreg s0  }
0x1b: {  	s0 =	sshrl.u32 s19, $0x3;
	s20 =	sadd.s32 s18, s23;
	s19 =	sadd.s32 $0xA000, s6  }
0x1c: {  	s28 =	sshrl.u32 s26, $0x3;
	s26 =	sadd.s32 $0xF000, s6;
	s0 =	sadd.s32 s5, s0  }
0x1d: {  	s21 =	sshrl.u32 s20, $0x3;
	s22 =	sadd.s32 s19, s23;
	s4 =	sadd.s32 s26, s23  }
0x1e: {  	[dreg:$0x10] =	wrdreg s0;
	s0 =	sadd.s32 s5, s21;
	s24 =	sshrl.u32 s22, $0x3  }
0x1f: {  	s22 =	sadd.s32 $0xD000, s6;
	s20 =	sshrl.u32 s4, $0x3;
	[dreg:$0x11] =	wrdreg s0  }
0x20: {  	s0 =	sadd.s32 s5, s24;
	s30 =	sadd.s32 s22, s23;
	s24 =	sadd.s32 $0xE000, s6  }
0x21: {  	[dreg:$0x12] =	wrdreg s0;
	s0 =	sshrl.u32 s25, $0x3;
	s2 =	sshrl.u32 s30, $0x3  }
0x22: {  	s3 =	sadd.s32 s24, s23;
	s30 =	sadd.s32 $0x11000, s6;
	s0 =	sadd.s32 s5, s0  }
0x23: {  	s1 =	sadd.s32 s30, s23;
	[dreg:$0x13] =	wrdreg s0;
	s0 =	sadd.s32 s5, s28  }
0x24: {  	s28 =	sadd.s32 $0x10000, s6;
	[dreg:$0x14] =	wrdreg s0;
	s0 =	sadd.s32 s5, s2  }
0x25: {  	s21 =	sadd.s32 s28, s23;
	s2 =	sshrl.u32 s1, $0x3;
	[dreg:$0x15] =	wrdreg s0  }
0x26: {  	s0 =	sshrl.u32 s3, $0x3;
	s25 =	sshrl.u32 s21, $0x3;
	s1 =	sadd.s32 s5, s2  }
0x27: {  	s21 =	sadd.s32 $0x12000, s6;
	s0 =	sadd.s32 s5, s0;
	[dreg:$0x19] =	wrdreg s1  }
0x28: {  	s3 =	sadd.s32 s21, s23;
	[dreg:$0x16] =	wrdreg s0;
	s0 =	sadd.s32 s5, s20  }
0x29: {  	s4 =	sshrl.u32 s3, $0x3;
	[dreg:$0x17] =	wrdreg s0;
	s0 =	sadd.s32 s5, s25  }
0x2a: {  	s1 =	sadd.s32 s5, s4;
	s4 =	sshrl.u32 s29, $0x3;
	s29 =	rddreg [dreg:$0x4]  }
0x2b: {  	s20 =	sadd.s32 $0x13000, s6;
	[dreg:$0x18] =	wrdreg s0  }
0x2c: {  	s23 =	sadd.s32 s20, s23;
	[dreg:$0x1a] =	wrdreg s1  }
0x2d: {  	s25 =	sshrl.u32 s23, $0x3;
	s0 =	sor.u32 $0x3000, s16;
	s23 =	rddreg [dreg:$0x0]  }
0x2e: {  	s1 =	sadd.s32 s5, s25;
	s2 =	sshrl.u32 s0, $0x3;
	s25 =	rddreg [dreg:$0x1]  }
0x2f: {  	s3 =	sor.u32 $0x2000, s16;
	[dreg:$0x1b] =	wrdreg s1;
	s1 =	sadd.s32 s2, s5  }
0x30: {  	[dreg:$0x1c] =	wrdreg s1;
	s1 =	sshrl.u32 s3, $0x3  }
0x31: {  	s2 =	rddreg [dreg:$0x2];
	s1 =	sadd.s32 s1, s5  }
0x32: {  	s0 =	sadd.s32 $0x282000, s16;
	[dreg:$0x1d] =	wrdreg s1;
	s1 =	sadd.s32 s4, s5  }
0x33: {  	[dreg:$0x1e] =	wrdreg s1;
	s1 =	sshrl.u32 s0, $0x3  }
0x34: {  	s4 =	rddreg [dreg:$0x5];
	s1 =	sadd.s32 s1, s5  }
0x35: {  	[dreg:$0x1f] =	wrdreg s1  }
0x36: {  	s0 =	sadd.s32 $0x2670, s9;
	_ =	strace $0x80000047;
	[dreg:$0x7] =	wrdreg s7  }
0x37: {  	s13 =	sadd.s32 s13, s29;
	[smem:$0x7CD] =	sst s0  }
0x38: {  	s13 =	sshrl.u32 s13, $0x3;
	s3 =	stileid.u32;
	s5 =	sld [smem:$0x7C2]  }
0x39: {  	s16 =	smul.u32 $0x50000, s3;
	[smem:$0x7DF] =	sst s13  }
0x3a: {  	s3 =	rddreg [dreg:$0x3]  }
0x3b: {  	s1 =	sadd.s32 s5, s3;
	s5 =	sshrl.u32 s16, $0x2;
	s16 =	sadd.s32 s2, s7  }
0x3c: {  	[smem:$0x7C3] =	sst s16  }
0x3d: {  	s16 =	sadd.s32 $0x4E20, s2;
	s9 =	sadd.s32 s5, s29;
	s5 =	sld [smem:$0x7D5]  }
0x3e: {  	s2 =	sadd.s32 s2, s0;
	[smem:$0x7C4] =	sst s16  }
0x3f: {  	s10 =	sadd.s32 s10, s4;
	[smem:$0x7C5] =	sst s2;
	s16 =	sadd.s32 s6, s29  }
0x40: {  	s4 =	sadd.s32 $0x1A00, s3;
	s6 =	sadd.s32 s12, s29;
	[smem:$0x7C6] =	sst s16  }
0x41: {  	s12 =	sadd.s32 s4, s7;
	[smem:$0x7C7] =	sst s6  }
0x42: {  	s2 =	sadd.s32 s4, s0;
	[smem:$0x7C8] =	sst s12  }
0x43: {  	s4 =	sadd.s32 $0x6820, s3;
	[smem:$0x7C9] =	sst s2  }
0x44: {  	[smem:$0x7CA] =	sst s4  }
0x45: {  	s13 =	sadd.s32 $0x5000, s9;
	s2 =	sld [smem:$0x7D2]  }
0x46: {  	s16 =	sadd.s32 $0xB800, s3;
	s6 =	sadd.s32 $0x10620, s3;
	s3 =	sld [smem:$0x7D4]  }
0x47: {  	[smem:$0x7F0] =	sst s13  }
0x48: {  	s12 =	sadd.s32 $0x15600, s1;
	[smem:$0x7CB] =	sst s6  }
0x49: {  	s11 =	sadd.s32 s11, s29;
	s7 =	sadd.s32 s16, s7;
	[smem:$0x7CF] =	sst s12  }
0x4a: {  	s0 =	sadd.s32 s16, s0;
	s16 =	sadd.s32 $0x16000, s1;
	[smem:$0x7CC] =	sst s7  }
0x4b: {  	s1 =	sadd.s32 $0x16A00, s1;
	s6 =	sadd.s32 s5, s29;
	[smem:$0x7CE] =	sst s0  }
0x4c: {  	s12 =	sadd.s32 s8, s29;
	s5 =	sshrl.u32 s11, $0x3;
	[smem:$0x7D0] =	sst s16  }
0x4d: {  	[smem:$0x7D1] =	sst s1;
	s7 =	sadd.s32 s31, s29;
	s16 =	sadd.s32 s17, s29  }
0x4e: {  	s17 =	sadd.s32 s18, s29;
	s18 =	sadd.s32 s19, s29;
	s31 =	stileid.u32  }
0x4f: {  	[smem:$0x7D9] =	sst s5;
	s0 =	smax.u32 s2, $0x1;
	s2 =	sshrl.u32 s6, $0x3  }
0x50: {  	s6 =	sshrl.u32 s12, $0x3;
	s12 =	sshrl.u32 s18, $0x3;
	s18 =	rddreg [dreg:$0x5]  }
0x51: {  	p0 =	slt.u32 s31, $0x8;
	p1 =	sgt.u32 s31, $0x4;
	s31 =	rddreg [dreg:$0x8]  }
0x52: {  	s4 =	sadd.s32 s3, s29;
	s3 =	rddreg [dreg:$0x9]  }
0x53: {  	[smem:$0x7D3] =	sst s0  }
0x54: {  	s19 =	sadd.s32 s22, s29;
	[smem:$0x7D7] =	sst s2  }
0x55: {  	s22 =	sadd.s32 s24, s29;
	s8 =	sshrl.u32 s16, $0x3;
	[smem:$0x7DA] =	sst s6  }
0x56: {  	s24 =	sadd.s32 s26, s29;
	s11 =	sshrl.u32 s17, $0x3;
	[smem:$0x7DC] =	sst s8  }
0x57: {  	s26 =	sadd.s32 s28, s29;
	s28 =	sadd.s32 s30, s29;
	[smem:$0x7DD] =	sst s11  }
0x58: {  	s30 =	sadd.s32 s21, s29;
	s21 =	sshrl.u32 s19, $0x3;
	[smem:$0x7DE] =	sst s12  }
0x59: {  	s22 =	sshrl.u32 s22, $0x3;
	[smem:$0x7E1] =	sst s21  }
0x5a: {  	s24 =	sshrl.u32 s24, $0x3;
	[smem:$0x7E2] =	sst s22  }
0x5b: {  	s26 =	sshrl.u32 s26, $0x3;
	[smem:$0x7E3] =	sst s24  }
0x5c: {  	s28 =	sshrl.u32 s28, $0x3;
	[smem:$0x7E4] =	sst s26  }
0x5d: {  	s30 =	sshrl.u32 s30, $0x3;
	[smem:$0x7E5] =	sst s28  }
0x5e: {  	s16 =	sadd.s32 $0x8000, s9;
	[smem:$0x7E6] =	sst s30  }
0x5f: {  	s17 =	sadd.s32 $0x9000, s9;
	[smem:$0x7F3] =	sst s16  }
0x60: {  	s19 =	sadd.s32 $0xA000, s9;
	[smem:$0x7F4] =	sst s17  }
0x61: {  	s1 =	sshrl.u32 s4, $0x3;
	[smem:$0x7F5] =	sst s19  }
0x62: {  	s15 =	sadd.s32 s15, s29;
	s4 =	sshrl.u32 s7, $0x3;
	[smem:$0x7D6] =	sst s1  }
0x63: {  	s14 =	sadd.s32 s14, s29;
	s7 =	sshrl.u32 s15, $0x3;
	[smem:$0x7D8] =	sst s4  }
0x64: {  	s0 =	sadd.s32 s20, s29;
	s20 =	sshrl.u32 s14, $0x3;
	[smem:$0x7DB] =	sst s7  }
0x65: {  	s2 =	sadd.s32 $0x50000, s31;
	[smem:$0x7E0] =	sst s20  }
0x66: {  	s5 =	sadd.s32 $0xA0000, s31;
	[smem:$0x7E8] =	sst s2  }
0x67: {  	s6 =	sadd.s32 $0xA0000, s3;
	[smem:$0x7EA] =	sst s5  }
0x68: {  	s8 =	sadd.s32 $0x2000, s9;
	[smem:$0x7EB] =	sst s6  }
0x69: {  	s11 =	sadd.s32 $0x3000, s9;
	[smem:$0x7ED] =	sst s8  }
0x6a: {  	s12 =	sadd.s32 $0x4000, s9;
	[smem:$0x7EE] =	sst s11  }
0x6b: {  	s14 =	sadd.s32 $0x6000, s9;
	[smem:$0x7EF] =	sst s12  }
0x6c: {  	s15 =	sadd.s32 $0x7000, s9;
	[smem:$0x7F1] =	sst s14  }
0x6d: {  	s21 =	sadd.s32 $0xC000, s9;
	[smem:$0x7F2] =	sst s15  }
0x6e: {  	s22 =	sadd.s32 $0xD000, s9;
	[smem:$0x7F7] =	sst s21  }
0x6f: {  	s24 =	sadd.s32 $0xE000, s9;
	[smem:$0x7F8] =	sst s22  }
0x70: {  	s13 =	simm.s32 $0x2;
	s26 =	sadd.s32 $0xF000, s9;
	[smem:$0x7F9] =	sst s24  }
0x71: {  	s28 =	sadd.s32 $0x10000, s9;
	s30 =	sadd.s32 $0x11000, s9;
	[smem:$0x7FA] =	sst s26  }
0x72: {  	s17 =	sadd.s32 $0x12000, s9;
	s31 =	sadd.s32 $0x13000, s9;
	[smem:$0x7FB] =	sst s28  }
0x73: {  	s0 =	sshrl.u32 s0, $0x3;
	s4 =	sadd.s32 $0x50000, s3;
	[smem:$0x7FC] =	sst s30  }
0x74: {  	s7 =	sadd.s32 $0x1000, s9;
	s20 =	sadd.s32 $0xB000, s9;
	[smem:$0x7FD] =	sst s31  }
0x75: {  	s21 =	simm.s32 $0x50;
	s22 =	simm.s32 $0x169E0;
	[smem:$0x7E7] =	sst s0  }
0x76: {  	s6 =	simm.s32 $0x191E0;
	s8 =	simm.s32 $0x1;
	[smem:$0x7E9] =	sst s4  }
0x77: {  	s11 =	simm.s32 $0x1B9E0;
	s12 =	simm.s32 $0x3;
	[smem:$0x7EC] =	sst s7  }
0x78: {  	s14 =	simm.s32 $0x4;
	s3 =	simm.s32 $0x80;
	[smem:$0x7F6] =	sst s20  }
0x79: {  	v0 =	vimm.f32 $0.0e+00;
	v1 =	vlaneseq.u32;
	v2 =	vimm.f32 $1.000000000e+00;
	s20 =	simm.s32 $0x5;
	s0 =	simm.s32 $0x1E460;
	s4 =	simm.s32 $0x0  }
.LBB2_1:
0x7a: {  	s1 =	simm.s32 $0x0;
	s2 =	simm.s32 $0x200  }
.LBB2_2:
0x7b: {  	p2 =	sne.s32 s2, $0x3E00;
	[tilespmem:s1+$0x1E4D0] =	vst v0  }
0x7c: {  	[tilespmem:s1+$0x1E460] =	vst v0  }
0x7d: {  	[tilespmem:s1+$0x1E470] =	vst v0  }
.Ltmp0:
0x7e: {  	[tilespmem:s1+$0x1E480] =	vst v0;
	(pc) =	sbr.rel @p2 .LBB2_2-.Ltmp0, $4  }
0x7f: {  	[tilespmem:s1+$0x1E490] =	vst v0  }
0x80: {  	[tilespmem:s1+$0x1E4A0] =	vst v0  }
0x81: {  	[tilespmem:s1+$0x1E4B0] =	vst v0  }
0x82: {  	[tilespmem:s1+$0x1E4C0] =	vst v0;
	s1 =	sshra.s32 s2, $0x2;
	s2 =	sadd.s32 $0x200, s2  }
0x83: {  	[tilespmem:s1+$0x1E4D0] =	vst v0  }
0x84: {  	[tilespmem:s1+$0x1E460] =	vst v0  }
0x85: {  	[tilespmem:s1+$0x1E470] =	vst v0  }
0x86: {  	[tilespmem:s1+$0x1E480] =	vst v0  }
0x87: {  	[tilespmem:s1+$0x1E490] =	vst v0  }
0x88: {  	[tilespmem:s1+$0x1E4A0] =	vst v0  }
0x89: {  	[tilespmem:s1+$0x1E4B0] =	vst v0  }
0x8a: {  	s2 =	simm.s32 $0x0;
	[tilespmem:s1+$0x1E4C0] =	vst v0;
	s1 =	simm.s32 $0x0  }
.LBB2_4:
0x8b: {  	p2 =	sne.s32 s1, $0x1FC0  }
.Ltmp1:
0x8c: {  	_ = 	snop;
	(pc) =	sbr.rel @p2 .LBB2_4-.Ltmp1, $3  }
0x8d: {  	_ =	sdelay $0x1  }
0x8e: {  	s5 =	sshra.s32 s1, $0x2  }
0x8f: {  	s1 =	sadd.s32 $0x40, s1;
	[tilespmem:s5+$0x1F460] =	vst v0  }
0x90: {  	v3 =	vmov s2  }
0x91: {  	v4 =	vor.u32 $0x10, v3;
	v5 =	vor.u32 $0x20, v3;
	v6 =	vor.u32 $0x70, v3  }
0x92: {  	v7 =	vor.u32 $0x30, v3;
	v8 =	vor.u32 $0x40, v3;
	v6 =	vbroadcast v6, $0x0  }
0x93: {  	v9 =	vor.u32 $0x50, v3;
	v3 =	vor.u32 $0x60, v3;
	v4 =	vbroadcast v4, $0x0  }
0x94: {  	s15 =	simm.s32 $0x1E220;
	v5 =	vbroadcast v5, $0x0;
	v7 =	vbroadcast v7, $0x0;
	v6 =	vor.u32 v1, v6  }
0x95: {  	v8 =	vbroadcast v8, $0x0;
	v9 =	vbroadcast v9, $0x0;
	v4 =	vor.u32 v1, v4;
	[tilespmem:s15+$0x30] =	vst v6  }
0x96: {  	v10 =	vor.u32 v1, v7;
	[tilespmem:s15+$0xFFFFFFD0] =	vst v4;
	v6 =	vbroadcast v3, $0x0  }
0x97: {  	s7 =	simm.s32 $0x80;
	v7 =	vor.u32 v1, v8;
	v4 =	vor.u32 v1, v5;
	v5 =	vor.u32 v1, v9;
	[tilespmem:s15+$0xFFFFFFF0] =	vst v10  }
0x98: {  	[smem:$0x7C1] =	sst s4;
	s1 =	simm.s32 $0x100;
	v3 =	vmov s7;
	[tilespmem:s15+$0xFFFFFFE0] =	vst v4;
	v4 =	vor.u32 s2, v1;
	v6 =	vor.u32 v1, v6  }
.LBB2_6:
0x99: {  	p2 =	sne.s32 s1, $0x200;
	v8 =	vor.u32 $0x10, v3;
	v9 =	vor.u32 $0x20, v3;
	v10 =	vor.u32 $0x70, v3;
	[tilespmem:s15+$0x0] =	vst v7  }
0x9a: {  	v7 =	vor.u32 $0x30, v3;
	v11 =	vor.u32 $0x40, v3;
	v10 =	vbroadcast v10, $0x0;
	[tilespmem:s15+$0x10] =	vst v5  }
0x9b: {  	v5 =	vbroadcast v8, $0x0;
	v8 =	vor.u32 $0x50, v3;
	v3 =	vor.u32 $0x60, v3;
	[tilespmem:s15+$0x20] =	vst v6  }
.Ltmp2:
0x9c: {  	v7 =	vbroadcast v7, $0x0;
	v6 =	vbroadcast v9, $0x0;
	v9 =	vor.u32 v1, v10;
	[tilespmem:s15+$0xFFFFFFC0] =	vst v4;
	s15 =	sadd.s32 $0x80, s15;
	(pc) =	sbr.rel @p2 .LBB2_6-.Ltmp2, $4  }
0x9d: {  	v8 =	vbroadcast v8, $0x0;
	v4 =	vor.u32 v1, v5;
	v5 =	vbroadcast v11, $0x0;
	[tilespmem:s15+$0x30] =	vst v9  }
0x9e: {  	v9 =	vbroadcast v3, $0x0;
	[tilespmem:s15+$0xFFFFFFD0] =	vst v4;
	v4 =	vor.u32 v1, v6;
	v6 =	vor.u32 v1, v7  }
0x9f: {  	v7 =	vor.u32 v1, v5;
	v5 =	vor.u32 v1, v8;
	[tilespmem:s15+$0xFFFFFFE0] =	vst v4  }
0xa0: {  	v3 =	vmov s1;
	v4 =	vor.u32 s7, v1;
	s7 =	smov.u32 s1;
	s1 =	sadd.s32 $0x80, s1;
	[tilespmem:s15+$0xFFFFFFF0] =	vst v6;
	v6 =	vor.u32 v1, v9  }
0xa1: {  	[tilespmem:s15+$0x0] =	vst v7  }
0xa2: {  	v8 =	vor.u32 $0x70, v3;
	[tilespmem:s15+$0x10] =	vst v5  }
0xa3: {  	v56 =	vor.u32 $0x10, v3;
	[tilespmem:s15+$0x20] =	vst v6;
	v8 =	vbroadcast v8, $0x0  }
0xa4: {  	v57 =	vor.u32 $0x20, v3;
	[tilespmem:s15+$0xFFFFFFC0] =	vst v4;
	s1 =	sadd.s32 $0x80, s15;
	v63 =	vor.u32 s7, v1;
	v7 =	vbroadcast v56, $0x0  }
0xa5: {  	v58 =	vor.u32 $0x30, v3;
	v5 =	vbroadcast v57, $0x0;
	[tilespmem:s1+$0xFFFFFFC0] =	vst v63;
	v8 =	vor.u32 v1, v8  }
0xa6: {  	v59 =	vor.u32 $0x40, v3;
	v6 =	vbroadcast v58, $0x0;
	v7 =	vor.u32 v1, v7;
	[tilespmem:s1+$0x30] =	vst v8  }
0xa7: {  	v60 =	vor.u32 $0x50, v3;
	v4 =	vbroadcast v59, $0x0;
	v5 =	vor.u32 v1, v5;
	[tilespmem:s1+$0xFFFFFFD0] =	vst v7  }
0xa8: {  	v3 =	vor.u32 $0x60, v3;
	v61 =	vbroadcast v60, $0x0;
	v6 =	vor.u32 v1, v6;
	[tilespmem:s1+$0xFFFFFFE0] =	vst v5  }
0xa9: {  	v3 =	vbroadcast v3, $0x0;
	v4 =	vor.u32 v1, v4;
	[tilespmem:s1+$0xFFFFFFF0] =	vst v6  }
0xaa: {  	s7 =	sld [smem:$0x7C3];
	v62 =	vor.u32 v1, v61;
	[tilespmem:s1+$0x0] =	vst v4  }
0xab: {  	v3 =	vor.u32 v1, v3;
	[tilespmem:s1+$0x10] =	vst v62  }
0xac: {  	s2 =	simm.s32 $0x0;
	s4 =	simm.s32 $0x14280;
	[tilespmem:s1+$0x20] =	vst v3  }
0xad: {  	[tilespmem:s4], [sflag:$0x5] =	stream.linear.gather [hbm4b:s7+s2], $0x1360, $0x38;
	[tilespmem:$0x1FC60] =	vst v63  }
0xae: {  	_ =	swait.ge [sflag:s20], $0x1360  }
0xaf: {  	s7 =	sld [smem:$0x7C4];
	_ =	sdelay $0x1  }
0xb0: {  	[sflag:s20] =	ssyncset.done $0x0;
	s15 =	rddreg [dreg:$0x7]  }
0xb1: {  	s5 =	simm.s32 $0x15630;
	[sflag:s20] =	ssyncadd.s32 $0xFFFFECA0;
	s1 =	sadd.s32 s15, s7  }
0xb2: {  	[tilespmem:s5], [sflag:$0x5] =	stream.linear.gather [hbm4b:s1+s2], $0x1360, $0x38;
	[tilespmem:$0x1FC60] =	vst v63  }
0xb3: {  	_ =	swait.ge [sflag:s20], $0x1360  }
0xb4: {  	s5 =	sld [smem:$0x7C5]  }
0xb5: {  	[sflag:s20] =	ssyncset.done $0x0  }
0xb6: {  	s1 =	simm.s32 @!p0 $0x0;
	s2 =	simm.s32 @!p0 $0x155E0;
	[sflag:s20] =	ssyncadd.s32 $0xFFFFECA0  }
0xb7: {  	[tilespmem:s2], [sflag:$0x5] =	stream.linear.gather @!p0 [hbm4b:s5+s1], $0x50, $0x38;
	[tilespmem:$0x1FC60] =	vst v63  }
0xb8: {  	s2 =	simm.s32 @!p0 $0x5  }
0xb9: {  	_ =	swait.ge @!p0 [sflag:s2], $0x50  }
0xba: {  	s5 =	sld [smem:$0x7CD];
	_ =	sdelay $0x1  }
0xbb: {  	[sflag:s2] =	ssyncset.done @!p0 $0x0  }
0xbc: {  	[sflag:s2] =	ssyncadd.s32 @!p0 $0xFFFFFFB0;
	s5 =	sadd.s32 @!p0 s5, s7;
	s7 =	simm.s32 @!p0 $0x16990  }
0xbd: {  	[tilespmem:s7], [sflag:$0x5] =	stream.linear.gather @!p0 [hbm4b:s5+s1], $0x50, $0x38;
	[tilespmem:$0x1FC60] =	vst v63  }
0xbe: {  	_ =	swait.ge @!p0 [sflag:s2], $0x50  }
0xbf: {  	[sflag:s2] =	ssyncset.done @!p0 $0x0  }
0xc0: {  	[sflag:s2] =	ssyncadd.s32 @!p0 $0xFFFFFFB0  }
0xc1: {  	[tilespmem:s22], [sflag:$0x1] =	stream.indirect.gather [hbm4b:s23+s21], $0x80, s4, s21, $0xb8;
	[tilespmem:$0x1FC60] =	vst v63  }
0xc2: {  	s16 =	simm.s32 $0x142D0  }
0xc3: {  	[tilespmem:s6], [sflag:$0x2] =	stream.indirect.gather [hbm4b:s23+s21], $0x80, s16, s21, $0xb8;
	[tilespmem:$0x1FC60] =	vst v63  }
0xc4: {  	_ = 	snop  }
0xc5: {  	[spmem:s9] =	stream.linear.scatter [tilespmem:s0], [sflag:$0x5], $0x1000, $0x38;
	[tilespmem:$0x1FC60] =	vst v63  }
0xc6: {  	_ =	swait.ge [sflag:s20], $0x1000  }
0xc7: {  	s19 =	sld [smem:$0x7EC]  }
0xc8: {  	[sflag:s20] =	ssyncset.done $0x0  }
0xc9: {  	[sflag:s20] =	ssyncadd.s32 $0xFFFFF000  }
0xca: {  	[spmem:s19] =	stream.linear.scatter [tilespmem:s0], [sflag:$0x5], $0x1000, $0x38;
	[tilespmem:$0x1FC60] =	vst v63  }
0xcb: {  	_ =	swait.ge [sflag:s20], $0x1000  }
0xcc: {  	s24 =	sld [smem:$0x7ED]  }
0xcd: {  	[sflag:s20] =	ssyncset.done $0x0  }
0xce: {  	[sflag:s20] =	ssyncadd.s32 $0xFFFFF000  }
0xcf: {  	[spmem:s24] =	stream.linear.scatter [tilespmem:s0], [sflag:$0x5], $0x1000, $0x38;
	[tilespmem:$0x1FC60] =	vst v63  }
0xd0: {  	_ =	swait.ge [sflag:s20], $0x1000  }
0xd1: {  	s26 =	sld [smem:$0x7EE]  }
0xd2: {  	[sflag:s20] =	ssyncset.done $0x0  }
0xd3: {  	[sflag:s20] =	ssyncadd.s32 $0xFFFFF000  }
0xd4: {  	[spmem:s26] =	stream.linear.scatter [tilespmem:s0], [sflag:$0x5], $0x1000, $0x38;
	[tilespmem:$0x1FC60] =	vst v63  }
0xd5: {  	_ =	swait.ge [sflag:s20], $0x1000  }
0xd6: {  	s28 =	sld [smem:$0x7EF]  }
0xd7: {  	[sflag:s20] =	ssyncset.done $0x0  }
0xd8: {  	[sflag:s20] =	ssyncadd.s32 $0xFFFFF000  }
0xd9: {  	[spmem:s28] =	stream.linear.scatter [tilespmem:s0], [sflag:$0x5], $0x1000, $0x38;
	[tilespmem:$0x1FC60] =	vst v63  }
0xda: {  	_ =	swait.ge [sflag:s20], $0x1000  }
0xdb: {  	s30 =	sld [smem:$0x7F0]  }
0xdc: {  	[sflag:s20] =	ssyncset.done $0x0  }
0xdd: {  	[sflag:s20] =	ssyncadd.s32 $0xFFFFF000  }
0xde: {  	[spmem:s30] =	stream.linear.scatter [tilespmem:s0], [sflag:$0x5], $0x1000, $0x38;
	[tilespmem:$0x1FC60] =	vst v63  }
0xdf: {  	_ =	swait.ge [sflag:s20], $0x1000  }
0xe0: {  	s31 =	sld [smem:$0x7F1]  }
0xe1: {  	[sflag:s20] =	ssyncset.done $0x0  }
0xe2: {  	[sflag:s20] =	ssyncadd.s32 $0xFFFFF000  }
0xe3: {  	[spmem:s31] =	stream.linear.scatter [tilespmem:s0], [sflag:$0x5], $0x1000, $0x38;
	[tilespmem:$0x1FC60] =	vst v63  }
0xe4: {  	_ =	swait.ge [sflag:s20], $0x1000  }
0xe5: {  	s2 =	sld [smem:$0x7F2]  }
0xe6: {  	[sflag:s20] =	ssyncset.done $0x0  }
0xe7: {  	[sflag:s20] =	ssyncadd.s32 $0xFFFFF000  }
0xe8: {  	[spmem:s2] =	stream.linear.scatter [tilespmem:s0], [sflag:$0x5], $0x1000, $0x38;
	[tilespmem:$0x1FC60] =	vst v63  }
0xe9: {  	_ =	swait.ge [sflag:s20], $0x1000  }
0xea: {  	s4 =	sld [smem:$0x7F3]  }
0xeb: {  	[sflag:s20] =	ssyncset.done $0x0  }
0xec: {  	[sflag:s20] =	ssyncadd.s32 $0xFFFFF000  }
0xed: {  	[spmem:s4] =	stream.linear.scatter [tilespmem:s0], [sflag:$0x5], $0x1000, $0x38;
	[tilespmem:$0x1FC60] =	vst v63  }
0xee: {  	_ =	swait.ge [sflag:s20], $0x1000  }
0xef: {  	s5 =	sld [smem:$0x7F4]  }
0xf0: {  	[sflag:s20] =	ssyncset.done $0x0  }
0xf1: {  	[sflag:s20] =	ssyncadd.s32 $0xFFFFF000  }
0xf2: {  	[spmem:s5] =	stream.linear.scatter [tilespmem:s0], [sflag:$0x5], $0x1000, $0x38;
	[tilespmem:$0x1FC60] =	vst v63  }
0xf3: {  	_ =	swait.ge [sflag:s20], $0x1000  }
0xf4: {  	s7 =	sld [smem:$0x7F5]  }
0xf5: {  	[sflag:s20] =	ssyncset.done $0x0  }
0xf6: {  	[sflag:s20] =	ssyncadd.s32 $0xFFFFF000  }
0xf7: {  	[spmem:s7] =	stream.linear.scatter [tilespmem:s0], [sflag:$0x5], $0x1000, $0x38;
	[tilespmem:$0x1FC60] =	vst v63  }
0xf8: {  	_ =	swait.ge [sflag:s20], $0x1000  }
0xf9: {  	s15 =	sld [smem:$0x7F6]  }
0xfa: {  	[sflag:s20] =	ssyncset.done $0x0  }
0xfb: {  	[sflag:s20] =	ssyncadd.s32 $0xFFFFF000  }
0xfc: {  	[spmem:s15] =	stream.linear.scatter [tilespmem:s0], [sflag:$0x5], $0x1000, $0x38;
	[tilespmem:$0x1FC60] =	vst v63  }
0xfd: {  	_ =	swait.ge [sflag:s20], $0x1000  }
0xfe: {  	s16 =	sld [smem:$0x7F7]  }
0xff: {  	[sflag:s20] =	ssyncset.done $0x0  }
0x100: {  	[sflag:s20] =	ssyncadd.s32 $0xFFFFF000  }
0x101: {  	[spmem:s16] =	stream.linear.scatter [tilespmem:s0], [sflag:$0x5], $0x1000, $0x38;
	[tilespmem:$0x1FC60] =	vst v63  }
0x102: {  	_ =	swait.ge [sflag:s20], $0x1000  }
0x103: {  	s19 =	sld [smem:$0x7F8]  }
0x104: {  	[sflag:s20] =	ssyncset.done $0x0  }
0x105: {  	[sflag:s20] =	ssyncadd.s32 $0xFFFFF000  }
0x106: {  	[spmem:s19] =	stream.linear.scatter [tilespmem:s0], [sflag:$0x5], $0x1000, $0x38;
	[tilespmem:$0x1FC60] =	vst v63  }
0x107: {  	_ =	swait.ge [sflag:s20], $0x1000  }
0x108: {  	s24 =	sld [smem:$0x7F9]  }
0x109: {  	[sflag:s20] =	ssyncset.done $0x0  }
0x10a: {  	[sflag:s20] =	ssyncadd.s32 $0xFFFFF000  }
0x10b: {  	[spmem:s24] =	stream.linear.scatter [tilespmem:s0], [sflag:$0x5], $0x1000, $0x38;
	[tilespmem:$0x1FC60] =	vst v63  }
0x10c: {  	_ =	swait.ge [sflag:s20], $0x1000  }
0x10d: {  	s26 =	sld [smem:$0x7FA]  }
0x10e: {  	[sflag:s20] =	ssyncset.done $0x0  }
0x10f: {  	[sflag:s20] =	ssyncadd.s32 $0xFFFFF000  }
0x110: {  	[spmem:s26] =	stream.linear.scatter [tilespmem:s0], [sflag:$0x5], $0x1000, $0x38;
	[tilespmem:$0x1FC60] =	vst v63  }
0x111: {  	_ =	swait.ge [sflag:s20], $0x1000  }
0x112: {  	s28 =	sld [smem:$0x7FB]  }
0x113: {  	[sflag:s20] =	ssyncset.done $0x0  }
0x114: {  	[sflag:s20] =	ssyncadd.s32 $0xFFFFF000  }
0x115: {  	[spmem:s28] =	stream.linear.scatter [tilespmem:s0], [sflag:$0x5], $0x1000, $0x38;
	[tilespmem:$0x1FC60] =	vst v63  }
0x116: {  	_ =	swait.ge [sflag:s20], $0x1000  }
0x117: {  	s30 =	sld [smem:$0x7FC]  }
0x118: {  	[sflag:s20] =	ssyncset.done $0x0  }
0x119: {  	[sflag:s20] =	ssyncadd.s32 $0xFFFFF000  }
0x11a: {  	[spmem:s30] =	stream.linear.scatter [tilespmem:s0], [sflag:$0x5], $0x1000, $0x38;
	[tilespmem:$0x1FC60] =	vst v63  }
0x11b: {  	_ =	swait.ge [sflag:s20], $0x1000  }
0x11c: {  	[sflag:s20] =	ssyncset.done $0x0  }
0x11d: {  	[sflag:s20] =	ssyncadd.s32 $0xFFFFF000  }
0x11e: {  	[spmem:s17] =	stream.linear.scatter [tilespmem:s0], [sflag:$0x5], $0x1000, $0x38;
	[tilespmem:$0x1FC60] =	vst v63  }
0x11f: {  	_ =	swait.ge [sflag:s20], $0x1000  }
0x120: {  	s31 =	sld [smem:$0x7FD]  }
0x121: {  	[sflag:s20] =	ssyncset.done $0x0  }
0x122: {  	[sflag:s20] =	ssyncadd.s32 $0xFFFFF000  }
0x123: {  	[spmem:s31] =	stream.linear.scatter [tilespmem:s0], [sflag:$0x5], $0x1000, $0x38;
	[tilespmem:$0x1FC60] =	vst v63  }
0x124: {  	_ =	swait.ge [sflag:s20], $0x1000  }
0x125: {  	[sflag:s20] =	ssyncset.done $0x0  }
0x126: {  	s1 =	simm.s32 $0x40;
	s2 =	simm.s32 $0x0;
	[sflag:s20] =	ssyncadd.s32 $0xFFFFF000  }
.LBB2_8:
0x127: {  	p2 =	sne.s32 s1, $0x9FC0;
	[tilespmem:s2+$0x1B9E0] =	vst v0;
	s2 =	smov.u32 s1;
	s1 =	sadd.s32 $0x40, s1  }
.Ltmp3:
0x128: {  	(pc) =	sbr.rel @p2 .LBB2_8-.Ltmp3, $2  }
0x129: {  	_ =	sdelay $0x2  }
0x12a: {  	s2 =	sshra.s32 s2, $0x2  }
0x12b: {  	[tilespmem:s2+$0x1B9E0] =	vst v0;
	s1 =	simm.s32 @!p1 $0x1F460  }
0x12c: {  	[spmem:s10] =	stream.linear.scatter @!p1 [tilespmem:s1], [sflag:$0x5], $0x800, $0x38;
	[tilespmem:$0x1FC60] =	vst v63  }
0x12d: {  	s1 =	simm.s32 @!p1 $0x5  }
0x12e: {  	_ =	swait.ge @!p1 [sflag:s1], $0x800  }
0x12f: {  	[sflag:s1] =	ssyncset.done @!p1 $0x0  }
0x130: {  	[sflag:s1] =	ssyncadd.s32 @!p1 $0xFFFFF800  }
0x131: {  	s1 =	simm.s32 $0x0;
	[bflag:$0x0] =	sbarrier.arrive $0xFFFF  }
.LBB2_10:
0x132: {  	_ =	swait.ge [sflag:s8], $0x2800  }
0x133: {  	s2 =	sshra.s32 s1, $0x2;
	[sflag:s8] =	ssyncset.done $0x0  }
0x134: {  	s5 =	sadd.s32 $0x15630, s2;
	[sflag:s8] =	ssyncadd.s32 $0xFFFFD800  }
0x135: {  	[spmem:s29] =	stream.indirect.scatter.add.f32 [tilespmem:s22], [sflag:$0x3], $0x80, s5, s21, $0xb8;
	[tilespmem:$0x1FC60] =	vst v63  }
0x136: {  	v3 =	vld [tilespmem:s2+$0x15630];
	_ =	sdelay $0x7  }
0x137: {  	[tilespmem:v3+s11+$0x0] =	vst.idx.add.f32.msk $0xffff, v2  }
0x138: {  	v3 =	vld [tilespmem:s2+$0x15640];
	_ =	sdelay $0x7  }
0x139: {  	[tilespmem:v3+s11+$0x0] =	vst.idx.add.f32.msk $0xffff, v2  }
0x13a: {  	v3 =	vld [tilespmem:s2+$0x15650];
	_ =	sdelay $0x7  }
0x13b: {  	[tilespmem:v3+s11+$0x0] =	vst.idx.add.f32.msk $0xffff, v2  }
0x13c: {  	v3 =	vld [tilespmem:s2+$0x15660];
	_ =	sdelay $0x7  }
0x13d: {  	[tilespmem:v3+s11+$0x0] =	vst.idx.add.f32.msk $0xffff, v2  }
0x13e: {  	v3 =	vld [tilespmem:s2+$0x15670];
	_ =	sdelay $0x7  }
0x13f: {  	[tilespmem:v3+s11+$0x0] =	vst.idx.add.f32.msk $0xffff, v2  }
0x140: {  	_ =	swait.ge [sflag:s12], $0x2800  }
0x141: {  	[sflag:s12] =	ssyncset.done $0x0  }
0x142: {  	s30 =	sadd.s32 $0x14320, s2;
	[sflag:s12] =	ssyncadd.s32 $0xFFFFD800  }
0x143: {  	[tilespmem:s22], [sflag:$0x1] =	stream.indirect.gather [hbm4b:s23+s21], $0x80, s30, s21, $0xb8;
	[tilespmem:$0x1FC60] =	vst v63  }
0x144: {  	_ =	swait.ge [sflag:s13], $0x2800  }
0x145: {  	[sflag:s13] =	ssyncset.done $0x0  }
0x146: {  	s31 =	sadd.s32 $0x15680, s2;
	[sflag:s13] =	ssyncadd.s32 $0xFFFFD800  }
0x147: {  	[spmem:s29] =	stream.indirect.scatter.add.f32 [tilespmem:s6], [sflag:$0x4], $0x80, s31, s21, $0xb8;
	[tilespmem:$0x1FC60] =	vst v63  }
0x148: {  	v3 =	vld [tilespmem:s2+$0x15680];
	_ =	sdelay $0x7  }
0x149: {  	[tilespmem:v3+s11+$0x0] =	vst.idx.add.f32.msk $0xffff, v2  }
0x14a: {  	v3 =	vld [tilespmem:s2+$0x15690];
	_ =	sdelay $0x7  }
0x14b: {  	[tilespmem:v3+s11+$0x0] =	vst.idx.add.f32.msk $0xffff, v2  }
0x14c: {  	v3 =	vld [tilespmem:s2+$0x156A0];
	_ =	sdelay $0x7  }
0x14d: {  	[tilespmem:v3+s11+$0x0] =	vst.idx.add.f32.msk $0xffff, v2  }
0x14e: {  	v3 =	vld [tilespmem:s2+$0x156B0];
	_ =	sdelay $0x7  }
0x14f: {  	[tilespmem:v3+s11+$0x0] =	vst.idx.add.f32.msk $0xffff, v2  }
0x150: {  	v3 =	vld [tilespmem:s2+$0x156C0];
	_ =	sdelay $0x6  }
0x151: {  	p2 =	sne.s32 s1, $0x4880  }
.Ltmp4:
0x152: {  	[tilespmem:v3+s11+$0x0] =	vst.idx.add.f32.msk $0xffff, v2;
	(pc) =	sbr.rel @p2 .LBB2_10-.Ltmp4, $4  }
0x153: {  	_ =	swait.ge [sflag:s14], $0x2800  }
0x154: {  	[sflag:s14] =	ssyncset.done $0x0  }
0x155: {  	s1 =	sadd.s32 $0x280, s1;
	s2 =	sadd.s32 $0x14370, s2;
	[sflag:s14] =	ssyncadd.s32 $0xFFFFD800  }
0x156: {  	[tilespmem:s6], [sflag:$0x2] =	stream.indirect.gather [hbm4b:s23+s21], $0x80, s2, s21, $0xb8;
	[tilespmem:$0x1FC60] =	vst v63  }
0x157: {  	_ =	swait.ge [sflag:s8], $0x2800  }
0x158: {  	[sflag:s8] =	ssyncset.done $0x0  }
0x159: {  	s1 =	simm.s32 $0x168F0;
	[sflag:s8] =	ssyncadd.s32 $0xFFFFD800  }
0x15a: {  	[spmem:s29] =	stream.indirect.scatter.add.f32 [tilespmem:s22], [sflag:$0x3], $0x80, s1, s21, $0xb8;
	[tilespmem:$0x1FC60] =	vst v63  }
0x15b: {  	v3 =	vld [tilespmem:$0x168F0];
	_ =	sdelay $0x7  }
0x15c: {  	[tilespmem:v3+s11+$0x0] =	vst.idx.add.f32.msk $0xffff, v2  }
0x15d: {  	v3 =	vld [tilespmem:$0x16900];
	_ =	sdelay $0x7  }
0x15e: {  	[tilespmem:v3+s11+$0x0] =	vst.idx.add.f32.msk $0xffff, v2  }
0x15f: {  	v3 =	vld [tilespmem:$0x16910];
	_ =	sdelay $0x7  }
0x160: {  	[tilespmem:v3+s11+$0x0] =	vst.idx.add.f32.msk $0xffff, v2  }
0x161: {  	v3 =	vld [tilespmem:$0x16920];
	_ =	sdelay $0x7  }
0x162: {  	[tilespmem:v3+s11+$0x0] =	vst.idx.add.f32.msk $0xffff, v2  }
0x163: {  	v3 =	vld [tilespmem:$0x16930];
	_ =	sdelay $0x7  }
0x164: {  	[tilespmem:v3+s11+$0x0] =	vst.idx.add.f32.msk $0xffff, v2  }
0x165: {  	_ =	swait.ge [sflag:s12], $0x2800  }
0x166: {  	s2 =	simm.s32 @!p0 $0x155E0;
	[sflag:s12] =	ssyncset.done $0x0  }
0x167: {  	s5 =	simm.s32 @!p0 $0x169E0;
	s1 =	simm.s32 @!p0 $0x50;
	[sflag:s12] =	ssyncadd.s32 $0xFFFFD800  }
0x168: {  	[tilespmem:s5], [sflag:$0x1] =	stream.indirect.gather @!p0 [hbm4b:s23+s1], $0x80, s2, s1, $0xb8;
	[tilespmem:$0x1FC60] =	vst v63  }
0x169: {  	_ =	swait.ge [sflag:s13], $0x2800  }
0x16a: {  	[sflag:s13] =	ssyncset.done $0x0  }
0x16b: {  	s26 =	simm.s32 $0x16940;
	[sflag:s13] =	ssyncadd.s32 $0xFFFFD800  }
0x16c: {  	[spmem:s29] =	stream.indirect.scatter.add.f32 [tilespmem:s6], [sflag:$0x4], $0x80, s26, s21, $0xb8;
	[tilespmem:$0x1FC60] =	vst v63  }
0x16d: {  	v3 =	vld [tilespmem:$0x16940];
	_ =	sdelay $0x7  }
0x16e: {  	[tilespmem:v3+s11+$0x0] =	vst.idx.add.f32.msk $0xffff, v2  }
0x16f: {  	v3 =	vld [tilespmem:$0x16950];
	_ =	sdelay $0x7  }
0x170: {  	[tilespmem:v3+s11+$0x0] =	vst.idx.add.f32.msk $0xffff, v2  }
0x171: {  	v3 =	vld [tilespmem:$0x16960];
	_ =	sdelay $0x7  }
0x172: {  	[tilespmem:v3+s11+$0x0] =	vst.idx.add.f32.msk $0xffff, v2  }
0x173: {  	v3 =	vld [tilespmem:$0x16970];
	_ =	sdelay $0x7  }
0x174: {  	[tilespmem:v3+s11+$0x0] =	vst.idx.add.f32.msk $0xffff, v2  }
0x175: {  	v3 =	vld [tilespmem:$0x16980];
	_ =	sdelay $0x7  }
0x176: {  	[tilespmem:v3+s11+$0x0] =	vst.idx.add.f32.msk $0xffff, v2  }
0x177: {  	_ =	swait.ge [sflag:s14], $0x2800  }
0x178: {  	[sflag:s14] =	ssyncset.done $0x0  }
0x179: {  	s2 =	simm.s32 @!p0 $0x1;
	[sflag:s14] =	ssyncadd.s32 $0xFFFFD800  }
0x17a: {  	_ =	swait.ge @!p0 [sflag:s2], $0x2800  }
0x17b: {  	[sflag:s2] =	ssyncset.done @!p0 $0x0  }
0x17c: {  	[sflag:s2] =	ssyncadd.s32 @!p0 $0xFFFFD800;
	s2 =	simm.s32 @!p0 $0x16990  }
0x17d: {  	[spmem:s29] =	stream.indirect.scatter.add.f32 @!p0 [tilespmem:s5], [sflag:$0x3], $0x80, s2, s1, $0xb8;
	[tilespmem:$0x1FC60] =	vst v63  }
0x17e: {  	v3 =	vld @!p0 [tilespmem:$0x16990];
	_ =	sdelay $0x6  }
0x17f: {  	v4 =	vimm.f32 @!p0 $1.000000000e+00;
	s1 =	simm.s32 @!p0 $0x1B9E0  }
0x180: {  	[tilespmem:v3+s1+$0x0] =	vst.idx.add.f32.msk @!p0 $0xffff, v4  }
0x181: {  	v3 =	vld @!p0 [tilespmem:$0x169A0];
	_ =	sdelay $0x7  }
0x182: {  	[tilespmem:v3+s1+$0x0] =	vst.idx.add.f32.msk @!p0 $0xffff, v4  }
0x183: {  	v3 =	vld @!p0 [tilespmem:$0x169B0];
	_ =	sdelay $0x7  }
0x184: {  	[tilespmem:v3+s1+$0x0] =	vst.idx.add.f32.msk @!p0 $0xffff, v4  }
0x185: {  	v3 =	vld @!p0 [tilespmem:$0x169C0];
	_ =	sdelay $0x7  }
0x186: {  	[tilespmem:v3+s1+$0x0] =	vst.idx.add.f32.msk @!p0 $0xffff, v4  }
0x187: {  	v3 =	vld @!p0 [tilespmem:$0x169D0];
	_ =	sdelay $0x7  }
0x188: {  	[tilespmem:v3+s1+$0x0] =	vst.idx.add.f32.msk @!p0 $0xffff, v4;
	s1 =	simm.s32 @!p0 $0x3  }
0x189: {  	_ =	swait.ge @!p0 [sflag:s1], $0x2800  }
0x18a: {  	[sflag:s1] =	ssyncset.done @!p0 $0x0  }
0x18b: {  	s31 =	simm.s32 $0x1E1E0;
	[sflag:s1] =	ssyncadd.s32 @!p0 $0xFFFFD800  }
0x18c: {  	[spmem:s18] =	stream.indirect.scatter.add.f32 [tilespmem:s11], [sflag:$0x5], $0x10, s31, s3, $0xb8;
	[tilespmem:$0x1FC60] =	vst v63  }
0x18d: {  	_ =	swait.ge [sflag:s20], $0x800  }
0x18e: {  	[sflag:s20] =	ssyncset.done $0x0  }
0x18f: {  	s4 =	simm.s32 $0x1C1E0;
	s2 =	simm.s32 $0x1E260;
	[sflag:s20] =	ssyncadd.s32 $0xFFFFF800  }
0x190: {  	[spmem:s18] =	stream.indirect.scatter.add.f32 [tilespmem:s4], [sflag:$0x5], $0x10, s2, s3, $0xb8;
	[tilespmem:$0x1FC60] =	vst v63  }
0x191: {  	_ =	swait.ge [sflag:s20], $0x800  }
0x192: {  	[sflag:s20] =	ssyncset.done $0x0  }
0x193: {  	s7 =	simm.s32 $0x1C9E0;
	s5 =	simm.s32 $0x1E2E0;
	[sflag:s20] =	ssyncadd.s32 $0xFFFFF800  }
0x194: {  	[spmem:s18] =	stream.indirect.scatter.add.f32 [tilespmem:s7], [sflag:$0x5], $0x10, s5, s3, $0xb8;
	[tilespmem:$0x1FC60] =	vst v63  }
0x195: {  	_ =	swait.ge [sflag:s20], $0x800  }
0x196: {  	[sflag:s20] =	ssyncset.done $0x0  }
0x197: {  	s15 =	simm.s32 $0x1E360;
	s16 =	simm.s32 $0x1D1E0;
	[sflag:s20] =	ssyncadd.s32 $0xFFFFF800  }
0x198: {  	[spmem:s18] =	stream.indirect.scatter.add.f32 [tilespmem:s16], [sflag:$0x5], $0x10, s15, s3, $0xb8;
	[tilespmem:$0x1FC60] =	vst v63  }
0x199: {  	_ =	swait.ge [sflag:s20], $0x800  }
0x19a: {  	[sflag:s20] =	ssyncset.done $0x0  }
0x19b: {  	s19 =	simm.s32 $0x1E3E0;
	s24 =	simm.s32 $0x1D9E0;
	[sflag:s20] =	ssyncadd.s32 $0xFFFFF800  }
0x19c: {  	[spmem:s18] =	stream.indirect.scatter.add.f32 [tilespmem:s24], [sflag:$0x5], $0x10, s19, s3, $0xb8;
	[tilespmem:$0x1FC60] =	vst v63  }
0x19d: {  	_ =	swait.ge [sflag:s20], $0x800  }
0x19e: {  	[sflag:s20] =	ssyncset.done $0x0  }
0x19f: {  	[sflag:s20] =	ssyncadd.s32 $0xFFFFF800  }
0x1a0: {  	[bflag:$0x0] =	sbarrier.arrive $0xFFFF  }
0x1a1: {  	s31 =	sld [smem:$0x7C6]  }
0x1a2: {  	s26 =	stileid.u32  }
0x1a3: {  	s1 =	sshll.u32 s26, $0x6  }
0x1a4: {  	s24 =	sor.u32 $0x1C01, s1;
	s4 =	rddreg [dreg:$0x8];
	s28 =	sshrl.u32 s31, $0x3  }
0x1a5: {  	[hbm:s4], [sflag:s24] =	dma.local [spmem:s28], $0x200  }
0x1a6: {  	s5 =	sld [smem:$0x7C7];
	_ =	sdelay $0x2  }
0x1a7: {  	s26 =	sor.u32 $0x1C02, s1;
	s7 =	rddreg [dreg:$0x9];
	s30 =	sshrl.u32 s5, $0x3  }
0x1a8: {  	[hbm:s7], [sflag:s26] =	dma.local [spmem:s30], $0x200  }
0x1a9: {  	_ =	swait.ge [sflag:s8], $0x200  }
0x1aa: {  	[sflag:s8] =	ssyncset.done $0x0  }
0x1ab: {  	s15 =	sadd.s32 $0x0, s9;
	[sflag:s8] =	ssyncadd.s32 $0xFFFFFE00  }
0x1ac: {  	[spmem:s15] =	stream.linear.scatter [tilespmem:s0], [sflag:$0x5], $0x1000, $0x38;
	[tilespmem:$0x1FC60] =	vst v63  }
0x1ad: {  	_ =	swait.ge [sflag:s20], $0x1000  }
0x1ae: {  	s16 =	sadd.s32 $0x2000, s15;
	[sflag:s20] =	ssyncset.done $0x0  }
0x1af: {  	s2 =	sshrl.u32 s16, $0x3;
	s19 =	rddreg [dreg:$0x1d];
	[sflag:s20] =	ssyncadd.s32 $0xFFFFF000  }
0x1b0: {  	[hbm:s19], [sflag:s24] =	dma.local [spmem:s2], $0x200  }
0x1b1: {  	_ =	swait.ge [sflag:s13], $0x200  }
0x1b2: {  	[sflag:s13] =	ssyncset.done $0x0  }
0x1b3: {  	s1 =	sadd.s32 $0x3000, s15;
	s31 =	sadd.s32 $0x1000, s15;
	[sflag:s13] =	ssyncadd.s32 $0xFFFFFE00  }
0x1b4: {  	[spmem:s31] =	stream.linear.scatter [tilespmem:s0], [sflag:$0x5], $0x1000, $0x38;
	[tilespmem:$0x1FC60] =	vst v63  }
0x1b5: {  	s5 =	sshrl.u32 s1, $0x3;
	_ =	swait.ge [sflag:s20], $0x1000  }
0x1b6: {  	s7 =	simm.s32 $0x8000;
	[sflag:s20] =	ssyncset.done $0x0;
	s2 =	rddreg [dreg:$0x1c]  }
0x1b7: {  	s15 =	sadd.s32 $0x400, s19;
	[sflag:s20] =	ssyncadd.s32 $0xFFFFF000;
	s1 =	sadd.s32 $0x400, s2  }
.LBB2_12:
0x1b8: {  	[hbm:s2], [sflag:s26] =	dma.local [spmem:s5], $0x200  }
0x1b9: {  	s5 =	smov.u32 s7;
	s2 =	smov.u32 s1  }
0x1ba: {  	p2 =	sne.s32 s7, $0x40000;
	s7 =	sadd.s32 $0x8000, s7;
	_ =	swait.ge [sflag:s8], $0x200  }
0x1bb: {  	s5 =	sshra.s32 s5, $0x2;
	[sflag:s8] =	ssyncset.done $0x0  }
0x1bc: {  	s5 =	sadd.s32 s5, s9;
	[sflag:s8] =	ssyncadd.s32 $0xFFFFFE00  }
0x1bd: {  	[spmem:s5] =	stream.linear.scatter [tilespmem:s0], [sflag:$0x5], $0x1000, $0x38;
	[tilespmem:$0x1FC60] =	vst v63  }
0x1be: {  	s16 =	sadd.s32 $0x2000, s5;
	s19 =	sadd.s32 $0x3000, s5;
	_ =	swait.ge [sflag:s20], $0x1000  }
0x1bf: {  	[sflag:s20] =	ssyncset.done $0x0  }
0x1c0: {  	s16 =	sshrl.u32 s16, $0x3;
	[sflag:s20] =	ssyncadd.s32 $0xFFFFF000  }
0x1c1: {  	[hbm:s15], [sflag:s24] =	dma.local [spmem:s16], $0x200  }
0x1c2: {  	_ =	swait.ge [sflag:s13], $0x200  }
0x1c3: {  	[sflag:s13] =	ssyncset.done $0x0  }
.Ltmp5:
0x1c4: {  	s5 =	sadd.s32 $0x1000, s5;
	[sflag:s13] =	ssyncadd.s32 $0xFFFFFE00;
	(pc) =	sbr.rel @p2 .LBB2_12-.Ltmp5, $4  }
0x1c5: {  	[spmem:s5] =	stream.linear.scatter [tilespmem:s0], [sflag:$0x5], $0x1000, $0x38;
	[tilespmem:$0x1FC60] =	vst v63  }
0x1c6: {  	_ =	swait.ge [sflag:s20], $0x1000  }
0x1c7: {  	s15 =	sadd.s32 $0x400, s15;
	[sflag:s20] =	ssyncset.done $0x0  }
0x1c8: {  	s1 =	sadd.s32 $0x400, s1;
	s5 =	sshrl.u32 s19, $0x3;
	[sflag:s20] =	ssyncadd.s32 $0xFFFFF000  }
0x1c9: {  	[hbm:s2], [sflag:s26] =	dma.local [spmem:s5], $0x200  }
0x1ca: {  	_ =	swait.ge [sflag:s8], $0x200  }
0x1cb: {  	[sflag:s8] =	ssyncset.done $0x0  }
0x1cc: {  	[sflag:s8] =	ssyncadd.s32 $0xFFFFFE00  }
0x1cd: {  	[spmem:s17] =	stream.linear.scatter [tilespmem:s0], [sflag:$0x5], $0x1000, $0x38;
	[tilespmem:$0x1FC60] =	vst v63  }
0x1ce: {  	_ =	swait.ge [sflag:s20], $0x1000  }
0x1cf: {  	[sflag:s20] =	ssyncset.done $0x0  }
0x1d0: {  	[sflag:s20] =	ssyncadd.s32 $0xFFFFF000  }
0x1d1: {  	_ =	swait.ge [sflag:s13], $0x200  }
0x1d2: {  	s1 =	sld [smem:$0x7FD]  }
0x1d3: {  	[sflag:s13] =	ssyncset.done $0x0  }
0x1d4: {  	[sflag:s13] =	ssyncadd.s32 $0xFFFFFE00  }
0x1d5: {  	[spmem:s1] =	stream.linear.scatter [tilespmem:s0], [sflag:$0x5], $0x1000, $0x38;
	[tilespmem:$0x1FC60] =	vst v63  }
0x1d6: {  	s1 =	stileid.u32  }
0x1d7: {  	_ =	swait.ge [sflag:s20], $0x1000;
	s1 =	sshll.u32 @!p1 s1, $0x6  }
0x1d8: {  	s7 =	sor.u32 @!p1 $0x1C05, s1;
	s1 =	sld [smem:$0x7CF]  }
0x1d9: {  	[sflag:s20] =	ssyncset.done $0x0  }
0x1da: {  	s15 =	sshrl.u32 @!p1 s10, $0x3;
	[sflag:s20] =	ssyncadd.s32 $0xFFFFF000  }
0x1db: {  	[hbm:s1], [sflag:s7] =	dma.local @!p1 [spmem:s15], $0x100  }
0x1dc: {  	s1 =	simm.s32 @!p1 $0x5  }
0x1dd: {  	_ =	swait.ge @!p1 [sflag:s1], $0x100  }
0x1de: {  	[sflag:s1] =	ssyncset.done @!p1 $0x0  }
0x1df: {  	s2 =	simm.s32 @!p1 $0x1F460;
	[sflag:s1] =	ssyncadd.s32 @!p1 $0xFFFFFF00  }
0x1e0: {  	[spmem:s10] =	stream.linear.scatter @!p1 [tilespmem:s2], [sflag:$0x5], $0x800, $0x38;
	[tilespmem:$0x1FC60] =	vst v63  }
0x1e1: {  	_ =	swait.ge @!p1 [sflag:s1], $0x800  }
0x1e2: {  	s31 =	smov.u32 s10;
	[sflag:s1] =	ssyncset.done @!p1 $0x0  }
0x1e3: {  	s2 =	simm.s32 $0x0;
	[sflag:s1] =	ssyncadd.s32 @!p1 $0xFFFFF800;
	s1 =	simm.s32 $0x40  }
.LBB2_14:
0x1e4: {  	p2 =	sne.s32 s1, $0x9FC0;
	[tilespmem:s2+$0x1B9E0] =	vst v0;
	s2 =	smov.u32 s1;
	s1 =	sadd.s32 $0x40, s1  }
.Ltmp6:
0x1e5: {  	(pc) =	sbr.rel @p2 .LBB2_14-.Ltmp6, $2  }
0x1e6: {  	_ =	sdelay $0x2  }
0x1e7: {  	s2 =	sshra.s32 s2, $0x2  }
0x1e8: {  	s1 =	sld [smem:$0x7C8];
	_ =	sdelay $0x1  }
0x1e9: {  	[tilespmem:s2+$0x1B9E0] =	vst v0;
	s19 =	simm.s32 $0x0;
	s4 =	simm.s32 $0x14280  }
0x1ea: {  	[tilespmem:s4], [sflag:$0x5] =	stream.linear.gather [hbm4b:s1+s19], $0x1360, $0x38;
	[tilespmem:$0x1FC60] =	vst v63  }
0x1eb: {  	_ =	swait.ge [sflag:s20], $0x1360  }
0x1ec: {  	s16 =	sld [smem:$0x7CA];
	_ =	sdelay $0x1  }
0x1ed: {  	s10 =	smov.u32 s17;
	[sflag:s20] =	ssyncset.done $0x0;
	s17 =	rddreg [dreg:$0x7]  }
0x1ee: {  	s5 =	simm.s32 $0x15630;
	[sflag:s20] =	ssyncadd.s32 $0xFFFFECA0;
	s1 =	sadd.s32 s17, s16  }
0x1ef: {  	[tilespmem:s5], [sflag:$0x5] =	stream.linear.gather [hbm4b:s1+s19], $0x1360, $0x38;
	[tilespmem:$0x1FC60] =	vst v63  }
0x1f0: {  	_ =	swait.ge [sflag:s20], $0x1360  }
0x1f1: {  	s5 =	sld [smem:$0x7C9]  }
0x1f2: {  	[sflag:s20] =	ssyncset.done $0x0  }
0x1f3: {  	s2 =	simm.s32 @!p0 $0x155E0;
	s1 =	simm.s32 @!p0 $0x0;
	[sflag:s20] =	ssyncadd.s32 $0xFFFFECA0  }
0x1f4: {  	[tilespmem:s2], [sflag:$0x5] =	stream.linear.gather @!p0 [hbm4b:s5+s1], $0x50, $0x38;
	[tilespmem:$0x1FC60] =	vst v63  }
0x1f5: {  	s2 =	simm.s32 @!p0 $0x5  }
0x1f6: {  	_ =	swait.ge @!p0 [sflag:s2], $0x50  }
0x1f7: {  	s5 =	sld [smem:$0x7CD];
	_ =	sdelay $0x1  }
0x1f8: {  	[sflag:s2] =	ssyncset.done @!p0 $0x0  }
0x1f9: {  	[sflag:s2] =	ssyncadd.s32 @!p0 $0xFFFFFFB0;
	s5 =	sadd.s32 @!p0 s5, s16;
	s16 =	simm.s32 @!p0 $0x16990  }
0x1fa: {  	[tilespmem:s16], [sflag:$0x5] =	stream.linear.gather @!p0 [hbm4b:s5+s1], $0x50, $0x38;
	[tilespmem:$0x1FC60] =	vst v63  }
0x1fb: {  	_ =	swait.ge @!p0 [sflag:s2], $0x50  }
0x1fc: {  	[sflag:s2] =	ssyncset.done @!p0 $0x0  }
0x1fd: {  	[sflag:s2] =	ssyncadd.s32 @!p0 $0xFFFFFFB0  }
0x1fe: {  	[tilespmem:s22], [sflag:$0x1] =	stream.indirect.gather [hbm4b:s25+s21], $0x80, s4, s21, $0xb8;
	[tilespmem:$0x1FC60] =	vst v63  }
0x1ff: {  	s19 =	simm.s32 $0x142D0  }
0x200: {  	[tilespmem:s6], [sflag:$0x2] =	stream.indirect.gather [hbm4b:s25+s21], $0x80, s19, s21, $0xb8;
	[tilespmem:$0x1FC60] =	vst v63  }
0x201: {  	s1 =	simm.s32 $0x0;
	[bflag:$0x0] =	sbarrier.arrive $0xFFFF  }
.LBB2_16:
0x202: {  	_ =	swait.ge [sflag:s8], $0x2800  }
0x203: {  	s2 =	sshra.s32 s1, $0x2;
	[sflag:s8] =	ssyncset.done $0x0  }
0x204: {  	s5 =	sadd.s32 $0x15630, s2;
	[sflag:s8] =	ssyncadd.s32 $0xFFFFD800  }
0x205: {  	[spmem:s29] =	stream.indirect.scatter.add.f32 [tilespmem:s22], [sflag:$0x3], $0x80, s5, s21, $0xb8;
	[tilespmem:$0x1FC60] =	vst v63  }
0x206: {  	v3 =	vld [tilespmem:s2+$0x15630];
	_ =	sdelay $0x7  }
0x207: {  	[tilespmem:v3+s11+$0x0] =	vst.idx.add.f32.msk $0xffff, v2  }
0x208: {  	v3 =	vld [tilespmem:s2+$0x15640];
	_ =	sdelay $0x7  }
0x209: {  	[tilespmem:v3+s11+$0x0] =	vst.idx.add.f32.msk $0xffff, v2  }
0x20a: {  	v3 =	vld [tilespmem:s2+$0x15650];
	_ =	sdelay $0x7  }
0x20b: {  	[tilespmem:v3+s11+$0x0] =	vst.idx.add.f32.msk $0xffff, v2  }
0x20c: {  	v3 =	vld [tilespmem:s2+$0x15660];
	_ =	sdelay $0x7  }
0x20d: {  	[tilespmem:v3+s11+$0x0] =	vst.idx.add.f32.msk $0xffff, v2  }
0x20e: {  	v3 =	vld [tilespmem:s2+$0x15670];
	_ =	sdelay $0x7  }
0x20f: {  	[tilespmem:v3+s11+$0x0] =	vst.idx.add.f32.msk $0xffff, v2  }
0x210: {  	_ =	swait.ge [sflag:s12], $0x2800  }
0x211: {  	[sflag:s12] =	ssyncset.done $0x0  }
0x212: {  	s17 =	sadd.s32 $0x14320, s2;
	[sflag:s12] =	ssyncadd.s32 $0xFFFFD800  }
0x213: {  	[tilespmem:s22], [sflag:$0x1] =	stream.indirect.gather [hbm4b:s25+s21], $0x80, s17, s21, $0xb8;
	[tilespmem:$0x1FC60] =	vst v63  }
0x214: {  	_ =	swait.ge [sflag:s13], $0x2800  }
0x215: {  	[sflag:s13] =	ssyncset.done $0x0  }
0x216: {  	s19 =	sadd.s32 $0x15680, s2;
	[sflag:s13] =	ssyncadd.s32 $0xFFFFD800  }
0x217: {  	[spmem:s29] =	stream.indirect.scatter.add.f32 [tilespmem:s6], [sflag:$0x4], $0x80, s19, s21, $0xb8;
	[tilespmem:$0x1FC60] =	vst v63  }
0x218: {  	v3 =	vld [tilespmem:s2+$0x15680];
	_ =	sdelay $0x7  }
0x219: {  	[tilespmem:v3+s11+$0x0] =	vst.idx.add.f32.msk $0xffff, v2  }
0x21a: {  	v3 =	vld [tilespmem:s2+$0x15690];
	_ =	sdelay $0x7  }
0x21b: {  	[tilespmem:v3+s11+$0x0] =	vst.idx.add.f32.msk $0xffff, v2  }
0x21c: {  	v3 =	vld [tilespmem:s2+$0x156A0];
	_ =	sdelay $0x7  }
0x21d: {  	[tilespmem:v3+s11+$0x0] =	vst.idx.add.f32.msk $0xffff, v2  }
0x21e: {  	v3 =	vld [tilespmem:s2+$0x156B0];
	_ =	sdelay $0x7  }
0x21f: {  	[tilespmem:v3+s11+$0x0] =	vst.idx.add.f32.msk $0xffff, v2  }
0x220: {  	v3 =	vld [tilespmem:s2+$0x156C0];
	_ =	sdelay $0x6  }
0x221: {  	p2 =	sne.s32 s1, $0x4880  }
.Ltmp7:
0x222: {  	[tilespmem:v3+s11+$0x0] =	vst.idx.add.f32.msk $0xffff, v2;
	(pc) =	sbr.rel @p2 .LBB2_16-.Ltmp7, $4  }
0x223: {  	_ =	swait.ge [sflag:s14], $0x2800  }
0x224: {  	[sflag:s14] =	ssyncset.done $0x0  }
0x225: {  	s1 =	sadd.s32 $0x280, s1;
	s2 =	sadd.s32 $0x14370, s2;
	[sflag:s14] =	ssyncadd.s32 $0xFFFFD800  }
0x226: {  	[tilespmem:s6], [sflag:$0x2] =	stream.indirect.gather [hbm4b:s25+s21], $0x80, s2, s21, $0xb8;
	[tilespmem:$0x1FC60] =	vst v63  }
0x227: {  	_ =	swait.ge [sflag:s8], $0x2800  }
0x228: {  	[sflag:s8] =	ssyncset.done $0x0  }
0x229: {  	s1 =	simm.s32 $0x168F0;
	[sflag:s8] =	ssyncadd.s32 $0xFFFFD800  }
0x22a: {  	[spmem:s29] =	stream.indirect.scatter.add.f32 [tilespmem:s22], [sflag:$0x3], $0x80, s1, s21, $0xb8;
	[tilespmem:$0x1FC60] =	vst v63  }
0x22b: {  	v3 =	vld [tilespmem:$0x168F0];
	_ =	sdelay $0x7  }
0x22c: {  	[tilespmem:v3+s11+$0x0] =	vst.idx.add.f32.msk $0xffff, v2  }
0x22d: {  	v3 =	vld [tilespmem:$0x16900];
	_ =	sdelay $0x7  }
0x22e: {  	[tilespmem:v3+s11+$0x0] =	vst.idx.add.f32.msk $0xffff, v2  }
0x22f: {  	v3 =	vld [tilespmem:$0x16910];
	_ =	sdelay $0x7  }
0x230: {  	[tilespmem:v3+s11+$0x0] =	vst.idx.add.f32.msk $0xffff, v2  }
0x231: {  	v3 =	vld [tilespmem:$0x16920];
	_ =	sdelay $0x7  }
0x232: {  	[tilespmem:v3+s11+$0x0] =	vst.idx.add.f32.msk $0xffff, v2  }
0x233: {  	v3 =	vld [tilespmem:$0x16930];
	_ =	sdelay $0x7  }
0x234: {  	[tilespmem:v3+s11+$0x0] =	vst.idx.add.f32.msk $0xffff, v2  }
0x235: {  	_ =	swait.ge [sflag:s12], $0x2800  }
0x236: {  	s2 =	simm.s32 @!p0 $0x155E0;
	[sflag:s12] =	ssyncset.done $0x0  }
0x237: {  	s5 =	simm.s32 @!p0 $0x169E0;
	s1 =	simm.s32 @!p0 $0x50;
	[sflag:s12] =	ssyncadd.s32 $0xFFFFD800  }
0x238: {  	[tilespmem:s5], [sflag:$0x1] =	stream.indirect.gather @!p0 [hbm4b:s25+s1], $0x80, s2, s1, $0xb8;
	[tilespmem:$0x1FC60] =	vst v63  }
0x239: {  	_ =	swait.ge [sflag:s13], $0x2800  }
0x23a: {  	[sflag:s13] =	ssyncset.done $0x0  }
0x23b: {  	s4 =	simm.s32 $0x16940;
	[sflag:s13] =	ssyncadd.s32 $0xFFFFD800  }
0x23c: {  	[spmem:s29] =	stream.indirect.scatter.add.f32 [tilespmem:s6], [sflag:$0x4], $0x80, s4, s21, $0xb8;
	[tilespmem:$0x1FC60] =	vst v63  }
0x23d: {  	v3 =	vld [tilespmem:$0x16940];
	_ =	sdelay $0x7  }
0x23e: {  	[tilespmem:v3+s11+$0x0] =	vst.idx.add.f32.msk $0xffff, v2  }
0x23f: {  	v3 =	vld [tilespmem:$0x16950];
	_ =	sdelay $0x7  }
0x240: {  	[tilespmem:v3+s11+$0x0] =	vst.idx.add.f32.msk $0xffff, v2  }
0x241: {  	v3 =	vld [tilespmem:$0x16960];
	_ =	sdelay $0x7  }
0x242: {  	[tilespmem:v3+s11+$0x0] =	vst.idx.add.f32.msk $0xffff, v2  }
0x243: {  	v3 =	vld [tilespmem:$0x16970];
	_ =	sdelay $0x7  }
0x244: {  	[tilespmem:v3+s11+$0x0] =	vst.idx.add.f32.msk $0xffff, v2  }
0x245: {  	v3 =	vld [tilespmem:$0x16980];
	_ =	sdelay $0x7  }
0x246: {  	[tilespmem:v3+s11+$0x0] =	vst.idx.add.f32.msk $0xffff, v2  }
0x247: {  	_ =	swait.ge [sflag:s14], $0x2800  }
0x248: {  	[sflag:s14] =	ssyncset.done $0x0  }
0x249: {  	s2 =	simm.s32 @!p0 $0x1;
	[sflag:s14] =	ssyncadd.s32 $0xFFFFD800  }
0x24a: {  	_ =	swait.ge @!p0 [sflag:s2], $0x2800  }
0x24b: {  	[sflag:s2] =	ssyncset.done @!p0 $0x0  }
0x24c: {  	[sflag:s2] =	ssyncadd.s32 @!p0 $0xFFFFD800;
	s2 =	simm.s32 @!p0 $0x16990  }
0x24d: {  	[spmem:s29] =	stream.indirect.scatter.add.f32 @!p0 [tilespmem:s5], [sflag:$0x3], $0x80, s2, s1, $0xb8;
	[tilespmem:$0x1FC60] =	vst v63  }
0x24e: {  	v3 =	vld @!p0 [tilespmem:$0x16990];
	_ =	sdelay $0x6  }
0x24f: {  	v4 =	vimm.f32 @!p0 $1.000000000e+00;
	s1 =	simm.s32 @!p0 $0x1B9E0  }
0x250: {  	[tilespmem:v3+s1+$0x0] =	vst.idx.add.f32.msk @!p0 $0xffff, v4  }
0x251: {  	v3 =	vld @!p0 [tilespmem:$0x169A0];
	_ =	sdelay $0x7  }
0x252: {  	[tilespmem:v3+s1+$0x0] =	vst.idx.add.f32.msk @!p0 $0xffff, v4  }
0x253: {  	v3 =	vld @!p0 [tilespmem:$0x169B0];
	_ =	sdelay $0x7  }
0x254: {  	[tilespmem:v3+s1+$0x0] =	vst.idx.add.f32.msk @!p0 $0xffff, v4  }
0x255: {  	v3 =	vld @!p0 [tilespmem:$0x169C0];
	_ =	sdelay $0x7  }
0x256: {  	[tilespmem:v3+s1+$0x0] =	vst.idx.add.f32.msk @!p0 $0xffff, v4  }
0x257: {  	v3 =	vld @!p0 [tilespmem:$0x169D0];
	_ =	sdelay $0x7  }
0x258: {  	[tilespmem:v3+s1+$0x0] =	vst.idx.add.f32.msk @!p0 $0xffff, v4;
	s1 =	simm.s32 @!p0 $0x3  }
0x259: {  	_ =	swait.ge @!p0 [sflag:s1], $0x2800  }
0x25a: {  	[sflag:s1] =	ssyncset.done @!p0 $0x0  }
0x25b: {  	s16 =	simm.s32 $0x1E1E0;
	[sflag:s1] =	ssyncadd.s32 @!p0 $0xFFFFD800  }
0x25c: {  	[spmem:s18] =	stream.indirect.scatter.add.f32 [tilespmem:s11], [sflag:$0x5], $0x10, s16, s3, $0xb8;
	[tilespmem:$0x1FC60] =	vst v63  }
0x25d: {  	_ =	swait.ge [sflag:s20], $0x800  }
0x25e: {  	[sflag:s20] =	ssyncset.done $0x0  }
0x25f: {  	s17 =	simm.s32 $0x1E260;
	s19 =	simm.s32 $0x1C1E0;
	[sflag:s20] =	ssyncadd.s32 $0xFFFFF800  }
0x260: {  	[spmem:s18] =	stream.indirect.scatter.add.f32 [tilespmem:s19], [sflag:$0x5], $0x10, s17, s3, $0xb8;
	[tilespmem:$0x1FC60] =	vst v63  }
0x261: {  	_ =	swait.ge [sflag:s20], $0x800  }
0x262: {  	[sflag:s20] =	ssyncset.done $0x0  }
0x263: {  	s4 =	simm.s32 $0x1C9E0;
	s2 =	simm.s32 $0x1E2E0;
	[sflag:s20] =	ssyncadd.s32 $0xFFFFF800  }
0x264: {  	[spmem:s18] =	stream.indirect.scatter.add.f32 [tilespmem:s4], [sflag:$0x5], $0x10, s2, s3, $0xb8;
	[tilespmem:$0x1FC60] =	vst v63  }
0x265: {  	_ =	swait.ge [sflag:s20], $0x800  }
0x266: {  	[sflag:s20] =	ssyncset.done $0x0  }
0x267: {  	s5 =	simm.s32 $0x1E360;
	s16 =	simm.s32 $0x1D1E0;
	[sflag:s20] =	ssyncadd.s32 $0xFFFFF800  }
0x268: {  	[spmem:s18] =	stream.indirect.scatter.add.f32 [tilespmem:s16], [sflag:$0x5], $0x10, s5, s3, $0xb8;
	[tilespmem:$0x1FC60] =	vst v63  }
0x269: {  	_ =	swait.ge [sflag:s20], $0x800  }
0x26a: {  	[sflag:s20] =	ssyncset.done $0x0  }
0x26b: {  	s17 =	simm.s32 $0x1E3E0;
	s19 =	simm.s32 $0x1D9E0;
	[sflag:s20] =	ssyncadd.s32 $0xFFFFF800  }
0x26c: {  	[spmem:s18] =	stream.indirect.scatter.add.f32 [tilespmem:s19], [sflag:$0x5], $0x10, s17, s3, $0xb8;
	[tilespmem:$0x1FC60] =	vst v63  }
0x26d: {  	_ =	swait.ge [sflag:s20], $0x800  }
0x26e: {  	[sflag:s20] =	ssyncset.done $0x0  }
0x26f: {  	[sflag:s20] =	ssyncadd.s32 $0xFFFFF800  }
0x270: {  	[bflag:$0x0] =	sbarrier.arrive $0xFFFF  }
0x271: {  	s2 =	sld [smem:$0x7E8];
	_ =	sdelay $0x2  }
0x272: {  	[hbm:s2], [sflag:s24] =	dma.local [spmem:s28], $0x200  }
0x273: {  	s1 =	sld [smem:$0x7E9];
	_ =	sdelay $0x2  }
0x274: {  	[hbm:s1], [sflag:s26] =	dma.local [spmem:s30], $0x200  }
0x275: {  	_ =	swait.ge [sflag:s8], $0x200  }
0x276: {  	[sflag:s8] =	ssyncset.done $0x0  }
0x277: {  	s5 =	sadd.s32 $0x0, s9;
	[sflag:s8] =	ssyncadd.s32 $0xFFFFFE00  }
0x278: {  	[spmem:s5] =	stream.linear.scatter [tilespmem:s0], [sflag:$0x5], $0x1000, $0x38;
	[tilespmem:$0x1FC60] =	vst v63  }
0x279: {  	_ =	swait.ge [sflag:s20], $0x1000  }
0x27a: {  	s16 =	sadd.s32 $0x2000, s5;
	[sflag:s20] =	ssyncset.done $0x0  }
0x27b: {  	s2 =	sshrl.u32 s16, $0x3;
	s17 =	rddreg [dreg:$0x1f];
	[sflag:s20] =	ssyncadd.s32 $0xFFFFF000  }
0x27c: {  	[hbm:s17], [sflag:s24] =	dma.local [spmem:s2], $0x200  }
0x27d: {  	_ =	swait.ge [sflag:s13], $0x200  }
0x27e: {  	s4 =	smov.u32 s18;
	[sflag:s13] =	ssyncset.done $0x0  }
0x27f: {  	s18 =	sadd.s32 $0x1000, s5;
	s19 =	sadd.s32 $0x3000, s5;
	[sflag:s13] =	ssyncadd.s32 $0xFFFFFE00  }
0x280: {  	[spmem:s18] =	stream.linear.scatter [tilespmem:s0], [sflag:$0x5], $0x1000, $0x38;
	[tilespmem:$0x1FC60] =	vst v63  }
0x281: {  	s19 =	sshrl.u32 s19, $0x3;
	_ =	swait.ge [sflag:s20], $0x1000  }
0x282: {  	s16 =	simm.s32 $0x8000;
	[sflag:s20] =	ssyncset.done $0x0;
	s5 =	rddreg [dreg:$0x1e]  }
0x283: {  	s1 =	sadd.s32 $0x400, s17;
	[sflag:s20] =	ssyncadd.s32 $0xFFFFF000;
	s2 =	sadd.s32 $0x400, s5  }
.LBB2_18:
0x284: {  	[hbm:s5], [sflag:s26] =	dma.local [spmem:s19], $0x200  }
0x285: {  	s19 =	smov.u32 s16;
	s5 =	smov.u32 s2  }
0x286: {  	p2 =	sne.s32 s16, $0x40000;
	s16 =	sadd.s32 $0x8000, s16;
	_ =	swait.ge [sflag:s8], $0x200  }
0x287: {  	s19 =	sshra.s32 s19, $0x2;
	[sflag:s8] =	ssyncset.done $0x0  }
0x288: {  	s19 =	sadd.s32 s19, s9;
	[sflag:s8] =	ssyncadd.s32 $0xFFFFFE00  }
0x289: {  	[spmem:s19] =	stream.linear.scatter [tilespmem:s0], [sflag:$0x5], $0x1000, $0x38;
	[tilespmem:$0x1FC60] =	vst v63  }
0x28a: {  	s17 =	sadd.s32 $0x2000, s19;
	s18 =	sadd.s32 $0x3000, s19;
	_ =	swait.ge [sflag:s20], $0x1000  }
0x28b: {  	[sflag:s20] =	ssyncset.done $0x0  }
0x28c: {  	s17 =	sshrl.u32 s17, $0x3;
	[sflag:s20] =	ssyncadd.s32 $0xFFFFF000  }
0x28d: {  	[hbm:s1], [sflag:s24] =	dma.local [spmem:s17], $0x200  }
0x28e: {  	_ =	swait.ge [sflag:s13], $0x200  }
0x28f: {  	[sflag:s13] =	ssyncset.done $0x0  }
.Ltmp8:
0x290: {  	s17 =	sadd.s32 $0x1000, s19;
	[sflag:s13] =	ssyncadd.s32 $0xFFFFFE00;
	(pc) =	sbr.rel @p2 .LBB2_18-.Ltmp8, $4  }
0x291: {  	[spmem:s17] =	stream.linear.scatter [tilespmem:s0], [sflag:$0x5], $0x1000, $0x38;
	[tilespmem:$0x1FC60] =	vst v63  }
0x292: {  	_ =	swait.ge [sflag:s20], $0x1000  }
0x293: {  	s1 =	sadd.s32 $0x400, s1;
	[sflag:s20] =	ssyncset.done $0x0  }
0x294: {  	s2 =	sadd.s32 $0x400, s2;
	s19 =	sshrl.u32 s18, $0x3;
	[sflag:s20] =	ssyncadd.s32 $0xFFFFF000  }
0x295: {  	[hbm:s5], [sflag:s26] =	dma.local [spmem:s19], $0x200  }
0x296: {  	_ =	swait.ge [sflag:s8], $0x200  }
0x297: {  	[sflag:s8] =	ssyncset.done $0x0  }
0x298: {  	[sflag:s8] =	ssyncadd.s32 $0xFFFFFE00  }
0x299: {  	[spmem:s10] =	stream.linear.scatter [tilespmem:s0], [sflag:$0x5], $0x1000, $0x38;
	[tilespmem:$0x1FC60] =	vst v63  }
0x29a: {  	_ =	swait.ge [sflag:s20], $0x1000  }
0x29b: {  	[sflag:s20] =	ssyncset.done $0x0  }
0x29c: {  	[sflag:s20] =	ssyncadd.s32 $0xFFFFF000  }
0x29d: {  	_ =	swait.ge [sflag:s13], $0x200  }
0x29e: {  	s1 =	sld [smem:$0x7FD]  }
0x29f: {  	[sflag:s13] =	ssyncset.done $0x0  }
0x2a0: {  	[sflag:s13] =	ssyncadd.s32 $0xFFFFFE00  }
0x2a1: {  	[spmem:s1] =	stream.linear.scatter [tilespmem:s0], [sflag:$0x5], $0x1000, $0x38;
	[tilespmem:$0x1FC60] =	vst v63  }
0x2a2: {  	_ =	swait.ge [sflag:s20], $0x1000  }
0x2a3: {  	s1 =	sld [smem:$0x7D0]  }
0x2a4: {  	[sflag:s20] =	ssyncset.done $0x0  }
0x2a5: {  	[sflag:s20] =	ssyncadd.s32 $0xFFFFF000  }
0x2a6: {  	[hbm:s1], [sflag:s7] =	dma.local @!p1 [spmem:s15], $0x100  }
0x2a7: {  	s1 =	simm.s32 @!p1 $0x5  }
0x2a8: {  	_ =	swait.ge @!p1 [sflag:s1], $0x100  }
0x2a9: {  	[sflag:s1] =	ssyncset.done @!p1 $0x0  }
0x2aa: {  	s2 =	simm.s32 @!p1 $0x1F460;
	[sflag:s1] =	ssyncadd.s32 @!p1 $0xFFFFFF00  }
0x2ab: {  	[spmem:s31] =	stream.linear.scatter @!p1 [tilespmem:s2], [sflag:$0x5], $0x800, $0x38;
	[tilespmem:$0x1FC60] =	vst v63  }
0x2ac: {  	_ =	swait.ge @!p1 [sflag:s1], $0x800  }
0x2ad: {  	s17 =	smov.u32 s10;
	s10 =	smov.u32 s31;
	[sflag:s1] =	ssyncset.done @!p1 $0x0  }
0x2ae: {  	s2 =	simm.s32 $0x0;
	[sflag:s1] =	ssyncadd.s32 @!p1 $0xFFFFF800;
	s1 =	simm.s32 $0x40  }
.LBB2_20:
0x2af: {  	p2 =	sne.s32 s1, $0x9FC0;
	[tilespmem:s2+$0x1B9E0] =	vst v0;
	s2 =	smov.u32 s1;
	s1 =	sadd.s32 $0x40, s1  }
.Ltmp9:
0x2b0: {  	(pc) =	sbr.rel @p2 .LBB2_20-.Ltmp9, $2  }
0x2b1: {  	_ =	sdelay $0x2  }
0x2b2: {  	s2 =	sshra.s32 s2, $0x2  }
0x2b3: {  	s1 =	sld [smem:$0x7CC];
	_ =	sdelay $0x1  }
0x2b4: {  	[tilespmem:s2+$0x1B9E0] =	vst v0;
	s31 =	simm.s32 $0x0;
	s18 =	simm.s32 $0x14280  }
0x2b5: {  	[tilespmem:s18], [sflag:$0x5] =	stream.linear.gather [hbm4b:s1+s31], $0x1360, $0x38;
	[tilespmem:$0x1FC60] =	vst v63  }
0x2b6: {  	_ =	swait.ge [sflag:s20], $0x1360  }
0x2b7: {  	s16 =	sld [smem:$0x7CB];
	_ =	sdelay $0x1  }
0x2b8: {  	[sflag:s20] =	ssyncset.done $0x0;
	s19 =	rddreg [dreg:$0x7]  }
0x2b9: {  	s5 =	simm.s32 $0x15630;
	[sflag:s20] =	ssyncadd.s32 $0xFFFFECA0;
	s1 =	sadd.s32 s19, s16  }
0x2ba: {  	[tilespmem:s5], [sflag:$0x5] =	stream.linear.gather [hbm4b:s1+s31], $0x1360, $0x38;
	[tilespmem:$0x1FC60] =	vst v63  }
0x2bb: {  	_ =	swait.ge [sflag:s20], $0x1360  }
0x2bc: {  	s5 =	sld [smem:$0x7CE]  }
0x2bd: {  	[sflag:s20] =	ssyncset.done $0x0  }
0x2be: {  	s2 =	simm.s32 @!p0 $0x155E0;
	s1 =	simm.s32 @!p0 $0x0;
	[sflag:s20] =	ssyncadd.s32 $0xFFFFECA0  }
0x2bf: {  	[tilespmem:s2], [sflag:$0x5] =	stream.linear.gather @!p0 [hbm4b:s5+s1], $0x50, $0x38;
	[tilespmem:$0x1FC60] =	vst v63  }
0x2c0: {  	s2 =	simm.s32 @!p0 $0x5  }
0x2c1: {  	_ =	swait.ge @!p0 [sflag:s2], $0x50  }
0x2c2: {  	s5 =	sld [smem:$0x7CD];
	_ =	sdelay $0x1  }
0x2c3: {  	[sflag:s2] =	ssyncset.done @!p0 $0x0  }
0x2c4: {  	[sflag:s2] =	ssyncadd.s32 @!p0 $0xFFFFFFB0;
	s5 =	sadd.s32 @!p0 s5, s16;
	s16 =	simm.s32 @!p0 $0x16990  }
0x2c5: {  	[tilespmem:s16], [sflag:$0x5] =	stream.linear.gather @!p0 [hbm4b:s5+s1], $0x50, $0x38;
	[tilespmem:$0x1FC60] =	vst v63  }
0x2c6: {  	_ =	swait.ge @!p0 [sflag:s2], $0x50  }
0x2c7: {  	[sflag:s2] =	ssyncset.done @!p0 $0x0  }
0x2c8: {  	[sflag:s2] =	ssyncadd.s32 @!p0 $0xFFFFFFB0  }
0x2c9: {  	[tilespmem:s22], [sflag:$0x1] =	stream.indirect.gather [hbm4b:s23+s21], $0x80, s18, s21, $0xb8;
	[tilespmem:$0x1FC60] =	vst v63  }
0x2ca: {  	s31 =	simm.s32 $0x142D0  }
0x2cb: {  	[tilespmem:s6], [sflag:$0x2] =	stream.indirect.gather [hbm4b:s23+s21], $0x80, s31, s21, $0xb8;
	[tilespmem:$0x1FC60] =	vst v63  }
0x2cc: {  	s1 =	simm.s32 $0x0;
	s18 =	smov.u32 s4;
	[bflag:$0x0] =	sbarrier.arrive $0xFFFF  }
.LBB2_22:
0x2cd: {  	_ =	swait.ge [sflag:s8], $0x2800  }
0x2ce: {  	s2 =	sshra.s32 s1, $0x2;
	[sflag:s8] =	ssyncset.done $0x0  }
0x2cf: {  	s5 =	sadd.s32 $0x15630, s2;
	[sflag:s8] =	ssyncadd.s32 $0xFFFFD800  }
0x2d0: {  	[spmem:s29] =	stream.indirect.scatter.add.f32 [tilespmem:s22], [sflag:$0x3], $0x80, s5, s21, $0xb8;
	[tilespmem:$0x1FC60] =	vst v63  }
0x2d1: {  	v3 =	vld [tilespmem:s2+$0x15630];
	_ =	sdelay $0x7  }
0x2d2: {  	[tilespmem:v3+s11+$0x0] =	vst.idx.add.f32.msk $0xffff, v2  }
0x2d3: {  	v3 =	vld [tilespmem:s2+$0x15640];
	_ =	sdelay $0x7  }
0x2d4: {  	[tilespmem:v3+s11+$0x0] =	vst.idx.add.f32.msk $0xffff, v2  }
0x2d5: {  	v3 =	vld [tilespmem:s2+$0x15650];
	_ =	sdelay $0x7  }
0x2d6: {  	[tilespmem:v3+s11+$0x0] =	vst.idx.add.f32.msk $0xffff, v2  }
0x2d7: {  	v3 =	vld [tilespmem:s2+$0x15660];
	_ =	sdelay $0x7  }
0x2d8: {  	[tilespmem:v3+s11+$0x0] =	vst.idx.add.f32.msk $0xffff, v2  }
0x2d9: {  	v3 =	vld [tilespmem:s2+$0x15670];
	_ =	sdelay $0x7  }
0x2da: {  	[tilespmem:v3+s11+$0x0] =	vst.idx.add.f32.msk $0xffff, v2  }
0x2db: {  	_ =	swait.ge [sflag:s12], $0x2800  }
0x2dc: {  	[sflag:s12] =	ssyncset.done $0x0  }
0x2dd: {  	s19 =	sadd.s32 $0x14320, s2;
	[sflag:s12] =	ssyncadd.s32 $0xFFFFD800  }
0x2de: {  	[tilespmem:s22], [sflag:$0x1] =	stream.indirect.gather [hbm4b:s23+s21], $0x80, s19, s21, $0xb8;
	[tilespmem:$0x1FC60] =	vst v63  }
0x2df: {  	_ =	swait.ge [sflag:s13], $0x2800  }
0x2e0: {  	[sflag:s13] =	ssyncset.done $0x0  }
0x2e1: {  	s31 =	sadd.s32 $0x15680, s2;
	[sflag:s13] =	ssyncadd.s32 $0xFFFFD800  }
0x2e2: {  	[spmem:s29] =	stream.indirect.scatter.add.f32 [tilespmem:s6], [sflag:$0x4], $0x80, s31, s21, $0xb8;
	[tilespmem:$0x1FC60] =	vst v63  }
0x2e3: {  	v3 =	vld [tilespmem:s2+$0x15680];
	_ =	sdelay $0x7  }
0x2e4: {  	[tilespmem:v3+s11+$0x0] =	vst.idx.add.f32.msk $0xffff, v2  }
0x2e5: {  	v3 =	vld [tilespmem:s2+$0x15690];
	_ =	sdelay $0x7  }
0x2e6: {  	[tilespmem:v3+s11+$0x0] =	vst.idx.add.f32.msk $0xffff, v2  }
0x2e7: {  	v3 =	vld [tilespmem:s2+$0x156A0];
	_ =	sdelay $0x7  }
0x2e8: {  	[tilespmem:v3+s11+$0x0] =	vst.idx.add.f32.msk $0xffff, v2  }
0x2e9: {  	v3 =	vld [tilespmem:s2+$0x156B0];
	_ =	sdelay $0x7  }
0x2ea: {  	[tilespmem:v3+s11+$0x0] =	vst.idx.add.f32.msk $0xffff, v2  }
0x2eb: {  	v3 =	vld [tilespmem:s2+$0x156C0];
	_ =	sdelay $0x6  }
0x2ec: {  	p2 =	sne.s32 s1, $0x4880  }
.Ltmp10:
0x2ed: {  	[tilespmem:v3+s11+$0x0] =	vst.idx.add.f32.msk $0xffff, v2;
	(pc) =	sbr.rel @p2 .LBB2_22-.Ltmp10, $4  }
0x2ee: {  	_ =	swait.ge [sflag:s14], $0x2800  }
0x2ef: {  	[sflag:s14] =	ssyncset.done $0x0  }
0x2f0: {  	s1 =	sadd.s32 $0x280, s1;
	s2 =	sadd.s32 $0x14370, s2;
	[sflag:s14] =	ssyncadd.s32 $0xFFFFD800  }
0x2f1: {  	[tilespmem:s6], [sflag:$0x2] =	stream.indirect.gather [hbm4b:s23+s21], $0x80, s2, s21, $0xb8;
	[tilespmem:$0x1FC60] =	vst v63  }
0x2f2: {  	_ =	swait.ge [sflag:s8], $0x2800  }
0x2f3: {  	[sflag:s8] =	ssyncset.done $0x0  }
0x2f4: {  	s1 =	simm.s32 $0x168F0;
	[sflag:s8] =	ssyncadd.s32 $0xFFFFD800  }
0x2f5: {  	[spmem:s29] =	stream.indirect.scatter.add.f32 [tilespmem:s22], [sflag:$0x3], $0x80, s1, s21, $0xb8;
	[tilespmem:$0x1FC60] =	vst v63  }
0x2f6: {  	v3 =	vld [tilespmem:$0x168F0];
	_ =	sdelay $0x7  }
0x2f7: {  	[tilespmem:v3+s11+$0x0] =	vst.idx.add.f32.msk $0xffff, v2  }
0x2f8: {  	v3 =	vld [tilespmem:$0x16900];
	_ =	sdelay $0x7  }
0x2f9: {  	[tilespmem:v3+s11+$0x0] =	vst.idx.add.f32.msk $0xffff, v2  }
0x2fa: {  	v3 =	vld [tilespmem:$0x16910];
	_ =	sdelay $0x7  }
0x2fb: {  	[tilespmem:v3+s11+$0x0] =	vst.idx.add.f32.msk $0xffff, v2  }
0x2fc: {  	v3 =	vld [tilespmem:$0x16920];
	_ =	sdelay $0x7  }
0x2fd: {  	[tilespmem:v3+s11+$0x0] =	vst.idx.add.f32.msk $0xffff, v2  }
0x2fe: {  	v3 =	vld [tilespmem:$0x16930];
	_ =	sdelay $0x7  }
0x2ff: {  	[tilespmem:v3+s11+$0x0] =	vst.idx.add.f32.msk $0xffff, v2  }
0x300: {  	_ =	swait.ge [sflag:s12], $0x2800  }
0x301: {  	s2 =	simm.s32 @!p0 $0x155E0;
	[sflag:s12] =	ssyncset.done $0x0  }
0x302: {  	s5 =	simm.s32 @!p0 $0x169E0;
	s1 =	simm.s32 @!p0 $0x50;
	[sflag:s12] =	ssyncadd.s32 $0xFFFFD800  }
0x303: {  	[tilespmem:s5], [sflag:$0x1] =	stream.indirect.gather @!p0 [hbm4b:s23+s1], $0x80, s2, s1, $0xb8;
	[tilespmem:$0x1FC60] =	vst v63  }
0x304: {  	_ =	swait.ge [sflag:s13], $0x2800  }
0x305: {  	[sflag:s13] =	ssyncset.done $0x0  }
0x306: {  	s4 =	simm.s32 $0x16940;
	[sflag:s13] =	ssyncadd.s32 $0xFFFFD800  }
0x307: {  	[spmem:s29] =	stream.indirect.scatter.add.f32 [tilespmem:s6], [sflag:$0x4], $0x80, s4, s21, $0xb8;
	[tilespmem:$0x1FC60] =	vst v63  }
0x308: {  	v3 =	vld [tilespmem:$0x16940];
	_ =	sdelay $0x7  }
0x309: {  	[tilespmem:v3+s11+$0x0] =	vst.idx.add.f32.msk $0xffff, v2  }
0x30a: {  	v3 =	vld [tilespmem:$0x16950];
	_ =	sdelay $0x7  }
0x30b: {  	[tilespmem:v3+s11+$0x0] =	vst.idx.add.f32.msk $0xffff, v2  }
0x30c: {  	v3 =	vld [tilespmem:$0x16960];
	_ =	sdelay $0x7  }
0x30d: {  	[tilespmem:v3+s11+$0x0] =	vst.idx.add.f32.msk $0xffff, v2  }
0x30e: {  	v3 =	vld [tilespmem:$0x16970];
	_ =	sdelay $0x7  }
0x30f: {  	[tilespmem:v3+s11+$0x0] =	vst.idx.add.f32.msk $0xffff, v2  }
0x310: {  	v3 =	vld [tilespmem:$0x16980];
	_ =	sdelay $0x7  }
0x311: {  	[tilespmem:v3+s11+$0x0] =	vst.idx.add.f32.msk $0xffff, v2  }
0x312: {  	_ =	swait.ge [sflag:s14], $0x2800  }
0x313: {  	[sflag:s14] =	ssyncset.done $0x0  }
0x314: {  	s2 =	simm.s32 @!p0 $0x1;
	[sflag:s14] =	ssyncadd.s32 $0xFFFFD800  }
0x315: {  	_ =	swait.ge @!p0 [sflag:s2], $0x2800  }
0x316: {  	[sflag:s2] =	ssyncset.done @!p0 $0x0  }
0x317: {  	[sflag:s2] =	ssyncadd.s32 @!p0 $0xFFFFD800;
	s2 =	simm.s32 @!p0 $0x16990  }
0x318: {  	[spmem:s29] =	stream.indirect.scatter.add.f32 @!p0 [tilespmem:s5], [sflag:$0x3], $0x80, s2, s1, $0xb8;
	[tilespmem:$0x1FC60] =	vst v63  }
0x319: {  	v3 =	vld @!p0 [tilespmem:$0x16990];
	_ =	sdelay $0x6  }
0x31a: {  	v4 =	vimm.f32 @!p0 $1.000000000e+00;
	s1 =	simm.s32 @!p0 $0x1B9E0  }
0x31b: {  	[tilespmem:v3+s1+$0x0] =	vst.idx.add.f32.msk @!p0 $0xffff, v4  }
0x31c: {  	v3 =	vld @!p0 [tilespmem:$0x169A0];
	_ =	sdelay $0x7  }
0x31d: {  	[tilespmem:v3+s1+$0x0] =	vst.idx.add.f32.msk @!p0 $0xffff, v4  }
0x31e: {  	v3 =	vld @!p0 [tilespmem:$0x169B0];
	_ =	sdelay $0x7  }
0x31f: {  	[tilespmem:v3+s1+$0x0] =	vst.idx.add.f32.msk @!p0 $0xffff, v4  }
0x320: {  	v3 =	vld @!p0 [tilespmem:$0x169C0];
	_ =	sdelay $0x7  }
0x321: {  	[tilespmem:v3+s1+$0x0] =	vst.idx.add.f32.msk @!p0 $0xffff, v4  }
0x322: {  	v3 =	vld @!p0 [tilespmem:$0x169D0];
	_ =	sdelay $0x7  }
0x323: {  	[tilespmem:v3+s1+$0x0] =	vst.idx.add.f32.msk @!p0 $0xffff, v4;
	s1 =	simm.s32 @!p0 $0x3  }
0x324: {  	_ =	swait.ge @!p0 [sflag:s1], $0x2800  }
0x325: {  	[sflag:s1] =	ssyncset.done @!p0 $0x0  }
0x326: {  	s16 =	simm.s32 $0x1E1E0;
	[sflag:s1] =	ssyncadd.s32 @!p0 $0xFFFFD800  }
0x327: {  	[spmem:s18] =	stream.indirect.scatter.add.f32 [tilespmem:s11], [sflag:$0x5], $0x10, s16, s3, $0xb8;
	[tilespmem:$0x1FC60] =	vst v63  }
0x328: {  	_ =	swait.ge [sflag:s20], $0x800  }
0x329: {  	[sflag:s20] =	ssyncset.done $0x0  }
0x32a: {  	s19 =	simm.s32 $0x1E260;
	s31 =	simm.s32 $0x1C1E0;
	[sflag:s20] =	ssyncadd.s32 $0xFFFFF800  }
0x32b: {  	[spmem:s18] =	stream.indirect.scatter.add.f32 [tilespmem:s31], [sflag:$0x5], $0x10, s19, s3, $0xb8;
	[tilespmem:$0x1FC60] =	vst v63  }
0x32c: {  	_ =	swait.ge [sflag:s20], $0x800  }
0x32d: {  	[sflag:s20] =	ssyncset.done $0x0  }
0x32e: {  	s4 =	simm.s32 $0x1C9E0;
	s2 =	simm.s32 $0x1E2E0;
	[sflag:s20] =	ssyncadd.s32 $0xFFFFF800  }
0x32f: {  	[spmem:s18] =	stream.indirect.scatter.add.f32 [tilespmem:s4], [sflag:$0x5], $0x10, s2, s3, $0xb8;
	[tilespmem:$0x1FC60] =	vst v63  }
0x330: {  	_ =	swait.ge [sflag:s20], $0x800  }
0x331: {  	[sflag:s20] =	ssyncset.done $0x0  }
0x332: {  	s5 =	simm.s32 $0x1E360;
	s16 =	simm.s32 $0x1D1E0;
	[sflag:s20] =	ssyncadd.s32 $0xFFFFF800  }
0x333: {  	[spmem:s18] =	stream.indirect.scatter.add.f32 [tilespmem:s16], [sflag:$0x5], $0x10, s5, s3, $0xb8;
	[tilespmem:$0x1FC60] =	vst v63  }
0x334: {  	_ =	swait.ge [sflag:s20], $0x800  }
0x335: {  	[sflag:s20] =	ssyncset.done $0x0  }
0x336: {  	s19 =	simm.s32 $0x1E3E0;
	s31 =	simm.s32 $0x1D9E0;
	[sflag:s20] =	ssyncadd.s32 $0xFFFFF800  }
0x337: {  	[spmem:s18] =	stream.indirect.scatter.add.f32 [tilespmem:s31], [sflag:$0x5], $0x10, s19, s3, $0xb8;
	[tilespmem:$0x1FC60] =	vst v63  }
0x338: {  	_ =	swait.ge [sflag:s20], $0x800  }
0x339: {  	[sflag:s20] =	ssyncset.done $0x0  }
0x33a: {  	[sflag:s20] =	ssyncadd.s32 $0xFFFFF800  }
0x33b: {  	[bflag:$0x0] =	sbarrier.arrive $0xFFFF  }
0x33c: {  	s4 =	sld [smem:$0x7EA];
	_ =	sdelay $0x2  }
0x33d: {  	[hbm:s4], [sflag:s24] =	dma.local [spmem:s28], $0x200  }
0x33e: {  	s1 =	sld [smem:$0x7EB];
	_ =	sdelay $0x2  }
0x33f: {  	[hbm:s1], [sflag:s26] =	dma.local [spmem:s30], $0x200  }
0x340: {  	_ =	swait.ge [sflag:s8], $0x200  }
0x341: {  	s16 =	sld [smem:$0x7D6]  }
0x342: {  	[sflag:s8] =	ssyncset.done $0x0  }
0x343: {  	s5 =	rddreg [dreg:$0xa];
	[sflag:s8] =	ssyncadd.s32 $0xFFFFFE00  }
0x344: {  	[hbm:s5], [sflag:s24] =	dma.local [spmem:s16], $0x200  }
0x345: {  	_ =	swait.ge [sflag:s13], $0x200  }
0x346: {  	s28 =	sld [smem:$0x7D7]  }
0x347: {  	[sflag:s13] =	ssyncset.done $0x0  }
0x348: {  	s19 =	rddreg [dreg:$0xb];
	[sflag:s13] =	ssyncadd.s32 $0xFFFFFE00  }
0x349: {  	[hbm:s19], [sflag:s26] =	dma.local [spmem:s28], $0x200  }
0x34a: {  	_ =	swait.ge [sflag:s8], $0x200  }
0x34b: {  	s31 =	sld [smem:$0x7D8]  }
0x34c: {  	[sflag:s8] =	ssyncset.done $0x0  }
0x34d: {  	s30 =	rddreg [dreg:$0xc];
	[sflag:s8] =	ssyncadd.s32 $0xFFFFFE00  }
0x34e: {  	[hbm:s30], [sflag:s24] =	dma.local [spmem:s31], $0x200  }
0x34f: {  	_ =	swait.ge [sflag:s13], $0x200  }
0x350: {  	s4 =	sld [smem:$0x7D9]  }
0x351: {  	[sflag:s13] =	ssyncset.done $0x0  }
0x352: {  	s2 =	rddreg [dreg:$0xd];
	[sflag:s13] =	ssyncadd.s32 $0xFFFFFE00  }
0x353: {  	[hbm:s2], [sflag:s26] =	dma.local [spmem:s4], $0x200  }
0x354: {  	_ =	swait.ge [sflag:s8], $0x200  }
0x355: {  	s16 =	sld [smem:$0x7DA]  }
0x356: {  	[sflag:s8] =	ssyncset.done $0x0  }
0x357: {  	s5 =	rddreg [dreg:$0xe];
	[sflag:s8] =	ssyncadd.s32 $0xFFFFFE00  }
0x358: {  	[hbm:s5], [sflag:s24] =	dma.local [spmem:s16], $0x200  }
0x359: {  	_ =	swait.ge [sflag:s13], $0x200  }
0x35a: {  	s28 =	sld [smem:$0x7DB]  }
0x35b: {  	[sflag:s13] =	ssyncset.done $0x0  }
0x35c: {  	s19 =	rddreg [dreg:$0xf];
	[sflag:s13] =	ssyncadd.s32 $0xFFFFFE00  }
0x35d: {  	[hbm:s19], [sflag:s26] =	dma.local [spmem:s28], $0x200  }
0x35e: {  	_ =	swait.ge [sflag:s8], $0x200  }
0x35f: {  	s31 =	sld [smem:$0x7DC]  }
0x360: {  	[sflag:s8] =	ssyncset.done $0x0  }
0x361: {  	s30 =	rddreg [dreg:$0x10];
	[sflag:s8] =	ssyncadd.s32 $0xFFFFFE00  }
0x362: {  	[hbm:s30], [sflag:s24] =	dma.local [spmem:s31], $0x200  }
0x363: {  	_ =	swait.ge [sflag:s13], $0x200  }
0x364: {  	s4 =	sld [smem:$0x7DD]  }
0x365: {  	[sflag:s13] =	ssyncset.done $0x0  }
0x366: {  	s2 =	rddreg [dreg:$0x11];
	[sflag:s13] =	ssyncadd.s32 $0xFFFFFE00  }
0x367: {  	[hbm:s2], [sflag:s26] =	dma.local [spmem:s4], $0x200  }
0x368: {  	_ =	swait.ge [sflag:s8], $0x200  }
0x369: {  	s16 =	sld [smem:$0x7DE]  }
0x36a: {  	[sflag:s8] =	ssyncset.done $0x0  }
0x36b: {  	s5 =	rddreg [dreg:$0x12];
	[sflag:s8] =	ssyncadd.s32 $0xFFFFFE00  }
0x36c: {  	[hbm:s5], [sflag:s24] =	dma.local [spmem:s16], $0x200  }
0x36d: {  	_ =	swait.ge [sflag:s13], $0x200  }
0x36e: {  	s28 =	sld [smem:$0x7DF]  }
0x36f: {  	[sflag:s13] =	ssyncset.done $0x0  }
0x370: {  	s19 =	rddreg [dreg:$0x13];
	[sflag:s13] =	ssyncadd.s32 $0xFFFFFE00  }
0x371: {  	[hbm:s19], [sflag:s26] =	dma.local [spmem:s28], $0x200  }
0x372: {  	_ =	swait.ge [sflag:s8], $0x200  }
0x373: {  	s31 =	sld [smem:$0x7E0]  }
0x374: {  	[sflag:s8] =	ssyncset.done $0x0  }
0x375: {  	s30 =	rddreg [dreg:$0x14];
	[sflag:s8] =	ssyncadd.s32 $0xFFFFFE00  }
0x376: {  	[hbm:s30], [sflag:s24] =	dma.local [spmem:s31], $0x200  }
0x377: {  	_ =	swait.ge [sflag:s13], $0x200  }
0x378: {  	s4 =	sld [smem:$0x7E1]  }
0x379: {  	[sflag:s13] =	ssyncset.done $0x0  }
0x37a: {  	s2 =	rddreg [dreg:$0x15];
	[sflag:s13] =	ssyncadd.s32 $0xFFFFFE00  }
0x37b: {  	[hbm:s2], [sflag:s26] =	dma.local [spmem:s4], $0x200  }
0x37c: {  	_ =	swait.ge [sflag:s8], $0x200  }
0x37d: {  	s16 =	sld [smem:$0x7E2]  }
0x37e: {  	[sflag:s8] =	ssyncset.done $0x0  }
0x37f: {  	s5 =	rddreg [dreg:$0x16];
	[sflag:s8] =	ssyncadd.s32 $0xFFFFFE00  }
0x380: {  	[hbm:s5], [sflag:s24] =	dma.local [spmem:s16], $0x200  }
0x381: {  	_ =	swait.ge [sflag:s13], $0x200  }
0x382: {  	s28 =	sld [smem:$0x7E3]  }
0x383: {  	[sflag:s13] =	ssyncset.done $0x0  }
0x384: {  	s19 =	rddreg [dreg:$0x17];
	[sflag:s13] =	ssyncadd.s32 $0xFFFFFE00  }
0x385: {  	[hbm:s19], [sflag:s26] =	dma.local [spmem:s28], $0x200  }
0x386: {  	_ =	swait.ge [sflag:s8], $0x200  }
0x387: {  	s31 =	sld [smem:$0x7E4]  }
0x388: {  	[sflag:s8] =	ssyncset.done $0x0  }
0x389: {  	s30 =	rddreg [dreg:$0x18];
	[sflag:s8] =	ssyncadd.s32 $0xFFFFFE00  }
0x38a: {  	[hbm:s30], [sflag:s24] =	dma.local [spmem:s31], $0x200  }
0x38b: {  	_ =	swait.ge [sflag:s13], $0x200  }
0x38c: {  	s5 =	sld [smem:$0x7E5]  }
0x38d: {  	[sflag:s13] =	ssyncset.done $0x0  }
0x38e: {  	s4 =	rddreg [dreg:$0x19];
	[sflag:s13] =	ssyncadd.s32 $0xFFFFFE00  }
0x38f: {  	[hbm:s4], [sflag:s26] =	dma.local [spmem:s5], $0x200  }
0x390: {  	_ =	swait.ge [sflag:s8], $0x200  }
0x391: {  	s19 =	sld [smem:$0x7E6]  }
0x392: {  	[sflag:s8] =	ssyncset.done $0x0  }
0x393: {  	s16 =	rddreg [dreg:$0x1a];
	[sflag:s8] =	ssyncadd.s32 $0xFFFFFE00  }
0x394: {  	[hbm:s16], [sflag:s24] =	dma.local [spmem:s19], $0x200  }
0x395: {  	_ =	swait.ge [sflag:s13], $0x200  }
0x396: {  	s30 =	sld [smem:$0x7E7]  }
0x397: {  	[sflag:s13] =	ssyncset.done $0x0  }
0x398: {  	s28 =	rddreg [dreg:$0x1b];
	[sflag:s13] =	ssyncadd.s32 $0xFFFFFE00  }
0x399: {  	[hbm:s28], [sflag:s26] =	dma.local [spmem:s30], $0x200  }
0x39a: {  	_ =	swait.ge [sflag:s8], $0x200  }
0x39b: {  	[sflag:s8] =	ssyncset.done $0x0  }
0x39c: {  	[sflag:s8] =	ssyncadd.s32 $0xFFFFFE00  }
0x39d: {  	_ =	swait.ge [sflag:s13], $0x200  }
0x39e: {  	s1 =	sld [smem:$0x7D1]  }
0x39f: {  	[sflag:s13] =	ssyncset.done $0x0  }
0x3a0: {  	[sflag:s13] =	ssyncadd.s32 $0xFFFFFE00  }
0x3a1: {  	[hbm:s1], [sflag:s7] =	dma.local @!p1 [spmem:s15], $0x100  }
0x3a2: {  	s1 =	simm.s32 @!p1 $0x5  }
0x3a3: {  	_ =	swait.ge @!p1 [sflag:s1], $0x100  }
0x3a4: {  	s4 =	sld [smem:$0x7C1]  }
0x3a5: {  	s31 =	sld [smem:$0x7D3];
	_ =	sdelay $0x1  }
0x3a6: {  	s4 =	sadd.s32 $0x1, s4  }
0x3a7: {  	p2 =	sne.s32 s4, s31  }
.Ltmp11:
0x3a8: {  	_ = 	snop;
	(pc) =	sbr.rel @p2 .LBB2_1-.Ltmp11, $3  }
0x3a9: {  	_ =	sdelay $0x1  }
0x3aa: {  	[sflag:s1] =	ssyncset.done @!p1 $0x0  }
0x3ab: {  	[sflag:s1] =	ssyncadd.s32 @!p1 $0xFFFFFF00  }
0x3ac: {  	_ =	sfence.sel $0x180000  }
0x3ad: {  	[bflag:$0x0] =	sbarrier.arrive $0xFFFF  }
0x3ae: {  	_ =	strace $0x90000047  }
0x3af: {  	s0 =	stileid.u32;
	[bflag:$0x2] =	sbarrier.arrive $0xFFFF  }
0x3b0: {  	p0 =	sne.s32 s0, $0x0;
	s0 =	rddreg [dreg:$0x6]  }
0x3b1: {  	s0 =	sadd.s32 @!p0 $0x100000, s0  }
0x3b2: {  	[sflag:s0] =	ssyncadd.tile.s32 @!p0 $0x1;
	_ =	shalt  }
.Lfunc_end2:
_tile_overlayer_lowered:
.L_overlay_start_2:
0x3b3: {  	(tag) =	ssettag $0x2  }
0x3b4: {  	s0 =	rddreg [dreg:$0x0];
	s2 =	stileid.u32  }
0x3b5: {  	s1 =	rddreg [dreg:$0x1];
	p0 =	sne.s32 s2, $0x0  }
0x3b6: {  	s3 =	rddreg [dreg:$0x2];
	[bflag:$0x3] =	sbarrier.arrive $0xFFFF;
	s2 =	simm.s32 @!p0 $0x1C05  }
0x3b7: {  	[timem:s3], [sflag:s2] =	dma.local @!p0 [hbm:s0], s1  }
0x3b8: {  	s0 =	simm.s32 @!p0 $0x5  }
0x3b9: {  	_ =	swait.ge @!p0 [sflag:s0], s1  }
0x3ba: {  	s1 =	ssub.s32 @!p0 $0x0, s1;
	[sflag:s0] =	ssyncset.done @!p0 $0x0  }
0x3bb: {  	[sflag:s0] =	ssyncadd.s32 @!p0 s1  }
0x3bc: {  	[bflag:$0x3] =	sbarrier.arrive $0xFFFF  }
0x3bd: {  	_ =	shalt  }

</sc_bundles>
